<compile_context>
chip_gen: v7x
topology: tpu7x:2x2x1
jax: 0.10.2.dev20260603
libtpu: 0.0.44.dev20260713+nightly
codegen_flags: <defaults>
</compile_context>

<pallas_src>
import jax
import jax.numpy as jnp
from jax import lax
from jax.experimental import pallas as pl
from jax.experimental.pallas import tpu as pltpu
from jax.experimental.pallas import tpu_sc as plsc

N = 10000
E = 160000
IN = 512
HID = 512
OUT = 256
K = 10
FQ = OUT // 4

NTILES = 16
NPAD = 10240
ROWS_PROC = 640
NTAIL = N - 15 * ROWS_PROC
EDGES_PER_TILE = E // NTILES
ECHUNK = 128
NCHUNKS = 80
EPT_PAD = NCHUNKS * ECHUNK
NBUF = 4
HROWS = ROWS_PROC // 2



def _mlp_body(x_ref, w1_ref, b1_ref, w2_ref, b2_ref, out_ref):
    h1 = jnp.maximum(
        jnp.dot(x_ref[...], w1_ref[...], preferred_element_type=jnp.float32)
        + b1_ref[...], 0.0)
    h2 = (jnp.dot(h1, w2_ref[...], preferred_element_type=jnp.float32)
          + b2_ref[...])
    for q in range(4):
        out_ref[q] = h2[:, q * FQ:(q + 1) * FQ]


def _mlp(x, W1, b1, W2, b2):
    BM = 400
    grid = (N // BM,)
    return pl.pallas_call(
        _mlp_body,
        grid=grid,
        in_specs=[
            pl.BlockSpec((BM, IN), lambda i: (i, 0)),
            pl.BlockSpec((IN, HID), lambda i: (0, 0)),
            pl.BlockSpec((1, HID), lambda i: (0, 0)),
            pl.BlockSpec((HID, OUT), lambda i: (0, 0)),
            pl.BlockSpec((1, OUT), lambda i: (0, 0)),
        ],
        out_specs=pl.BlockSpec((4, BM, FQ), lambda i: (0, i, 0)),
        out_shape=jax.ShapeDtypeStruct((4, N, FQ), jnp.float32),
    )(x, W1, b1.reshape(1, HID), W2, b2.reshape(1, OUT))



def _rsqrt16(d):
    i = plsc.bitcast(d, jnp.int32)
    i = jnp.int32(0x5F3759DF) - lax.shift_right_arithmetic(i, 1)
    y = plsc.bitcast(i, jnp.float32)
    for _ in range(4):
        y = y * (1.5 - 0.5 * d * y * y)
    return y


def _deg_body(dst_ref, dinv_ref, part, dstb, parts_sh, sumb, dinvb, sem):
    sid = lax.axis_index("s")
    base = sid * ROWS_PROC
    zero16 = jnp.zeros((16,), jnp.float32)
    def _z(i, _):
        part[pl.ds(i * 16, 16)] = zero16
        return 0
    lax.fori_loop(0, NPAD // 16, _z, 0)
    pltpu.sync_copy(dst_ref.at[sid], dstb)
    ones16 = jnp.ones((16,), jnp.float32)
    def _scat(j, _):
        def _inner(kk, _):
            idx = dstb[j, 0, pl.ds(kk * 16, 16)]
            plsc.addupdate_scatter(part, [idx], ones16)
            return 0
        lax.fori_loop(0, ECHUNK // 16, _inner, 0)
        return 0
    lax.fori_loop(0, NCHUNKS, _scat, 0)
    pltpu.sync_copy(part, parts_sh.at[sid, 0])
    plsc.subcore_barrier()
    pltpu.sync_copy(parts_sh.at[:, :, pl.ds(base, ROWS_PROC)], sumb)
    def _red(c, _):
        acc = jnp.ones((16,), jnp.float32)
        for p in range(NTILES):
            acc = acc + sumb[p, 0, pl.ds(c * 16, 16)]
        dinvb[pl.ds(c * 16, 16)] = _rsqrt16(acc)
        return 0
    lax.fori_loop(0, ROWS_PROC // 16, _red, 0)
    pltpu.sync_copy(dinvb, dinv_ref.at[pl.ds(base, ROWS_PROC)])


def _degree_dinv(dst4d):
    mesh = plsc.VectorSubcoreMesh(core_axis_name="c", subcore_axis_name="s")
    f = pl.kernel(
        _deg_body,
        out_type=jax.ShapeDtypeStruct((NPAD,), jnp.float32),
        mesh=mesh,
        compiler_params=pltpu.CompilerParams(needs_layout_passes=False, use_tc_tiling_on_sc=False),
        scratch_types=[
            pltpu.VMEM((NPAD,), jnp.float32),
            pltpu.VMEM((NCHUNKS, 1, ECHUNK), jnp.int32),
            pltpu.VMEM_SHARED((NTILES, 1, NPAD), jnp.float32),
            pltpu.VMEM((NTILES, 1, ROWS_PROC), jnp.float32),
            pltpu.VMEM((ROWS_PROC,), jnp.float32),
            pltpu.SemaphoreType.DMA,
        ],
    )
    return f(dst4d)



def _scale_rows(rowb, vecb, off):
    def _row(r, _):
        dv = plsc.load_gather(vecb, [jnp.full((16,), off + r, jnp.int32)])
        for j in range(FQ // 16):
            sl = pl.ds(j * 16, 16)
            rowb[r, sl] = rowb[r, sl] * dv
        return 0
    lax.fori_loop(0, HROWS, _row, 0)


def _hop_body(h_ref, dinv_ref, src_ref, dst_ref, u_ref,
              acc_sh, rowb, gbuf, srcb, dstb, dinvb, d2b, sem, ssem):
    cid = lax.axis_index("c")
    sid = lax.axis_index("s")
    base = sid * ROWS_PROC
    slab = pl.ds(base, ROWS_PROC)

    pltpu.sync_copy(src_ref.at[sid], srcb)
    pltpu.sync_copy(dst_ref.at[sid], dstb)
    pltpu.sync_copy(dinv_ref.at[slab], dinvb)
    def _sq(i, _):
        dv = dinvb[pl.ds(i * 16, 16)]
        d2b[pl.ds(i * 16, 16)] = dv * dv
        return 0
    lax.fori_loop(0, ROWS_PROC // 16, _sq, 0)

    for q in range(2):
        qq = 2 * cid + q
        for half in range(2):
            hsl = pl.ds(base + half * HROWS, HROWS)
            if half == 0:
                pltpu.sync_copy(h_ref.at[qq, hsl], rowb)
            else:
                nreal2 = NTAIL - HROWS
                @pl.when(sid < NTILES - 1)
                def _():
                    pltpu.sync_copy(h_ref.at[qq, hsl], rowb)
                @pl.when(sid == NTILES - 1)
                def _():
                    pltpu.sync_copy(h_ref.at[qq, pl.ds(N - nreal2, nreal2)],
                                    rowb.at[pl.ds(0, nreal2)])
                    zero16 = jnp.zeros((16,), jnp.float32)
                    def _zp(r, _):
                        for j in range(FQ // 16):
                            rowb[nreal2 + r, pl.ds(j * 16, 16)] = zero16
                        return 0
                    lax.fori_loop(0, HROWS - nreal2, _zp, 0)
            _scale_rows(rowb, dinvb, half * HROWS)
            pltpu.async_copy(rowb, u_ref.at[qq, 0, hsl], sem)
            pltpu.async_copy(rowb, acc_sh.at[hsl], ssem)
            pltpu.make_async_copy(rowb, acc_sh.at[hsl], ssem).wait()
            pltpu.make_async_copy(rowb, u_ref.at[qq, 0, hsl], sem).wait()
        plsc.subcore_barrier()

        def _hop(k, _):
            src_view = u_ref.at[qq, k]
            pltpu.async_copy(src_view.at[srcb.at[0, 0]], gbuf.at[0], sem)
            pltpu.async_copy(src_view.at[srcb.at[1, 0]], gbuf.at[1], sem)
            pltpu.async_copy(src_view.at[srcb.at[2, 0]], gbuf.at[2], ssem)
            pltpu.async_copy(src_view.at[srcb.at[3, 0]], gbuf.at[3], ssem)
            def _pair(t, _):
                c = 4 * t
                pltpu.make_async_copy(
                    src_view.at[srcb.at[c, 0]], gbuf.at[0], sem).wait()
                pltpu.make_async_copy(
                    src_view.at[srcb.at[c + 1, 0]], gbuf.at[1], sem).wait()
                pltpu.sync_copy(gbuf.at[0], acc_sh.at[dstb.at[c, 0]],
                                add=True)
                pltpu.sync_copy(gbuf.at[1], acc_sh.at[dstb.at[c + 1, 0]],
                                add=True)
                @pl.when(c + 4 < NCHUNKS)
                def _():
                    pltpu.async_copy(
                        src_view.at[srcb.at[c + 4, 0]], gbuf.at[0], sem)
                    pltpu.async_copy(
                        src_view.at[srcb.at[c + 5, 0]], gbuf.at[1], sem)
                pltpu.make_async_copy(
                    src_view.at[srcb.at[c + 2, 0]], gbuf.at[2], ssem).wait()
                pltpu.make_async_copy(
                    src_view.at[srcb.at[c + 3, 0]], gbuf.at[3], ssem).wait()
                pltpu.sync_copy(gbuf.at[2], acc_sh.at[dstb.at[c + 2, 0]],
                                add=True)
                pltpu.sync_copy(gbuf.at[3], acc_sh.at[dstb.at[c + 3, 0]],
                                add=True)
                @pl.when(c + 6 < NCHUNKS)
                def _():
                    pltpu.async_copy(
                        src_view.at[srcb.at[c + 6, 0]], gbuf.at[2], ssem)
                    pltpu.async_copy(
                        src_view.at[srcb.at[c + 7, 0]], gbuf.at[3], ssem)
                return 0
            lax.fori_loop(0, NCHUNKS // 4, _pair, 0)
            plsc.subcore_barrier()
            for half in range(2):
                hsl = pl.ds(base + half * HROWS, HROWS)
                pltpu.sync_copy(acc_sh.at[hsl], rowb)
                _scale_rows(rowb, d2b, half * HROWS)
                pltpu.async_copy(rowb, u_ref.at[qq, k + 1, hsl], sem)
                @pl.when(k < K - 1)
                def _():
                    pltpu.async_copy(rowb, acc_sh.at[hsl], ssem)
                    pltpu.make_async_copy(rowb, acc_sh.at[hsl], ssem).wait()
                pltpu.make_async_copy(
                    rowb, u_ref.at[qq, k + 1, hsl], sem).wait()
            plsc.subcore_barrier()
            return 0
        lax.fori_loop(0, K, _hop, 0)


def _khop(h_quarters, dinv, src4d, dst4d):
    mesh = plsc.VectorSubcoreMesh(core_axis_name="c", subcore_axis_name="s")
    f = pl.kernel(
        _hop_body,
        out_type=jax.ShapeDtypeStruct((4, K + 1, NPAD, FQ), jnp.float32),
        mesh=mesh,
        compiler_params=pltpu.CompilerParams(needs_layout_passes=False, use_tc_tiling_on_sc=False),
        scratch_types=[
            pltpu.VMEM_SHARED((NPAD, FQ), jnp.float32),
            pltpu.VMEM((HROWS, FQ), jnp.float32),
            pltpu.VMEM((NBUF, ECHUNK, FQ), jnp.float32),
            pltpu.VMEM((NCHUNKS, 1, ECHUNK), jnp.int32),
            pltpu.VMEM((NCHUNKS, 1, ECHUNK), jnp.int32),
            pltpu.VMEM((ROWS_PROC,), jnp.float32),
            pltpu.VMEM((ROWS_PROC,), jnp.float32),
            pltpu.SemaphoreType.DMA,
            pltpu.SemaphoreType.DMA,
        ],
    )
    return f(h_quarters, dinv, src4d, dst4d)



def _combine_body(h_ref, u_refq, dinv_ref, pw_ref, pb_ref, out_ref):
    pw = pw_ref[...]
    pb = pb_ref[0, 0]
    d12 = 1.0 / dinv_ref[...]
    hh = h_ref[...]
    uu = u_refq[...]
    acc = jnp.zeros_like(out_ref)
    for k in range(K + 1):
        if k == 0:
            pk = jnp.concatenate([hh[q] for q in range(4)], axis=-1)
        else:
            uk = jnp.concatenate([uu[q, k] for q in range(4)], axis=-1)
            pk = uk * d12
        s = jax.nn.sigmoid(jnp.sum(pk * pw, axis=1) + pb)
        acc = acc + s[:, None] * pk
    out_ref[...] = acc


def _combine(h_quarters, u_all, dinv, proj_w, proj_b):
    BN = 400
    grid = (N // BN,)
    return pl.pallas_call(
        _combine_body,
        grid=grid,
        in_specs=[
            pl.BlockSpec((4, BN, FQ), lambda i: (0, i, 0)),
            pl.BlockSpec((4, K + 1, BN, FQ), lambda i: (0, 0, i, 0)),
            pl.BlockSpec((BN, 1), lambda i: (i, 0)),
            pl.BlockSpec((1, OUT), lambda i: (0, 0)),
            pl.BlockSpec((1, 1), lambda i: (0, 0)),
        ],
        out_specs=pl.BlockSpec((BN, OUT), lambda i: (i, 0)),
        out_shape=jax.ShapeDtypeStruct((N, OUT), jnp.float32),
    )(h_quarters, u_all, dinv.reshape(NPAD, 1), proj_w.reshape(1, OUT),
      jnp.asarray(proj_b, jnp.float32).reshape(1, 1))



@jax.jit
def kernel(x, edge_index, W1, b1, W2, b2, proj_w, proj_b):
    pad = jnp.full((2, NTILES, EPT_PAD - EDGES_PER_TILE), NPAD - 1, jnp.int32)
    ei = jnp.concatenate(
        [edge_index.reshape(2, NTILES, EDGES_PER_TILE), pad], axis=2)
    src4d = ei[0].reshape(NTILES, NCHUNKS, 1, ECHUNK)
    dst4d = ei[1].reshape(NTILES, NCHUNKS, 1, ECHUNK)
    h_quarters = _mlp(x, W1, b1, W2, b2)
    dinv = _degree_dinv(dst4d)
    u_all = _khop(h_quarters, dinv, src4d, dst4d)
    return _combine(h_quarters, u_all, dinv, proj_w, proj_b)

# --- scband reference (transcript-rebuilt; emitter-appended) ---
"""Pipeline reference for scband-dagnn-41979010351133 (READ-ONLY COPY).

The authoritative reference and input builder live on the scoring server;
editing this copy changes nothing except your own understanding.
"""

import jax, jax.numpy as jnp
import numpy as np

N = 10000
E = 160000
IN = 512
HID = 512
OUT = 256
K = 10


def setup_inputs(seed: int = 0):
    key = jax.random.key(seed)
    ks = jax.random.split(key, 8)
    x = jax.random.normal(ks[0], (N, IN), dtype=jnp.float32)
    edge_index = jax.random.randint(ks[1], (2, E), 0, N, dtype=jnp.int32)
    W1 = jax.random.normal(ks[2], (IN, HID), dtype=jnp.float32) * (1.0 / np.sqrt(IN))
    b1 = jnp.zeros((HID,), dtype=jnp.float32)
    W2 = jax.random.normal(ks[3], (HID, OUT), dtype=jnp.float32) * (1.0 / np.sqrt(HID))
    b2 = jnp.zeros((OUT,), dtype=jnp.float32)
    proj_w = jax.random.normal(ks[4], (OUT,), dtype=jnp.float32) * (1.0 / np.sqrt(OUT))
    proj_b = jnp.zeros((), dtype=jnp.float32)
    return {"x": x, "edge_index": edge_index, "W1": W1, "b1": b1,
            "W2": W2, "b2": b2, "proj_w": proj_w, "proj_b": proj_b}


def _dagnn_forward(x, W1, b1, W2, b2, proj_w, proj_b, src, dst):
    # MLP part (dropout is identity in eval mode)
    h = jax.nn.relu(x @ W1 + b1)
    h = h @ W2 + b2
    n = h.shape[0]
    # gcn_norm with self-loops (symmetric normalization)
    loop = jnp.arange(n, dtype=src.dtype)
    s = jnp.concatenate([src, loop])
    d = jnp.concatenate([dst, loop])
    deg = jnp.zeros((n,), dtype=h.dtype).at[d].add(1.0)
    dinv = jnp.where(deg > 0, 1.0 / jnp.sqrt(deg), 0.0)
    norm = dinv[s] * dinv[d]
    # K-hop propagation, collecting all intermediate representations
    preds = [h]
    cur = h
    for _ in range(K):
        msg = cur[s] * norm[:, None]
        cur = jnp.zeros_like(cur).at[d].add(msg)
        preds.append(cur)
    pps = jnp.stack(preds, axis=1)  # [N, K+1, OUT]
    # adaptive hop-wise retention scores via shared projection
    score = jax.nn.sigmoid(pps @ proj_w + proj_b)  # [N, K+1]
    out = jnp.einsum('nk,nkc->nc', score, pps)     # [N, OUT]
    return out


def reference(x, edge_index, W1, b1, W2, b2, proj_w, proj_b):
    src = edge_index[0]
    dst = edge_index[1]
    return _dagnn_forward(x, W1, b1, W2, b2, proj_w, proj_b, src, dst)

if __name__ == "__main__":
    import jax
    _d = setup_inputs()
    print(jax.jit(kernel)(*tuple(_d.values())))

</pallas_src>

<mosaic_0001>
#map = affine_map<(d0, d1) -> (0, 0, 0)>
#map1 = affine_map<(d0, d1) -> (0)>
#map2 = affine_map<(d0, d1) -> (0, 0, 0, 0)>
module attributes {stable_mosaic.version = 14 : i64} {
  func.func @_hop_body(%arg0: i32, %arg1: i32, %arg2: memref<4x10000x64xf32, #tpu.memory_space<hbm>>, %arg3: memref<10240xf32, #tpu.memory_space<hbm>>, %arg4: memref<16x80x1x128xi32, #tpu.memory_space<hbm>>, %arg5: memref<16x80x1x128xi32, #tpu.memory_space<hbm>>, %arg6: memref<4x11x10240x64xf32, #tpu.memory_space<hbm>>, %arg7: memref<10240x64xf32, #tpu.memory_space<vmem_shared>>, %arg8: memref<320x64xf32, #tpu.memory_space<vmem>>, %arg9: memref<4x128x64xf32, #tpu.memory_space<vmem>>, %arg10: memref<80x1x128xi32, #tpu.memory_space<vmem>>, %arg11: memref<80x1x128xi32, #tpu.memory_space<vmem>>, %arg12: memref<640xf32, #tpu.memory_space<vmem>>, %arg13: memref<640xf32, #tpu.memory_space<vmem>>, %arg14: memref<!tpu.dma_semaphore, #tpu.memory_space<semaphore_mem>>, %arg15: memref<!tpu.dma_semaphore, #tpu.memory_space<semaphore_mem>>) attributes {dimension_semantics = [#tpu.dimension_semantics<core_parallel>, #tpu.dimension_semantics<subcore_parallel>], iteration_bounds = array<i64: 2, 16>, scalar_prefetch = 0 : i64, scratch_operands = 9 : i64, tpu.core_type = #tpu.core_type<sc_vector_subcore>, window_params = [{transform_indices = #map}, {transform_indices = #map1}, {transform_indices = #map2}, {transform_indices = #map2}, {transform_indices = #map2}]} {
    %mul3A = arith.constant 640 : i32
    %mul3A_0 = arith.muli %arg1, %mul3A : i32
    "tpu.region"() ({
      %run_scoped3A = tpu.sem_alloc : memref<!tpu.dma_semaphore, #tpu.memory_space<semaphore_mem>>
      %dma_start3A_167 = arith.constant 0 : i32
      %dma_start3A_168 = arith.constant 0 : i32
      %dma_start3A_169 = arith.constant 0 : i32
      %dma_start3A_170 = tpu.memref_slice %arg4[%arg1, %dma_start3A_167, %dma_start3A_168, %dma_start3A_169] : memref<16x80x1x128xi32, #tpu.memory_space<hbm>> -> memref<1x80x1x128xi32, #tpu.memory_space<hbm>>
      %dma_start3A_171 = tpu.memref_squeeze %dma_start3A_170 : memref<1x80x1x128xi32, #tpu.memory_space<hbm>> -> memref<80x1x128xi32, #tpu.memory_space<hbm>>
      %dma_start3A_172 = arith.constant 0 : i32
      %dma_start3A_173 = arith.constant 0 : i32
      %dma_start3A_174 = arith.constant 0 : i32
      %dma_start3A_175 = tpu.memref_slice %arg4[%arg1, %dma_start3A_172, %dma_start3A_173, %dma_start3A_174] : memref<16x80x1x128xi32, #tpu.memory_space<hbm>> -> memref<1x80x1x128xi32, #tpu.memory_space<hbm>>
      %dma_start3A_176 = tpu.memref_squeeze %dma_start3A_175 : memref<1x80x1x128xi32, #tpu.memory_space<hbm>> -> memref<80x1x128xi32, #tpu.memory_space<hbm>>
      tpu.enqueue_dma source(%dma_start3A_176 : memref<80x1x128xi32, #tpu.memory_space<hbm>>) target(%arg10 : memref<80x1x128xi32, #tpu.memory_space<vmem>>) target_semaphore(%run_scoped3A : memref<!tpu.dma_semaphore, #tpu.memory_space<semaphore_mem>>)
      %dma_wait3A_177 = arith.constant 0 : i32
      %dma_wait3A_178 = arith.constant 0 : i32
      %dma_wait3A_179 = arith.constant 0 : i32
      %dma_wait3A_180 = tpu.memref_slice %arg4[%arg1, %dma_wait3A_177, %dma_wait3A_178, %dma_wait3A_179] : memref<16x80x1x128xi32, #tpu.memory_space<hbm>> -> memref<1x80x1x128xi32, #tpu.memory_space<hbm>>
      %dma_wait3A_181 = tpu.memref_squeeze %dma_wait3A_180 : memref<1x80x1x128xi32, #tpu.memory_space<hbm>> -> memref<80x1x128xi32, #tpu.memory_space<hbm>>
      %dma_wait3A_182 = arith.constant 0 : i32
      %dma_wait3A_183 = arith.constant 0 : i32
      %dma_wait3A_184 = arith.constant 0 : i32
      %dma_wait3A_185 = tpu.memref_slice %arg4[%arg1, %dma_wait3A_182, %dma_wait3A_183, %dma_wait3A_184] : memref<16x80x1x128xi32, #tpu.memory_space<hbm>> -> memref<1x80x1x128xi32, #tpu.memory_space<hbm>>
      %dma_wait3A_186 = tpu.memref_squeeze %dma_wait3A_185 : memref<1x80x1x128xi32, #tpu.memory_space<hbm>> -> memref<80x1x128xi32, #tpu.memory_space<hbm>>
      tpu.wait_dma2 semaphore(%run_scoped3A : memref<!tpu.dma_semaphore, #tpu.memory_space<semaphore_mem>>) src(%dma_wait3A_186 : memref<80x1x128xi32, #tpu.memory_space<hbm>>) dst(%arg10 : memref<80x1x128xi32, #tpu.memory_space<vmem>>)
      tpu.yield
    }) : () -> ()
    "tpu.region"() ({
      %run_scoped3A = tpu.sem_alloc : memref<!tpu.dma_semaphore, #tpu.memory_space<semaphore_mem>>
      %dma_start3A_167 = arith.constant 0 : i32
      %dma_start3A_168 = arith.constant 0 : i32
      %dma_start3A_169 = arith.constant 0 : i32
      %dma_start3A_170 = tpu.memref_slice %arg5[%arg1, %dma_start3A_167, %dma_start3A_168, %dma_start3A_169] : memref<16x80x1x128xi32, #tpu.memory_space<hbm>> -> memref<1x80x1x128xi32, #tpu.memory_space<hbm>>
      %dma_start3A_171 = tpu.memref_squeeze %dma_start3A_170 : memref<1x80x1x128xi32, #tpu.memory_space<hbm>> -> memref<80x1x128xi32, #tpu.memory_space<hbm>>
      %dma_start3A_172 = arith.constant 0 : i32
      %dma_start3A_173 = arith.constant 0 : i32
      %dma_start3A_174 = arith.constant 0 : i32
      %dma_start3A_175 = tpu.memref_slice %arg5[%arg1, %dma_start3A_172, %dma_start3A_173, %dma_start3A_174] : memref<16x80x1x128xi32, #tpu.memory_space<hbm>> -> memref<1x80x1x128xi32, #tpu.memory_space<hbm>>
      %dma_start3A_176 = tpu.memref_squeeze %dma_start3A_175 : memref<1x80x1x128xi32, #tpu.memory_space<hbm>> -> memref<80x1x128xi32, #tpu.memory_space<hbm>>
      tpu.enqueue_dma source(%dma_start3A_176 : memref<80x1x128xi32, #tpu.memory_space<hbm>>) target(%arg11 : memref<80x1x128xi32, #tpu.memory_space<vmem>>) target_semaphore(%run_scoped3A : memref<!tpu.dma_semaphore, #tpu.memory_space<semaphore_mem>>)
      %dma_wait3A_177 = arith.constant 0 : i32
      %dma_wait3A_178 = arith.constant 0 : i32
      %dma_wait3A_179 = arith.constant 0 : i32
      %dma_wait3A_180 = tpu.memref_slice %arg5[%arg1, %dma_wait3A_177, %dma_wait3A_178, %dma_wait3A_179] : memref<16x80x1x128xi32, #tpu.memory_space<hbm>> -> memref<1x80x1x128xi32, #tpu.memory_space<hbm>>
      %dma_wait3A_181 = tpu.memref_squeeze %dma_wait3A_180 : memref<1x80x1x128xi32, #tpu.memory_space<hbm>> -> memref<80x1x128xi32, #tpu.memory_space<hbm>>
      %dma_wait3A_182 = arith.constant 0 : i32
      %dma_wait3A_183 = arith.constant 0 : i32
      %dma_wait3A_184 = arith.constant 0 : i32
      %dma_wait3A_185 = tpu.memref_slice %arg5[%arg1, %dma_wait3A_182, %dma_wait3A_183, %dma_wait3A_184] : memref<16x80x1x128xi32, #tpu.memory_space<hbm>> -> memref<1x80x1x128xi32, #tpu.memory_space<hbm>>
      %dma_wait3A_186 = tpu.memref_squeeze %dma_wait3A_185 : memref<1x80x1x128xi32, #tpu.memory_space<hbm>> -> memref<80x1x128xi32, #tpu.memory_space<hbm>>
      tpu.wait_dma2 semaphore(%run_scoped3A : memref<!tpu.dma_semaphore, #tpu.memory_space<semaphore_mem>>) src(%dma_wait3A_186 : memref<80x1x128xi32, #tpu.memory_space<hbm>>) dst(%arg11 : memref<80x1x128xi32, #tpu.memory_space<vmem>>)
      tpu.yield
    }) : () -> ()
    "tpu.region"() ({
      %run_scoped3A = tpu.sem_alloc : memref<!tpu.dma_semaphore, #tpu.memory_space<semaphore_mem>>
      %dma_start3A_167 = tpu.memref_slice %arg3[%mul3A_0] : memref<10240xf32, #tpu.memory_space<hbm>> -> memref<640xf32, #tpu.memory_space<hbm>>
      %dma_start3A_168 = tpu.memref_slice %arg3[%mul3A_0] : memref<10240xf32, #tpu.memory_space<hbm>> -> memref<640xf32, #tpu.memory_space<hbm>>
      tpu.enqueue_dma source(%dma_start3A_168 : memref<640xf32, #tpu.memory_space<hbm>>) target(%arg12 : memref<640xf32, #tpu.memory_space<vmem>>) target_semaphore(%run_scoped3A : memref<!tpu.dma_semaphore, #tpu.memory_space<semaphore_mem>>)
      %dma_wait3A_169 = tpu.memref_slice %arg3[%mul3A_0] : memref<10240xf32, #tpu.memory_space<hbm>> -> memref<640xf32, #tpu.memory_space<hbm>>
      %dma_wait3A_170 = tpu.memref_slice %arg3[%mul3A_0] : memref<10240xf32, #tpu.memory_space<hbm>> -> memref<640xf32, #tpu.memory_space<hbm>>
      tpu.wait_dma2 semaphore(%run_scoped3A : memref<!tpu.dma_semaphore, #tpu.memory_space<semaphore_mem>>) src(%dma_wait3A_170 : memref<640xf32, #tpu.memory_space<hbm>>) dst(%arg12 : memref<640xf32, #tpu.memory_space<vmem>>)
      tpu.yield
    }) : () -> ()
    %scan3A = arith.constant 0 : i32
    %scan3A_1 = arith.constant 0 : i32
    %scan3A_2 = arith.constant 40 : i32
    %scan3A_3 = arith.addi %scan3A_1, %scan3A_2 : i32
    %scan3A_4 = arith.constant 1 : i32
    %scan3A_5 = scf.for %scan3A_167 = %scan3A_1 to %scan3A_3 step %scan3A_4 iter_args(%scan3A_168 = %scan3A) -> (i32)  : i32 {
      %mul3A_169 = arith.constant 16 : i32
      %mul3A_170 = arith.muli %scan3A_167, %mul3A_169 : i32
      %get3A = arith.index_cast %mul3A_170 : i32 to index
      %get3A_171 = tpu.vector_load %arg12[%get3A] {strides = array<i32>} : memref<640xf32, #tpu.memory_space<vmem>>, vector<16xf32>,
      %mul3A_172 = arith.mulf %get3A_171, %get3A_171 : vector<16xf32>
      %mul3A_173 = arith.constant 16 : i32
      %mul3A_174 = arith.muli %scan3A_167, %mul3A_173 : i32
      %swap3A = arith.index_cast %mul3A_174 : i32 to index
      %swap3A_175 = tpu.vector_load %arg13[%swap3A] {strides = array<i32>} : memref<640xf32, #tpu.memory_space<vmem>>, vector<16xf32>,
      tpu.vector_store %arg13[%swap3A], %mul3A_172 {strides = array<i32>} : memref<640xf32, #tpu.memory_space<vmem>>, vector<16xf32>,
      %scan3A_176 = arith.constant 0 : i32
      scf.yield %scan3A_176 : i32
    }
    %scan3A_6 = arith.constant 40 : i32
    %mul3A_7 = arith.constant 2 : i32
    %mul3A_8 = arith.muli %mul3A_7, %arg0 : i32
    %add3A = arith.constant 0 : i32
    %add3A_9 = arith.addi %mul3A_8, %add3A : i32
    %add3A_10 = arith.constant 0 : i32
    %add3A_11 = arith.addi %mul3A_0, %add3A_10 : i32
    "tpu.region"() ({
      %run_scoped3A = tpu.sem_alloc : memref<!tpu.dma_semaphore, #tpu.memory_space<semaphore_mem>>
      %dma_start3A_167 = arith.constant 0 : i32
      %dma_start3A_168 = tpu.memref_slice %arg2[%add3A_9, %add3A_11, %dma_start3A_167] : memref<4x10000x64xf32, #tpu.memory_space<hbm>> -> memref<1x320x64xf32, #tpu.memory_space<hbm>>
      %dma_start3A_169 = tpu.memref_squeeze %dma_start3A_168 : memref<1x320x64xf32, #tpu.memory_space<hbm>> -> memref<320x64xf32, #tpu.memory_space<hbm>>
      %dma_start3A_170 = arith.constant 0 : i32
      %dma_start3A_171 = tpu.memref_slice %arg2[%add3A_9, %add3A_11, %dma_start3A_170] : memref<4x10000x64xf32, #tpu.memory_space<hbm>> -> memref<1x320x64xf32, #tpu.memory_space<hbm>>
      %dma_start3A_172 = tpu.memref_squeeze %dma_start3A_171 : memref<1x320x64xf32, #tpu.memory_space<hbm>> -> memref<320x64xf32, #tpu.memory_space<hbm>>
      tpu.enqueue_dma source(%dma_start3A_172 : memref<320x64xf32, #tpu.memory_space<hbm>>) target(%arg8 : memref<320x64xf32, #tpu.memory_space<vmem>>) target_semaphore(%run_scoped3A : memref<!tpu.dma_semaphore, #tpu.memory_space<semaphore_mem>>)
      %dma_wait3A_173 = arith.constant 0 : i32
      %dma_wait3A_174 = tpu.memref_slice %arg2[%add3A_9, %add3A_11, %dma_wait3A_173] : memref<4x10000x64xf32, #tpu.memory_space<hbm>> -> memref<1x320x64xf32, #tpu.memory_space<hbm>>
      %dma_wait3A_175 = tpu.memref_squeeze %dma_wait3A_174 : memref<1x320x64xf32, #tpu.memory_space<hbm>> -> memref<320x64xf32, #tpu.memory_space<hbm>>
      %dma_wait3A_176 = arith.constant 0 : i32
      %dma_wait3A_177 = tpu.memref_slice %arg2[%add3A_9, %add3A_11, %dma_wait3A_176] : memref<4x10000x64xf32, #tpu.memory_space<hbm>> -> memref<1x320x64xf32, #tpu.memory_space<hbm>>
      %dma_wait3A_178 = tpu.memref_squeeze %dma_wait3A_177 : memref<1x320x64xf32, #tpu.memory_space<hbm>> -> memref<320x64xf32, #tpu.memory_space<hbm>>
      tpu.wait_dma2 semaphore(%run_scoped3A : memref<!tpu.dma_semaphore, #tpu.memory_space<semaphore_mem>>) src(%dma_wait3A_178 : memref<320x64xf32, #tpu.memory_space<hbm>>) dst(%arg8 : memref<320x64xf32, #tpu.memory_space<vmem>>)
      tpu.yield
    }) : () -> ()
    %scan3A_12 = arith.constant 0 : i32
    %scan3A_13 = arith.constant 0 : i32
    %scan3A_14 = arith.constant 320 : i32
    %scan3A_15 = arith.addi %scan3A_13, %scan3A_14 : i32
    %scan3A_16 = arith.constant 1 : i32
    %scan3A_17 = scf.for %scan3A_167 = %scan3A_13 to %scan3A_15 step %scan3A_16 iter_args(%scan3A_168 = %scan3A_12) -> (i32)  : i32 {
      %add3A_169 = arith.constant 0 : i32
      %add3A_170 = arith.addi %add3A_169, %scan3A_167 : i32
      %broadcast_in_dim3A = vector.broadcast %add3A_170 : i32 to vector<16xi32>
      %gather3A = tpu.vector_load_idx %arg12[%broadcast_in_dim3A] : memref<640xf32, #tpu.memory_space<vmem>>[vector<16xi32>], vector<16xf32>,
      %get3A = arith.index_cast %scan3A_167 : i32 to index
      %get3A_171 = arith.constant 0 : index
      %get3A_172 = tpu.vector_load %arg8[%get3A, %get3A_171] {strides = array<i32>} : memref<320x64xf32, #tpu.memory_space<vmem>>, vector<16xf32>,
      %mul3A_173 = arith.mulf %get3A_172, %gather3A : vector<16xf32>
      %swap3A = arith.index_cast %scan3A_167 : i32 to index
      %swap3A_174 = arith.constant 0 : index
      %swap3A_175 = tpu.vector_load %arg8[%swap3A, %swap3A_174] {strides = array<i32>} : memref<320x64xf32, #tpu.memory_space<vmem>>, vector<16xf32>,
      tpu.vector_store %arg8[%swap3A, %swap3A_174], %mul3A_173 {strides = array<i32>} : memref<320x64xf32, #tpu.memory_space<vmem>>, vector<16xf32>,
      %get3A_176 = arith.index_cast %scan3A_167 : i32 to index
      %get3A_177 = arith.constant 16 : index
      %get3A_178 = tpu.vector_load %arg8[%get3A_176, %get3A_177] {strides = array<i32>} : memref<320x64xf32, #tpu.memory_space<vmem>>, vector<16xf32>,
      %mul3A_179 = arith.mulf %get3A_178, %gather3A : vector<16xf32>
      %swap3A_180 = arith.index_cast %scan3A_167 : i32 to index
      %swap3A_181 = arith.constant 16 : index
      %swap3A_182 = tpu.vector_load %arg8[%swap3A_180, %swap3A_181] {strides = array<i32>} : memref<320x64xf32, #tpu.memory_space<vmem>>, vector<16xf32>,
      tpu.vector_store %arg8[%swap3A_180, %swap3A_181], %mul3A_179 {strides = array<i32>} : memref<320x64xf32, #tpu.memory_space<vmem>>, vector<16xf32>,
      %get3A_183 = arith.index_cast %scan3A_167 : i32 to index
      %get3A_184 = arith.constant 32 : index
      %get3A_185 = tpu.vector_load %arg8[%get3A_183, %get3A_184] {strides = array<i32>} : memref<320x64xf32, #tpu.memory_space<vmem>>, vector<16xf32>,
      %mul3A_186 = arith.mulf %get3A_185, %gather3A : vector<16xf32>
      %swap3A_187 = arith.index_cast %scan3A_167 : i32 to index
      %swap3A_188 = arith.constant 32 : index
      %swap3A_189 = tpu.vector_load %arg8[%swap3A_187, %swap3A_188] {strides = array<i32>} : memref<320x64xf32, #tpu.memory_space<vmem>>, vector<16xf32>,
      tpu.vector_store %arg8[%swap3A_187, %swap3A_188], %mul3A_186 {strides = array<i32>} : memref<320x64xf32, #tpu.memory_space<vmem>>, vector<16xf32>,
      %get3A_190 = arith.index_cast %scan3A_167 : i32 to index
      %get3A_191 = arith.constant 48 : index
      %get3A_192 = tpu.vector_load %arg8[%get3A_190, %get3A_191] {strides = array<i32>} : memref<320x64xf32, #tpu.memory_space<vmem>>, vector<16xf32>,
      %mul3A_193 = arith.mulf %get3A_192, %gather3A : vector<16xf32>
      %swap3A_194 = arith.index_cast %scan3A_167 : i32 to index
      %swap3A_195 = arith.constant 48 : index
      %swap3A_196 = tpu.vector_load %arg8[%swap3A_194, %swap3A_195] {strides = array<i32>} : memref<320x64xf32, #tpu.memory_space<vmem>>, vector<16xf32>,
      tpu.vector_store %arg8[%swap3A_194, %swap3A_195], %mul3A_193 {strides = array<i32>} : memref<320x64xf32, #tpu.memory_space<vmem>>, vector<16xf32>,
      %scan3A_197 = arith.constant 0 : i32
      scf.yield %scan3A_197 : i32
    }
    %scan3A_18 = arith.constant 320 : i32
    %dma_start3A = arith.constant 0 : i32
    %dma_start3A_19 = arith.constant 0 : i32
    %dma_start3A_20 = tpu.memref_slice %arg6[%add3A_9, %dma_start3A, %add3A_11, %dma_start3A_19] : memref<4x11x10240x64xf32, #tpu.memory_space<hbm>> -> memref<1x1x320x64xf32, #tpu.memory_space<hbm>>
    %dma_start3A_21 = tpu.memref_squeeze %dma_start3A_20 : memref<1x1x320x64xf32, #tpu.memory_space<hbm>> -> memref<320x64xf32, #tpu.memory_space<hbm>>
    %dma_start3A_22 = arith.constant 0 : i32
    %dma_start3A_23 = tpu.memref_slice %arg6[%add3A_9, %dma_start3A, %add3A_11, %dma_start3A_22] : memref<4x11x10240x64xf32, #tpu.memory_space<hbm>> -> memref<1x1x320x64xf32, #tpu.memory_space<hbm>>
    %dma_start3A_24 = tpu.memref_squeeze %dma_start3A_23 : memref<1x1x320x64xf32, #tpu.memory_space<hbm>> -> memref<320x64xf32, #tpu.memory_space<hbm>>
    tpu.enqueue_dma source(%arg8 : memref<320x64xf32, #tpu.memory_space<vmem>>) target(%dma_start3A_24 : memref<320x64xf32, #tpu.memory_space<hbm>>) target_semaphore(%arg14 : memref<!tpu.dma_semaphore, #tpu.memory_space<semaphore_mem>>)
    %dma_start3A_25 = arith.constant 0 : i32
    %dma_start3A_26 = tpu.memref_slice %arg7[%add3A_11, %dma_start3A_25] : memref<10240x64xf32, #tpu.memory_space<vmem_shared>> -> memref<320x64xf32, #tpu.memory_space<vmem_shared>>
    %dma_start3A_27 = arith.constant 0 : i32
    %dma_start3A_28 = tpu.memref_slice %arg7[%add3A_11, %dma_start3A_27] : memref<10240x64xf32, #tpu.memory_space<vmem_shared>> -> memref<320x64xf32, #tpu.memory_space<vmem_shared>>
    tpu.enqueue_dma source(%arg8 : memref<320x64xf32, #tpu.memory_space<vmem>>) target(%dma_start3A_28 : memref<320x64xf32, #tpu.memory_space<vmem_shared>>) target_semaphore(%arg15 : memref<!tpu.dma_semaphore, #tpu.memory_space<semaphore_mem>>)
    %dma_wait3A = arith.constant 0 : i32
    %dma_wait3A_29 = tpu.memref_slice %arg7[%add3A_11, %dma_wait3A] : memref<10240x64xf32, #tpu.memory_space<vmem_shared>> -> memref<320x64xf32, #tpu.memory_space<vmem_shared>>
    %dma_wait3A_30 = arith.constant 0 : i32
    %dma_wait3A_31 = tpu.memref_slice %arg7[%add3A_11, %dma_wait3A_30] : memref<10240x64xf32, #tpu.memory_space<vmem_shared>> -> memref<320x64xf32, #tpu.memory_space<vmem_shared>>
    tpu.wait_dma2 semaphore(%arg15 : memref<!tpu.dma_semaphore, #tpu.memory_space<semaphore_mem>>) src(%arg8 : memref<320x64xf32, #tpu.memory_space<vmem>>) dst(%dma_wait3A_31 : memref<320x64xf32, #tpu.memory_space<vmem_shared>>)
    %dma_wait3A_32 = arith.constant 0 : i32
    %dma_wait3A_33 = arith.constant 0 : i32
    %dma_wait3A_34 = tpu.memref_slice %arg6[%add3A_9, %dma_wait3A_32, %add3A_11, %dma_wait3A_33] : memref<4x11x10240x64xf32, #tpu.memory_space<hbm>> -> memref<1x1x320x64xf32, #tpu.memory_space<hbm>>
    %dma_wait3A_35 = tpu.memref_squeeze %dma_wait3A_34 : memref<1x1x320x64xf32, #tpu.memory_space<hbm>> -> memref<320x64xf32, #tpu.memory_space<hbm>>
    %dma_wait3A_36 = arith.constant 0 : i32
    %dma_wait3A_37 = tpu.memref_slice %arg6[%add3A_9, %dma_wait3A_32, %add3A_11, %dma_wait3A_36] : memref<4x11x10240x64xf32, #tpu.memory_space<hbm>> -> memref<1x1x320x64xf32, #tpu.memory_space<hbm>>
    %dma_wait3A_38 = tpu.memref_squeeze %dma_wait3A_37 : memref<1x1x320x64xf32, #tpu.memory_space<hbm>> -> memref<320x64xf32, #tpu.memory_space<hbm>>
    tpu.wait_dma2 semaphore(%arg14 : memref<!tpu.dma_semaphore, #tpu.memory_space<semaphore_mem>>) src(%arg8 : memref<320x64xf32, #tpu.memory_space<vmem>>) dst(%dma_wait3A_38 : memref<320x64xf32, #tpu.memory_space<hbm>>)
    %add3A_39 = arith.constant 320 : i32
    %add3A_40 = arith.addi %mul3A_0, %add3A_39 : i32
    %lt3A = arith.constant 15 : i32
    %lt3A_41 = arith.cmpi slt, %arg1, %lt3A : i32
    %convert_element_type3A = arith.extui %lt3A_41 : i1 to i32
    %cond3A = arith.constant 0 : i32
    %cond3A_42 = arith.cmpi ne, %convert_element_type3A, %cond3A : i32
    scf.if %cond3A_42 {
      "tpu.region"() ({
        %run_scoped3A = tpu.sem_alloc : memref<!tpu.dma_semaphore, #tpu.memory_space<semaphore_mem>>
        %dma_start3A_167 = arith.constant 0 : i32
        %dma_start3A_168 = tpu.memref_slice %arg2[%add3A_9, %add3A_40, %dma_start3A_167] : memref<4x10000x64xf32, #tpu.memory_space<hbm>> -> memref<1x320x64xf32, #tpu.memory_space<hbm>>
        %dma_start3A_169 = tpu.memref_squeeze %dma_start3A_168 : memref<1x320x64xf32, #tpu.memory_space<hbm>> -> memref<320x64xf32, #tpu.memory_space<hbm>>
        %dma_start3A_170 = arith.constant 0 : i32
        %dma_start3A_171 = tpu.memref_slice %arg2[%add3A_9, %add3A_40, %dma_start3A_170] : memref<4x10000x64xf32, #tpu.memory_space<hbm>> -> memref<1x320x64xf32, #tpu.memory_space<hbm>>
        %dma_start3A_172 = tpu.memref_squeeze %dma_start3A_171 : memref<1x320x64xf32, #tpu.memory_space<hbm>> -> memref<320x64xf32, #tpu.memory_space<hbm>>
        tpu.enqueue_dma source(%dma_start3A_172 : memref<320x64xf32, #tpu.memory_space<hbm>>) target(%arg8 : memref<320x64xf32, #tpu.memory_space<vmem>>) target_semaphore(%run_scoped3A : memref<!tpu.dma_semaphore, #tpu.memory_space<semaphore_mem>>)
        %dma_wait3A_173 = arith.constant 0 : i32
        %dma_wait3A_174 = tpu.memref_slice %arg2[%add3A_9, %add3A_40, %dma_wait3A_173] : memref<4x10000x64xf32, #tpu.memory_space<hbm>> -> memref<1x320x64xf32, #tpu.memory_space<hbm>>
        %dma_wait3A_175 = tpu.memref_squeeze %dma_wait3A_174 : memref<1x320x64xf32, #tpu.memory_space<hbm>> -> memref<320x64xf32, #tpu.memory_space<hbm>>
        %dma_wait3A_176 = arith.constant 0 : i32
        %dma_wait3A_177 = tpu.memref_slice %arg2[%add3A_9, %add3A_40, %dma_wait3A_176] : memref<4x10000x64xf32, #tpu.memory_space<hbm>> -> memref<1x320x64xf32, #tpu.memory_space<hbm>>
        %dma_wait3A_178 = tpu.memref_squeeze %dma_wait3A_177 : memref<1x320x64xf32, #tpu.memory_space<hbm>> -> memref<320x64xf32, #tpu.memory_space<hbm>>
        tpu.wait_dma2 semaphore(%run_scoped3A : memref<!tpu.dma_semaphore, #tpu.memory_space<semaphore_mem>>) src(%dma_wait3A_178 : memref<320x64xf32, #tpu.memory_space<hbm>>) dst(%arg8 : memref<320x64xf32, #tpu.memory_space<vmem>>)
        tpu.yield
      }) : () -> ()
    } else {
    }
    %eq3A = arith.constant 15 : i32
    %eq3A_43 = arith.cmpi eq, %arg1, %eq3A : i32
    %convert_element_type3A_44 = arith.extui %eq3A_43 : i1 to i32
    %cond3A_45 = arith.constant 0 : i32
    %cond3A_46 = arith.cmpi ne, %convert_element_type3A_44, %cond3A_45 : i32
    scf.if %cond3A_46 {
      "tpu.region"() ({
        %run_scoped3A = tpu.sem_alloc : memref<!tpu.dma_semaphore, #tpu.memory_space<semaphore_mem>>
        %dma_start3A_175 = arith.constant 0 : i32
        %dma_start3A_176 = arith.constant 0 : i32
        %dma_start3A_177 = tpu.memref_slice %arg8[%dma_start3A_175, %dma_start3A_176] : memref<320x64xf32, #tpu.memory_space<vmem>> -> memref<80x64xf32, #tpu.memory_space<vmem>>
        %dma_start3A_178 = arith.constant 9920 : i32
        %dma_start3A_179 = arith.constant 0 : i32
        %dma_start3A_180 = tpu.memref_slice %arg2[%add3A_9, %dma_start3A_178, %dma_start3A_179] : memref<4x10000x64xf32, #tpu.memory_space<hbm>> -> memref<1x80x64xf32, #tpu.memory_space<hbm>>
        %dma_start3A_181 = tpu.memref_squeeze %dma_start3A_180 : memref<1x80x64xf32, #tpu.memory_space<hbm>> -> memref<80x64xf32, #tpu.memory_space<hbm>>
        %dma_start3A_182 = arith.constant 0 : i32
        %dma_start3A_183 = arith.constant 0 : i32
        %dma_start3A_184 = tpu.memref_slice %arg8[%dma_start3A_182, %dma_start3A_183] : memref<320x64xf32, #tpu.memory_space<vmem>> -> memref<80x64xf32, #tpu.memory_space<vmem>>
        %dma_start3A_185 = arith.constant 9920 : i32
        %dma_start3A_186 = arith.constant 0 : i32
        %dma_start3A_187 = tpu.memref_slice %arg2[%add3A_9, %dma_start3A_185, %dma_start3A_186] : memref<4x10000x64xf32, #tpu.memory_space<hbm>> -> memref<1x80x64xf32, #tpu.memory_space<hbm>>
        %dma_start3A_188 = tpu.memref_squeeze %dma_start3A_187 : memref<1x80x64xf32, #tpu.memory_space<hbm>> -> memref<80x64xf32, #tpu.memory_space<hbm>>
        tpu.enqueue_dma source(%dma_start3A_188 : memref<80x64xf32, #tpu.memory_space<hbm>>) target(%dma_start3A_184 : memref<80x64xf32, #tpu.memory_space<vmem>>) target_semaphore(%run_scoped3A : memref<!tpu.dma_semaphore, #tpu.memory_space<semaphore_mem>>)
        %dma_wait3A_189 = arith.constant 0 : i32
        %dma_wait3A_190 = arith.constant 0 : i32
        %dma_wait3A_191 = tpu.memref_slice %arg8[%dma_wait3A_189, %dma_wait3A_190] : memref<320x64xf32, #tpu.memory_space<vmem>> -> memref<80x64xf32, #tpu.memory_space<vmem>>
        %dma_wait3A_192 = arith.constant 9920 : i32
        %dma_wait3A_193 = arith.constant 0 : i32
        %dma_wait3A_194 = tpu.memref_slice %arg2[%add3A_9, %dma_wait3A_192, %dma_wait3A_193] : memref<4x10000x64xf32, #tpu.memory_space<hbm>> -> memref<1x80x64xf32, #tpu.memory_space<hbm>>
        %dma_wait3A_195 = tpu.memref_squeeze %dma_wait3A_194 : memref<1x80x64xf32, #tpu.memory_space<hbm>> -> memref<80x64xf32, #tpu.memory_space<hbm>>
        %dma_wait3A_196 = arith.constant 0 : i32
        %dma_wait3A_197 = arith.constant 0 : i32
        %dma_wait3A_198 = tpu.memref_slice %arg8[%dma_wait3A_196, %dma_wait3A_197] : memref<320x64xf32, #tpu.memory_space<vmem>> -> memref<80x64xf32, #tpu.memory_space<vmem>>
        %dma_wait3A_199 = arith.constant 9920 : i32
        %dma_wait3A_200 = arith.constant 0 : i32
        %dma_wait3A_201 = tpu.memref_slice %arg2[%add3A_9, %dma_wait3A_199, %dma_wait3A_200] : memref<4x10000x64xf32, #tpu.memory_space<hbm>> -> memref<1x80x64xf32, #tpu.memory_space<hbm>>
        %dma_wait3A_202 = tpu.memref_squeeze %dma_wait3A_201 : memref<1x80x64xf32, #tpu.memory_space<hbm>> -> memref<80x64xf32, #tpu.memory_space<hbm>>
        tpu.wait_dma2 semaphore(%run_scoped3A : memref<!tpu.dma_semaphore, #tpu.memory_space<semaphore_mem>>) src(%dma_wait3A_202 : memref<80x64xf32, #tpu.memory_space<hbm>>) dst(%dma_wait3A_198 : memref<80x64xf32, #tpu.memory_space<vmem>>)
        tpu.yield
      }) : () -> ()
      %broadcast_in_dim3A = arith.constant 0.000000e+00 : f32
      %broadcast_in_dim3A_167 = vector.broadcast %broadcast_in_dim3A : f32 to vector<16xf32>
      %scan3A_168 = arith.constant 0 : i32
      %scan3A_169 = arith.constant 0 : i32
      %scan3A_170 = arith.constant 240 : i32
      %scan3A_171 = arith.addi %scan3A_169, %scan3A_170 : i32
      %scan3A_172 = arith.constant 1 : i32
      %scan3A_173 = scf.for %scan3A_175 = %scan3A_169 to %scan3A_171 step %scan3A_172 iter_args(%scan3A_176 = %scan3A_168) -> (i32)  : i32 {
        %add3A_177 = arith.constant 80 : i32
        %add3A_178 = arith.addi %add3A_177, %scan3A_175 : i32
        %swap3A = arith.index_cast %add3A_178 : i32 to index
        %swap3A_179 = arith.constant 0 : index
        %swap3A_180 = tpu.vector_load %arg8[%swap3A, %swap3A_179] {strides = array<i32>} : memref<320x64xf32, #tpu.memory_space<vmem>>, vector<16xf32>,
        tpu.vector_store %arg8[%swap3A, %swap3A_179], %broadcast_in_dim3A_167 {strides = array<i32>} : memref<320x64xf32, #tpu.memory_space<vmem>>, vector<16xf32>,
        %add3A_181 = arith.constant 80 : i32
        %add3A_182 = arith.addi %add3A_181, %scan3A_175 : i32
        %swap3A_183 = arith.index_cast %add3A_182 : i32 to index
        %swap3A_184 = arith.constant 16 : index
        %swap3A_185 = tpu.vector_load %arg8[%swap3A_183, %swap3A_184] {strides = array<i32>} : memref<320x64xf32, #tpu.memory_space<vmem>>, vector<16xf32>,
        tpu.vector_store %arg8[%swap3A_183, %swap3A_184], %broadcast_in_dim3A_167 {strides = array<i32>} : memref<320x64xf32, #tpu.memory_space<vmem>>, vector<16xf32>,
        %add3A_186 = arith.constant 80 : i32
        %add3A_187 = arith.addi %add3A_186, %scan3A_175 : i32
        %swap3A_188 = arith.index_cast %add3A_187 : i32 to index
        %swap3A_189 = arith.constant 32 : index
        %swap3A_190 = tpu.vector_load %arg8[%swap3A_188, %swap3A_189] {strides = array<i32>} : memref<320x64xf32, #tpu.memory_space<vmem>>, vector<16xf32>,
        tpu.vector_store %arg8[%swap3A_188, %swap3A_189], %broadcast_in_dim3A_167 {strides = array<i32>} : memref<320x64xf32, #tpu.memory_space<vmem>>, vector<16xf32>,
        %add3A_191 = arith.constant 80 : i32
        %add3A_192 = arith.addi %add3A_191, %scan3A_175 : i32
        %swap3A_193 = arith.index_cast %add3A_192 : i32 to index
        %swap3A_194 = arith.constant 48 : index
        %swap3A_195 = tpu.vector_load %arg8[%swap3A_193, %swap3A_194] {strides = array<i32>} : memref<320x64xf32, #tpu.memory_space<vmem>>, vector<16xf32>,
        tpu.vector_store %arg8[%swap3A_193, %swap3A_194], %broadcast_in_dim3A_167 {strides = array<i32>} : memref<320x64xf32, #tpu.memory_space<vmem>>, vector<16xf32>,
        %scan3A_196 = arith.constant 0 : i32
        scf.yield %scan3A_196 : i32
      }
      %scan3A_174 = arith.constant 240 : i32
    } else {
    }
    %scan3A_47 = arith.constant 0 : i32
    %scan3A_48 = arith.constant 0 : i32
    %scan3A_49 = arith.constant 320 : i32
    %scan3A_50 = arith.addi %scan3A_48, %scan3A_49 : i32
    %scan3A_51 = arith.constant 1 : i32
    %scan3A_52 = scf.for %scan3A_167 = %scan3A_48 to %scan3A_50 step %scan3A_51 iter_args(%scan3A_168 = %scan3A_47) -> (i32)  : i32 {
      %add3A_169 = arith.constant 320 : i32
      %add3A_170 = arith.addi %add3A_169, %scan3A_167 : i32
      %broadcast_in_dim3A = vector.broadcast %add3A_170 : i32 to vector<16xi32>
      %gather3A = tpu.vector_load_idx %arg12[%broadcast_in_dim3A] : memref<640xf32, #tpu.memory_space<vmem>>[vector<16xi32>], vector<16xf32>,
      %get3A = arith.index_cast %scan3A_167 : i32 to index
      %get3A_171 = arith.constant 0 : index
      %get3A_172 = tpu.vector_load %arg8[%get3A, %get3A_171] {strides = array<i32>} : memref<320x64xf32, #tpu.memory_space<vmem>>, vector<16xf32>,
      %mul3A_173 = arith.mulf %get3A_172, %gather3A : vector<16xf32>
      %swap3A = arith.index_cast %scan3A_167 : i32 to index
      %swap3A_174 = arith.constant 0 : index
      %swap3A_175 = tpu.vector_load %arg8[%swap3A, %swap3A_174] {strides = array<i32>} : memref<320x64xf32, #tpu.memory_space<vmem>>, vector<16xf32>,
      tpu.vector_store %arg8[%swap3A, %swap3A_174], %mul3A_173 {strides = array<i32>} : memref<320x64xf32, #tpu.memory_space<vmem>>, vector<16xf32>,
      %get3A_176 = arith.index_cast %scan3A_167 : i32 to index
      %get3A_177 = arith.constant 16 : index
      %get3A_178 = tpu.vector_load %arg8[%get3A_176, %get3A_177] {strides = array<i32>} : memref<320x64xf32, #tpu.memory_space<vmem>>, vector<16xf32>,
      %mul3A_179 = arith.mulf %get3A_178, %gather3A : vector<16xf32>
      %swap3A_180 = arith.index_cast %scan3A_167 : i32 to index
      %swap3A_181 = arith.constant 16 : index
      %swap3A_182 = tpu.vector_load %arg8[%swap3A_180, %swap3A_181] {strides = array<i32>} : memref<320x64xf32, #tpu.memory_space<vmem>>, vector<16xf32>,
      tpu.vector_store %arg8[%swap3A_180, %swap3A_181], %mul3A_179 {strides = array<i32>} : memref<320x64xf32, #tpu.memory_space<vmem>>, vector<16xf32>,
      %get3A_183 = arith.index_cast %scan3A_167 : i32 to index
      %get3A_184 = arith.constant 32 : index
      %get3A_185 = tpu.vector_load %arg8[%get3A_183, %get3A_184] {strides = array<i32>} : memref<320x64xf32, #tpu.memory_space<vmem>>, vector<16xf32>,
      %mul3A_186 = arith.mulf %get3A_185, %gather3A : vector<16xf32>
      %swap3A_187 = arith.index_cast %scan3A_167 : i32 to index
      %swap3A_188 = arith.constant 32 : index
      %swap3A_189 = tpu.vector_load %arg8[%swap3A_187, %swap3A_188] {strides = array<i32>} : memref<320x64xf32, #tpu.memory_space<vmem>>, vector<16xf32>,
      tpu.vector_store %arg8[%swap3A_187, %swap3A_188], %mul3A_186 {strides = array<i32>} : memref<320x64xf32, #tpu.memory_space<vmem>>, vector<16xf32>,
      %get3A_190 = arith.index_cast %scan3A_167 : i32 to index
      %get3A_191 = arith.constant 48 : index
      %get3A_192 = tpu.vector_load %arg8[%get3A_190, %get3A_191] {strides = array<i32>} : memref<320x64xf32, #tpu.memory_space<vmem>>, vector<16xf32>,
      %mul3A_193 = arith.mulf %get3A_192, %gather3A : vector<16xf32>
      %swap3A_194 = arith.index_cast %scan3A_167 : i32 to index
      %swap3A_195 = arith.constant 48 : index
      %swap3A_196 = tpu.vector_load %arg8[%swap3A_194, %swap3A_195] {strides = array<i32>} : memref<320x64xf32, #tpu.memory_space<vmem>>, vector<16xf32>,
      tpu.vector_store %arg8[%swap3A_194, %swap3A_195], %mul3A_193 {strides = array<i32>} : memref<320x64xf32, #tpu.memory_space<vmem>>, vector<16xf32>,
      %scan3A_197 = arith.constant 0 : i32
      scf.yield %scan3A_197 : i32
    }
    %scan3A_53 = arith.constant 320 : i32
    %dma_start3A_54 = arith.constant 0 : i32
    %dma_start3A_55 = arith.constant 0 : i32
    %dma_start3A_56 = tpu.memref_slice %arg6[%add3A_9, %dma_start3A_54, %add3A_40, %dma_start3A_55] : memref<4x11x10240x64xf32, #tpu.memory_space<hbm>> -> memref<1x1x320x64xf32, #tpu.memory_space<hbm>>
    %dma_start3A_57 = tpu.memref_squeeze %dma_start3A_56 : memref<1x1x320x64xf32, #tpu.memory_space<hbm>> -> memref<320x64xf32, #tpu.memory_space<hbm>>
    %dma_start3A_58 = arith.constant 0 : i32
    %dma_start3A_59 = tpu.memref_slice %arg6[%add3A_9, %dma_start3A_54, %add3A_40, %dma_start3A_58] : memref<4x11x10240x64xf32, #tpu.memory_space<hbm>> -> memref<1x1x320x64xf32, #tpu.memory_space<hbm>>
    %dma_start3A_60 = tpu.memref_squeeze %dma_start3A_59 : memref<1x1x320x64xf32, #tpu.memory_space<hbm>> -> memref<320x64xf32, #tpu.memory_space<hbm>>
    tpu.enqueue_dma source(%arg8 : memref<320x64xf32, #tpu.memory_space<vmem>>) target(%dma_start3A_60 : memref<320x64xf32, #tpu.memory_space<hbm>>) target_semaphore(%arg14 : memref<!tpu.dma_semaphore, #tpu.memory_space<semaphore_mem>>)
    %dma_start3A_61 = arith.constant 0 : i32
    %dma_start3A_62 = tpu.memref_slice %arg7[%add3A_40, %dma_start3A_61] : memref<10240x64xf32, #tpu.memory_space<vmem_shared>> -> memref<320x64xf32, #tpu.memory_space<vmem_shared>>
    %dma_start3A_63 = arith.constant 0 : i32
    %dma_start3A_64 = tpu.memref_slice %arg7[%add3A_40, %dma_start3A_63] : memref<10240x64xf32, #tpu.memory_space<vmem_shared>> -> memref<320x64xf32, #tpu.memory_space<vmem_shared>>
    tpu.enqueue_dma source(%arg8 : memref<320x64xf32, #tpu.memory_space<vmem>>) target(%dma_start3A_64 : memref<320x64xf32, #tpu.memory_space<vmem_shared>>) target_semaphore(%arg15 : memref<!tpu.dma_semaphore, #tpu.memory_space<semaphore_mem>>)
    %dma_wait3A_65 = arith.constant 0 : i32
    %dma_wait3A_66 = tpu.memref_slice %arg7[%add3A_40, %dma_wait3A_65] : memref<10240x64xf32, #tpu.memory_space<vmem_shared>> -> memref<320x64xf32, #tpu.memory_space<vmem_shared>>
    %dma_wait3A_67 = arith.constant 0 : i32
    %dma_wait3A_68 = tpu.memref_slice %arg7[%add3A_40, %dma_wait3A_67] : memref<10240x64xf32, #tpu.memory_space<vmem_shared>> -> memref<320x64xf32, #tpu.memory_space<vmem_shared>>
    tpu.wait_dma2 semaphore(%arg15 : memref<!tpu.dma_semaphore, #tpu.memory_space<semaphore_mem>>) src(%arg8 : memref<320x64xf32, #tpu.memory_space<vmem>>) dst(%dma_wait3A_68 : memref<320x64xf32, #tpu.memory_space<vmem_shared>>)
    %dma_wait3A_69 = arith.constant 0 : i32
    %dma_wait3A_70 = arith.constant 0 : i32
    %dma_wait3A_71 = tpu.memref_slice %arg6[%add3A_9, %dma_wait3A_69, %add3A_40, %dma_wait3A_70] : memref<4x11x10240x64xf32, #tpu.memory_space<hbm>> -> memref<1x1x320x64xf32, #tpu.memory_space<hbm>>
    %dma_wait3A_72 = tpu.memref_squeeze %dma_wait3A_71 : memref<1x1x320x64xf32, #tpu.memory_space<hbm>> -> memref<320x64xf32, #tpu.memory_space<hbm>>
    %dma_wait3A_73 = arith.constant 0 : i32
    %dma_wait3A_74 = tpu.memref_slice %arg6[%add3A_9, %dma_wait3A_69, %add3A_40, %dma_wait3A_73] : memref<4x11x10240x64xf32, #tpu.memory_space<hbm>> -> memref<1x1x320x64xf32, #tpu.memory_space<hbm>>
    %dma_wait3A_75 = tpu.memref_squeeze %dma_wait3A_74 : memref<1x1x320x64xf32, #tpu.memory_space<hbm>> -> memref<320x64xf32, #tpu.memory_space<hbm>>
    tpu.wait_dma2 semaphore(%arg14 : memref<!tpu.dma_semaphore, #tpu.memory_space<semaphore_mem>>) src(%arg8 : memref<320x64xf32, #tpu.memory_space<vmem>>) dst(%dma_wait3A_75 : memref<320x64xf32, #tpu.memory_space<hbm>>)
    %barrier3A = arith.constant 0 : index
    tpu.barrier barrier_id(%barrier3A)
    %scan3A_76 = arith.constant 0 : i32
    %scan3A_77 = arith.constant 0 : i32
    %scan3A_78 = arith.constant 10 : i32
    %scan3A_79 = arith.addi %scan3A_77, %scan3A_78 : i32
    %scan3A_80 = arith.constant 1 : i32
    %scan3A_81 = scf.for %scan3A_167 = %scan3A_77 to %scan3A_79 step %scan3A_80 iter_args(%scan3A_168 = %scan3A_76) -> (i32)  : i32 {
      %dma_start3A_169 = arith.constant 0 : i32
      %dma_start3A_170 = arith.constant 0 : i32
      %dma_start3A_171 = arith.constant 0 : i32
      %dma_start3A_172 = arith.constant 0 : i32
      %dma_start3A_173 = arith.constant 0 : i32
      %dma_start3A_174 = tpu.memref_slice %arg9[%dma_start3A_171, %dma_start3A_172, %dma_start3A_173] : memref<4x128x64xf32, #tpu.memory_space<vmem>> -> memref<1x128x64xf32, #tpu.memory_space<vmem>>
      %dma_start3A_175 = tpu.memref_squeeze %dma_start3A_174 : memref<1x128x64xf32, #tpu.memory_space<vmem>> -> memref<128x64xf32, #tpu.memory_space<vmem>>
      %dma_start3A_176 = arith.constant 0 : i32
      %dma_start3A_177 = tpu.memref_slice %arg10[%dma_start3A_169, %dma_start3A_170, %dma_start3A_176] : memref<80x1x128xi32, #tpu.memory_space<vmem>> -> memref<1x1x128xi32, #tpu.memory_space<vmem>>
      %dma_start3A_178 = tpu.memref_squeeze %dma_start3A_177 : memref<1x1x128xi32, #tpu.memory_space<vmem>> -> memref<128xi32, #tpu.memory_space<vmem>>
      %dma_start3A_179 = arith.constant 0 : i32
      %dma_start3A_180 = arith.constant 0 : i32
      %dma_start3A_181 = tpu.memref_slice %arg6[%add3A_9, %scan3A_167, %dma_start3A_179, %dma_start3A_180] : memref<4x11x10240x64xf32, #tpu.memory_space<hbm>> -> memref<1x1x10240x64xf32, #tpu.memory_space<hbm>>
      %dma_start3A_182 = tpu.memref_squeeze %dma_start3A_181 : memref<1x1x10240x64xf32, #tpu.memory_space<hbm>> -> memref<10240x64xf32, #tpu.memory_space<hbm>>
      %dma_start3A_183 = arith.constant 0 : i32
      %dma_start3A_184 = arith.constant 0 : i32
      %dma_start3A_185 = tpu.memref_slice %dma_start3A_182[%dma_start3A_183, %dma_start3A_184] : memref<10240x64xf32, #tpu.memory_space<hbm>> -> memref<10240x64xf32, #tpu.memory_space<hbm>>
      tpu.enqueue_indirect_dma source(%dma_start3A_185 : memref<10240x64xf32, #tpu.memory_space<hbm>>) target(%dma_start3A_175 : memref<128x64xf32, #tpu.memory_space<vmem>>) offsets(%dma_start3A_178 : memref<128xi32, #tpu.memory_space<vmem>>) semaphore(%arg14 : memref<!tpu.dma_semaphore, #tpu.memory_space<semaphore_mem>>)
      %dma_start3A_186 = arith.constant 1 : i32
      %dma_start3A_187 = arith.constant 0 : i32
      %dma_start3A_188 = arith.constant 1 : i32
      %dma_start3A_189 = arith.constant 0 : i32
      %dma_start3A_190 = arith.constant 0 : i32
      %dma_start3A_191 = tpu.memref_slice %arg9[%dma_start3A_188, %dma_start3A_189, %dma_start3A_190] : memref<4x128x64xf32, #tpu.memory_space<vmem>> -> memref<1x128x64xf32, #tpu.memory_space<vmem>>
      %dma_start3A_192 = tpu.memref_squeeze %dma_start3A_191 : memref<1x128x64xf32, #tpu.memory_space<vmem>> -> memref<128x64xf32, #tpu.memory_space<vmem>>
      %dma_start3A_193 = arith.constant 0 : i32
      %dma_start3A_194 = tpu.memref_slice %arg10[%dma_start3A_186, %dma_start3A_187, %dma_start3A_193] : memref<80x1x128xi32, #tpu.memory_space<vmem>> -> memref<1x1x128xi32, #tpu.memory_space<vmem>>
      %dma_start3A_195 = tpu.memref_squeeze %dma_start3A_194 : memref<1x1x128xi32, #tpu.memory_space<vmem>> -> memref<128xi32, #tpu.memory_space<vmem>>
      %dma_start3A_196 = arith.constant 0 : i32
      %dma_start3A_197 = arith.constant 0 : i32
      %dma_start3A_198 = tpu.memref_slice %arg6[%add3A_9, %scan3A_167, %dma_start3A_196, %dma_start3A_197] : memref<4x11x10240x64xf32, #tpu.memory_space<hbm>> -> memref<1x1x10240x64xf32, #tpu.memory_space<hbm>>
      %dma_start3A_199 = tpu.memref_squeeze %dma_start3A_198 : memref<1x1x10240x64xf32, #tpu.memory_space<hbm>> -> memref<10240x64xf32, #tpu.memory_space<hbm>>
      %dma_start3A_200 = arith.constant 0 : i32
      %dma_start3A_201 = arith.constant 0 : i32
      %dma_start3A_202 = tpu.memref_slice %dma_start3A_199[%dma_start3A_200, %dma_start3A_201] : memref<10240x64xf32, #tpu.memory_space<hbm>> -> memref<10240x64xf32, #tpu.memory_space<hbm>>
      tpu.enqueue_indirect_dma source(%dma_start3A_202 : memref<10240x64xf32, #tpu.memory_space<hbm>>) target(%dma_start3A_192 : memref<128x64xf32, #tpu.memory_space<vmem>>) offsets(%dma_start3A_195 : memref<128xi32, #tpu.memory_space<vmem>>) semaphore(%arg14 : memref<!tpu.dma_semaphore, #tpu.memory_space<semaphore_mem>>)
      %dma_start3A_203 = arith.constant 2 : i32
      %dma_start3A_204 = arith.constant 0 : i32
      %dma_start3A_205 = arith.constant 2 : i32
      %dma_start3A_206 = arith.constant 0 : i32
      %dma_start3A_207 = arith.constant 0 : i32
      %dma_start3A_208 = tpu.memref_slice %arg9[%dma_start3A_205, %dma_start3A_206, %dma_start3A_207] : memref<4x128x64xf32, #tpu.memory_space<vmem>> -> memref<1x128x64xf32, #tpu.memory_space<vmem>>
      %dma_start3A_209 = tpu.memref_squeeze %dma_start3A_208 : memref<1x128x64xf32, #tpu.memory_space<vmem>> -> memref<128x64xf32, #tpu.memory_space<vmem>>
      %dma_start3A_210 = arith.constant 0 : i32
      %dma_start3A_211 = tpu.memref_slice %arg10[%dma_start3A_203, %dma_start3A_204, %dma_start3A_210] : memref<80x1x128xi32, #tpu.memory_space<vmem>> -> memref<1x1x128xi32, #tpu.memory_space<vmem>>
      %dma_start3A_212 = tpu.memref_squeeze %dma_start3A_211 : memref<1x1x128xi32, #tpu.memory_space<vmem>> -> memref<128xi32, #tpu.memory_space<vmem>>
      %dma_start3A_213 = arith.constant 0 : i32
      %dma_start3A_214 = arith.constant 0 : i32
      %dma_start3A_215 = tpu.memref_slice %arg6[%add3A_9, %scan3A_167, %dma_start3A_213, %dma_start3A_214] : memref<4x11x10240x64xf32, #tpu.memory_space<hbm>> -> memref<1x1x10240x64xf32, #tpu.memory_space<hbm>>
      %dma_start3A_216 = tpu.memref_squeeze %dma_start3A_215 : memref<1x1x10240x64xf32, #tpu.memory_space<hbm>> -> memref<10240x64xf32, #tpu.memory_space<hbm>>
      %dma_start3A_217 = arith.constant 0 : i32
      %dma_start3A_218 = arith.constant 0 : i32
      %dma_start3A_219 = tpu.memref_slice %dma_start3A_216[%dma_start3A_217, %dma_start3A_218] : memref<10240x64xf32, #tpu.memory_space<hbm>> -> memref<10240x64xf32, #tpu.memory_space<hbm>>
      tpu.enqueue_indirect_dma source(%dma_start3A_219 : memref<10240x64xf32, #tpu.memory_space<hbm>>) target(%dma_start3A_209 : memref<128x64xf32, #tpu.memory_space<vmem>>) offsets(%dma_start3A_212 : memref<128xi32, #tpu.memory_space<vmem>>) semaphore(%arg15 : memref<!tpu.dma_semaphore, #tpu.memory_space<semaphore_mem>>)
      %dma_start3A_220 = arith.constant 3 : i32
      %dma_start3A_221 = arith.constant 0 : i32
      %dma_start3A_222 = arith.constant 3 : i32
      %dma_start3A_223 = arith.constant 0 : i32
      %dma_start3A_224 = arith.constant 0 : i32
      %dma_start3A_225 = tpu.memref_slice %arg9[%dma_start3A_222, %dma_start3A_223, %dma_start3A_224] : memref<4x128x64xf32, #tpu.memory_space<vmem>> -> memref<1x128x64xf32, #tpu.memory_space<vmem>>
      %dma_start3A_226 = tpu.memref_squeeze %dma_start3A_225 : memref<1x128x64xf32, #tpu.memory_space<vmem>> -> memref<128x64xf32, #tpu.memory_space<vmem>>
      %dma_start3A_227 = arith.constant 0 : i32
      %dma_start3A_228 = tpu.memref_slice %arg10[%dma_start3A_220, %dma_start3A_221, %dma_start3A_227] : memref<80x1x128xi32, #tpu.memory_space<vmem>> -> memref<1x1x128xi32, #tpu.memory_space<vmem>>
      %dma_start3A_229 = tpu.memref_squeeze %dma_start3A_228 : memref<1x1x128xi32, #tpu.memory_space<vmem>> -> memref<128xi32, #tpu.memory_space<vmem>>
      %dma_start3A_230 = arith.constant 0 : i32
      %dma_start3A_231 = arith.constant 0 : i32
      %dma_start3A_232 = tpu.memref_slice %arg6[%add3A_9, %scan3A_167, %dma_start3A_230, %dma_start3A_231] : memref<4x11x10240x64xf32, #tpu.memory_space<hbm>> -> memref<1x1x10240x64xf32, #tpu.memory_space<hbm>>
      %dma_start3A_233 = tpu.memref_squeeze %dma_start3A_232 : memref<1x1x10240x64xf32, #tpu.memory_space<hbm>> -> memref<10240x64xf32, #tpu.memory_space<hbm>>
      %dma_start3A_234 = arith.constant 0 : i32
      %dma_start3A_235 = arith.constant 0 : i32
      %dma_start3A_236 = tpu.memref_slice %dma_start3A_233[%dma_start3A_234, %dma_start3A_235] : memref<10240x64xf32, #tpu.memory_space<hbm>> -> memref<10240x64xf32, #tpu.memory_space<hbm>>
      tpu.enqueue_indirect_dma source(%dma_start3A_236 : memref<10240x64xf32, #tpu.memory_space<hbm>>) target(%dma_start3A_226 : memref<128x64xf32, #tpu.memory_space<vmem>>) offsets(%dma_start3A_229 : memref<128xi32, #tpu.memory_space<vmem>>) semaphore(%arg15 : memref<!tpu.dma_semaphore, #tpu.memory_space<semaphore_mem>>)
      %scan3A_237 = arith.constant 0 : i32
      %scan3A_238 = arith.constant 0 : i32
      %scan3A_239 = arith.constant 20 : i32
      %scan3A_240 = arith.addi %scan3A_238, %scan3A_239 : i32
      %scan3A_241 = arith.constant 1 : i32
      %scan3A_242 = scf.for %scan3A_307 = %scan3A_238 to %scan3A_240 step %scan3A_241 iter_args(%scan3A_308 = %scan3A_237) -> (i32)  : i32 {
        %mul3A_309 = arith.constant 4 : i32
        %mul3A_310 = arith.muli %mul3A_309, %scan3A_307 : i32
        %dma_wait3A_311 = arith.constant 0 : i32
        %dma_wait3A_312 = arith.constant 0 : i32
        %dma_wait3A_313 = arith.constant 0 : i32
        %dma_wait3A_314 = arith.constant 0 : i32
        %dma_wait3A_315 = tpu.memref_slice %arg9[%dma_wait3A_312, %dma_wait3A_313, %dma_wait3A_314] : memref<4x128x64xf32, #tpu.memory_space<vmem>> -> memref<1x128x64xf32, #tpu.memory_space<vmem>>
        %dma_wait3A_316 = tpu.memref_squeeze %dma_wait3A_315 : memref<1x128x64xf32, #tpu.memory_space<vmem>> -> memref<128x64xf32, #tpu.memory_space<vmem>>
        %dma_wait3A_317 = arith.constant 0 : i32
        %dma_wait3A_318 = tpu.memref_slice %arg10[%mul3A_310, %dma_wait3A_311, %dma_wait3A_317] : memref<80x1x128xi32, #tpu.memory_space<vmem>> -> memref<1x1x128xi32, #tpu.memory_space<vmem>>
        %dma_wait3A_319 = tpu.memref_squeeze %dma_wait3A_318 : memref<1x1x128xi32, #tpu.memory_space<vmem>> -> memref<128xi32, #tpu.memory_space<vmem>>
        %dma_wait3A_320 = arith.constant 0 : i32
        %dma_wait3A_321 = arith.constant 0 : i32
        %dma_wait3A_322 = tpu.memref_slice %arg6[%add3A_9, %scan3A_167, %dma_wait3A_320, %dma_wait3A_321] : memref<4x11x10240x64xf32, #tpu.memory_space<hbm>> -> memref<1x1x10240x64xf32, #tpu.memory_space<hbm>>
        %dma_wait3A_323 = tpu.memref_squeeze %dma_wait3A_322 : memref<1x1x10240x64xf32, #tpu.memory_space<hbm>> -> memref<10240x64xf32, #tpu.memory_space<hbm>>
        %dma_wait3A_324 = arith.constant 0 : i32
        %dma_wait3A_325 = arith.constant 0 : i32
        %dma_wait3A_326 = tpu.memref_slice %dma_wait3A_323[%dma_wait3A_324, %dma_wait3A_325] : memref<10240x64xf32, #tpu.memory_space<hbm>> -> memref<10240x64xf32, #tpu.memory_space<hbm>>
        tpu.wait_indirect_dma semaphore(%arg14 : memref<!tpu.dma_semaphore, #tpu.memory_space<semaphore_mem>>) src(%dma_wait3A_326 : memref<10240x64xf32, #tpu.memory_space<hbm>>) dst(%dma_wait3A_316 : memref<128x64xf32, #tpu.memory_space<vmem>>)
        %add3A_327 = arith.constant 1 : i32
        %add3A_328 = arith.addi %mul3A_310, %add3A_327 : i32
        %dma_wait3A_329 = arith.constant 0 : i32
        %dma_wait3A_330 = arith.constant 1 : i32
        %dma_wait3A_331 = arith.constant 0 : i32
        %dma_wait3A_332 = arith.constant 0 : i32
        %dma_wait3A_333 = tpu.memref_slice %arg9[%dma_wait3A_330, %dma_wait3A_331, %dma_wait3A_332] : memref<4x128x64xf32, #tpu.memory_space<vmem>> -> memref<1x128x64xf32, #tpu.memory_space<vmem>>
        %dma_wait3A_334 = tpu.memref_squeeze %dma_wait3A_333 : memref<1x128x64xf32, #tpu.memory_space<vmem>> -> memref<128x64xf32, #tpu.memory_space<vmem>>
        %dma_wait3A_335 = arith.constant 0 : i32
        %dma_wait3A_336 = tpu.memref_slice %arg10[%add3A_328, %dma_wait3A_329, %dma_wait3A_335] : memref<80x1x128xi32, #tpu.memory_space<vmem>> -> memref<1x1x128xi32, #tpu.memory_space<vmem>>
        %dma_wait3A_337 = tpu.memref_squeeze %dma_wait3A_336 : memref<1x1x128xi32, #tpu.memory_space<vmem>> -> memref<128xi32, #tpu.memory_space<vmem>>
        %dma_wait3A_338 = arith.constant 0 : i32
        %dma_wait3A_339 = arith.constant 0 : i32
        %dma_wait3A_340 = tpu.memref_slice %arg6[%add3A_9, %scan3A_167, %dma_wait3A_338, %dma_wait3A_339] : memref<4x11x10240x64xf32, #tpu.memory_space<hbm>> -> memref<1x1x10240x64xf32, #tpu.memory_space<hbm>>
        %dma_wait3A_341 = tpu.memref_squeeze %dma_wait3A_340 : memref<1x1x10240x64xf32, #tpu.memory_space<hbm>> -> memref<10240x64xf32, #tpu.memory_space<hbm>>
        %dma_wait3A_342 = arith.constant 0 : i32
        %dma_wait3A_343 = arith.constant 0 : i32
        %dma_wait3A_344 = tpu.memref_slice %dma_wait3A_341[%dma_wait3A_342, %dma_wait3A_343] : memref<10240x64xf32, #tpu.memory_space<hbm>> -> memref<10240x64xf32, #tpu.memory_space<hbm>>
        tpu.wait_indirect_dma semaphore(%arg14 : memref<!tpu.dma_semaphore, #tpu.memory_space<semaphore_mem>>) src(%dma_wait3A_344 : memref<10240x64xf32, #tpu.memory_space<hbm>>) dst(%dma_wait3A_334 : memref<128x64xf32, #tpu.memory_space<vmem>>)
        %run_scoped3A = arith.constant 0 : i32
        %run_scoped3A_345 = arith.constant 0 : i32
        "tpu.region"() ({
          %run_scoped3A_409 = tpu.sem_alloc : memref<!tpu.dma_semaphore, #tpu.memory_space<semaphore_mem>>
          %dma_start3A_410 = arith.constant 0 : i32
          %dma_start3A_411 = arith.constant 0 : i32
          %dma_start3A_412 = tpu.memref_slice %arg9[%run_scoped3A, %dma_start3A_410, %dma_start3A_411] : memref<4x128x64xf32, #tpu.memory_space<vmem>> -> memref<1x128x64xf32, #tpu.memory_space<vmem>>
          %dma_start3A_413 = tpu.memref_squeeze %dma_start3A_412 : memref<1x128x64xf32, #tpu.memory_space<vmem>> -> memref<128x64xf32, #tpu.memory_space<vmem>>
          %dma_start3A_414 = arith.constant 0 : i32
          %dma_start3A_415 = tpu.memref_slice %arg11[%mul3A_310, %run_scoped3A_345, %dma_start3A_414] : memref<80x1x128xi32, #tpu.memory_space<vmem>> -> memref<1x1x128xi32, #tpu.memory_space<vmem>>
          %dma_start3A_416 = tpu.memref_squeeze %dma_start3A_415 : memref<1x1x128xi32, #tpu.memory_space<vmem>> -> memref<128xi32, #tpu.memory_space<vmem>>
          %dma_start3A_417 = arith.constant 0 : i32
          %dma_start3A_418 = arith.constant 0 : i32
          %dma_start3A_419 = tpu.memref_slice %arg7[%dma_start3A_417, %dma_start3A_418] : memref<10240x64xf32, #tpu.memory_space<vmem_shared>> -> memref<10240x64xf32, #tpu.memory_space<vmem_shared>>
          tpu.enqueue_indirect_dma source(%dma_start3A_413 : memref<128x64xf32, #tpu.memory_space<vmem>>) target(%dma_start3A_419 : memref<10240x64xf32, #tpu.memory_space<vmem_shared>>) offsets(%dma_start3A_416 : memref<128xi32, #tpu.memory_space<vmem>>) semaphore(%run_scoped3A_409 : memref<!tpu.dma_semaphore, #tpu.memory_space<semaphore_mem>>) {add = true}
          %dma_wait3A_420 = arith.constant 0 : i32
          %dma_wait3A_421 = arith.constant 0 : i32
          %dma_wait3A_422 = tpu.memref_slice %arg9[%run_scoped3A, %dma_wait3A_420, %dma_wait3A_421] : memref<4x128x64xf32, #tpu.memory_space<vmem>> -> memref<1x128x64xf32, #tpu.memory_space<vmem>>
          %dma_wait3A_423 = tpu.memref_squeeze %dma_wait3A_422 : memref<1x128x64xf32, #tpu.memory_space<vmem>> -> memref<128x64xf32, #tpu.memory_space<vmem>>
          %dma_wait3A_424 = arith.constant 0 : i32
          %dma_wait3A_425 = tpu.memref_slice %arg11[%mul3A_310, %run_scoped3A_345, %dma_wait3A_424] : memref<80x1x128xi32, #tpu.memory_space<vmem>> -> memref<1x1x128xi32, #tpu.memory_space<vmem>>
          %dma_wait3A_426 = tpu.memref_squeeze %dma_wait3A_425 : memref<1x1x128xi32, #tpu.memory_space<vmem>> -> memref<128xi32, #tpu.memory_space<vmem>>
          %dma_wait3A_427 = arith.constant 0 : i32
          %dma_wait3A_428 = arith.constant 0 : i32
          %dma_wait3A_429 = tpu.memref_slice %arg7[%dma_wait3A_427, %dma_wait3A_428] : memref<10240x64xf32, #tpu.memory_space<vmem_shared>> -> memref<10240x64xf32, #tpu.memory_space<vmem_shared>>
          tpu.wait_indirect_dma semaphore(%run_scoped3A_409 : memref<!tpu.dma_semaphore, #tpu.memory_space<semaphore_mem>>) src(%dma_wait3A_423 : memref<128x64xf32, #tpu.memory_space<vmem>>) dst(%dma_wait3A_429 : memref<10240x64xf32, #tpu.memory_space<vmem_shared>>)
          tpu.yield
        }) : () -> ()
        %add3A_346 = arith.constant 1 : i32
        %add3A_347 = arith.addi %mul3A_310, %add3A_346 : i32
        %run_scoped3A_348 = arith.constant 1 : i32
        %run_scoped3A_349 = arith.constant 0 : i32
        "tpu.region"() ({
          %run_scoped3A_409 = tpu.sem_alloc : memref<!tpu.dma_semaphore, #tpu.memory_space<semaphore_mem>>
          %dma_start3A_410 = arith.constant 0 : i32
          %dma_start3A_411 = arith.constant 0 : i32
          %dma_start3A_412 = tpu.memref_slice %arg9[%run_scoped3A_348, %dma_start3A_410, %dma_start3A_411] : memref<4x128x64xf32, #tpu.memory_space<vmem>> -> memref<1x128x64xf32, #tpu.memory_space<vmem>>
          %dma_start3A_413 = tpu.memref_squeeze %dma_start3A_412 : memref<1x128x64xf32, #tpu.memory_space<vmem>> -> memref<128x64xf32, #tpu.memory_space<vmem>>
          %dma_start3A_414 = arith.constant 0 : i32
          %dma_start3A_415 = tpu.memref_slice %arg11[%add3A_347, %run_scoped3A_349, %dma_start3A_414] : memref<80x1x128xi32, #tpu.memory_space<vmem>> -> memref<1x1x128xi32, #tpu.memory_space<vmem>>
          %dma_start3A_416 = tpu.memref_squeeze %dma_start3A_415 : memref<1x1x128xi32, #tpu.memory_space<vmem>> -> memref<128xi32, #tpu.memory_space<vmem>>
          %dma_start3A_417 = arith.constant 0 : i32
          %dma_start3A_418 = arith.constant 0 : i32
          %dma_start3A_419 = tpu.memref_slice %arg7[%dma_start3A_417, %dma_start3A_418] : memref<10240x64xf32, #tpu.memory_space<vmem_shared>> -> memref<10240x64xf32, #tpu.memory_space<vmem_shared>>
          tpu.enqueue_indirect_dma source(%dma_start3A_413 : memref<128x64xf32, #tpu.memory_space<vmem>>) target(%dma_start3A_419 : memref<10240x64xf32, #tpu.memory_space<vmem_shared>>) offsets(%dma_start3A_416 : memref<128xi32, #tpu.memory_space<vmem>>) semaphore(%run_scoped3A_409 : memref<!tpu.dma_semaphore, #tpu.memory_space<semaphore_mem>>) {add = true}
          %dma_wait3A_420 = arith.constant 0 : i32
          %dma_wait3A_421 = arith.constant 0 : i32
          %dma_wait3A_422 = tpu.memref_slice %arg9[%run_scoped3A_348, %dma_wait3A_420, %dma_wait3A_421] : memref<4x128x64xf32, #tpu.memory_space<vmem>> -> memref<1x128x64xf32, #tpu.memory_space<vmem>>
          %dma_wait3A_423 = tpu.memref_squeeze %dma_wait3A_422 : memref<1x128x64xf32, #tpu.memory_space<vmem>> -> memref<128x64xf32, #tpu.memory_space<vmem>>
          %dma_wait3A_424 = arith.constant 0 : i32
          %dma_wait3A_425 = tpu.memref_slice %arg11[%add3A_347, %run_scoped3A_349, %dma_wait3A_424] : memref<80x1x128xi32, #tpu.memory_space<vmem>> -> memref<1x1x128xi32, #tpu.memory_space<vmem>>
          %dma_wait3A_426 = tpu.memref_squeeze %dma_wait3A_425 : memref<1x1x128xi32, #tpu.memory_space<vmem>> -> memref<128xi32, #tpu.memory_space<vmem>>
          %dma_wait3A_427 = arith.constant 0 : i32
          %dma_wait3A_428 = arith.constant 0 : i32
          %dma_wait3A_429 = tpu.memref_slice %arg7[%dma_wait3A_427, %dma_wait3A_428] : memref<10240x64xf32, #tpu.memory_space<vmem_shared>> -> memref<10240x64xf32, #tpu.memory_space<vmem_shared>>
          tpu.wait_indirect_dma semaphore(%run_scoped3A_409 : memref<!tpu.dma_semaphore, #tpu.memory_space<semaphore_mem>>) src(%dma_wait3A_423 : memref<128x64xf32, #tpu.memory_space<vmem>>) dst(%dma_wait3A_429 : memref<10240x64xf32, #tpu.memory_space<vmem_shared>>)
          tpu.yield
        }) : () -> ()
        %add3A_350 = arith.constant 4 : i32
        %add3A_351 = arith.addi %mul3A_310, %add3A_350 : i32
        %lt3A_352 = arith.constant 80 : i32
        %lt3A_353 = arith.cmpi slt, %add3A_351, %lt3A_352 : i32
        %convert_element_type3A_354 = arith.extui %lt3A_353 : i1 to i32
        %cond3A_355 = arith.constant 0 : i32
        %cond3A_356 = arith.cmpi ne, %convert_element_type3A_354, %cond3A_355 : i32
        scf.if %cond3A_356 {
          %add3A_409 = arith.constant 4 : i32
          %add3A_410 = arith.addi %mul3A_310, %add3A_409 : i32
          %dma_start3A_411 = arith.constant 0 : i32
          %dma_start3A_412 = arith.constant 0 : i32
          %dma_start3A_413 = arith.constant 0 : i32
          %dma_start3A_414 = arith.constant 0 : i32
          %dma_start3A_415 = tpu.memref_slice %arg9[%dma_start3A_412, %dma_start3A_413, %dma_start3A_414] : memref<4x128x64xf32, #tpu.memory_space<vmem>> -> memref<1x128x64xf32, #tpu.memory_space<vmem>>
          %dma_start3A_416 = tpu.memref_squeeze %dma_start3A_415 : memref<1x128x64xf32, #tpu.memory_space<vmem>> -> memref<128x64xf32, #tpu.memory_space<vmem>>
          %dma_start3A_417 = arith.constant 0 : i32
          %dma_start3A_418 = tpu.memref_slice %arg10[%add3A_410, %dma_start3A_411, %dma_start3A_417] : memref<80x1x128xi32, #tpu.memory_space<vmem>> -> memref<1x1x128xi32, #tpu.memory_space<vmem>>
          %dma_start3A_419 = tpu.memref_squeeze %dma_start3A_418 : memref<1x1x128xi32, #tpu.memory_space<vmem>> -> memref<128xi32, #tpu.memory_space<vmem>>
          %dma_start3A_420 = arith.constant 0 : i32
          %dma_start3A_421 = arith.constant 0 : i32
          %dma_start3A_422 = tpu.memref_slice %arg6[%add3A_9, %scan3A_167, %dma_start3A_420, %dma_start3A_421] : memref<4x11x10240x64xf32, #tpu.memory_space<hbm>> -> memref<1x1x10240x64xf32, #tpu.memory_space<hbm>>
          %dma_start3A_423 = tpu.memref_squeeze %dma_start3A_422 : memref<1x1x10240x64xf32, #tpu.memory_space<hbm>> -> memref<10240x64xf32, #tpu.memory_space<hbm>>
          %dma_start3A_424 = arith.constant 0 : i32
          %dma_start3A_425 = arith.constant 0 : i32
          %dma_start3A_426 = tpu.memref_slice %dma_start3A_423[%dma_start3A_424, %dma_start3A_425] : memref<10240x64xf32, #tpu.memory_space<hbm>> -> memref<10240x64xf32, #tpu.memory_space<hbm>>
          tpu.enqueue_indirect_dma source(%dma_start3A_426 : memref<10240x64xf32, #tpu.memory_space<hbm>>) target(%dma_start3A_416 : memref<128x64xf32, #tpu.memory_space<vmem>>) offsets(%dma_start3A_419 : memref<128xi32, #tpu.memory_space<vmem>>) semaphore(%arg14 : memref<!tpu.dma_semaphore, #tpu.memory_space<semaphore_mem>>)
          %add3A_427 = arith.constant 5 : i32
          %add3A_428 = arith.addi %mul3A_310, %add3A_427 : i32
          %dma_start3A_429 = arith.constant 0 : i32
          %dma_start3A_430 = arith.constant 1 : i32
          %dma_start3A_431 = arith.constant 0 : i32
          %dma_start3A_432 = arith.constant 0 : i32
          %dma_start3A_433 = tpu.memref_slice %arg9[%dma_start3A_430, %dma_start3A_431, %dma_start3A_432] : memref<4x128x64xf32, #tpu.memory_space<vmem>> -> memref<1x128x64xf32, #tpu.memory_space<vmem>>
          %dma_start3A_434 = tpu.memref_squeeze %dma_start3A_433 : memref<1x128x64xf32, #tpu.memory_space<vmem>> -> memref<128x64xf32, #tpu.memory_space<vmem>>
          %dma_start3A_435 = arith.constant 0 : i32
          %dma_start3A_436 = tpu.memref_slice %arg10[%add3A_428, %dma_start3A_429, %dma_start3A_435] : memref<80x1x128xi32, #tpu.memory_space<vmem>> -> memref<1x1x128xi32, #tpu.memory_space<vmem>>
          %dma_start3A_437 = tpu.memref_squeeze %dma_start3A_436 : memref<1x1x128xi32, #tpu.memory_space<vmem>> -> memref<128xi32, #tpu.memory_space<vmem>>
          %dma_start3A_438 = arith.constant 0 : i32
          %dma_start3A_439 = arith.constant 0 : i32
          %dma_start3A_440 = tpu.memref_slice %arg6[%add3A_9, %scan3A_167, %dma_start3A_438, %dma_start3A_439] : memref<4x11x10240x64xf32, #tpu.memory_space<hbm>> -> memref<1x1x10240x64xf32, #tpu.memory_space<hbm>>
          %dma_start3A_441 = tpu.memref_squeeze %dma_start3A_440 : memref<1x1x10240x64xf32, #tpu.memory_space<hbm>> -> memref<10240x64xf32, #tpu.memory_space<hbm>>
          %dma_start3A_442 = arith.constant 0 : i32
          %dma_start3A_443 = arith.constant 0 : i32
          %dma_start3A_444 = tpu.memref_slice %dma_start3A_441[%dma_start3A_442, %dma_start3A_443] : memref<10240x64xf32, #tpu.memory_space<hbm>> -> memref<10240x64xf32, #tpu.memory_space<hbm>>
          tpu.enqueue_indirect_dma source(%dma_start3A_444 : memref<10240x64xf32, #tpu.memory_space<hbm>>) target(%dma_start3A_434 : memref<128x64xf32, #tpu.memory_space<vmem>>) offsets(%dma_start3A_437 : memref<128xi32, #tpu.memory_space<vmem>>) semaphore(%arg14 : memref<!tpu.dma_semaphore, #tpu.memory_space<semaphore_mem>>)
        } else {
        }
        %add3A_357 = arith.constant 2 : i32
        %add3A_358 = arith.addi %mul3A_310, %add3A_357 : i32
        %dma_wait3A_359 = arith.constant 0 : i32
        %dma_wait3A_360 = arith.constant 2 : i32
        %dma_wait3A_361 = arith.constant 0 : i32
        %dma_wait3A_362 = arith.constant 0 : i32
        %dma_wait3A_363 = tpu.memref_slice %arg9[%dma_wait3A_360, %dma_wait3A_361, %dma_wait3A_362] : memref<4x128x64xf32, #tpu.memory_space<vmem>> -> memref<1x128x64xf32, #tpu.memory_space<vmem>>
        %dma_wait3A_364 = tpu.memref_squeeze %dma_wait3A_363 : memref<1x128x64xf32, #tpu.memory_space<vmem>> -> memref<128x64xf32, #tpu.memory_space<vmem>>
        %dma_wait3A_365 = arith.constant 0 : i32
        %dma_wait3A_366 = tpu.memref_slice %arg10[%add3A_358, %dma_wait3A_359, %dma_wait3A_365] : memref<80x1x128xi32, #tpu.memory_space<vmem>> -> memref<1x1x128xi32, #tpu.memory_space<vmem>>
        %dma_wait3A_367 = tpu.memref_squeeze %dma_wait3A_366 : memref<1x1x128xi32, #tpu.memory_space<vmem>> -> memref<128xi32, #tpu.memory_space<vmem>>
        %dma_wait3A_368 = arith.constant 0 : i32
        %dma_wait3A_369 = arith.constant 0 : i32
        %dma_wait3A_370 = tpu.memref_slice %arg6[%add3A_9, %scan3A_167, %dma_wait3A_368, %dma_wait3A_369] : memref<4x11x10240x64xf32, #tpu.memory_space<hbm>> -> memref<1x1x10240x64xf32, #tpu.memory_space<hbm>>
        %dma_wait3A_371 = tpu.memref_squeeze %dma_wait3A_370 : memref<1x1x10240x64xf32, #tpu.memory_space<hbm>> -> memref<10240x64xf32, #tpu.memory_space<hbm>>
        %dma_wait3A_372 = arith.constant 0 : i32
        %dma_wait3A_373 = arith.constant 0 : i32
        %dma_wait3A_374 = tpu.memref_slice %dma_wait3A_371[%dma_wait3A_372, %dma_wait3A_373] : memref<10240x64xf32, #tpu.memory_space<hbm>> -> memref<10240x64xf32, #tpu.memory_space<hbm>>
        tpu.wait_indirect_dma semaphore(%arg15 : memref<!tpu.dma_semaphore, #tpu.memory_space<semaphore_mem>>) src(%dma_wait3A_374 : memref<10240x64xf32, #tpu.memory_space<hbm>>) dst(%dma_wait3A_364 : memref<128x64xf32, #tpu.memory_space<vmem>>)
        %add3A_375 = arith.constant 3 : i32
        %add3A_376 = arith.addi %mul3A_310, %add3A_375 : i32
        %dma_wait3A_377 = arith.constant 0 : i32
        %dma_wait3A_378 = arith.constant 3 : i32
        %dma_wait3A_379 = arith.constant 0 : i32
        %dma_wait3A_380 = arith.constant 0 : i32
        %dma_wait3A_381 = tpu.memref_slice %arg9[%dma_wait3A_378, %dma_wait3A_379, %dma_wait3A_380] : memref<4x128x64xf32, #tpu.memory_space<vmem>> -> memref<1x128x64xf32, #tpu.memory_space<vmem>>
        %dma_wait3A_382 = tpu.memref_squeeze %dma_wait3A_381 : memref<1x128x64xf32, #tpu.memory_space<vmem>> -> memref<128x64xf32, #tpu.memory_space<vmem>>
        %dma_wait3A_383 = arith.constant 0 : i32
        %dma_wait3A_384 = tpu.memref_slice %arg10[%add3A_376, %dma_wait3A_377, %dma_wait3A_383] : memref<80x1x128xi32, #tpu.memory_space<vmem>> -> memref<1x1x128xi32, #tpu.memory_space<vmem>>
        %dma_wait3A_385 = tpu.memref_squeeze %dma_wait3A_384 : memref<1x1x128xi32, #tpu.memory_space<vmem>> -> memref<128xi32, #tpu.memory_space<vmem>>
        %dma_wait3A_386 = arith.constant 0 : i32
        %dma_wait3A_387 = arith.constant 0 : i32
        %dma_wait3A_388 = tpu.memref_slice %arg6[%add3A_9, %scan3A_167, %dma_wait3A_386, %dma_wait3A_387] : memref<4x11x10240x64xf32, #tpu.memory_space<hbm>> -> memref<1x1x10240x64xf32, #tpu.memory_space<hbm>>
        %dma_wait3A_389 = tpu.memref_squeeze %dma_wait3A_388 : memref<1x1x10240x64xf32, #tpu.memory_space<hbm>> -> memref<10240x64xf32, #tpu.memory_space<hbm>>
        %dma_wait3A_390 = arith.constant 0 : i32
        %dma_wait3A_391 = arith.constant 0 : i32
        %dma_wait3A_392 = tpu.memref_slice %dma_wait3A_389[%dma_wait3A_390, %dma_wait3A_391] : memref<10240x64xf32, #tpu.memory_space<hbm>> -> memref<10240x64xf32, #tpu.memory_space<hbm>>
        tpu.wait_indirect_dma semaphore(%arg15 : memref<!tpu.dma_semaphore, #tpu.memory_space<semaphore_mem>>) src(%dma_wait3A_392 : memref<10240x64xf32, #tpu.memory_space<hbm>>) dst(%dma_wait3A_382 : memref<128x64xf32, #tpu.memory_space<vmem>>)
        %add3A_393 = arith.constant 2 : i32
        %add3A_394 = arith.addi %mul3A_310, %add3A_393 : i32
        %run_scoped3A_395 = arith.constant 2 : i32
        %run_scoped3A_396 = arith.constant 0 : i32
        "tpu.region"() ({
          %run_scoped3A_409 = tpu.sem_alloc : memref<!tpu.dma_semaphore, #tpu.memory_space<semaphore_mem>>
          %dma_start3A_410 = arith.constant 0 : i32
          %dma_start3A_411 = arith.constant 0 : i32
          %dma_start3A_412 = tpu.memref_slice %arg9[%run_scoped3A_395, %dma_start3A_410, %dma_start3A_411] : memref<4x128x64xf32, #tpu.memory_space<vmem>> -> memref<1x128x64xf32, #tpu.memory_space<vmem>>
          %dma_start3A_413 = tpu.memref_squeeze %dma_start3A_412 : memref<1x128x64xf32, #tpu.memory_space<vmem>> -> memref<128x64xf32, #tpu.memory_space<vmem>>
          %dma_start3A_414 = arith.constant 0 : i32
          %dma_start3A_415 = tpu.memref_slice %arg11[%add3A_394, %run_scoped3A_396, %dma_start3A_414] : memref<80x1x128xi32, #tpu.memory_space<vmem>> -> memref<1x1x128xi32, #tpu.memory_space<vmem>>
          %dma_start3A_416 = tpu.memref_squeeze %dma_start3A_415 : memref<1x1x128xi32, #tpu.memory_space<vmem>> -> memref<128xi32, #tpu.memory_space<vmem>>
          %dma_start3A_417 = arith.constant 0 : i32
          %dma_start3A_418 = arith.constant 0 : i32
          %dma_start3A_419 = tpu.memref_slice %arg7[%dma_start3A_417, %dma_start3A_418] : memref<10240x64xf32, #tpu.memory_space<vmem_shared>> -> memref<10240x64xf32, #tpu.memory_space<vmem_shared>>
          tpu.enqueue_indirect_dma source(%dma_start3A_413 : memref<128x64xf32, #tpu.memory_space<vmem>>) target(%dma_start3A_419 : memref<10240x64xf32, #tpu.memory_space<vmem_shared>>) offsets(%dma_start3A_416 : memref<128xi32, #tpu.memory_space<vmem>>) semaphore(%run_scoped3A_409 : memref<!tpu.dma_semaphore, #tpu.memory_space<semaphore_mem>>) {add = true}
          %dma_wait3A_420 = arith.constant 0 : i32
          %dma_wait3A_421 = arith.constant 0 : i32
          %dma_wait3A_422 = tpu.memref_slice %arg9[%run_scoped3A_395, %dma_wait3A_420, %dma_wait3A_421] : memref<4x128x64xf32, #tpu.memory_space<vmem>> -> memref<1x128x64xf32, #tpu.memory_space<vmem>>
          %dma_wait3A_423 = tpu.memref_squeeze %dma_wait3A_422 : memref<1x128x64xf32, #tpu.memory_space<vmem>> -> memref<128x64xf32, #tpu.memory_space<vmem>>
          %dma_wait3A_424 = arith.constant 0 : i32
          %dma_wait3A_425 = tpu.memref_slice %arg11[%add3A_394, %run_scoped3A_396, %dma_wait3A_424] : memref<80x1x128xi32, #tpu.memory_space<vmem>> -> memref<1x1x128xi32, #tpu.memory_space<vmem>>
          %dma_wait3A_426 = tpu.memref_squeeze %dma_wait3A_425 : memref<1x1x128xi32, #tpu.memory_space<vmem>> -> memref<128xi32, #tpu.memory_space<vmem>>
          %dma_wait3A_427 = arith.constant 0 : i32
          %dma_wait3A_428 = arith.constant 0 : i32
          %dma_wait3A_429 = tpu.memref_slice %arg7[%dma_wait3A_427, %dma_wait3A_428] : memref<10240x64xf32, #tpu.memory_space<vmem_shared>> -> memref<10240x64xf32, #tpu.memory_space<vmem_shared>>
          tpu.wait_indirect_dma semaphore(%run_scoped3A_409 : memref<!tpu.dma_semaphore, #tpu.memory_space<semaphore_mem>>) src(%dma_wait3A_423 : memref<128x64xf32, #tpu.memory_space<vmem>>) dst(%dma_wait3A_429 : memref<10240x64xf32, #tpu.memory_space<vmem_shared>>)
          tpu.yield
        }) : () -> ()
        %add3A_397 = arith.constant 3 : i32
        %add3A_398 = arith.addi %mul3A_310, %add3A_397 : i32
        %run_scoped3A_399 = arith.constant 3 : i32
        %run_scoped3A_400 = arith.constant 0 : i32
        "tpu.region"() ({
          %run_scoped3A_409 = tpu.sem_alloc : memref<!tpu.dma_semaphore, #tpu.memory_space<semaphore_mem>>
          %dma_start3A_410 = arith.constant 0 : i32
          %dma_start3A_411 = arith.constant 0 : i32
          %dma_start3A_412 = tpu.memref_slice %arg9[%run_scoped3A_399, %dma_start3A_410, %dma_start3A_411] : memref<4x128x64xf32, #tpu.memory_space<vmem>> -> memref<1x128x64xf32, #tpu.memory_space<vmem>>
          %dma_start3A_413 = tpu.memref_squeeze %dma_start3A_412 : memref<1x128x64xf32, #tpu.memory_space<vmem>> -> memref<128x64xf32, #tpu.memory_space<vmem>>
          %dma_start3A_414 = arith.constant 0 : i32
          %dma_start3A_415 = tpu.memref_slice %arg11[%add3A_398, %run_scoped3A_400, %dma_start3A_414] : memref<80x1x128xi32, #tpu.memory_space<vmem>> -> memref<1x1x128xi32, #tpu.memory_space<vmem>>
          %dma_start3A_416 = tpu.memref_squeeze %dma_start3A_415 : memref<1x1x128xi32, #tpu.memory_space<vmem>> -> memref<128xi32, #tpu.memory_space<vmem>>
          %dma_start3A_417 = arith.constant 0 : i32
          %dma_start3A_418 = arith.constant 0 : i32
          %dma_start3A_419 = tpu.memref_slice %arg7[%dma_start3A_417, %dma_start3A_418] : memref<10240x64xf32, #tpu.memory_space<vmem_shared>> -> memref<10240x64xf32, #tpu.memory_space<vmem_shared>>
          tpu.enqueue_indirect_dma source(%dma_start3A_413 : memref<128x64xf32, #tpu.memory_space<vmem>>) target(%dma_start3A_419 : memref<10240x64xf32, #tpu.memory_space<vmem_shared>>) offsets(%dma_start3A_416 : memref<128xi32, #tpu.memory_space<vmem>>) semaphore(%run_scoped3A_409 : memref<!tpu.dma_semaphore, #tpu.memory_space<semaphore_mem>>) {add = true}
          %dma_wait3A_420 = arith.constant 0 : i32
          %dma_wait3A_421 = arith.constant 0 : i32
          %dma_wait3A_422 = tpu.memref_slice %arg9[%run_scoped3A_399, %dma_wait3A_420, %dma_wait3A_421] : memref<4x128x64xf32, #tpu.memory_space<vmem>> -> memref<1x128x64xf32, #tpu.memory_space<vmem>>
          %dma_wait3A_423 = tpu.memref_squeeze %dma_wait3A_422 : memref<1x128x64xf32, #tpu.memory_space<vmem>> -> memref<128x64xf32, #tpu.memory_space<vmem>>
          %dma_wait3A_424 = arith.constant 0 : i32
          %dma_wait3A_425 = tpu.memref_slice %arg11[%add3A_398, %run_scoped3A_400, %dma_wait3A_424] : memref<80x1x128xi32, #tpu.memory_space<vmem>> -> memref<1x1x128xi32, #tpu.memory_space<vmem>>
          %dma_wait3A_426 = tpu.memref_squeeze %dma_wait3A_425 : memref<1x1x128xi32, #tpu.memory_space<vmem>> -> memref<128xi32, #tpu.memory_space<vmem>>
          %dma_wait3A_427 = arith.constant 0 : i32
          %dma_wait3A_428 = arith.constant 0 : i32
          %dma_wait3A_429 = tpu.memref_slice %arg7[%dma_wait3A_427, %dma_wait3A_428] : memref<10240x64xf32, #tpu.memory_space<vmem_shared>> -> memref<10240x64xf32, #tpu.memory_space<vmem_shared>>
          tpu.wait_indirect_dma semaphore(%run_scoped3A_409 : memref<!tpu.dma_semaphore, #tpu.memory_space<semaphore_mem>>) src(%dma_wait3A_423 : memref<128x64xf32, #tpu.memory_space<vmem>>) dst(%dma_wait3A_429 : memref<10240x64xf32, #tpu.memory_space<vmem_shared>>)
          tpu.yield
        }) : () -> ()
        %add3A_401 = arith.constant 6 : i32
        %add3A_402 = arith.addi %mul3A_310, %add3A_401 : i32
        %lt3A_403 = arith.constant 80 : i32
        %lt3A_404 = arith.cmpi slt, %add3A_402, %lt3A_403 : i32
        %convert_element_type3A_405 = arith.extui %lt3A_404 : i1 to i32
        %cond3A_406 = arith.constant 0 : i32
        %cond3A_407 = arith.cmpi ne, %convert_element_type3A_405, %cond3A_406 : i32
        scf.if %cond3A_407 {
          %add3A_409 = arith.constant 6 : i32
          %add3A_410 = arith.addi %mul3A_310, %add3A_409 : i32
          %dma_start3A_411 = arith.constant 0 : i32
          %dma_start3A_412 = arith.constant 2 : i32
          %dma_start3A_413 = arith.constant 0 : i32
          %dma_start3A_414 = arith.constant 0 : i32
          %dma_start3A_415 = tpu.memref_slice %arg9[%dma_start3A_412, %dma_start3A_413, %dma_start3A_414] : memref<4x128x64xf32, #tpu.memory_space<vmem>> -> memref<1x128x64xf32, #tpu.memory_space<vmem>>
          %dma_start3A_416 = tpu.memref_squeeze %dma_start3A_415 : memref<1x128x64xf32, #tpu.memory_space<vmem>> -> memref<128x64xf32, #tpu.memory_space<vmem>>
          %dma_start3A_417 = arith.constant 0 : i32
          %dma_start3A_418 = tpu.memref_slice %arg10[%add3A_410, %dma_start3A_411, %dma_start3A_417] : memref<80x1x128xi32, #tpu.memory_space<vmem>> -> memref<1x1x128xi32, #tpu.memory_space<vmem>>
          %dma_start3A_419 = tpu.memref_squeeze %dma_start3A_418 : memref<1x1x128xi32, #tpu.memory_space<vmem>> -> memref<128xi32, #tpu.memory_space<vmem>>
          %dma_start3A_420 = arith.constant 0 : i32
          %dma_start3A_421 = arith.constant 0 : i32
          %dma_start3A_422 = tpu.memref_slice %arg6[%add3A_9, %scan3A_167, %dma_start3A_420, %dma_start3A_421] : memref<4x11x10240x64xf32, #tpu.memory_space<hbm>> -> memref<1x1x10240x64xf32, #tpu.memory_space<hbm>>
          %dma_start3A_423 = tpu.memref_squeeze %dma_start3A_422 : memref<1x1x10240x64xf32, #tpu.memory_space<hbm>> -> memref<10240x64xf32, #tpu.memory_space<hbm>>
          %dma_start3A_424 = arith.constant 0 : i32
          %dma_start3A_425 = arith.constant 0 : i32
          %dma_start3A_426 = tpu.memref_slice %dma_start3A_423[%dma_start3A_424, %dma_start3A_425] : memref<10240x64xf32, #tpu.memory_space<hbm>> -> memref<10240x64xf32, #tpu.memory_space<hbm>>
          tpu.enqueue_indirect_dma source(%dma_start3A_426 : memref<10240x64xf32, #tpu.memory_space<hbm>>) target(%dma_start3A_416 : memref<128x64xf32, #tpu.memory_space<vmem>>) offsets(%dma_start3A_419 : memref<128xi32, #tpu.memory_space<vmem>>) semaphore(%arg15 : memref<!tpu.dma_semaphore, #tpu.memory_space<semaphore_mem>>)
          %add3A_427 = arith.constant 7 : i32
          %add3A_428 = arith.addi %mul3A_310, %add3A_427 : i32
          %dma_start3A_429 = arith.constant 0 : i32
          %dma_start3A_430 = arith.constant 3 : i32
          %dma_start3A_431 = arith.constant 0 : i32
          %dma_start3A_432 = arith.constant 0 : i32
          %dma_start3A_433 = tpu.memref_slice %arg9[%dma_start3A_430, %dma_start3A_431, %dma_start3A_432] : memref<4x128x64xf32, #tpu.memory_space<vmem>> -> memref<1x128x64xf32, #tpu.memory_space<vmem>>
          %dma_start3A_434 = tpu.memref_squeeze %dma_start3A_433 : memref<1x128x64xf32, #tpu.memory_space<vmem>> -> memref<128x64xf32, #tpu.memory_space<vmem>>
          %dma_start3A_435 = arith.constant 0 : i32
          %dma_start3A_436 = tpu.memref_slice %arg10[%add3A_428, %dma_start3A_429, %dma_start3A_435] : memref<80x1x128xi32, #tpu.memory_space<vmem>> -> memref<1x1x128xi32, #tpu.memory_space<vmem>>
          %dma_start3A_437 = tpu.memref_squeeze %dma_start3A_436 : memref<1x1x128xi32, #tpu.memory_space<vmem>> -> memref<128xi32, #tpu.memory_space<vmem>>
          %dma_start3A_438 = arith.constant 0 : i32
          %dma_start3A_439 = arith.constant 0 : i32
          %dma_start3A_440 = tpu.memref_slice %arg6[%add3A_9, %scan3A_167, %dma_start3A_438, %dma_start3A_439] : memref<4x11x10240x64xf32, #tpu.memory_space<hbm>> -> memref<1x1x10240x64xf32, #tpu.memory_space<hbm>>
          %dma_start3A_441 = tpu.memref_squeeze %dma_start3A_440 : memref<1x1x10240x64xf32, #tpu.memory_space<hbm>> -> memref<10240x64xf32, #tpu.memory_space<hbm>>
          %dma_start3A_442 = arith.constant 0 : i32
          %dma_start3A_443 = arith.constant 0 : i32
          %dma_start3A_444 = tpu.memref_slice %dma_start3A_441[%dma_start3A_442, %dma_start3A_443] : memref<10240x64xf32, #tpu.memory_space<hbm>> -> memref<10240x64xf32, #tpu.memory_space<hbm>>
          tpu.enqueue_indirect_dma source(%dma_start3A_444 : memref<10240x64xf32, #tpu.memory_space<hbm>>) target(%dma_start3A_434 : memref<128x64xf32, #tpu.memory_space<vmem>>) offsets(%dma_start3A_437 : memref<128xi32, #tpu.memory_space<vmem>>) semaphore(%arg15 : memref<!tpu.dma_semaphore, #tpu.memory_space<semaphore_mem>>)
        } else {
        }
        %scan3A_408 = arith.constant 0 : i32
        scf.yield %scan3A_408 : i32
      }
      %scan3A_243 = arith.constant 20 : i32
      %barrier3A_244 = arith.constant 0 : index
      tpu.barrier barrier_id(%barrier3A_244)
      %add3A_245 = arith.constant 0 : i32
      %add3A_246 = arith.addi %mul3A_0, %add3A_245 : i32
      "tpu.region"() ({
        %run_scoped3A = tpu.sem_alloc : memref<!tpu.dma_semaphore, #tpu.memory_space<semaphore_mem>>
        %dma_start3A_307 = arith.constant 0 : i32
        %dma_start3A_308 = tpu.memref_slice %arg7[%add3A_246, %dma_start3A_307] : memref<10240x64xf32, #tpu.memory_space<vmem_shared>> -> memref<320x64xf32, #tpu.memory_space<vmem_shared>>
        %dma_start3A_309 = arith.constant 0 : i32
        %dma_start3A_310 = tpu.memref_slice %arg7[%add3A_246, %dma_start3A_309] : memref<10240x64xf32, #tpu.memory_space<vmem_shared>> -> memref<320x64xf32, #tpu.memory_space<vmem_shared>>
        tpu.enqueue_dma source(%dma_start3A_310 : memref<320x64xf32, #tpu.memory_space<vmem_shared>>) target(%arg8 : memref<320x64xf32, #tpu.memory_space<vmem>>) target_semaphore(%run_scoped3A : memref<!tpu.dma_semaphore, #tpu.memory_space<semaphore_mem>>)
        %dma_wait3A_311 = arith.constant 0 : i32
        %dma_wait3A_312 = tpu.memref_slice %arg7[%add3A_246, %dma_wait3A_311] : memref<10240x64xf32, #tpu.memory_space<vmem_shared>> -> memref<320x64xf32, #tpu.memory_space<vmem_shared>>
        %dma_wait3A_313 = arith.constant 0 : i32
        %dma_wait3A_314 = tpu.memref_slice %arg7[%add3A_246, %dma_wait3A_313] : memref<10240x64xf32, #tpu.memory_space<vmem_shared>> -> memref<320x64xf32, #tpu.memory_space<vmem_shared>>
        tpu.wait_dma2 semaphore(%run_scoped3A : memref<!tpu.dma_semaphore, #tpu.memory_space<semaphore_mem>>) src(%dma_wait3A_314 : memref<320x64xf32, #tpu.memory_space<vmem_shared>>) dst(%arg8 : memref<320x64xf32, #tpu.memory_space<vmem>>)
        tpu.yield
      }) : () -> ()
      %scan3A_247 = arith.constant 0 : i32
      %scan3A_248 = arith.constant 0 : i32
      %scan3A_249 = arith.constant 320 : i32
      %scan3A_250 = arith.addi %scan3A_248, %scan3A_249 : i32
      %scan3A_251 = arith.constant 1 : i32
      %scan3A_252 = scf.for %scan3A_307 = %scan3A_248 to %scan3A_250 step %scan3A_251 iter_args(%scan3A_308 = %scan3A_247) -> (i32)  : i32 {
        %add3A_309 = arith.constant 0 : i32
        %add3A_310 = arith.addi %add3A_309, %scan3A_307 : i32
        %broadcast_in_dim3A = vector.broadcast %add3A_310 : i32 to vector<16xi32>
        %gather3A = tpu.vector_load_idx %arg13[%broadcast_in_dim3A] : memref<640xf32, #tpu.memory_space<vmem>>[vector<16xi32>], vector<16xf32>,
        %get3A = arith.index_cast %scan3A_307 : i32 to index
        %get3A_311 = arith.constant 0 : index
        %get3A_312 = tpu.vector_load %arg8[%get3A, %get3A_311] {strides = array<i32>} : memref<320x64xf32, #tpu.memory_space<vmem>>, vector<16xf32>,
        %mul3A_313 = arith.mulf %get3A_312, %gather3A : vector<16xf32>
        %swap3A = arith.index_cast %scan3A_307 : i32 to index
        %swap3A_314 = arith.constant 0 : index
        %swap3A_315 = tpu.vector_load %arg8[%swap3A, %swap3A_314] {strides = array<i32>} : memref<320x64xf32, #tpu.memory_space<vmem>>, vector<16xf32>,
        tpu.vector_store %arg8[%swap3A, %swap3A_314], %mul3A_313 {strides = array<i32>} : memref<320x64xf32, #tpu.memory_space<vmem>>, vector<16xf32>,
        %get3A_316 = arith.index_cast %scan3A_307 : i32 to index
        %get3A_317 = arith.constant 16 : index
        %get3A_318 = tpu.vector_load %arg8[%get3A_316, %get3A_317] {strides = array<i32>} : memref<320x64xf32, #tpu.memory_space<vmem>>, vector<16xf32>,
        %mul3A_319 = arith.mulf %get3A_318, %gather3A : vector<16xf32>
        %swap3A_320 = arith.index_cast %scan3A_307 : i32 to index
        %swap3A_321 = arith.constant 16 : index
        %swap3A_322 = tpu.vector_load %arg8[%swap3A_320, %swap3A_321] {strides = array<i32>} : memref<320x64xf32, #tpu.memory_space<vmem>>, vector<16xf32>,
        tpu.vector_store %arg8[%swap3A_320, %swap3A_321], %mul3A_319 {strides = array<i32>} : memref<320x64xf32, #tpu.memory_space<vmem>>, vector<16xf32>,
        %get3A_323 = arith.index_cast %scan3A_307 : i32 to index
        %get3A_324 = arith.constant 32 : index
        %get3A_325 = tpu.vector_load %arg8[%get3A_323, %get3A_324] {strides = array<i32>} : memref<320x64xf32, #tpu.memory_space<vmem>>, vector<16xf32>,
        %mul3A_326 = arith.mulf %get3A_325, %gather3A : vector<16xf32>
        %swap3A_327 = arith.index_cast %scan3A_307 : i32 to index
        %swap3A_328 = arith.constant 32 : index
        %swap3A_329 = tpu.vector_load %arg8[%swap3A_327, %swap3A_328] {strides = array<i32>} : memref<320x64xf32, #tpu.memory_space<vmem>>, vector<16xf32>,
        tpu.vector_store %arg8[%swap3A_327, %swap3A_328], %mul3A_326 {strides = array<i32>} : memref<320x64xf32, #tpu.memory_space<vmem>>, vector<16xf32>,
        %get3A_330 = arith.index_cast %scan3A_307 : i32 to index
        %get3A_331 = arith.constant 48 : index
        %get3A_332 = tpu.vector_load %arg8[%get3A_330, %get3A_331] {strides = array<i32>} : memref<320x64xf32, #tpu.memory_space<vmem>>, vector<16xf32>,
        %mul3A_333 = arith.mulf %get3A_332, %gather3A : vector<16xf32>
        %swap3A_334 = arith.index_cast %scan3A_307 : i32 to index
        %swap3A_335 = arith.constant 48 : index
        %swap3A_336 = tpu.vector_load %arg8[%swap3A_334, %swap3A_335] {strides = array<i32>} : memref<320x64xf32, #tpu.memory_space<vmem>>, vector<16xf32>,
        tpu.vector_store %arg8[%swap3A_334, %swap3A_335], %mul3A_333 {strides = array<i32>} : memref<320x64xf32, #tpu.memory_space<vmem>>, vector<16xf32>,
        %scan3A_337 = arith.constant 0 : i32
        scf.yield %scan3A_337 : i32
      }
      %scan3A_253 = arith.constant 320 : i32
      %add3A_254 = arith.constant 1 : i32
      %add3A_255 = arith.addi %scan3A_167, %add3A_254 : i32
      %dma_start3A_256 = arith.constant 0 : i32
      %dma_start3A_257 = tpu.memref_slice %arg6[%add3A_9, %add3A_255, %add3A_246, %dma_start3A_256] : memref<4x11x10240x64xf32, #tpu.memory_space<hbm>> -> memref<1x1x320x64xf32, #tpu.memory_space<hbm>>
      %dma_start3A_258 = tpu.memref_squeeze %dma_start3A_257 : memref<1x1x320x64xf32, #tpu.memory_space<hbm>> -> memref<320x64xf32, #tpu.memory_space<hbm>>
      %dma_start3A_259 = arith.constant 0 : i32
      %dma_start3A_260 = tpu.memref_slice %arg6[%add3A_9, %add3A_255, %add3A_246, %dma_start3A_259] : memref<4x11x10240x64xf32, #tpu.memory_space<hbm>> -> memref<1x1x320x64xf32, #tpu.memory_space<hbm>>
      %dma_start3A_261 = tpu.memref_squeeze %dma_start3A_260 : memref<1x1x320x64xf32, #tpu.memory_space<hbm>> -> memref<320x64xf32, #tpu.memory_space<hbm>>
      tpu.enqueue_dma source(%arg8 : memref<320x64xf32, #tpu.memory_space<vmem>>) target(%dma_start3A_261 : memref<320x64xf32, #tpu.memory_space<hbm>>) target_semaphore(%arg14 : memref<!tpu.dma_semaphore, #tpu.memory_space<semaphore_mem>>)
      %lt3A_262 = arith.constant 9 : i32
      %lt3A_263 = arith.cmpi slt, %scan3A_167, %lt3A_262 : i32
      %convert_element_type3A_264 = arith.extui %lt3A_263 : i1 to i32
      %cond3A_265 = arith.constant 0 : i32
      %cond3A_266 = arith.cmpi ne, %convert_element_type3A_264, %cond3A_265 : i32
      scf.if %cond3A_266 {
        %dma_start3A_307 = arith.constant 0 : i32
        %dma_start3A_308 = tpu.memref_slice %arg7[%add3A_246, %dma_start3A_307] : memref<10240x64xf32, #tpu.memory_space<vmem_shared>> -> memref<320x64xf32, #tpu.memory_space<vmem_shared>>
        %dma_start3A_309 = arith.constant 0 : i32
        %dma_start3A_310 = tpu.memref_slice %arg7[%add3A_246, %dma_start3A_309] : memref<10240x64xf32, #tpu.memory_space<vmem_shared>> -> memref<320x64xf32, #tpu.memory_space<vmem_shared>>
        tpu.enqueue_dma source(%arg8 : memref<320x64xf32, #tpu.memory_space<vmem>>) target(%dma_start3A_310 : memref<320x64xf32, #tpu.memory_space<vmem_shared>>) target_semaphore(%arg15 : memref<!tpu.dma_semaphore, #tpu.memory_space<semaphore_mem>>)
        %dma_wait3A_311 = arith.constant 0 : i32
        %dma_wait3A_312 = tpu.memref_slice %arg7[%add3A_246, %dma_wait3A_311] : memref<10240x64xf32, #tpu.memory_space<vmem_shared>> -> memref<320x64xf32, #tpu.memory_space<vmem_shared>>
        %dma_wait3A_313 = arith.constant 0 : i32
        %dma_wait3A_314 = tpu.memref_slice %arg7[%add3A_246, %dma_wait3A_313] : memref<10240x64xf32, #tpu.memory_space<vmem_shared>> -> memref<320x64xf32, #tpu.memory_space<vmem_shared>>
        tpu.wait_dma2 semaphore(%arg15 : memref<!tpu.dma_semaphore, #tpu.memory_space<semaphore_mem>>) src(%arg8 : memref<320x64xf32, #tpu.memory_space<vmem>>) dst(%dma_wait3A_314 : memref<320x64xf32, #tpu.memory_space<vmem_shared>>)
      } else {
      }
      %add3A_267 = arith.constant 1 : i32
      %add3A_268 = arith.addi %scan3A_167, %add3A_267 : i32
      %dma_wait3A_269 = arith.constant 0 : i32
      %dma_wait3A_270 = tpu.memref_slice %arg6[%add3A_9, %add3A_268, %add3A_246, %dma_wait3A_269] : memref<4x11x10240x64xf32, #tpu.memory_space<hbm>> -> memref<1x1x320x64xf32, #tpu.memory_space<hbm>>
      %dma_wait3A_271 = tpu.memref_squeeze %dma_wait3A_270 : memref<1x1x320x64xf32, #tpu.memory_space<hbm>> -> memref<320x64xf32, #tpu.memory_space<hbm>>
      %dma_wait3A_272 = arith.constant 0 : i32
      %dma_wait3A_273 = tpu.memref_slice %arg6[%add3A_9, %add3A_268, %add3A_246, %dma_wait3A_272] : memref<4x11x10240x64xf32, #tpu.memory_space<hbm>> -> memref<1x1x320x64xf32, #tpu.memory_space<hbm>>
      %dma_wait3A_274 = tpu.memref_squeeze %dma_wait3A_273 : memref<1x1x320x64xf32, #tpu.memory_space<hbm>> -> memref<320x64xf32, #tpu.memory_space<hbm>>
      tpu.wait_dma2 semaphore(%arg14 : memref<!tpu.dma_semaphore, #tpu.memory_space<semaphore_mem>>) src(%arg8 : memref<320x64xf32, #tpu.memory_space<vmem>>) dst(%dma_wait3A_274 : memref<320x64xf32, #tpu.memory_space<hbm>>)
      %add3A_275 = arith.constant 320 : i32
      %add3A_276 = arith.addi %mul3A_0, %add3A_275 : i32
      "tpu.region"() ({
        %run_scoped3A = tpu.sem_alloc : memref<!tpu.dma_semaphore, #tpu.memory_space<semaphore_mem>>
        %dma_start3A_307 = arith.constant 0 : i32
        %dma_start3A_308 = tpu.memref_slice %arg7[%add3A_276, %dma_start3A_307] : memref<10240x64xf32, #tpu.memory_space<vmem_shared>> -> memref<320x64xf32, #tpu.memory_space<vmem_shared>>
        %dma_start3A_309 = arith.constant 0 : i32
        %dma_start3A_310 = tpu.memref_slice %arg7[%add3A_276, %dma_start3A_309] : memref<10240x64xf32, #tpu.memory_space<vmem_shared>> -> memref<320x64xf32, #tpu.memory_space<vmem_shared>>
        tpu.enqueue_dma source(%dma_start3A_310 : memref<320x64xf32, #tpu.memory_space<vmem_shared>>) target(%arg8 : memref<320x64xf32, #tpu.memory_space<vmem>>) target_semaphore(%run_scoped3A : memref<!tpu.dma_semaphore, #tpu.memory_space<semaphore_mem>>)
        %dma_wait3A_311 = arith.constant 0 : i32
        %dma_wait3A_312 = tpu.memref_slice %arg7[%add3A_276, %dma_wait3A_311] : memref<10240x64xf32, #tpu.memory_space<vmem_shared>> -> memref<320x64xf32, #tpu.memory_space<vmem_shared>>
        %dma_wait3A_313 = arith.constant 0 : i32
        %dma_wait3A_314 = tpu.memref_slice %arg7[%add3A_276, %dma_wait3A_313] : memref<10240x64xf32, #tpu.memory_space<vmem_shared>> -> memref<320x64xf32, #tpu.memory_space<vmem_shared>>
        tpu.wait_dma2 semaphore(%run_scoped3A : memref<!tpu.dma_semaphore, #tpu.memory_space<semaphore_mem>>) src(%dma_wait3A_314 : memref<320x64xf32, #tpu.memory_space<vmem_shared>>) dst(%arg8 : memref<320x64xf32, #tpu.memory_space<vmem>>)
        tpu.yield
      }) : () -> ()
      %scan3A_277 = arith.constant 0 : i32
      %scan3A_278 = arith.constant 0 : i32
      %scan3A_279 = arith.constant 320 : i32
      %scan3A_280 = arith.addi %scan3A_278, %scan3A_279 : i32
      %scan3A_281 = arith.constant 1 : i32
      %scan3A_282 = scf.for %scan3A_307 = %scan3A_278 to %scan3A_280 step %scan3A_281 iter_args(%scan3A_308 = %scan3A_277) -> (i32)  : i32 {
        %add3A_309 = arith.constant 320 : i32
        %add3A_310 = arith.addi %add3A_309, %scan3A_307 : i32
        %broadcast_in_dim3A = vector.broadcast %add3A_310 : i32 to vector<16xi32>
        %gather3A = tpu.vector_load_idx %arg13[%broadcast_in_dim3A] : memref<640xf32, #tpu.memory_space<vmem>>[vector<16xi32>], vector<16xf32>,
        %get3A = arith.index_cast %scan3A_307 : i32 to index
        %get3A_311 = arith.constant 0 : index
        %get3A_312 = tpu.vector_load %arg8[%get3A, %get3A_311] {strides = array<i32>} : memref<320x64xf32, #tpu.memory_space<vmem>>, vector<16xf32>,
        %mul3A_313 = arith.mulf %get3A_312, %gather3A : vector<16xf32>
        %swap3A = arith.index_cast %scan3A_307 : i32 to index
        %swap3A_314 = arith.constant 0 : index
        %swap3A_315 = tpu.vector_load %arg8[%swap3A, %swap3A_314] {strides = array<i32>} : memref<320x64xf32, #tpu.memory_space<vmem>>, vector<16xf32>,
        tpu.vector_store %arg8[%swap3A, %swap3A_314], %mul3A_313 {strides = array<i32>} : memref<320x64xf32, #tpu.memory_space<vmem>>, vector<16xf32>,
        %get3A_316 = arith.index_cast %scan3A_307 : i32 to index
        %get3A_317 = arith.constant 16 : index
        %get3A_318 = tpu.vector_load %arg8[%get3A_316, %get3A_317] {strides = array<i32>} : memref<320x64xf32, #tpu.memory_space<vmem>>, vector<16xf32>,
        %mul3A_319 = arith.mulf %get3A_318, %gather3A : vector<16xf32>
        %swap3A_320 = arith.index_cast %scan3A_307 : i32 to index
        %swap3A_321 = arith.constant 16 : index
        %swap3A_322 = tpu.vector_load %arg8[%swap3A_320, %swap3A_321] {strides = array<i32>} : memref<320x64xf32, #tpu.memory_space<vmem>>, vector<16xf32>,
        tpu.vector_store %arg8[%swap3A_320, %swap3A_321], %mul3A_319 {strides = array<i32>} : memref<320x64xf32, #tpu.memory_space<vmem>>, vector<16xf32>,
        %get3A_323 = arith.index_cast %scan3A_307 : i32 to index
        %get3A_324 = arith.constant 32 : index
        %get3A_325 = tpu.vector_load %arg8[%get3A_323, %get3A_324] {strides = array<i32>} : memref<320x64xf32, #tpu.memory_space<vmem>>, vector<16xf32>,
        %mul3A_326 = arith.mulf %get3A_325, %gather3A : vector<16xf32>
        %swap3A_327 = arith.index_cast %scan3A_307 : i32 to index
        %swap3A_328 = arith.constant 32 : index
        %swap3A_329 = tpu.vector_load %arg8[%swap3A_327, %swap3A_328] {strides = array<i32>} : memref<320x64xf32, #tpu.memory_space<vmem>>, vector<16xf32>,
        tpu.vector_store %arg8[%swap3A_327, %swap3A_328], %mul3A_326 {strides = array<i32>} : memref<320x64xf32, #tpu.memory_space<vmem>>, vector<16xf32>,
        %get3A_330 = arith.index_cast %scan3A_307 : i32 to index
        %get3A_331 = arith.constant 48 : index
        %get3A_332 = tpu.vector_load %arg8[%get3A_330, %get3A_331] {strides = array<i32>} : memref<320x64xf32, #tpu.memory_space<vmem>>, vector<16xf32>,
        %mul3A_333 = arith.mulf %get3A_332, %gather3A : vector<16xf32>
        %swap3A_334 = arith.index_cast %scan3A_307 : i32 to index
        %swap3A_335 = arith.constant 48 : index
        %swap3A_336 = tpu.vector_load %arg8[%swap3A_334, %swap3A_335] {strides = array<i32>} : memref<320x64xf32, #tpu.memory_space<vmem>>, vector<16xf32>,
        tpu.vector_store %arg8[%swap3A_334, %swap3A_335], %mul3A_333 {strides = array<i32>} : memref<320x64xf32, #tpu.memory_space<vmem>>, vector<16xf32>,
        %scan3A_337 = arith.constant 0 : i32
        scf.yield %scan3A_337 : i32
      }
      %scan3A_283 = arith.constant 320 : i32
      %add3A_284 = arith.constant 1 : i32
      %add3A_285 = arith.addi %scan3A_167, %add3A_284 : i32
      %dma_start3A_286 = arith.constant 0 : i32
      %dma_start3A_287 = tpu.memref_slice %arg6[%add3A_9, %add3A_285, %add3A_276, %dma_start3A_286] : memref<4x11x10240x64xf32, #tpu.memory_space<hbm>> -> memref<1x1x320x64xf32, #tpu.memory_space<hbm>>
      %dma_start3A_288 = tpu.memref_squeeze %dma_start3A_287 : memref<1x1x320x64xf32, #tpu.memory_space<hbm>> -> memref<320x64xf32, #tpu.memory_space<hbm>>
      %dma_start3A_289 = arith.constant 0 : i32
      %dma_start3A_290 = tpu.memref_slice %arg6[%add3A_9, %add3A_285, %add3A_276, %dma_start3A_289] : memref<4x11x10240x64xf32, #tpu.memory_space<hbm>> -> memref<1x1x320x64xf32, #tpu.memory_space<hbm>>
      %dma_start3A_291 = tpu.memref_squeeze %dma_start3A_290 : memref<1x1x320x64xf32, #tpu.memory_space<hbm>> -> memref<320x64xf32, #tpu.memory_space<hbm>>
      tpu.enqueue_dma source(%arg8 : memref<320x64xf32, #tpu.memory_space<vmem>>) target(%dma_start3A_291 : memref<320x64xf32, #tpu.memory_space<hbm>>) target_semaphore(%arg14 : memref<!tpu.dma_semaphore, #tpu.memory_space<semaphore_mem>>)
      %lt3A_292 = arith.constant 9 : i32
      %lt3A_293 = arith.cmpi slt, %scan3A_167, %lt3A_292 : i32
      %convert_element_type3A_294 = arith.extui %lt3A_293 : i1 to i32
      %cond3A_295 = arith.constant 0 : i32
      %cond3A_296 = arith.cmpi ne, %convert_element_type3A_294, %cond3A_295 : i32
      scf.if %cond3A_296 {
        %dma_start3A_307 = arith.constant 0 : i32
        %dma_start3A_308 = tpu.memref_slice %arg7[%add3A_276, %dma_start3A_307] : memref<10240x64xf32, #tpu.memory_space<vmem_shared>> -> memref<320x64xf32, #tpu.memory_space<vmem_shared>>
        %dma_start3A_309 = arith.constant 0 : i32
        %dma_start3A_310 = tpu.memref_slice %arg7[%add3A_276, %dma_start3A_309] : memref<10240x64xf32, #tpu.memory_space<vmem_shared>> -> memref<320x64xf32, #tpu.memory_space<vmem_shared>>
        tpu.enqueue_dma source(%arg8 : memref<320x64xf32, #tpu.memory_space<vmem>>) target(%dma_start3A_310 : memref<320x64xf32, #tpu.memory_space<vmem_shared>>) target_semaphore(%arg15 : memref<!tpu.dma_semaphore, #tpu.memory_space<semaphore_mem>>)
        %dma_wait3A_311 = arith.constant 0 : i32
        %dma_wait3A_312 = tpu.memref_slice %arg7[%add3A_276, %dma_wait3A_311] : memref<10240x64xf32, #tpu.memory_space<vmem_shared>> -> memref<320x64xf32, #tpu.memory_space<vmem_shared>>
        %dma_wait3A_313 = arith.constant 0 : i32
        %dma_wait3A_314 = tpu.memref_slice %arg7[%add3A_276, %dma_wait3A_313] : memref<10240x64xf32, #tpu.memory_space<vmem_shared>> -> memref<320x64xf32, #tpu.memory_space<vmem_shared>>
        tpu.wait_dma2 semaphore(%arg15 : memref<!tpu.dma_semaphore, #tpu.memory_space<semaphore_mem>>) src(%arg8 : memref<320x64xf32, #tpu.memory_space<vmem>>) dst(%dma_wait3A_314 : memref<320x64xf32, #tpu.memory_space<vmem_shared>>)
      } else {
      }
      %add3A_297 = arith.constant 1 : i32
      %add3A_298 = arith.addi %scan3A_167, %add3A_297 : i32
      %dma_wait3A_299 = arith.constant 0 : i32
      %dma_wait3A_300 = tpu.memref_slice %arg6[%add3A_9, %add3A_298, %add3A_276, %dma_wait3A_299] : memref<4x11x10240x64xf32, #tpu.memory_space<hbm>> -> memref<1x1x320x64xf32, #tpu.memory_space<hbm>>
      %dma_wait3A_301 = tpu.memref_squeeze %dma_wait3A_300 : memref<1x1x320x64xf32, #tpu.memory_space<hbm>> -> memref<320x64xf32, #tpu.memory_space<hbm>>
      %dma_wait3A_302 = arith.constant 0 : i32
      %dma_wait3A_303 = tpu.memref_slice %arg6[%add3A_9, %add3A_298, %add3A_276, %dma_wait3A_302] : memref<4x11x10240x64xf32, #tpu.memory_space<hbm>> -> memref<1x1x320x64xf32, #tpu.memory_space<hbm>>
      %dma_wait3A_304 = tpu.memref_squeeze %dma_wait3A_303 : memref<1x1x320x64xf32, #tpu.memory_space<hbm>> -> memref<320x64xf32, #tpu.memory_space<hbm>>
      tpu.wait_dma2 semaphore(%arg14 : memref<!tpu.dma_semaphore, #tpu.memory_space<semaphore_mem>>) src(%arg8 : memref<320x64xf32, #tpu.memory_space<vmem>>) dst(%dma_wait3A_304 : memref<320x64xf32, #tpu.memory_space<hbm>>)
      %barrier3A_305 = arith.constant 0 : index
      tpu.barrier barrier_id(%barrier3A_305)
      %scan3A_306 = arith.constant 0 : i32
      scf.yield %scan3A_306 : i32
    }
    %scan3A_82 = arith.constant 10 : i32
    %mul3A_83 = arith.constant 2 : i32
    %mul3A_84 = arith.muli %mul3A_83, %arg0 : i32
    %add3A_85 = arith.constant 1 : i32
    %add3A_86 = arith.addi %mul3A_84, %add3A_85 : i32
    %add3A_87 = arith.constant 0 : i32
    %add3A_88 = arith.addi %mul3A_0, %add3A_87 : i32
    "tpu.region"() ({
      %run_scoped3A = tpu.sem_alloc : memref<!tpu.dma_semaphore, #tpu.memory_space<semaphore_mem>>
      %dma_start3A_167 = arith.constant 0 : i32
      %dma_start3A_168 = tpu.memref_slice %arg2[%add3A_86, %add3A_88, %dma_start3A_167] : memref<4x10000x64xf32, #tpu.memory_space<hbm>> -> memref<1x320x64xf32, #tpu.memory_space<hbm>>
      %dma_start3A_169 = tpu.memref_squeeze %dma_start3A_168 : memref<1x320x64xf32, #tpu.memory_space<hbm>> -> memref<320x64xf32, #tpu.memory_space<hbm>>
      %dma_start3A_170 = arith.constant 0 : i32
      %dma_start3A_171 = tpu.memref_slice %arg2[%add3A_86, %add3A_88, %dma_start3A_170] : memref<4x10000x64xf32, #tpu.memory_space<hbm>> -> memref<1x320x64xf32, #tpu.memory_space<hbm>>
      %dma_start3A_172 = tpu.memref_squeeze %dma_start3A_171 : memref<1x320x64xf32, #tpu.memory_space<hbm>> -> memref<320x64xf32, #tpu.memory_space<hbm>>
      tpu.enqueue_dma source(%dma_start3A_172 : memref<320x64xf32, #tpu.memory_space<hbm>>) target(%arg8 : memref<320x64xf32, #tpu.memory_space<vmem>>) target_semaphore(%run_scoped3A : memref<!tpu.dma_semaphore, #tpu.memory_space<semaphore_mem>>)
      %dma_wait3A_173 = arith.constant 0 : i32
      %dma_wait3A_174 = tpu.memref_slice %arg2[%add3A_86, %add3A_88, %dma_wait3A_173] : memref<4x10000x64xf32, #tpu.memory_space<hbm>> -> memref<1x320x64xf32, #tpu.memory_space<hbm>>
      %dma_wait3A_175 = tpu.memref_squeeze %dma_wait3A_174 : memref<1x320x64xf32, #tpu.memory_space<hbm>> -> memref<320x64xf32, #tpu.memory_space<hbm>>
      %dma_wait3A_176 = arith.constant 0 : i32
      %dma_wait3A_177 = tpu.memref_slice %arg2[%add3A_86, %add3A_88, %dma_wait3A_176] : memref<4x10000x64xf32, #tpu.memory_space<hbm>> -> memref<1x320x64xf32, #tpu.memory_space<hbm>>
      %dma_wait3A_178 = tpu.memref_squeeze %dma_wait3A_177 : memref<1x320x64xf32, #tpu.memory_space<hbm>> -> memref<320x64xf32, #tpu.memory_space<hbm>>
      tpu.wait_dma2 semaphore(%run_scoped3A : memref<!tpu.dma_semaphore, #tpu.memory_space<semaphore_mem>>) src(%dma_wait3A_178 : memref<320x64xf32, #tpu.memory_space<hbm>>) dst(%arg8 : memref<320x64xf32, #tpu.memory_space<vmem>>)
      tpu.yield
    }) : () -> ()
    %scan3A_89 = arith.constant 0 : i32
    %scan3A_90 = arith.constant 0 : i32
    %scan3A_91 = arith.constant 320 : i32
    %scan3A_92 = arith.addi %scan3A_90, %scan3A_91 : i32
    %scan3A_93 = arith.constant 1 : i32
    %scan3A_94 = scf.for %scan3A_167 = %scan3A_90 to %scan3A_92 step %scan3A_93 iter_args(%scan3A_168 = %scan3A_89) -> (i32)  : i32 {
      %add3A_169 = arith.constant 0 : i32
      %add3A_170 = arith.addi %add3A_169, %scan3A_167 : i32
      %broadcast_in_dim3A = vector.broadcast %add3A_170 : i32 to vector<16xi32>
      %gather3A = tpu.vector_load_idx %arg12[%broadcast_in_dim3A] : memref<640xf32, #tpu.memory_space<vmem>>[vector<16xi32>], vector<16xf32>,
      %get3A = arith.index_cast %scan3A_167 : i32 to index
      %get3A_171 = arith.constant 0 : index
      %get3A_172 = tpu.vector_load %arg8[%get3A, %get3A_171] {strides = array<i32>} : memref<320x64xf32, #tpu.memory_space<vmem>>, vector<16xf32>,
      %mul3A_173 = arith.mulf %get3A_172, %gather3A : vector<16xf32>
      %swap3A = arith.index_cast %scan3A_167 : i32 to index
      %swap3A_174 = arith.constant 0 : index
      %swap3A_175 = tpu.vector_load %arg8[%swap3A, %swap3A_174] {strides = array<i32>} : memref<320x64xf32, #tpu.memory_space<vmem>>, vector<16xf32>,
      tpu.vector_store %arg8[%swap3A, %swap3A_174], %mul3A_173 {strides = array<i32>} : memref<320x64xf32, #tpu.memory_space<vmem>>, vector<16xf32>,
      %get3A_176 = arith.index_cast %scan3A_167 : i32 to index
      %get3A_177 = arith.constant 16 : index
      %get3A_178 = tpu.vector_load %arg8[%get3A_176, %get3A_177] {strides = array<i32>} : memref<320x64xf32, #tpu.memory_space<vmem>>, vector<16xf32>,
      %mul3A_179 = arith.mulf %get3A_178, %gather3A : vector<16xf32>
      %swap3A_180 = arith.index_cast %scan3A_167 : i32 to index
      %swap3A_181 = arith.constant 16 : index
      %swap3A_182 = tpu.vector_load %arg8[%swap3A_180, %swap3A_181] {strides = array<i32>} : memref<320x64xf32, #tpu.memory_space<vmem>>, vector<16xf32>,
      tpu.vector_store %arg8[%swap3A_180, %swap3A_181], %mul3A_179 {strides = array<i32>} : memref<320x64xf32, #tpu.memory_space<vmem>>, vector<16xf32>,
      %get3A_183 = arith.index_cast %scan3A_167 : i32 to index
      %get3A_184 = arith.constant 32 : index
      %get3A_185 = tpu.vector_load %arg8[%get3A_183, %get3A_184] {strides = array<i32>} : memref<320x64xf32, #tpu.memory_space<vmem>>, vector<16xf32>,
      %mul3A_186 = arith.mulf %get3A_185, %gather3A : vector<16xf32>
      %swap3A_187 = arith.index_cast %scan3A_167 : i32 to index
      %swap3A_188 = arith.constant 32 : index
      %swap3A_189 = tpu.vector_load %arg8[%swap3A_187, %swap3A_188] {strides = array<i32>} : memref<320x64xf32, #tpu.memory_space<vmem>>, vector<16xf32>,
      tpu.vector_store %arg8[%swap3A_187, %swap3A_188], %mul3A_186 {strides = array<i32>} : memref<320x64xf32, #tpu.memory_space<vmem>>, vector<16xf32>,
      %get3A_190 = arith.index_cast %scan3A_167 : i32 to index
      %get3A_191 = arith.constant 48 : index
      %get3A_192 = tpu.vector_load %arg8[%get3A_190, %get3A_191] {strides = array<i32>} : memref<320x64xf32, #tpu.memory_space<vmem>>, vector<16xf32>,
      %mul3A_193 = arith.mulf %get3A_192, %gather3A : vector<16xf32>
      %swap3A_194 = arith.index_cast %scan3A_167 : i32 to index
      %swap3A_195 = arith.constant 48 : index
      %swap3A_196 = tpu.vector_load %arg8[%swap3A_194, %swap3A_195] {strides = array<i32>} : memref<320x64xf32, #tpu.memory_space<vmem>>, vector<16xf32>,
      tpu.vector_store %arg8[%swap3A_194, %swap3A_195], %mul3A_193 {strides = array<i32>} : memref<320x64xf32, #tpu.memory_space<vmem>>, vector<16xf32>,
      %scan3A_197 = arith.constant 0 : i32
      scf.yield %scan3A_197 : i32
    }
    %scan3A_95 = arith.constant 320 : i32
    %dma_start3A_96 = arith.constant 0 : i32
    %dma_start3A_97 = arith.constant 0 : i32
    %dma_start3A_98 = tpu.memref_slice %arg6[%add3A_86, %dma_start3A_96, %add3A_88, %dma_start3A_97] : memref<4x11x10240x64xf32, #tpu.memory_space<hbm>> -> memref<1x1x320x64xf32, #tpu.memory_space<hbm>>
    %dma_start3A_99 = tpu.memref_squeeze %dma_start3A_98 : memref<1x1x320x64xf32, #tpu.memory_space<hbm>> -> memref<320x64xf32, #tpu.memory_space<hbm>>
    %dma_start3A_100 = arith.constant 0 : i32
    %dma_start3A_101 = tpu.memref_slice %arg6[%add3A_86, %dma_start3A_96, %add3A_88, %dma_start3A_100] : memref<4x11x10240x64xf32, #tpu.memory_space<hbm>> -> memref<1x1x320x64xf32, #tpu.memory_space<hbm>>
    %dma_start3A_102 = tpu.memref_squeeze %dma_start3A_101 : memref<1x1x320x64xf32, #tpu.memory_space<hbm>> -> memref<320x64xf32, #tpu.memory_space<hbm>>
    tpu.enqueue_dma source(%arg8 : memref<320x64xf32, #tpu.memory_space<vmem>>) target(%dma_start3A_102 : memref<320x64xf32, #tpu.memory_space<hbm>>) target_semaphore(%arg14 : memref<!tpu.dma_semaphore, #tpu.memory_space<semaphore_mem>>)
    %dma_start3A_103 = arith.constant 0 : i32
    %dma_start3A_104 = tpu.memref_slice %arg7[%add3A_88, %dma_start3A_103] : memref<10240x64xf32, #tpu.memory_space<vmem_shared>> -> memref<320x64xf32, #tpu.memory_space<vmem_shared>>
    %dma_start3A_105 = arith.constant 0 : i32
    %dma_start3A_106 = tpu.memref_slice %arg7[%add3A_88, %dma_start3A_105] : memref<10240x64xf32, #tpu.memory_space<vmem_shared>> -> memref<320x64xf32, #tpu.memory_space<vmem_shared>>
    tpu.enqueue_dma source(%arg8 : memref<320x64xf32, #tpu.memory_space<vmem>>) target(%dma_start3A_106 : memref<320x64xf32, #tpu.memory_space<vmem_shared>>) target_semaphore(%arg15 : memref<!tpu.dma_semaphore, #tpu.memory_space<semaphore_mem>>)
    %dma_wait3A_107 = arith.constant 0 : i32
    %dma_wait3A_108 = tpu.memref_slice %arg7[%add3A_88, %dma_wait3A_107] : memref<10240x64xf32, #tpu.memory_space<vmem_shared>> -> memref<320x64xf32, #tpu.memory_space<vmem_shared>>
    %dma_wait3A_109 = arith.constant 0 : i32
    %dma_wait3A_110 = tpu.memref_slice %arg7[%add3A_88, %dma_wait3A_109] : memref<10240x64xf32, #tpu.memory_space<vmem_shared>> -> memref<320x64xf32, #tpu.memory_space<vmem_shared>>
    tpu.wait_dma2 semaphore(%arg15 : memref<!tpu.dma_semaphore, #tpu.memory_space<semaphore_mem>>) src(%arg8 : memref<320x64xf32, #tpu.memory_space<vmem>>) dst(%dma_wait3A_110 : memref<320x64xf32, #tpu.memory_space<vmem_shared>>)
    %dma_wait3A_111 = arith.constant 0 : i32
    %dma_wait3A_112 = arith.constant 0 : i32
    %dma_wait3A_113 = tpu.memref_slice %arg6[%add3A_86, %dma_wait3A_111, %add3A_88, %dma_wait3A_112] : memref<4x11x10240x64xf32, #tpu.memory_space<hbm>> -> memref<1x1x320x64xf32, #tpu.memory_space<hbm>>
    %dma_wait3A_114 = tpu.memref_squeeze %dma_wait3A_113 : memref<1x1x320x64xf32, #tpu.memory_space<hbm>> -> memref<320x64xf32, #tpu.memory_space<hbm>>
    %dma_wait3A_115 = arith.constant 0 : i32
    %dma_wait3A_116 = tpu.memref_slice %arg6[%add3A_86, %dma_wait3A_111, %add3A_88, %dma_wait3A_115] : memref<4x11x10240x64xf32, #tpu.memory_space<hbm>> -> memref<1x1x320x64xf32, #tpu.memory_space<hbm>>
    %dma_wait3A_117 = tpu.memref_squeeze %dma_wait3A_116 : memref<1x1x320x64xf32, #tpu.memory_space<hbm>> -> memref<320x64xf32, #tpu.memory_space<hbm>>
    tpu.wait_dma2 semaphore(%arg14 : memref<!tpu.dma_semaphore, #tpu.memory_space<semaphore_mem>>) src(%arg8 : memref<320x64xf32, #tpu.memory_space<vmem>>) dst(%dma_wait3A_117 : memref<320x64xf32, #tpu.memory_space<hbm>>)
    %add3A_118 = arith.constant 320 : i32
    %add3A_119 = arith.addi %mul3A_0, %add3A_118 : i32
    %lt3A_120 = arith.constant 15 : i32
    %lt3A_121 = arith.cmpi slt, %arg1, %lt3A_120 : i32
    %convert_element_type3A_122 = arith.extui %lt3A_121 : i1 to i32
    %cond3A_123 = arith.constant 0 : i32
    %cond3A_124 = arith.cmpi ne, %convert_element_type3A_122, %cond3A_123 : i32
    scf.if %cond3A_124 {
      "tpu.region"() ({
        %run_scoped3A = tpu.sem_alloc : memref<!tpu.dma_semaphore, #tpu.memory_space<semaphore_mem>>
        %dma_start3A_167 = arith.constant 0 : i32
        %dma_start3A_168 = tpu.memref_slice %arg2[%add3A_86, %add3A_119, %dma_start3A_167] : memref<4x10000x64xf32, #tpu.memory_space<hbm>> -> memref<1x320x64xf32, #tpu.memory_space<hbm>>
        %dma_start3A_169 = tpu.memref_squeeze %dma_start3A_168 : memref<1x320x64xf32, #tpu.memory_space<hbm>> -> memref<320x64xf32, #tpu.memory_space<hbm>>
        %dma_start3A_170 = arith.constant 0 : i32
        %dma_start3A_171 = tpu.memref_slice %arg2[%add3A_86, %add3A_119, %dma_start3A_170] : memref<4x10000x64xf32, #tpu.memory_space<hbm>> -> memref<1x320x64xf32, #tpu.memory_space<hbm>>
        %dma_start3A_172 = tpu.memref_squeeze %dma_start3A_171 : memref<1x320x64xf32, #tpu.memory_space<hbm>> -> memref<320x64xf32, #tpu.memory_space<hbm>>
        tpu.enqueue_dma source(%dma_start3A_172 : memref<320x64xf32, #tpu.memory_space<hbm>>) target(%arg8 : memref<320x64xf32, #tpu.memory_space<vmem>>) target_semaphore(%run_scoped3A : memref<!tpu.dma_semaphore, #tpu.memory_space<semaphore_mem>>)
        %dma_wait3A_173 = arith.constant 0 : i32
        %dma_wait3A_174 = tpu.memref_slice %arg2[%add3A_86, %add3A_119, %dma_wait3A_173] : memref<4x10000x64xf32, #tpu.memory_space<hbm>> -> memref<1x320x64xf32, #tpu.memory_space<hbm>>
        %dma_wait3A_175 = tpu.memref_squeeze %dma_wait3A_174 : memref<1x320x64xf32, #tpu.memory_space<hbm>> -> memref<320x64xf32, #tpu.memory_space<hbm>>
        %dma_wait3A_176 = arith.constant 0 : i32
        %dma_wait3A_177 = tpu.memref_slice %arg2[%add3A_86, %add3A_119, %dma_wait3A_176] : memref<4x10000x64xf32, #tpu.memory_space<hbm>> -> memref<1x320x64xf32, #tpu.memory_space<hbm>>
        %dma_wait3A_178 = tpu.memref_squeeze %dma_wait3A_177 : memref<1x320x64xf32, #tpu.memory_space<hbm>> -> memref<320x64xf32, #tpu.memory_space<hbm>>
        tpu.wait_dma2 semaphore(%run_scoped3A : memref<!tpu.dma_semaphore, #tpu.memory_space<semaphore_mem>>) src(%dma_wait3A_178 : memref<320x64xf32, #tpu.memory_space<hbm>>) dst(%arg8 : memref<320x64xf32, #tpu.memory_space<vmem>>)
        tpu.yield
      }) : () -> ()
    } else {
    }
    %eq3A_125 = arith.constant 15 : i32
    %eq3A_126 = arith.cmpi eq, %arg1, %eq3A_125 : i32
    %convert_element_type3A_127 = arith.extui %eq3A_126 : i1 to i32
    %cond3A_128 = arith.constant 0 : i32
    %cond3A_129 = arith.cmpi ne, %convert_element_type3A_127, %cond3A_128 : i32
    scf.if %cond3A_129 {
      "tpu.region"() ({
        %run_scoped3A = tpu.sem_alloc : memref<!tpu.dma_semaphore, #tpu.memory_space<semaphore_mem>>
        %dma_start3A_175 = arith.constant 0 : i32
        %dma_start3A_176 = arith.constant 0 : i32
        %dma_start3A_177 = tpu.memref_slice %arg8[%dma_start3A_175, %dma_start3A_176] : memref<320x64xf32, #tpu.memory_space<vmem>> -> memref<80x64xf32, #tpu.memory_space<vmem>>
        %dma_start3A_178 = arith.constant 9920 : i32
        %dma_start3A_179 = arith.constant 0 : i32
        %dma_start3A_180 = tpu.memref_slice %arg2[%add3A_86, %dma_start3A_178, %dma_start3A_179] : memref<4x10000x64xf32, #tpu.memory_space<hbm>> -> memref<1x80x64xf32, #tpu.memory_space<hbm>>
        %dma_start3A_181 = tpu.memref_squeeze %dma_start3A_180 : memref<1x80x64xf32, #tpu.memory_space<hbm>> -> memref<80x64xf32, #tpu.memory_space<hbm>>
        %dma_start3A_182 = arith.constant 0 : i32
        %dma_start3A_183 = arith.constant 0 : i32
        %dma_start3A_184 = tpu.memref_slice %arg8[%dma_start3A_182, %dma_start3A_183] : memref<320x64xf32, #tpu.memory_space<vmem>> -> memref<80x64xf32, #tpu.memory_space<vmem>>
        %dma_start3A_185 = arith.constant 9920 : i32
        %dma_start3A_186 = arith.constant 0 : i32
        %dma_start3A_187 = tpu.memref_slice %arg2[%add3A_86, %dma_start3A_185, %dma_start3A_186] : memref<4x10000x64xf32, #tpu.memory_space<hbm>> -> memref<1x80x64xf32, #tpu.memory_space<hbm>>
        %dma_start3A_188 = tpu.memref_squeeze %dma_start3A_187 : memref<1x80x64xf32, #tpu.memory_space<hbm>> -> memref<80x64xf32, #tpu.memory_space<hbm>>
        tpu.enqueue_dma source(%dma_start3A_188 : memref<80x64xf32, #tpu.memory_space<hbm>>) target(%dma_start3A_184 : memref<80x64xf32, #tpu.memory_space<vmem>>) target_semaphore(%run_scoped3A : memref<!tpu.dma_semaphore, #tpu.memory_space<semaphore_mem>>)
        %dma_wait3A_189 = arith.constant 0 : i32
        %dma_wait3A_190 = arith.constant 0 : i32
        %dma_wait3A_191 = tpu.memref_slice %arg8[%dma_wait3A_189, %dma_wait3A_190] : memref<320x64xf32, #tpu.memory_space<vmem>> -> memref<80x64xf32, #tpu.memory_space<vmem>>
        %dma_wait3A_192 = arith.constant 9920 : i32
        %dma_wait3A_193 = arith.constant 0 : i32
        %dma_wait3A_194 = tpu.memref_slice %arg2[%add3A_86, %dma_wait3A_192, %dma_wait3A_193] : memref<4x10000x64xf32, #tpu.memory_space<hbm>> -> memref<1x80x64xf32, #tpu.memory_space<hbm>>
        %dma_wait3A_195 = tpu.memref_squeeze %dma_wait3A_194 : memref<1x80x64xf32, #tpu.memory_space<hbm>> -> memref<80x64xf32, #tpu.memory_space<hbm>>
        %dma_wait3A_196 = arith.constant 0 : i32
        %dma_wait3A_197 = arith.constant 0 : i32
        %dma_wait3A_198 = tpu.memref_slice %arg8[%dma_wait3A_196, %dma_wait3A_197] : memref<320x64xf32, #tpu.memory_space<vmem>> -> memref<80x64xf32, #tpu.memory_space<vmem>>
        %dma_wait3A_199 = arith.constant 9920 : i32
        %dma_wait3A_200 = arith.constant 0 : i32
        %dma_wait3A_201 = tpu.memref_slice %arg2[%add3A_86, %dma_wait3A_199, %dma_wait3A_200] : memref<4x10000x64xf32, #tpu.memory_space<hbm>> -> memref<1x80x64xf32, #tpu.memory_space<hbm>>
        %dma_wait3A_202 = tpu.memref_squeeze %dma_wait3A_201 : memref<1x80x64xf32, #tpu.memory_space<hbm>> -> memref<80x64xf32, #tpu.memory_space<hbm>>
        tpu.wait_dma2 semaphore(%run_scoped3A : memref<!tpu.dma_semaphore, #tpu.memory_space<semaphore_mem>>) src(%dma_wait3A_202 : memref<80x64xf32, #tpu.memory_space<hbm>>) dst(%dma_wait3A_198 : memref<80x64xf32, #tpu.memory_space<vmem>>)
        tpu.yield
      }) : () -> ()
      %broadcast_in_dim3A = arith.constant 0.000000e+00 : f32
      %broadcast_in_dim3A_167 = vector.broadcast %broadcast_in_dim3A : f32 to vector<16xf32>
      %scan3A_168 = arith.constant 0 : i32
      %scan3A_169 = arith.constant 0 : i32
      %scan3A_170 = arith.constant 240 : i32
      %scan3A_171 = arith.addi %scan3A_169, %scan3A_170 : i32
      %scan3A_172 = arith.constant 1 : i32
      %scan3A_173 = scf.for %scan3A_175 = %scan3A_169 to %scan3A_171 step %scan3A_172 iter_args(%scan3A_176 = %scan3A_168) -> (i32)  : i32 {
        %add3A_177 = arith.constant 80 : i32
        %add3A_178 = arith.addi %add3A_177, %scan3A_175 : i32
        %swap3A = arith.index_cast %add3A_178 : i32 to index
        %swap3A_179 = arith.constant 0 : index
        %swap3A_180 = tpu.vector_load %arg8[%swap3A, %swap3A_179] {strides = array<i32>} : memref<320x64xf32, #tpu.memory_space<vmem>>, vector<16xf32>,
        tpu.vector_store %arg8[%swap3A, %swap3A_179], %broadcast_in_dim3A_167 {strides = array<i32>} : memref<320x64xf32, #tpu.memory_space<vmem>>, vector<16xf32>,
        %add3A_181 = arith.constant 80 : i32
        %add3A_182 = arith.addi %add3A_181, %scan3A_175 : i32
        %swap3A_183 = arith.index_cast %add3A_182 : i32 to index
        %swap3A_184 = arith.constant 16 : index
        %swap3A_185 = tpu.vector_load %arg8[%swap3A_183, %swap3A_184] {strides = array<i32>} : memref<320x64xf32, #tpu.memory_space<vmem>>, vector<16xf32>,
        tpu.vector_store %arg8[%swap3A_183, %swap3A_184], %broadcast_in_dim3A_167 {strides = array<i32>} : memref<320x64xf32, #tpu.memory_space<vmem>>, vector<16xf32>,
        %add3A_186 = arith.constant 80 : i32
        %add3A_187 = arith.addi %add3A_186, %scan3A_175 : i32
        %swap3A_188 = arith.index_cast %add3A_187 : i32 to index
        %swap3A_189 = arith.constant 32 : index
        %swap3A_190 = tpu.vector_load %arg8[%swap3A_188, %swap3A_189] {strides = array<i32>} : memref<320x64xf32, #tpu.memory_space<vmem>>, vector<16xf32>,
        tpu.vector_store %arg8[%swap3A_188, %swap3A_189], %broadcast_in_dim3A_167 {strides = array<i32>} : memref<320x64xf32, #tpu.memory_space<vmem>>, vector<16xf32>,
        %add3A_191 = arith.constant 80 : i32
        %add3A_192 = arith.addi %add3A_191, %scan3A_175 : i32
        %swap3A_193 = arith.index_cast %add3A_192 : i32 to index
        %swap3A_194 = arith.constant 48 : index
        %swap3A_195 = tpu.vector_load %arg8[%swap3A_193, %swap3A_194] {strides = array<i32>} : memref<320x64xf32, #tpu.memory_space<vmem>>, vector<16xf32>,
        tpu.vector_store %arg8[%swap3A_193, %swap3A_194], %broadcast_in_dim3A_167 {strides = array<i32>} : memref<320x64xf32, #tpu.memory_space<vmem>>, vector<16xf32>,
        %scan3A_196 = arith.constant 0 : i32
        scf.yield %scan3A_196 : i32
      }
      %scan3A_174 = arith.constant 240 : i32
    } else {
    }
    %scan3A_130 = arith.constant 0 : i32
    %scan3A_131 = arith.constant 0 : i32
    %scan3A_132 = arith.constant 320 : i32
    %scan3A_133 = arith.addi %scan3A_131, %scan3A_132 : i32
    %scan3A_134 = arith.constant 1 : i32
    %scan3A_135 = scf.for %scan3A_167 = %scan3A_131 to %scan3A_133 step %scan3A_134 iter_args(%scan3A_168 = %scan3A_130) -> (i32)  : i32 {
      %add3A_169 = arith.constant 320 : i32
      %add3A_170 = arith.addi %add3A_169, %scan3A_167 : i32
      %broadcast_in_dim3A = vector.broadcast %add3A_170 : i32 to vector<16xi32>
      %gather3A = tpu.vector_load_idx %arg12[%broadcast_in_dim3A] : memref<640xf32, #tpu.memory_space<vmem>>[vector<16xi32>], vector<16xf32>,
      %get3A = arith.index_cast %scan3A_167 : i32 to index
      %get3A_171 = arith.constant 0 : index
      %get3A_172 = tpu.vector_load %arg8[%get3A, %get3A_171] {strides = array<i32>} : memref<320x64xf32, #tpu.memory_space<vmem>>, vector<16xf32>,
      %mul3A_173 = arith.mulf %get3A_172, %gather3A : vector<16xf32>
      %swap3A = arith.index_cast %scan3A_167 : i32 to index
      %swap3A_174 = arith.constant 0 : index
      %swap3A_175 = tpu.vector_load %arg8[%swap3A, %swap3A_174] {strides = array<i32>} : memref<320x64xf32, #tpu.memory_space<vmem>>, vector<16xf32>,
      tpu.vector_store %arg8[%swap3A, %swap3A_174], %mul3A_173 {strides = array<i32>} : memref<320x64xf32, #tpu.memory_space<vmem>>, vector<16xf32>,
      %get3A_176 = arith.index_cast %scan3A_167 : i32 to index
      %get3A_177 = arith.constant 16 : index
      %get3A_178 = tpu.vector_load %arg8[%get3A_176, %get3A_177] {strides = array<i32>} : memref<320x64xf32, #tpu.memory_space<vmem>>, vector<16xf32>,
      %mul3A_179 = arith.mulf %get3A_178, %gather3A : vector<16xf32>
      %swap3A_180 = arith.index_cast %scan3A_167 : i32 to index
      %swap3A_181 = arith.constant 16 : index
      %swap3A_182 = tpu.vector_load %arg8[%swap3A_180, %swap3A_181] {strides = array<i32>} : memref<320x64xf32, #tpu.memory_space<vmem>>, vector<16xf32>,
      tpu.vector_store %arg8[%swap3A_180, %swap3A_181], %mul3A_179 {strides = array<i32>} : memref<320x64xf32, #tpu.memory_space<vmem>>, vector<16xf32>,
      %get3A_183 = arith.index_cast %scan3A_167 : i32 to index
      %get3A_184 = arith.constant 32 : index
      %get3A_185 = tpu.vector_load %arg8[%get3A_183, %get3A_184] {strides = array<i32>} : memref<320x64xf32, #tpu.memory_space<vmem>>, vector<16xf32>,
      %mul3A_186 = arith.mulf %get3A_185, %gather3A : vector<16xf32>
      %swap3A_187 = arith.index_cast %scan3A_167 : i32 to index
      %swap3A_188 = arith.constant 32 : index
      %swap3A_189 = tpu.vector_load %arg8[%swap3A_187, %swap3A_188] {strides = array<i32>} : memref<320x64xf32, #tpu.memory_space<vmem>>, vector<16xf32>,
      tpu.vector_store %arg8[%swap3A_187, %swap3A_188], %mul3A_186 {strides = array<i32>} : memref<320x64xf32, #tpu.memory_space<vmem>>, vector<16xf32>,
      %get3A_190 = arith.index_cast %scan3A_167 : i32 to index
      %get3A_191 = arith.constant 48 : index
      %get3A_192 = tpu.vector_load %arg8[%get3A_190, %get3A_191] {strides = array<i32>} : memref<320x64xf32, #tpu.memory_space<vmem>>, vector<16xf32>,
      %mul3A_193 = arith.mulf %get3A_192, %gather3A : vector<16xf32>
      %swap3A_194 = arith.index_cast %scan3A_167 : i32 to index
      %swap3A_195 = arith.constant 48 : index
      %swap3A_196 = tpu.vector_load %arg8[%swap3A_194, %swap3A_195] {strides = array<i32>} : memref<320x64xf32, #tpu.memory_space<vmem>>, vector<16xf32>,
      tpu.vector_store %arg8[%swap3A_194, %swap3A_195], %mul3A_193 {strides = array<i32>} : memref<320x64xf32, #tpu.memory_space<vmem>>, vector<16xf32>,
      %scan3A_197 = arith.constant 0 : i32
      scf.yield %scan3A_197 : i32
    }
    %scan3A_136 = arith.constant 320 : i32
    %dma_start3A_137 = arith.constant 0 : i32
    %dma_start3A_138 = arith.constant 0 : i32
    %dma_start3A_139 = tpu.memref_slice %arg6[%add3A_86, %dma_start3A_137, %add3A_119, %dma_start3A_138] : memref<4x11x10240x64xf32, #tpu.memory_space<hbm>> -> memref<1x1x320x64xf32, #tpu.memory_space<hbm>>
    %dma_start3A_140 = tpu.memref_squeeze %dma_start3A_139 : memref<1x1x320x64xf32, #tpu.memory_space<hbm>> -> memref<320x64xf32, #tpu.memory_space<hbm>>
    %dma_start3A_141 = arith.constant 0 : i32
    %dma_start3A_142 = tpu.memref_slice %arg6[%add3A_86, %dma_start3A_137, %add3A_119, %dma_start3A_141] : memref<4x11x10240x64xf32, #tpu.memory_space<hbm>> -> memref<1x1x320x64xf32, #tpu.memory_space<hbm>>
    %dma_start3A_143 = tpu.memref_squeeze %dma_start3A_142 : memref<1x1x320x64xf32, #tpu.memory_space<hbm>> -> memref<320x64xf32, #tpu.memory_space<hbm>>
    tpu.enqueue_dma source(%arg8 : memref<320x64xf32, #tpu.memory_space<vmem>>) target(%dma_start3A_143 : memref<320x64xf32, #tpu.memory_space<hbm>>) target_semaphore(%arg14 : memref<!tpu.dma_semaphore, #tpu.memory_space<semaphore_mem>>)
    %dma_start3A_144 = arith.constant 0 : i32
    %dma_start3A_145 = tpu.memref_slice %arg7[%add3A_119, %dma_start3A_144] : memref<10240x64xf32, #tpu.memory_space<vmem_shared>> -> memref<320x64xf32, #tpu.memory_space<vmem_shared>>
    %dma_start3A_146 = arith.constant 0 : i32
    %dma_start3A_147 = tpu.memref_slice %arg7[%add3A_119, %dma_start3A_146] : memref<10240x64xf32, #tpu.memory_space<vmem_shared>> -> memref<320x64xf32, #tpu.memory_space<vmem_shared>>
    tpu.enqueue_dma source(%arg8 : memref<320x64xf32, #tpu.memory_space<vmem>>) target(%dma_start3A_147 : memref<320x64xf32, #tpu.memory_space<vmem_shared>>) target_semaphore(%arg15 : memref<!tpu.dma_semaphore, #tpu.memory_space<semaphore_mem>>)
    %dma_wait3A_148 = arith.constant 0 : i32
    %dma_wait3A_149 = tpu.memref_slice %arg7[%add3A_119, %dma_wait3A_148] : memref<10240x64xf32, #tpu.memory_space<vmem_shared>> -> memref<320x64xf32, #tpu.memory_space<vmem_shared>>
    %dma_wait3A_150 = arith.constant 0 : i32
    %dma_wait3A_151 = tpu.memref_slice %arg7[%add3A_119, %dma_wait3A_150] : memref<10240x64xf32, #tpu.memory_space<vmem_shared>> -> memref<320x64xf32, #tpu.memory_space<vmem_shared>>
    tpu.wait_dma2 semaphore(%arg15 : memref<!tpu.dma_semaphore, #tpu.memory_space<semaphore_mem>>) src(%arg8 : memref<320x64xf32, #tpu.memory_space<vmem>>) dst(%dma_wait3A_151 : memref<320x64xf32, #tpu.memory_space<vmem_shared>>)
    %dma_wait3A_152 = arith.constant 0 : i32
    %dma_wait3A_153 = arith.constant 0 : i32
    %dma_wait3A_154 = tpu.memref_slice %arg6[%add3A_86, %dma_wait3A_152, %add3A_119, %dma_wait3A_153] : memref<4x11x10240x64xf32, #tpu.memory_space<hbm>> -> memref<1x1x320x64xf32, #tpu.memory_space<hbm>>
    %dma_wait3A_155 = tpu.memref_squeeze %dma_wait3A_154 : memref<1x1x320x64xf32, #tpu.memory_space<hbm>> -> memref<320x64xf32, #tpu.memory_space<hbm>>
    %dma_wait3A_156 = arith.constant 0 : i32
    %dma_wait3A_157 = tpu.memref_slice %arg6[%add3A_86, %dma_wait3A_152, %add3A_119, %dma_wait3A_156] : memref<4x11x10240x64xf32, #tpu.memory_space<hbm>> -> memref<1x1x320x64xf32, #tpu.memory_space<hbm>>
    %dma_wait3A_158 = tpu.memref_squeeze %dma_wait3A_157 : memref<1x1x320x64xf32, #tpu.memory_space<hbm>> -> memref<320x64xf32, #tpu.memory_space<hbm>>
    tpu.wait_dma2 semaphore(%arg14 : memref<!tpu.dma_semaphore, #tpu.memory_space<semaphore_mem>>) src(%arg8 : memref<320x64xf32, #tpu.memory_space<vmem>>) dst(%dma_wait3A_158 : memref<320x64xf32, #tpu.memory_space<hbm>>)
    %barrier3A_159 = arith.constant 0 : index
    tpu.barrier barrier_id(%barrier3A_159)
    %scan3A_160 = arith.constant 0 : i32
    %scan3A_161 = arith.constant 0 : i32
    %scan3A_162 = arith.constant 10 : i32
    %scan3A_163 = arith.addi %scan3A_161, %scan3A_162 : i32
    %scan3A_164 = arith.constant 1 : i32
    %scan3A_165 = scf.for %scan3A_167 = %scan3A_161 to %scan3A_163 step %scan3A_164 iter_args(%scan3A_168 = %scan3A_160) -> (i32)  : i32 {
      %dma_start3A_169 = arith.constant 0 : i32
      %dma_start3A_170 = arith.constant 0 : i32
      %dma_start3A_171 = arith.constant 0 : i32
      %dma_start3A_172 = arith.constant 0 : i32
      %dma_start3A_173 = arith.constant 0 : i32
      %dma_start3A_174 = tpu.memref_slice %arg9[%dma_start3A_171, %dma_start3A_172, %dma_start3A_173] : memref<4x128x64xf32, #tpu.memory_space<vmem>> -> memref<1x128x64xf32, #tpu.memory_space<vmem>>
      %dma_start3A_175 = tpu.memref_squeeze %dma_start3A_174 : memref<1x128x64xf32, #tpu.memory_space<vmem>> -> memref<128x64xf32, #tpu.memory_space<vmem>>
      %dma_start3A_176 = arith.constant 0 : i32
      %dma_start3A_177 = tpu.memref_slice %arg10[%dma_start3A_169, %dma_start3A_170, %dma_start3A_176] : memref<80x1x128xi32, #tpu.memory_space<vmem>> -> memref<1x1x128xi32, #tpu.memory_space<vmem>>
      %dma_start3A_178 = tpu.memref_squeeze %dma_start3A_177 : memref<1x1x128xi32, #tpu.memory_space<vmem>> -> memref<128xi32, #tpu.memory_space<vmem>>
      %dma_start3A_179 = arith.constant 0 : i32
      %dma_start3A_180 = arith.constant 0 : i32
      %dma_start3A_181 = tpu.memref_slice %arg6[%add3A_86, %scan3A_167, %dma_start3A_179, %dma_start3A_180] : memref<4x11x10240x64xf32, #tpu.memory_space<hbm>> -> memref<1x1x10240x64xf32, #tpu.memory_space<hbm>>
      %dma_start3A_182 = tpu.memref_squeeze %dma_start3A_181 : memref<1x1x10240x64xf32, #tpu.memory_space<hbm>> -> memref<10240x64xf32, #tpu.memory_space<hbm>>
      %dma_start3A_183 = arith.constant 0 : i32
      %dma_start3A_184 = arith.constant 0 : i32
      %dma_start3A_185 = tpu.memref_slice %dma_start3A_182[%dma_start3A_183, %dma_start3A_184] : memref<10240x64xf32, #tpu.memory_space<hbm>> -> memref<10240x64xf32, #tpu.memory_space<hbm>>
      tpu.enqueue_indirect_dma source(%dma_start3A_185 : memref<10240x64xf32, #tpu.memory_space<hbm>>) target(%dma_start3A_175 : memref<128x64xf32, #tpu.memory_space<vmem>>) offsets(%dma_start3A_178 : memref<128xi32, #tpu.memory_space<vmem>>) semaphore(%arg14 : memref<!tpu.dma_semaphore, #tpu.memory_space<semaphore_mem>>)
      %dma_start3A_186 = arith.constant 1 : i32
      %dma_start3A_187 = arith.constant 0 : i32
      %dma_start3A_188 = arith.constant 1 : i32
      %dma_start3A_189 = arith.constant 0 : i32
      %dma_start3A_190 = arith.constant 0 : i32
      %dma_start3A_191 = tpu.memref_slice %arg9[%dma_start3A_188, %dma_start3A_189, %dma_start3A_190] : memref<4x128x64xf32, #tpu.memory_space<vmem>> -> memref<1x128x64xf32, #tpu.memory_space<vmem>>
      %dma_start3A_192 = tpu.memref_squeeze %dma_start3A_191 : memref<1x128x64xf32, #tpu.memory_space<vmem>> -> memref<128x64xf32, #tpu.memory_space<vmem>>
      %dma_start3A_193 = arith.constant 0 : i32
      %dma_start3A_194 = tpu.memref_slice %arg10[%dma_start3A_186, %dma_start3A_187, %dma_start3A_193] : memref<80x1x128xi32, #tpu.memory_space<vmem>> -> memref<1x1x128xi32, #tpu.memory_space<vmem>>
      %dma_start3A_195 = tpu.memref_squeeze %dma_start3A_194 : memref<1x1x128xi32, #tpu.memory_space<vmem>> -> memref<128xi32, #tpu.memory_space<vmem>>
      %dma_start3A_196 = arith.constant 0 : i32
      %dma_start3A_197 = arith.constant 0 : i32
      %dma_start3A_198 = tpu.memref_slice %arg6[%add3A_86, %scan3A_167, %dma_start3A_196, %dma_start3A_197] : memref<4x11x10240x64xf32, #tpu.memory_space<hbm>> -> memref<1x1x10240x64xf32, #tpu.memory_space<hbm>>
      %dma_start3A_199 = tpu.memref_squeeze %dma_start3A_198 : memref<1x1x10240x64xf32, #tpu.memory_space<hbm>> -> memref<10240x64xf32, #tpu.memory_space<hbm>>
      %dma_start3A_200 = arith.constant 0 : i32
      %dma_start3A_201 = arith.constant 0 : i32
      %dma_start3A_202 = tpu.memref_slice %dma_start3A_199[%dma_start3A_200, %dma_start3A_201] : memref<10240x64xf32, #tpu.memory_space<hbm>> -> memref<10240x64xf32, #tpu.memory_space<hbm>>
      tpu.enqueue_indirect_dma source(%dma_start3A_202 : memref<10240x64xf32, #tpu.memory_space<hbm>>) target(%dma_start3A_192 : memref<128x64xf32, #tpu.memory_space<vmem>>) offsets(%dma_start3A_195 : memref<128xi32, #tpu.memory_space<vmem>>) semaphore(%arg14 : memref<!tpu.dma_semaphore, #tpu.memory_space<semaphore_mem>>)
      %dma_start3A_203 = arith.constant 2 : i32
      %dma_start3A_204 = arith.constant 0 : i32
      %dma_start3A_205 = arith.constant 2 : i32
      %dma_start3A_206 = arith.constant 0 : i32
      %dma_start3A_207 = arith.constant 0 : i32
      %dma_start3A_208 = tpu.memref_slice %arg9[%dma_start3A_205, %dma_start3A_206, %dma_start3A_207] : memref<4x128x64xf32, #tpu.memory_space<vmem>> -> memref<1x128x64xf32, #tpu.memory_space<vmem>>
      %dma_start3A_209 = tpu.memref_squeeze %dma_start3A_208 : memref<1x128x64xf32, #tpu.memory_space<vmem>> -> memref<128x64xf32, #tpu.memory_space<vmem>>
      %dma_start3A_210 = arith.constant 0 : i32
      %dma_start3A_211 = tpu.memref_slice %arg10[%dma_start3A_203, %dma_start3A_204, %dma_start3A_210] : memref<80x1x128xi32, #tpu.memory_space<vmem>> -> memref<1x1x128xi32, #tpu.memory_space<vmem>>
      %dma_start3A_212 = tpu.memref_squeeze %dma_start3A_211 : memref<1x1x128xi32, #tpu.memory_space<vmem>> -> memref<128xi32, #tpu.memory_space<vmem>>
      %dma_start3A_213 = arith.constant 0 : i32
      %dma_start3A_214 = arith.constant 0 : i32
      %dma_start3A_215 = tpu.memref_slice %arg6[%add3A_86, %scan3A_167, %dma_start3A_213, %dma_start3A_214] : memref<4x11x10240x64xf32, #tpu.memory_space<hbm>> -> memref<1x1x10240x64xf32, #tpu.memory_space<hbm>>
      %dma_start3A_216 = tpu.memref_squeeze %dma_start3A_215 : memref<1x1x10240x64xf32, #tpu.memory_space<hbm>> -> memref<10240x64xf32, #tpu.memory_space<hbm>>
      %dma_start3A_217 = arith.constant 0 : i32
      %dma_start3A_218 = arith.constant 0 : i32
      %dma_start3A_219 = tpu.memref_slice %dma_start3A_216[%dma_start3A_217, %dma_start3A_218] : memref<10240x64xf32, #tpu.memory_space<hbm>> -> memref<10240x64xf32, #tpu.memory_space<hbm>>
      tpu.enqueue_indirect_dma source(%dma_start3A_219 : memref<10240x64xf32, #tpu.memory_space<hbm>>) target(%dma_start3A_209 : memref<128x64xf32, #tpu.memory_space<vmem>>) offsets(%dma_start3A_212 : memref<128xi32, #tpu.memory_space<vmem>>) semaphore(%arg15 : memref<!tpu.dma_semaphore, #tpu.memory_space<semaphore_mem>>)
      %dma_start3A_220 = arith.constant 3 : i32
      %dma_start3A_221 = arith.constant 0 : i32
      %dma_start3A_222 = arith.constant 3 : i32
      %dma_start3A_223 = arith.constant 0 : i32
      %dma_start3A_224 = arith.constant 0 : i32
      %dma_start3A_225 = tpu.memref_slice %arg9[%dma_start3A_222, %dma_start3A_223, %dma_start3A_224] : memref<4x128x64xf32, #tpu.memory_space<vmem>> -> memref<1x128x64xf32, #tpu.memory_space<vmem>>
      %dma_start3A_226 = tpu.memref_squeeze %dma_start3A_225 : memref<1x128x64xf32, #tpu.memory_space<vmem>> -> memref<128x64xf32, #tpu.memory_space<vmem>>
      %dma_start3A_227 = arith.constant 0 : i32
      %dma_start3A_228 = tpu.memref_slice %arg10[%dma_start3A_220, %dma_start3A_221, %dma_start3A_227] : memref<80x1x128xi32, #tpu.memory_space<vmem>> -> memref<1x1x128xi32, #tpu.memory_space<vmem>>
      %dma_start3A_229 = tpu.memref_squeeze %dma_start3A_228 : memref<1x1x128xi32, #tpu.memory_space<vmem>> -> memref<128xi32, #tpu.memory_space<vmem>>
      %dma_start3A_230 = arith.constant 0 : i32
      %dma_start3A_231 = arith.constant 0 : i32
      %dma_start3A_232 = tpu.memref_slice %arg6[%add3A_86, %scan3A_167, %dma_start3A_230, %dma_start3A_231] : memref<4x11x10240x64xf32, #tpu.memory_space<hbm>> -> memref<1x1x10240x64xf32, #tpu.memory_space<hbm>>
      %dma_start3A_233 = tpu.memref_squeeze %dma_start3A_232 : memref<1x1x10240x64xf32, #tpu.memory_space<hbm>> -> memref<10240x64xf32, #tpu.memory_space<hbm>>
      %dma_start3A_234 = arith.constant 0 : i32
      %dma_start3A_235 = arith.constant 0 : i32
      %dma_start3A_236 = tpu.memref_slice %dma_start3A_233[%dma_start3A_234, %dma_start3A_235] : memref<10240x64xf32, #tpu.memory_space<hbm>> -> memref<10240x64xf32, #tpu.memory_space<hbm>>
      tpu.enqueue_indirect_dma source(%dma_start3A_236 : memref<10240x64xf32, #tpu.memory_space<hbm>>) target(%dma_start3A_226 : memref<128x64xf32, #tpu.memory_space<vmem>>) offsets(%dma_start3A_229 : memref<128xi32, #tpu.memory_space<vmem>>) semaphore(%arg15 : memref<!tpu.dma_semaphore, #tpu.memory_space<semaphore_mem>>)
      %scan3A_237 = arith.constant 0 : i32
      %scan3A_238 = arith.constant 0 : i32
      %scan3A_239 = arith.constant 20 : i32
      %scan3A_240 = arith.addi %scan3A_238, %scan3A_239 : i32
      %scan3A_241 = arith.constant 1 : i32
      %scan3A_242 = scf.for %scan3A_307 = %scan3A_238 to %scan3A_240 step %scan3A_241 iter_args(%scan3A_308 = %scan3A_237) -> (i32)  : i32 {
        %mul3A_309 = arith.constant 4 : i32
        %mul3A_310 = arith.muli %mul3A_309, %scan3A_307 : i32
        %dma_wait3A_311 = arith.constant 0 : i32
        %dma_wait3A_312 = arith.constant 0 : i32
        %dma_wait3A_313 = arith.constant 0 : i32
        %dma_wait3A_314 = arith.constant 0 : i32
        %dma_wait3A_315 = tpu.memref_slice %arg9[%dma_wait3A_312, %dma_wait3A_313, %dma_wait3A_314] : memref<4x128x64xf32, #tpu.memory_space<vmem>> -> memref<1x128x64xf32, #tpu.memory_space<vmem>>
        %dma_wait3A_316 = tpu.memref_squeeze %dma_wait3A_315 : memref<1x128x64xf32, #tpu.memory_space<vmem>> -> memref<128x64xf32, #tpu.memory_space<vmem>>
        %dma_wait3A_317 = arith.constant 0 : i32
        %dma_wait3A_318 = tpu.memref_slice %arg10[%mul3A_310, %dma_wait3A_311, %dma_wait3A_317] : memref<80x1x128xi32, #tpu.memory_space<vmem>> -> memref<1x1x128xi32, #tpu.memory_space<vmem>>
        %dma_wait3A_319 = tpu.memref_squeeze %dma_wait3A_318 : memref<1x1x128xi32, #tpu.memory_space<vmem>> -> memref<128xi32, #tpu.memory_space<vmem>>
        %dma_wait3A_320 = arith.constant 0 : i32
        %dma_wait3A_321 = arith.constant 0 : i32
        %dma_wait3A_322 = tpu.memref_slice %arg6[%add3A_86, %scan3A_167, %dma_wait3A_320, %dma_wait3A_321] : memref<4x11x10240x64xf32, #tpu.memory_space<hbm>> -> memref<1x1x10240x64xf32, #tpu.memory_space<hbm>>
        %dma_wait3A_323 = tpu.memref_squeeze %dma_wait3A_322 : memref<1x1x10240x64xf32, #tpu.memory_space<hbm>> -> memref<10240x64xf32, #tpu.memory_space<hbm>>
        %dma_wait3A_324 = arith.constant 0 : i32
        %dma_wait3A_325 = arith.constant 0 : i32
        %dma_wait3A_326 = tpu.memref_slice %dma_wait3A_323[%dma_wait3A_324, %dma_wait3A_325] : memref<10240x64xf32, #tpu.memory_space<hbm>> -> memref<10240x64xf32, #tpu.memory_space<hbm>>
        tpu.wait_indirect_dma semaphore(%arg14 : memref<!tpu.dma_semaphore, #tpu.memory_space<semaphore_mem>>) src(%dma_wait3A_326 : memref<10240x64xf32, #tpu.memory_space<hbm>>) dst(%dma_wait3A_316 : memref<128x64xf32, #tpu.memory_space<vmem>>)
        %add3A_327 = arith.constant 1 : i32
        %add3A_328 = arith.addi %mul3A_310, %add3A_327 : i32
        %dma_wait3A_329 = arith.constant 0 : i32
        %dma_wait3A_330 = arith.constant 1 : i32
        %dma_wait3A_331 = arith.constant 0 : i32
        %dma_wait3A_332 = arith.constant 0 : i32
        %dma_wait3A_333 = tpu.memref_slice %arg9[%dma_wait3A_330, %dma_wait3A_331, %dma_wait3A_332] : memref<4x128x64xf32, #tpu.memory_space<vmem>> -> memref<1x128x64xf32, #tpu.memory_space<vmem>>
        %dma_wait3A_334 = tpu.memref_squeeze %dma_wait3A_333 : memref<1x128x64xf32, #tpu.memory_space<vmem>> -> memref<128x64xf32, #tpu.memory_space<vmem>>
        %dma_wait3A_335 = arith.constant 0 : i32
        %dma_wait3A_336 = tpu.memref_slice %arg10[%add3A_328, %dma_wait3A_329, %dma_wait3A_335] : memref<80x1x128xi32, #tpu.memory_space<vmem>> -> memref<1x1x128xi32, #tpu.memory_space<vmem>>
        %dma_wait3A_337 = tpu.memref_squeeze %dma_wait3A_336 : memref<1x1x128xi32, #tpu.memory_space<vmem>> -> memref<128xi32, #tpu.memory_space<vmem>>
        %dma_wait3A_338 = arith.constant 0 : i32
        %dma_wait3A_339 = arith.constant 0 : i32
        %dma_wait3A_340 = tpu.memref_slice %arg6[%add3A_86, %scan3A_167, %dma_wait3A_338, %dma_wait3A_339] : memref<4x11x10240x64xf32, #tpu.memory_space<hbm>> -> memref<1x1x10240x64xf32, #tpu.memory_space<hbm>>
        %dma_wait3A_341 = tpu.memref_squeeze %dma_wait3A_340 : memref<1x1x10240x64xf32, #tpu.memory_space<hbm>> -> memref<10240x64xf32, #tpu.memory_space<hbm>>
        %dma_wait3A_342 = arith.constant 0 : i32
        %dma_wait3A_343 = arith.constant 0 : i32
        %dma_wait3A_344 = tpu.memref_slice %dma_wait3A_341[%dma_wait3A_342, %dma_wait3A_343] : memref<10240x64xf32, #tpu.memory_space<hbm>> -> memref<10240x64xf32, #tpu.memory_space<hbm>>
        tpu.wait_indirect_dma semaphore(%arg14 : memref<!tpu.dma_semaphore, #tpu.memory_space<semaphore_mem>>) src(%dma_wait3A_344 : memref<10240x64xf32, #tpu.memory_space<hbm>>) dst(%dma_wait3A_334 : memref<128x64xf32, #tpu.memory_space<vmem>>)
        %run_scoped3A = arith.constant 0 : i32
        %run_scoped3A_345 = arith.constant 0 : i32
        "tpu.region"() ({
          %run_scoped3A_409 = tpu.sem_alloc : memref<!tpu.dma_semaphore, #tpu.memory_space<semaphore_mem>>
          %dma_start3A_410 = arith.constant 0 : i32
          %dma_start3A_411 = arith.constant 0 : i32
          %dma_start3A_412 = tpu.memref_slice %arg9[%run_scoped3A, %dma_start3A_410, %dma_start3A_411] : memref<4x128x64xf32, #tpu.memory_space<vmem>> -> memref<1x128x64xf32, #tpu.memory_space<vmem>>
          %dma_start3A_413 = tpu.memref_squeeze %dma_start3A_412 : memref<1x128x64xf32, #tpu.memory_space<vmem>> -> memref<128x64xf32, #tpu.memory_space<vmem>>
          %dma_start3A_414 = arith.constant 0 : i32
          %dma_start3A_415 = tpu.memref_slice %arg11[%mul3A_310, %run_scoped3A_345, %dma_start3A_414] : memref<80x1x128xi32, #tpu.memory_space<vmem>> -> memref<1x1x128xi32, #tpu.memory_space<vmem>>
          %dma_start3A_416 = tpu.memref_squeeze %dma_start3A_415 : memref<1x1x128xi32, #tpu.memory_space<vmem>> -> memref<128xi32, #tpu.memory_space<vmem>>
          %dma_start3A_417 = arith.constant 0 : i32
          %dma_start3A_418 = arith.constant 0 : i32
          %dma_start3A_419 = tpu.memref_slice %arg7[%dma_start3A_417, %dma_start3A_418] : memref<10240x64xf32, #tpu.memory_space<vmem_shared>> -> memref<10240x64xf32, #tpu.memory_space<vmem_shared>>
          tpu.enqueue_indirect_dma source(%dma_start3A_413 : memref<128x64xf32, #tpu.memory_space<vmem>>) target(%dma_start3A_419 : memref<10240x64xf32, #tpu.memory_space<vmem_shared>>) offsets(%dma_start3A_416 : memref<128xi32, #tpu.memory_space<vmem>>) semaphore(%run_scoped3A_409 : memref<!tpu.dma_semaphore, #tpu.memory_space<semaphore_mem>>) {add = true}
          %dma_wait3A_420 = arith.constant 0 : i32
          %dma_wait3A_421 = arith.constant 0 : i32
          %dma_wait3A_422 = tpu.memref_slice %arg9[%run_scoped3A, %dma_wait3A_420, %dma_wait3A_421] : memref<4x128x64xf32, #tpu.memory_space<vmem>> -> memref<1x128x64xf32, #tpu.memory_space<vmem>>
          %dma_wait3A_423 = tpu.memref_squeeze %dma_wait3A_422 : memref<1x128x64xf32, #tpu.memory_space<vmem>> -> memref<128x64xf32, #tpu.memory_space<vmem>>
          %dma_wait3A_424 = arith.constant 0 : i32
          %dma_wait3A_425 = tpu.memref_slice %arg11[%mul3A_310, %run_scoped3A_345, %dma_wait3A_424] : memref<80x1x128xi32, #tpu.memory_space<vmem>> -> memref<1x1x128xi32, #tpu.memory_space<vmem>>
          %dma_wait3A_426 = tpu.memref_squeeze %dma_wait3A_425 : memref<1x1x128xi32, #tpu.memory_space<vmem>> -> memref<128xi32, #tpu.memory_space<vmem>>
          %dma_wait3A_427 = arith.constant 0 : i32
          %dma_wait3A_428 = arith.constant 0 : i32
          %dma_wait3A_429 = tpu.memref_slice %arg7[%dma_wait3A_427, %dma_wait3A_428] : memref<10240x64xf32, #tpu.memory_space<vmem_shared>> -> memref<10240x64xf32, #tpu.memory_space<vmem_shared>>
          tpu.wait_indirect_dma semaphore(%run_scoped3A_409 : memref<!tpu.dma_semaphore, #tpu.memory_space<semaphore_mem>>) src(%dma_wait3A_423 : memref<128x64xf32, #tpu.memory_space<vmem>>) dst(%dma_wait3A_429 : memref<10240x64xf32, #tpu.memory_space<vmem_shared>>)
          tpu.yield
        }) : () -> ()
        %add3A_346 = arith.constant 1 : i32
        %add3A_347 = arith.addi %mul3A_310, %add3A_346 : i32
        %run_scoped3A_348 = arith.constant 1 : i32
        %run_scoped3A_349 = arith.constant 0 : i32
        "tpu.region"() ({
          %run_scoped3A_409 = tpu.sem_alloc : memref<!tpu.dma_semaphore, #tpu.memory_space<semaphore_mem>>
          %dma_start3A_410 = arith.constant 0 : i32
          %dma_start3A_411 = arith.constant 0 : i32
          %dma_start3A_412 = tpu.memref_slice %arg9[%run_scoped3A_348, %dma_start3A_410, %dma_start3A_411] : memref<4x128x64xf32, #tpu.memory_space<vmem>> -> memref<1x128x64xf32, #tpu.memory_space<vmem>>
          %dma_start3A_413 = tpu.memref_squeeze %dma_start3A_412 : memref<1x128x64xf32, #tpu.memory_space<vmem>> -> memref<128x64xf32, #tpu.memory_space<vmem>>
          %dma_start3A_414 = arith.constant 0 : i32
          %dma_start3A_415 = tpu.memref_slice %arg11[%add3A_347, %run_scoped3A_349, %dma_start3A_414] : memref<80x1x128xi32, #tpu.memory_space<vmem>> -> memref<1x1x128xi32, #tpu.memory_space<vmem>>
          %dma_start3A_416 = tpu.memref_squeeze %dma_start3A_415 : memref<1x1x128xi32, #tpu.memory_space<vmem>> -> memref<128xi32, #tpu.memory_space<vmem>>
          %dma_start3A_417 = arith.constant 0 : i32
          %dma_start3A_418 = arith.constant 0 : i32
          %dma_start3A_419 = tpu.memref_slice %arg7[%dma_start3A_417, %dma_start3A_418] : memref<10240x64xf32, #tpu.memory_space<vmem_shared>> -> memref<10240x64xf32, #tpu.memory_space<vmem_shared>>
          tpu.enqueue_indirect_dma source(%dma_start3A_413 : memref<128x64xf32, #tpu.memory_space<vmem>>) target(%dma_start3A_419 : memref<10240x64xf32, #tpu.memory_space<vmem_shared>>) offsets(%dma_start3A_416 : memref<128xi32, #tpu.memory_space<vmem>>) semaphore(%run_scoped3A_409 : memref<!tpu.dma_semaphore, #tpu.memory_space<semaphore_mem>>) {add = true}
          %dma_wait3A_420 = arith.constant 0 : i32
          %dma_wait3A_421 = arith.constant 0 : i32
          %dma_wait3A_422 = tpu.memref_slice %arg9[%run_scoped3A_348, %dma_wait3A_420, %dma_wait3A_421] : memref<4x128x64xf32, #tpu.memory_space<vmem>> -> memref<1x128x64xf32, #tpu.memory_space<vmem>>
          %dma_wait3A_423 = tpu.memref_squeeze %dma_wait3A_422 : memref<1x128x64xf32, #tpu.memory_space<vmem>> -> memref<128x64xf32, #tpu.memory_space<vmem>>
          %dma_wait3A_424 = arith.constant 0 : i32
          %dma_wait3A_425 = tpu.memref_slice %arg11[%add3A_347, %run_scoped3A_349, %dma_wait3A_424] : memref<80x1x128xi32, #tpu.memory_space<vmem>> -> memref<1x1x128xi32, #tpu.memory_space<vmem>>
          %dma_wait3A_426 = tpu.memref_squeeze %dma_wait3A_425 : memref<1x1x128xi32, #tpu.memory_space<vmem>> -> memref<128xi32, #tpu.memory_space<vmem>>
          %dma_wait3A_427 = arith.constant 0 : i32
          %dma_wait3A_428 = arith.constant 0 : i32
          %dma_wait3A_429 = tpu.memref_slice %arg7[%dma_wait3A_427, %dma_wait3A_428] : memref<10240x64xf32, #tpu.memory_space<vmem_shared>> -> memref<10240x64xf32, #tpu.memory_space<vmem_shared>>
          tpu.wait_indirect_dma semaphore(%run_scoped3A_409 : memref<!tpu.dma_semaphore, #tpu.memory_space<semaphore_mem>>) src(%dma_wait3A_423 : memref<128x64xf32, #tpu.memory_space<vmem>>) dst(%dma_wait3A_429 : memref<10240x64xf32, #tpu.memory_space<vmem_shared>>)
          tpu.yield
        }) : () -> ()
        %add3A_350 = arith.constant 4 : i32
        %add3A_351 = arith.addi %mul3A_310, %add3A_350 : i32
        %lt3A_352 = arith.constant 80 : i32
        %lt3A_353 = arith.cmpi slt, %add3A_351, %lt3A_352 : i32
        %convert_element_type3A_354 = arith.extui %lt3A_353 : i1 to i32
        %cond3A_355 = arith.constant 0 : i32
        %cond3A_356 = arith.cmpi ne, %convert_element_type3A_354, %cond3A_355 : i32
        scf.if %cond3A_356 {
          %add3A_409 = arith.constant 4 : i32
          %add3A_410 = arith.addi %mul3A_310, %add3A_409 : i32
          %dma_start3A_411 = arith.constant 0 : i32
          %dma_start3A_412 = arith.constant 0 : i32
          %dma_start3A_413 = arith.constant 0 : i32
          %dma_start3A_414 = arith.constant 0 : i32
          %dma_start3A_415 = tpu.memref_slice %arg9[%dma_start3A_412, %dma_start3A_413, %dma_start3A_414] : memref<4x128x64xf32, #tpu.memory_space<vmem>> -> memref<1x128x64xf32, #tpu.memory_space<vmem>>
          %dma_start3A_416 = tpu.memref_squeeze %dma_start3A_415 : memref<1x128x64xf32, #tpu.memory_space<vmem>> -> memref<128x64xf32, #tpu.memory_space<vmem>>
          %dma_start3A_417 = arith.constant 0 : i32
          %dma_start3A_418 = tpu.memref_slice %arg10[%add3A_410, %dma_start3A_411, %dma_start3A_417] : memref<80x1x128xi32, #tpu.memory_space<vmem>> -> memref<1x1x128xi32, #tpu.memory_space<vmem>>
          %dma_start3A_419 = tpu.memref_squeeze %dma_start3A_418 : memref<1x1x128xi32, #tpu.memory_space<vmem>> -> memref<128xi32, #tpu.memory_space<vmem>>
          %dma_start3A_420 = arith.constant 0 : i32
          %dma_start3A_421 = arith.constant 0 : i32
          %dma_start3A_422 = tpu.memref_slice %arg6[%add3A_86, %scan3A_167, %dma_start3A_420, %dma_start3A_421] : memref<4x11x10240x64xf32, #tpu.memory_space<hbm>> -> memref<1x1x10240x64xf32, #tpu.memory_space<hbm>>
          %dma_start3A_423 = tpu.memref_squeeze %dma_start3A_422 : memref<1x1x10240x64xf32, #tpu.memory_space<hbm>> -> memref<10240x64xf32, #tpu.memory_space<hbm>>
          %dma_start3A_424 = arith.constant 0 : i32
          %dma_start3A_425 = arith.constant 0 : i32
          %dma_start3A_426 = tpu.memref_slice %dma_start3A_423[%dma_start3A_424, %dma_start3A_425] : memref<10240x64xf32, #tpu.memory_space<hbm>> -> memref<10240x64xf32, #tpu.memory_space<hbm>>
          tpu.enqueue_indirect_dma source(%dma_start3A_426 : memref<10240x64xf32, #tpu.memory_space<hbm>>) target(%dma_start3A_416 : memref<128x64xf32, #tpu.memory_space<vmem>>) offsets(%dma_start3A_419 : memref<128xi32, #tpu.memory_space<vmem>>) semaphore(%arg14 : memref<!tpu.dma_semaphore, #tpu.memory_space<semaphore_mem>>)
          %add3A_427 = arith.constant 5 : i32
          %add3A_428 = arith.addi %mul3A_310, %add3A_427 : i32
          %dma_start3A_429 = arith.constant 0 : i32
          %dma_start3A_430 = arith.constant 1 : i32
          %dma_start3A_431 = arith.constant 0 : i32
          %dma_start3A_432 = arith.constant 0 : i32
          %dma_start3A_433 = tpu.memref_slice %arg9[%dma_start3A_430, %dma_start3A_431, %dma_start3A_432] : memref<4x128x64xf32, #tpu.memory_space<vmem>> -> memref<1x128x64xf32, #tpu.memory_space<vmem>>
          %dma_start3A_434 = tpu.memref_squeeze %dma_start3A_433 : memref<1x128x64xf32, #tpu.memory_space<vmem>> -> memref<128x64xf32, #tpu.memory_space<vmem>>
          %dma_start3A_435 = arith.constant 0 : i32
          %dma_start3A_436 = tpu.memref_slice %arg10[%add3A_428, %dma_start3A_429, %dma_start3A_435] : memref<80x1x128xi32, #tpu.memory_space<vmem>> -> memref<1x1x128xi32, #tpu.memory_space<vmem>>
          %dma_start3A_437 = tpu.memref_squeeze %dma_start3A_436 : memref<1x1x128xi32, #tpu.memory_space<vmem>> -> memref<128xi32, #tpu.memory_space<vmem>>
          %dma_start3A_438 = arith.constant 0 : i32
          %dma_start3A_439 = arith.constant 0 : i32
          %dma_start3A_440 = tpu.memref_slice %arg6[%add3A_86, %scan3A_167, %dma_start3A_438, %dma_start3A_439] : memref<4x11x10240x64xf32, #tpu.memory_space<hbm>> -> memref<1x1x10240x64xf32, #tpu.memory_space<hbm>>
          %dma_start3A_441 = tpu.memref_squeeze %dma_start3A_440 : memref<1x1x10240x64xf32, #tpu.memory_space<hbm>> -> memref<10240x64xf32, #tpu.memory_space<hbm>>
          %dma_start3A_442 = arith.constant 0 : i32
          %dma_start3A_443 = arith.constant 0 : i32
          %dma_start3A_444 = tpu.memref_slice %dma_start3A_441[%dma_start3A_442, %dma_start3A_443] : memref<10240x64xf32, #tpu.memory_space<hbm>> -> memref<10240x64xf32, #tpu.memory_space<hbm>>
          tpu.enqueue_indirect_dma source(%dma_start3A_444 : memref<10240x64xf32, #tpu.memory_space<hbm>>) target(%dma_start3A_434 : memref<128x64xf32, #tpu.memory_space<vmem>>) offsets(%dma_start3A_437 : memref<128xi32, #tpu.memory_space<vmem>>) semaphore(%arg14 : memref<!tpu.dma_semaphore, #tpu.memory_space<semaphore_mem>>)
        } else {
        }
        %add3A_357 = arith.constant 2 : i32
        %add3A_358 = arith.addi %mul3A_310, %add3A_357 : i32
        %dma_wait3A_359 = arith.constant 0 : i32
        %dma_wait3A_360 = arith.constant 2 : i32
        %dma_wait3A_361 = arith.constant 0 : i32
        %dma_wait3A_362 = arith.constant 0 : i32
        %dma_wait3A_363 = tpu.memref_slice %arg9[%dma_wait3A_360, %dma_wait3A_361, %dma_wait3A_362] : memref<4x128x64xf32, #tpu.memory_space<vmem>> -> memref<1x128x64xf32, #tpu.memory_space<vmem>>
        %dma_wait3A_364 = tpu.memref_squeeze %dma_wait3A_363 : memref<1x128x64xf32, #tpu.memory_space<vmem>> -> memref<128x64xf32, #tpu.memory_space<vmem>>
        %dma_wait3A_365 = arith.constant 0 : i32
        %dma_wait3A_366 = tpu.memref_slice %arg10[%add3A_358, %dma_wait3A_359, %dma_wait3A_365] : memref<80x1x128xi32, #tpu.memory_space<vmem>> -> memref<1x1x128xi32, #tpu.memory_space<vmem>>
        %dma_wait3A_367 = tpu.memref_squeeze %dma_wait3A_366 : memref<1x1x128xi32, #tpu.memory_space<vmem>> -> memref<128xi32, #tpu.memory_space<vmem>>
        %dma_wait3A_368 = arith.constant 0 : i32
        %dma_wait3A_369 = arith.constant 0 : i32
        %dma_wait3A_370 = tpu.memref_slice %arg6[%add3A_86, %scan3A_167, %dma_wait3A_368, %dma_wait3A_369] : memref<4x11x10240x64xf32, #tpu.memory_space<hbm>> -> memref<1x1x10240x64xf32, #tpu.memory_space<hbm>>
        %dma_wait3A_371 = tpu.memref_squeeze %dma_wait3A_370 : memref<1x1x10240x64xf32, #tpu.memory_space<hbm>> -> memref<10240x64xf32, #tpu.memory_space<hbm>>
        %dma_wait3A_372 = arith.constant 0 : i32
        %dma_wait3A_373 = arith.constant 0 : i32
        %dma_wait3A_374 = tpu.memref_slice %dma_wait3A_371[%dma_wait3A_372, %dma_wait3A_373] : memref<10240x64xf32, #tpu.memory_space<hbm>> -> memref<10240x64xf32, #tpu.memory_space<hbm>>
        tpu.wait_indirect_dma semaphore(%arg15 : memref<!tpu.dma_semaphore, #tpu.memory_space<semaphore_mem>>) src(%dma_wait3A_374 : memref<10240x64xf32, #tpu.memory_space<hbm>>) dst(%dma_wait3A_364 : memref<128x64xf32, #tpu.memory_space<vmem>>)
        %add3A_375 = arith.constant 3 : i32
        %add3A_376 = arith.addi %mul3A_310, %add3A_375 : i32
        %dma_wait3A_377 = arith.constant 0 : i32
        %dma_wait3A_378 = arith.constant 3 : i32
        %dma_wait3A_379 = arith.constant 0 : i32
        %dma_wait3A_380 = arith.constant 0 : i32
        %dma_wait3A_381 = tpu.memref_slice %arg9[%dma_wait3A_378, %dma_wait3A_379, %dma_wait3A_380] : memref<4x128x64xf32, #tpu.memory_space<vmem>> -> memref<1x128x64xf32, #tpu.memory_space<vmem>>
        %dma_wait3A_382 = tpu.memref_squeeze %dma_wait3A_381 : memref<1x128x64xf32, #tpu.memory_space<vmem>> -> memref<128x64xf32, #tpu.memory_space<vmem>>
        %dma_wait3A_383 = arith.constant 0 : i32
        %dma_wait3A_384 = tpu.memref_slice %arg10[%add3A_376, %dma_wait3A_377, %dma_wait3A_383] : memref<80x1x128xi32, #tpu.memory_space<vmem>> -> memref<1x1x128xi32, #tpu.memory_space<vmem>>
        %dma_wait3A_385 = tpu.memref_squeeze %dma_wait3A_384 : memref<1x1x128xi32, #tpu.memory_space<vmem>> -> memref<128xi32, #tpu.memory_space<vmem>>
        %dma_wait3A_386 = arith.constant 0 : i32
        %dma_wait3A_387 = arith.constant 0 : i32
        %dma_wait3A_388 = tpu.memref_slice %arg6[%add3A_86, %scan3A_167, %dma_wait3A_386, %dma_wait3A_387] : memref<4x11x10240x64xf32, #tpu.memory_space<hbm>> -> memref<1x1x10240x64xf32, #tpu.memory_space<hbm>>
        %dma_wait3A_389 = tpu.memref_squeeze %dma_wait3A_388 : memref<1x1x10240x64xf32, #tpu.memory_space<hbm>> -> memref<10240x64xf32, #tpu.memory_space<hbm>>
        %dma_wait3A_390 = arith.constant 0 : i32
        %dma_wait3A_391 = arith.constant 0 : i32
        %dma_wait3A_392 = tpu.memref_slice %dma_wait3A_389[%dma_wait3A_390, %dma_wait3A_391] : memref<10240x64xf32, #tpu.memory_space<hbm>> -> memref<10240x64xf32, #tpu.memory_space<hbm>>
        tpu.wait_indirect_dma semaphore(%arg15 : memref<!tpu.dma_semaphore, #tpu.memory_space<semaphore_mem>>) src(%dma_wait3A_392 : memref<10240x64xf32, #tpu.memory_space<hbm>>) dst(%dma_wait3A_382 : memref<128x64xf32, #tpu.memory_space<vmem>>)
        %add3A_393 = arith.constant 2 : i32
        %add3A_394 = arith.addi %mul3A_310, %add3A_393 : i32
        %run_scoped3A_395 = arith.constant 2 : i32
        %run_scoped3A_396 = arith.constant 0 : i32
        "tpu.region"() ({
          %run_scoped3A_409 = tpu.sem_alloc : memref<!tpu.dma_semaphore, #tpu.memory_space<semaphore_mem>>
          %dma_start3A_410 = arith.constant 0 : i32
          %dma_start3A_411 = arith.constant 0 : i32
          %dma_start3A_412 = tpu.memref_slice %arg9[%run_scoped3A_395, %dma_start3A_410, %dma_start3A_411] : memref<4x128x64xf32, #tpu.memory_space<vmem>> -> memref<1x128x64xf32, #tpu.memory_space<vmem>>
          %dma_start3A_413 = tpu.memref_squeeze %dma_start3A_412 : memref<1x128x64xf32, #tpu.memory_space<vmem>> -> memref<128x64xf32, #tpu.memory_space<vmem>>
          %dma_start3A_414 = arith.constant 0 : i32
          %dma_start3A_415 = tpu.memref_slice %arg11[%add3A_394, %run_scoped3A_396, %dma_start3A_414] : memref<80x1x128xi32, #tpu.memory_space<vmem>> -> memref<1x1x128xi32, #tpu.memory_space<vmem>>
          %dma_start3A_416 = tpu.memref_squeeze %dma_start3A_415 : memref<1x1x128xi32, #tpu.memory_space<vmem>> -> memref<128xi32, #tpu.memory_space<vmem>>
          %dma_start3A_417 = arith.constant 0 : i32
          %dma_start3A_418 = arith.constant 0 : i32
          %dma_start3A_419 = tpu.memref_slice %arg7[%dma_start3A_417, %dma_start3A_418] : memref<10240x64xf32, #tpu.memory_space<vmem_shared>> -> memref<10240x64xf32, #tpu.memory_space<vmem_shared>>
          tpu.enqueue_indirect_dma source(%dma_start3A_413 : memref<128x64xf32, #tpu.memory_space<vmem>>) target(%dma_start3A_419 : memref<10240x64xf32, #tpu.memory_space<vmem_shared>>) offsets(%dma_start3A_416 : memref<128xi32, #tpu.memory_space<vmem>>) semaphore(%run_scoped3A_409 : memref<!tpu.dma_semaphore, #tpu.memory_space<semaphore_mem>>) {add = true}
          %dma_wait3A_420 = arith.constant 0 : i32
          %dma_wait3A_421 = arith.constant 0 : i32
          %dma_wait3A_422 = tpu.memref_slice %arg9[%run_scoped3A_395, %dma_wait3A_420, %dma_wait3A_421] : memref<4x128x64xf32, #tpu.memory_space<vmem>> -> memref<1x128x64xf32, #tpu.memory_space<vmem>>
          %dma_wait3A_423 = tpu.memref_squeeze %dma_wait3A_422 : memref<1x128x64xf32, #tpu.memory_space<vmem>> -> memref<128x64xf32, #tpu.memory_space<vmem>>
          %dma_wait3A_424 = arith.constant 0 : i32
          %dma_wait3A_425 = tpu.memref_slice %arg11[%add3A_394, %run_scoped3A_396, %dma_wait3A_424] : memref<80x1x128xi32, #tpu.memory_space<vmem>> -> memref<1x1x128xi32, #tpu.memory_space<vmem>>
          %dma_wait3A_426 = tpu.memref_squeeze %dma_wait3A_425 : memref<1x1x128xi32, #tpu.memory_space<vmem>> -> memref<128xi32, #tpu.memory_space<vmem>>
          %dma_wait3A_427 = arith.constant 0 : i32
          %dma_wait3A_428 = arith.constant 0 : i32
          %dma_wait3A_429 = tpu.memref_slice %arg7[%dma_wait3A_427, %dma_wait3A_428] : memref<10240x64xf32, #tpu.memory_space<vmem_shared>> -> memref<10240x64xf32, #tpu.memory_space<vmem_shared>>
          tpu.wait_indirect_dma semaphore(%run_scoped3A_409 : memref<!tpu.dma_semaphore, #tpu.memory_space<semaphore_mem>>) src(%dma_wait3A_423 : memref<128x64xf32, #tpu.memory_space<vmem>>) dst(%dma_wait3A_429 : memref<10240x64xf32, #tpu.memory_space<vmem_shared>>)
          tpu.yield
        }) : () -> ()
        %add3A_397 = arith.constant 3 : i32
        %add3A_398 = arith.addi %mul3A_310, %add3A_397 : i32
        %run_scoped3A_399 = arith.constant 3 : i32
        %run_scoped3A_400 = arith.constant 0 : i32
        "tpu.region"() ({
          %run_scoped3A_409 = tpu.sem_alloc : memref<!tpu.dma_semaphore, #tpu.memory_space<semaphore_mem>>
          %dma_start3A_410 = arith.constant 0 : i32
          %dma_start3A_411 = arith.constant 0 : i32
          %dma_start3A_412 = tpu.memref_slice %arg9[%run_scoped3A_399, %dma_start3A_410, %dma_start3A_411] : memref<4x128x64xf32, #tpu.memory_space<vmem>> -> memref<1x128x64xf32, #tpu.memory_space<vmem>>
          %dma_start3A_413 = tpu.memref_squeeze %dma_start3A_412 : memref<1x128x64xf32, #tpu.memory_space<vmem>> -> memref<128x64xf32, #tpu.memory_space<vmem>>
          %dma_start3A_414 = arith.constant 0 : i32
          %dma_start3A_415 = tpu.memref_slice %arg11[%add3A_398, %run_scoped3A_400, %dma_start3A_414] : memref<80x1x128xi32, #tpu.memory_space<vmem>> -> memref<1x1x128xi32, #tpu.memory_space<vmem>>
          %dma_start3A_416 = tpu.memref_squeeze %dma_start3A_415 : memref<1x1x128xi32, #tpu.memory_space<vmem>> -> memref<128xi32, #tpu.memory_space<vmem>>
          %dma_start3A_417 = arith.constant 0 : i32
          %dma_start3A_418 = arith.constant 0 : i32
          %dma_start3A_419 = tpu.memref_slice %arg7[%dma_start3A_417, %dma_start3A_418] : memref<10240x64xf32, #tpu.memory_space<vmem_shared>> -> memref<10240x64xf32, #tpu.memory_space<vmem_shared>>
          tpu.enqueue_indirect_dma source(%dma_start3A_413 : memref<128x64xf32, #tpu.memory_space<vmem>>) target(%dma_start3A_419 : memref<10240x64xf32, #tpu.memory_space<vmem_shared>>) offsets(%dma_start3A_416 : memref<128xi32, #tpu.memory_space<vmem>>) semaphore(%run_scoped3A_409 : memref<!tpu.dma_semaphore, #tpu.memory_space<semaphore_mem>>) {add = true}
          %dma_wait3A_420 = arith.constant 0 : i32
          %dma_wait3A_421 = arith.constant 0 : i32
          %dma_wait3A_422 = tpu.memref_slice %arg9[%run_scoped3A_399, %dma_wait3A_420, %dma_wait3A_421] : memref<4x128x64xf32, #tpu.memory_space<vmem>> -> memref<1x128x64xf32, #tpu.memory_space<vmem>>
          %dma_wait3A_423 = tpu.memref_squeeze %dma_wait3A_422 : memref<1x128x64xf32, #tpu.memory_space<vmem>> -> memref<128x64xf32, #tpu.memory_space<vmem>>
          %dma_wait3A_424 = arith.constant 0 : i32
          %dma_wait3A_425 = tpu.memref_slice %arg11[%add3A_398, %run_scoped3A_400, %dma_wait3A_424] : memref<80x1x128xi32, #tpu.memory_space<vmem>> -> memref<1x1x128xi32, #tpu.memory_space<vmem>>
          %dma_wait3A_426 = tpu.memref_squeeze %dma_wait3A_425 : memref<1x1x128xi32, #tpu.memory_space<vmem>> -> memref<128xi32, #tpu.memory_space<vmem>>
          %dma_wait3A_427 = arith.constant 0 : i32
          %dma_wait3A_428 = arith.constant 0 : i32
          %dma_wait3A_429 = tpu.memref_slice %arg7[%dma_wait3A_427, %dma_wait3A_428] : memref<10240x64xf32, #tpu.memory_space<vmem_shared>> -> memref<10240x64xf32, #tpu.memory_space<vmem_shared>>
          tpu.wait_indirect_dma semaphore(%run_scoped3A_409 : memref<!tpu.dma_semaphore, #tpu.memory_space<semaphore_mem>>) src(%dma_wait3A_423 : memref<128x64xf32, #tpu.memory_space<vmem>>) dst(%dma_wait3A_429 : memref<10240x64xf32, #tpu.memory_space<vmem_shared>>)
          tpu.yield
        }) : () -> ()
        %add3A_401 = arith.constant 6 : i32
        %add3A_402 = arith.addi %mul3A_310, %add3A_401 : i32
        %lt3A_403 = arith.constant 80 : i32
        %lt3A_404 = arith.cmpi slt, %add3A_402, %lt3A_403 : i32
        %convert_element_type3A_405 = arith.extui %lt3A_404 : i1 to i32
        %cond3A_406 = arith.constant 0 : i32
        %cond3A_407 = arith.cmpi ne, %convert_element_type3A_405, %cond3A_406 : i32
        scf.if %cond3A_407 {
          %add3A_409 = arith.constant 6 : i32
          %add3A_410 = arith.addi %mul3A_310, %add3A_409 : i32
          %dma_start3A_411 = arith.constant 0 : i32
          %dma_start3A_412 = arith.constant 2 : i32
          %dma_start3A_413 = arith.constant 0 : i32
          %dma_start3A_414 = arith.constant 0 : i32
          %dma_start3A_415 = tpu.memref_slice %arg9[%dma_start3A_412, %dma_start3A_413, %dma_start3A_414] : memref<4x128x64xf32, #tpu.memory_space<vmem>> -> memref<1x128x64xf32, #tpu.memory_space<vmem>>
          %dma_start3A_416 = tpu.memref_squeeze %dma_start3A_415 : memref<1x128x64xf32, #tpu.memory_space<vmem>> -> memref<128x64xf32, #tpu.memory_space<vmem>>
          %dma_start3A_417 = arith.constant 0 : i32
          %dma_start3A_418 = tpu.memref_slice %arg10[%add3A_410, %dma_start3A_411, %dma_start3A_417] : memref<80x1x128xi32, #tpu.memory_space<vmem>> -> memref<1x1x128xi32, #tpu.memory_space<vmem>>
          %dma_start3A_419 = tpu.memref_squeeze %dma_start3A_418 : memref<1x1x128xi32, #tpu.memory_space<vmem>> -> memref<128xi32, #tpu.memory_space<vmem>>
          %dma_start3A_420 = arith.constant 0 : i32
          %dma_start3A_421 = arith.constant 0 : i32
          %dma_start3A_422 = tpu.memref_slice %arg6[%add3A_86, %scan3A_167, %dma_start3A_420, %dma_start3A_421] : memref<4x11x10240x64xf32, #tpu.memory_space<hbm>> -> memref<1x1x10240x64xf32, #tpu.memory_space<hbm>>
          %dma_start3A_423 = tpu.memref_squeeze %dma_start3A_422 : memref<1x1x10240x64xf32, #tpu.memory_space<hbm>> -> memref<10240x64xf32, #tpu.memory_space<hbm>>
          %dma_start3A_424 = arith.constant 0 : i32
          %dma_start3A_425 = arith.constant 0 : i32
          %dma_start3A_426 = tpu.memref_slice %dma_start3A_423[%dma_start3A_424, %dma_start3A_425] : memref<10240x64xf32, #tpu.memory_space<hbm>> -> memref<10240x64xf32, #tpu.memory_space<hbm>>
          tpu.enqueue_indirect_dma source(%dma_start3A_426 : memref<10240x64xf32, #tpu.memory_space<hbm>>) target(%dma_start3A_416 : memref<128x64xf32, #tpu.memory_space<vmem>>) offsets(%dma_start3A_419 : memref<128xi32, #tpu.memory_space<vmem>>) semaphore(%arg15 : memref<!tpu.dma_semaphore, #tpu.memory_space<semaphore_mem>>)
          %add3A_427 = arith.constant 7 : i32
          %add3A_428 = arith.addi %mul3A_310, %add3A_427 : i32
          %dma_start3A_429 = arith.constant 0 : i32
          %dma_start3A_430 = arith.constant 3 : i32
          %dma_start3A_431 = arith.constant 0 : i32
          %dma_start3A_432 = arith.constant 0 : i32
          %dma_start3A_433 = tpu.memref_slice %arg9[%dma_start3A_430, %dma_start3A_431, %dma_start3A_432] : memref<4x128x64xf32, #tpu.memory_space<vmem>> -> memref<1x128x64xf32, #tpu.memory_space<vmem>>
          %dma_start3A_434 = tpu.memref_squeeze %dma_start3A_433 : memref<1x128x64xf32, #tpu.memory_space<vmem>> -> memref<128x64xf32, #tpu.memory_space<vmem>>
          %dma_start3A_435 = arith.constant 0 : i32
          %dma_start3A_436 = tpu.memref_slice %arg10[%add3A_428, %dma_start3A_429, %dma_start3A_435] : memref<80x1x128xi32, #tpu.memory_space<vmem>> -> memref<1x1x128xi32, #tpu.memory_space<vmem>>
          %dma_start3A_437 = tpu.memref_squeeze %dma_start3A_436 : memref<1x1x128xi32, #tpu.memory_space<vmem>> -> memref<128xi32, #tpu.memory_space<vmem>>
          %dma_start3A_438 = arith.constant 0 : i32
          %dma_start3A_439 = arith.constant 0 : i32
          %dma_start3A_440 = tpu.memref_slice %arg6[%add3A_86, %scan3A_167, %dma_start3A_438, %dma_start3A_439] : memref<4x11x10240x64xf32, #tpu.memory_space<hbm>> -> memref<1x1x10240x64xf32, #tpu.memory_space<hbm>>
          %dma_start3A_441 = tpu.memref_squeeze %dma_start3A_440 : memref<1x1x10240x64xf32, #tpu.memory_space<hbm>> -> memref<10240x64xf32, #tpu.memory_space<hbm>>
          %dma_start3A_442 = arith.constant 0 : i32
          %dma_start3A_443 = arith.constant 0 : i32
          %dma_start3A_444 = tpu.memref_slice %dma_start3A_441[%dma_start3A_442, %dma_start3A_443] : memref<10240x64xf32, #tpu.memory_space<hbm>> -> memref<10240x64xf32, #tpu.memory_space<hbm>>
          tpu.enqueue_indirect_dma source(%dma_start3A_444 : memref<10240x64xf32, #tpu.memory_space<hbm>>) target(%dma_start3A_434 : memref<128x64xf32, #tpu.memory_space<vmem>>) offsets(%dma_start3A_437 : memref<128xi32, #tpu.memory_space<vmem>>) semaphore(%arg15 : memref<!tpu.dma_semaphore, #tpu.memory_space<semaphore_mem>>)
        } else {
        }
        %scan3A_408 = arith.constant 0 : i32
        scf.yield %scan3A_408 : i32
      }
      %scan3A_243 = arith.constant 20 : i32
      %barrier3A_244 = arith.constant 0 : index
      tpu.barrier barrier_id(%barrier3A_244)
      %add3A_245 = arith.constant 0 : i32
      %add3A_246 = arith.addi %mul3A_0, %add3A_245 : i32
      "tpu.region"() ({
        %run_scoped3A = tpu.sem_alloc : memref<!tpu.dma_semaphore, #tpu.memory_space<semaphore_mem>>
        %dma_start3A_307 = arith.constant 0 : i32
        %dma_start3A_308 = tpu.memref_slice %arg7[%add3A_246, %dma_start3A_307] : memref<10240x64xf32, #tpu.memory_space<vmem_shared>> -> memref<320x64xf32, #tpu.memory_space<vmem_shared>>
        %dma_start3A_309 = arith.constant 0 : i32
        %dma_start3A_310 = tpu.memref_slice %arg7[%add3A_246, %dma_start3A_309] : memref<10240x64xf32, #tpu.memory_space<vmem_shared>> -> memref<320x64xf32, #tpu.memory_space<vmem_shared>>
        tpu.enqueue_dma source(%dma_start3A_310 : memref<320x64xf32, #tpu.memory_space<vmem_shared>>) target(%arg8 : memref<320x64xf32, #tpu.memory_space<vmem>>) target_semaphore(%run_scoped3A : memref<!tpu.dma_semaphore, #tpu.memory_space<semaphore_mem>>)
        %dma_wait3A_311 = arith.constant 0 : i32
        %dma_wait3A_312 = tpu.memref_slice %arg7[%add3A_246, %dma_wait3A_311] : memref<10240x64xf32, #tpu.memory_space<vmem_shared>> -> memref<320x64xf32, #tpu.memory_space<vmem_shared>>
        %dma_wait3A_313 = arith.constant 0 : i32
        %dma_wait3A_314 = tpu.memref_slice %arg7[%add3A_246, %dma_wait3A_313] : memref<10240x64xf32, #tpu.memory_space<vmem_shared>> -> memref<320x64xf32, #tpu.memory_space<vmem_shared>>
        tpu.wait_dma2 semaphore(%run_scoped3A : memref<!tpu.dma_semaphore, #tpu.memory_space<semaphore_mem>>) src(%dma_wait3A_314 : memref<320x64xf32, #tpu.memory_space<vmem_shared>>) dst(%arg8 : memref<320x64xf32, #tpu.memory_space<vmem>>)
        tpu.yield
      }) : () -> ()
      %scan3A_247 = arith.constant 0 : i32
      %scan3A_248 = arith.constant 0 : i32
      %scan3A_249 = arith.constant 320 : i32
      %scan3A_250 = arith.addi %scan3A_248, %scan3A_249 : i32
      %scan3A_251 = arith.constant 1 : i32
      %scan3A_252 = scf.for %scan3A_307 = %scan3A_248 to %scan3A_250 step %scan3A_251 iter_args(%scan3A_308 = %scan3A_247) -> (i32)  : i32 {
        %add3A_309 = arith.constant 0 : i32
        %add3A_310 = arith.addi %add3A_309, %scan3A_307 : i32
        %broadcast_in_dim3A = vector.broadcast %add3A_310 : i32 to vector<16xi32>
        %gather3A = tpu.vector_load_idx %arg13[%broadcast_in_dim3A] : memref<640xf32, #tpu.memory_space<vmem>>[vector<16xi32>], vector<16xf32>,
        %get3A = arith.index_cast %scan3A_307 : i32 to index
        %get3A_311 = arith.constant 0 : index
        %get3A_312 = tpu.vector_load %arg8[%get3A, %get3A_311] {strides = array<i32>} : memref<320x64xf32, #tpu.memory_space<vmem>>, vector<16xf32>,
        %mul3A_313 = arith.mulf %get3A_312, %gather3A : vector<16xf32>
        %swap3A = arith.index_cast %scan3A_307 : i32 to index
        %swap3A_314 = arith.constant 0 : index
        %swap3A_315 = tpu.vector_load %arg8[%swap3A, %swap3A_314] {strides = array<i32>} : memref<320x64xf32, #tpu.memory_space<vmem>>, vector<16xf32>,
        tpu.vector_store %arg8[%swap3A, %swap3A_314], %mul3A_313 {strides = array<i32>} : memref<320x64xf32, #tpu.memory_space<vmem>>, vector<16xf32>,
        %get3A_316 = arith.index_cast %scan3A_307 : i32 to index
        %get3A_317 = arith.constant 16 : index
        %get3A_318 = tpu.vector_load %arg8[%get3A_316, %get3A_317] {strides = array<i32>} : memref<320x64xf32, #tpu.memory_space<vmem>>, vector<16xf32>,
        %mul3A_319 = arith.mulf %get3A_318, %gather3A : vector<16xf32>
        %swap3A_320 = arith.index_cast %scan3A_307 : i32 to index
        %swap3A_321 = arith.constant 16 : index
        %swap3A_322 = tpu.vector_load %arg8[%swap3A_320, %swap3A_321] {strides = array<i32>} : memref<320x64xf32, #tpu.memory_space<vmem>>, vector<16xf32>,
        tpu.vector_store %arg8[%swap3A_320, %swap3A_321], %mul3A_319 {strides = array<i32>} : memref<320x64xf32, #tpu.memory_space<vmem>>, vector<16xf32>,
        %get3A_323 = arith.index_cast %scan3A_307 : i32 to index
        %get3A_324 = arith.constant 32 : index
        %get3A_325 = tpu.vector_load %arg8[%get3A_323, %get3A_324] {strides = array<i32>} : memref<320x64xf32, #tpu.memory_space<vmem>>, vector<16xf32>,
        %mul3A_326 = arith.mulf %get3A_325, %gather3A : vector<16xf32>
        %swap3A_327 = arith.index_cast %scan3A_307 : i32 to index
        %swap3A_328 = arith.constant 32 : index
        %swap3A_329 = tpu.vector_load %arg8[%swap3A_327, %swap3A_328] {strides = array<i32>} : memref<320x64xf32, #tpu.memory_space<vmem>>, vector<16xf32>,
        tpu.vector_store %arg8[%swap3A_327, %swap3A_328], %mul3A_326 {strides = array<i32>} : memref<320x64xf32, #tpu.memory_space<vmem>>, vector<16xf32>,
        %get3A_330 = arith.index_cast %scan3A_307 : i32 to index
        %get3A_331 = arith.constant 48 : index
        %get3A_332 = tpu.vector_load %arg8[%get3A_330, %get3A_331] {strides = array<i32>} : memref<320x64xf32, #tpu.memory_space<vmem>>, vector<16xf32>,
        %mul3A_333 = arith.mulf %get3A_332, %gather3A : vector<16xf32>
        %swap3A_334 = arith.index_cast %scan3A_307 : i32 to index
        %swap3A_335 = arith.constant 48 : index
        %swap3A_336 = tpu.vector_load %arg8[%swap3A_334, %swap3A_335] {strides = array<i32>} : memref<320x64xf32, #tpu.memory_space<vmem>>, vector<16xf32>,
        tpu.vector_store %arg8[%swap3A_334, %swap3A_335], %mul3A_333 {strides = array<i32>} : memref<320x64xf32, #tpu.memory_space<vmem>>, vector<16xf32>,
        %scan3A_337 = arith.constant 0 : i32
        scf.yield %scan3A_337 : i32
      }
      %scan3A_253 = arith.constant 320 : i32
      %add3A_254 = arith.constant 1 : i32
      %add3A_255 = arith.addi %scan3A_167, %add3A_254 : i32
      %dma_start3A_256 = arith.constant 0 : i32
      %dma_start3A_257 = tpu.memref_slice %arg6[%add3A_86, %add3A_255, %add3A_246, %dma_start3A_256] : memref<4x11x10240x64xf32, #tpu.memory_space<hbm>> -> memref<1x1x320x64xf32, #tpu.memory_space<hbm>>
      %dma_start3A_258 = tpu.memref_squeeze %dma_start3A_257 : memref<1x1x320x64xf32, #tpu.memory_space<hbm>> -> memref<320x64xf32, #tpu.memory_space<hbm>>
      %dma_start3A_259 = arith.constant 0 : i32
      %dma_start3A_260 = tpu.memref_slice %arg6[%add3A_86, %add3A_255, %add3A_246, %dma_start3A_259] : memref<4x11x10240x64xf32, #tpu.memory_space<hbm>> -> memref<1x1x320x64xf32, #tpu.memory_space<hbm>>
      %dma_start3A_261 = tpu.memref_squeeze %dma_start3A_260 : memref<1x1x320x64xf32, #tpu.memory_space<hbm>> -> memref<320x64xf32, #tpu.memory_space<hbm>>
      tpu.enqueue_dma source(%arg8 : memref<320x64xf32, #tpu.memory_space<vmem>>) target(%dma_start3A_261 : memref<320x64xf32, #tpu.memory_space<hbm>>) target_semaphore(%arg14 : memref<!tpu.dma_semaphore, #tpu.memory_space<semaphore_mem>>)
      %lt3A_262 = arith.constant 9 : i32
      %lt3A_263 = arith.cmpi slt, %scan3A_167, %lt3A_262 : i32
      %convert_element_type3A_264 = arith.extui %lt3A_263 : i1 to i32
      %cond3A_265 = arith.constant 0 : i32
      %cond3A_266 = arith.cmpi ne, %convert_element_type3A_264, %cond3A_265 : i32
      scf.if %cond3A_266 {
        %dma_start3A_307 = arith.constant 0 : i32
        %dma_start3A_308 = tpu.memref_slice %arg7[%add3A_246, %dma_start3A_307] : memref<10240x64xf32, #tpu.memory_space<vmem_shared>> -> memref<320x64xf32, #tpu.memory_space<vmem_shared>>
        %dma_start3A_309 = arith.constant 0 : i32
        %dma_start3A_310 = tpu.memref_slice %arg7[%add3A_246, %dma_start3A_309] : memref<10240x64xf32, #tpu.memory_space<vmem_shared>> -> memref<320x64xf32, #tpu.memory_space<vmem_shared>>
        tpu.enqueue_dma source(%arg8 : memref<320x64xf32, #tpu.memory_space<vmem>>) target(%dma_start3A_310 : memref<320x64xf32, #tpu.memory_space<vmem_shared>>) target_semaphore(%arg15 : memref<!tpu.dma_semaphore, #tpu.memory_space<semaphore_mem>>)
        %dma_wait3A_311 = arith.constant 0 : i32
        %dma_wait3A_312 = tpu.memref_slice %arg7[%add3A_246, %dma_wait3A_311] : memref<10240x64xf32, #tpu.memory_space<vmem_shared>> -> memref<320x64xf32, #tpu.memory_space<vmem_shared>>
        %dma_wait3A_313 = arith.constant 0 : i32
        %dma_wait3A_314 = tpu.memref_slice %arg7[%add3A_246, %dma_wait3A_313] : memref<10240x64xf32, #tpu.memory_space<vmem_shared>> -> memref<320x64xf32, #tpu.memory_space<vmem_shared>>
        tpu.wait_dma2 semaphore(%arg15 : memref<!tpu.dma_semaphore, #tpu.memory_space<semaphore_mem>>) src(%arg8 : memref<320x64xf32, #tpu.memory_space<vmem>>) dst(%dma_wait3A_314 : memref<320x64xf32, #tpu.memory_space<vmem_shared>>)
      } else {
      }
      %add3A_267 = arith.constant 1 : i32
      %add3A_268 = arith.addi %scan3A_167, %add3A_267 : i32
      %dma_wait3A_269 = arith.constant 0 : i32
      %dma_wait3A_270 = tpu.memref_slice %arg6[%add3A_86, %add3A_268, %add3A_246, %dma_wait3A_269] : memref<4x11x10240x64xf32, #tpu.memory_space<hbm>> -> memref<1x1x320x64xf32, #tpu.memory_space<hbm>>
      %dma_wait3A_271 = tpu.memref_squeeze %dma_wait3A_270 : memref<1x1x320x64xf32, #tpu.memory_space<hbm>> -> memref<320x64xf32, #tpu.memory_space<hbm>>
      %dma_wait3A_272 = arith.constant 0 : i32
      %dma_wait3A_273 = tpu.memref_slice %arg6[%add3A_86, %add3A_268, %add3A_246, %dma_wait3A_272] : memref<4x11x10240x64xf32, #tpu.memory_space<hbm>> -> memref<1x1x320x64xf32, #tpu.memory_space<hbm>>
      %dma_wait3A_274 = tpu.memref_squeeze %dma_wait3A_273 : memref<1x1x320x64xf32, #tpu.memory_space<hbm>> -> memref<320x64xf32, #tpu.memory_space<hbm>>
      tpu.wait_dma2 semaphore(%arg14 : memref<!tpu.dma_semaphore, #tpu.memory_space<semaphore_mem>>) src(%arg8 : memref<320x64xf32, #tpu.memory_space<vmem>>) dst(%dma_wait3A_274 : memref<320x64xf32, #tpu.memory_space<hbm>>)
      %add3A_275 = arith.constant 320 : i32
      %add3A_276 = arith.addi %mul3A_0, %add3A_275 : i32
      "tpu.region"() ({
        %run_scoped3A = tpu.sem_alloc : memref<!tpu.dma_semaphore, #tpu.memory_space<semaphore_mem>>
        %dma_start3A_307 = arith.constant 0 : i32
        %dma_start3A_308 = tpu.memref_slice %arg7[%add3A_276, %dma_start3A_307] : memref<10240x64xf32, #tpu.memory_space<vmem_shared>> -> memref<320x64xf32, #tpu.memory_space<vmem_shared>>
        %dma_start3A_309 = arith.constant 0 : i32
        %dma_start3A_310 = tpu.memref_slice %arg7[%add3A_276, %dma_start3A_309] : memref<10240x64xf32, #tpu.memory_space<vmem_shared>> -> memref<320x64xf32, #tpu.memory_space<vmem_shared>>
        tpu.enqueue_dma source(%dma_start3A_310 : memref<320x64xf32, #tpu.memory_space<vmem_shared>>) target(%arg8 : memref<320x64xf32, #tpu.memory_space<vmem>>) target_semaphore(%run_scoped3A : memref<!tpu.dma_semaphore, #tpu.memory_space<semaphore_mem>>)
        %dma_wait3A_311 = arith.constant 0 : i32
        %dma_wait3A_312 = tpu.memref_slice %arg7[%add3A_276, %dma_wait3A_311] : memref<10240x64xf32, #tpu.memory_space<vmem_shared>> -> memref<320x64xf32, #tpu.memory_space<vmem_shared>>
        %dma_wait3A_313 = arith.constant 0 : i32
        %dma_wait3A_314 = tpu.memref_slice %arg7[%add3A_276, %dma_wait3A_313] : memref<10240x64xf32, #tpu.memory_space<vmem_shared>> -> memref<320x64xf32, #tpu.memory_space<vmem_shared>>
        tpu.wait_dma2 semaphore(%run_scoped3A : memref<!tpu.dma_semaphore, #tpu.memory_space<semaphore_mem>>) src(%dma_wait3A_314 : memref<320x64xf32, #tpu.memory_space<vmem_shared>>) dst(%arg8 : memref<320x64xf32, #tpu.memory_space<vmem>>)
        tpu.yield
      }) : () -> ()
      %scan3A_277 = arith.constant 0 : i32
      %scan3A_278 = arith.constant 0 : i32
      %scan3A_279 = arith.constant 320 : i32
      %scan3A_280 = arith.addi %scan3A_278, %scan3A_279 : i32
      %scan3A_281 = arith.constant 1 : i32
      %scan3A_282 = scf.for %scan3A_307 = %scan3A_278 to %scan3A_280 step %scan3A_281 iter_args(%scan3A_308 = %scan3A_277) -> (i32)  : i32 {
        %add3A_309 = arith.constant 320 : i32
        %add3A_310 = arith.addi %add3A_309, %scan3A_307 : i32
        %broadcast_in_dim3A = vector.broadcast %add3A_310 : i32 to vector<16xi32>
        %gather3A = tpu.vector_load_idx %arg13[%broadcast_in_dim3A] : memref<640xf32, #tpu.memory_space<vmem>>[vector<16xi32>], vector<16xf32>,
        %get3A = arith.index_cast %scan3A_307 : i32 to index
        %get3A_311 = arith.constant 0 : index
        %get3A_312 = tpu.vector_load %arg8[%get3A, %get3A_311] {strides = array<i32>} : memref<320x64xf32, #tpu.memory_space<vmem>>, vector<16xf32>,
        %mul3A_313 = arith.mulf %get3A_312, %gather3A : vector<16xf32>
        %swap3A = arith.index_cast %scan3A_307 : i32 to index
        %swap3A_314 = arith.constant 0 : index
        %swap3A_315 = tpu.vector_load %arg8[%swap3A, %swap3A_314] {strides = array<i32>} : memref<320x64xf32, #tpu.memory_space<vmem>>, vector<16xf32>,
        tpu.vector_store %arg8[%swap3A, %swap3A_314], %mul3A_313 {strides = array<i32>} : memref<320x64xf32, #tpu.memory_space<vmem>>, vector<16xf32>,
        %get3A_316 = arith.index_cast %scan3A_307 : i32 to index
        %get3A_317 = arith.constant 16 : index
        %get3A_318 = tpu.vector_load %arg8[%get3A_316, %get3A_317] {strides = array<i32>} : memref<320x64xf32, #tpu.memory_space<vmem>>, vector<16xf32>,
        %mul3A_319 = arith.mulf %get3A_318, %gather3A : vector<16xf32>
        %swap3A_320 = arith.index_cast %scan3A_307 : i32 to index
        %swap3A_321 = arith.constant 16 : index
        %swap3A_322 = tpu.vector_load %arg8[%swap3A_320, %swap3A_321] {strides = array<i32>} : memref<320x64xf32, #tpu.memory_space<vmem>>, vector<16xf32>,
        tpu.vector_store %arg8[%swap3A_320, %swap3A_321], %mul3A_319 {strides = array<i32>} : memref<320x64xf32, #tpu.memory_space<vmem>>, vector<16xf32>,
        %get3A_323 = arith.index_cast %scan3A_307 : i32 to index
        %get3A_324 = arith.constant 32 : index
        %get3A_325 = tpu.vector_load %arg8[%get3A_323, %get3A_324] {strides = array<i32>} : memref<320x64xf32, #tpu.memory_space<vmem>>, vector<16xf32>,
        %mul3A_326 = arith.mulf %get3A_325, %gather3A : vector<16xf32>
        %swap3A_327 = arith.index_cast %scan3A_307 : i32 to index
        %swap3A_328 = arith.constant 32 : index
        %swap3A_329 = tpu.vector_load %arg8[%swap3A_327, %swap3A_328] {strides = array<i32>} : memref<320x64xf32, #tpu.memory_space<vmem>>, vector<16xf32>,
        tpu.vector_store %arg8[%swap3A_327, %swap3A_328], %mul3A_326 {strides = array<i32>} : memref<320x64xf32, #tpu.memory_space<vmem>>, vector<16xf32>,
        %get3A_330 = arith.index_cast %scan3A_307 : i32 to index
        %get3A_331 = arith.constant 48 : index
        %get3A_332 = tpu.vector_load %arg8[%get3A_330, %get3A_331] {strides = array<i32>} : memref<320x64xf32, #tpu.memory_space<vmem>>, vector<16xf32>,
        %mul3A_333 = arith.mulf %get3A_332, %gather3A : vector<16xf32>
        %swap3A_334 = arith.index_cast %scan3A_307 : i32 to index
        %swap3A_335 = arith.constant 48 : index
        %swap3A_336 = tpu.vector_load %arg8[%swap3A_334, %swap3A_335] {strides = array<i32>} : memref<320x64xf32, #tpu.memory_space<vmem>>, vector<16xf32>,
        tpu.vector_store %arg8[%swap3A_334, %swap3A_335], %mul3A_333 {strides = array<i32>} : memref<320x64xf32, #tpu.memory_space<vmem>>, vector<16xf32>,
        %scan3A_337 = arith.constant 0 : i32
        scf.yield %scan3A_337 : i32
      }
      %scan3A_283 = arith.constant 320 : i32
      %add3A_284 = arith.constant 1 : i32
      %add3A_285 = arith.addi %scan3A_167, %add3A_284 : i32
      %dma_start3A_286 = arith.constant 0 : i32
      %dma_start3A_287 = tpu.memref_slice %arg6[%add3A_86, %add3A_285, %add3A_276, %dma_start3A_286] : memref<4x11x10240x64xf32, #tpu.memory_space<hbm>> -> memref<1x1x320x64xf32, #tpu.memory_space<hbm>>
      %dma_start3A_288 = tpu.memref_squeeze %dma_start3A_287 : memref<1x1x320x64xf32, #tpu.memory_space<hbm>> -> memref<320x64xf32, #tpu.memory_space<hbm>>
      %dma_start3A_289 = arith.constant 0 : i32
      %dma_start3A_290 = tpu.memref_slice %arg6[%add3A_86, %add3A_285, %add3A_276, %dma_start3A_289] : memref<4x11x10240x64xf32, #tpu.memory_space<hbm>> -> memref<1x1x320x64xf32, #tpu.memory_space<hbm>>
      %dma_start3A_291 = tpu.memref_squeeze %dma_start3A_290 : memref<1x1x320x64xf32, #tpu.memory_space<hbm>> -> memref<320x64xf32, #tpu.memory_space<hbm>>
      tpu.enqueue_dma source(%arg8 : memref<320x64xf32, #tpu.memory_space<vmem>>) target(%dma_start3A_291 : memref<320x64xf32, #tpu.memory_space<hbm>>) target_semaphore(%arg14 : memref<!tpu.dma_semaphore, #tpu.memory_space<semaphore_mem>>)
      %lt3A_292 = arith.constant 9 : i32
      %lt3A_293 = arith.cmpi slt, %scan3A_167, %lt3A_292 : i32
      %convert_element_type3A_294 = arith.extui %lt3A_293 : i1 to i32
      %cond3A_295 = arith.constant 0 : i32
      %cond3A_296 = arith.cmpi ne, %convert_element_type3A_294, %cond3A_295 : i32
      scf.if %cond3A_296 {
        %dma_start3A_307 = arith.constant 0 : i32
        %dma_start3A_308 = tpu.memref_slice %arg7[%add3A_276, %dma_start3A_307] : memref<10240x64xf32, #tpu.memory_space<vmem_shared>> -> memref<320x64xf32, #tpu.memory_space<vmem_shared>>
        %dma_start3A_309 = arith.constant 0 : i32
        %dma_start3A_310 = tpu.memref_slice %arg7[%add3A_276, %dma_start3A_309] : memref<10240x64xf32, #tpu.memory_space<vmem_shared>> -> memref<320x64xf32, #tpu.memory_space<vmem_shared>>
        tpu.enqueue_dma source(%arg8 : memref<320x64xf32, #tpu.memory_space<vmem>>) target(%dma_start3A_310 : memref<320x64xf32, #tpu.memory_space<vmem_shared>>) target_semaphore(%arg15 : memref<!tpu.dma_semaphore, #tpu.memory_space<semaphore_mem>>)
        %dma_wait3A_311 = arith.constant 0 : i32
        %dma_wait3A_312 = tpu.memref_slice %arg7[%add3A_276, %dma_wait3A_311] : memref<10240x64xf32, #tpu.memory_space<vmem_shared>> -> memref<320x64xf32, #tpu.memory_space<vmem_shared>>
        %dma_wait3A_313 = arith.constant 0 : i32
        %dma_wait3A_314 = tpu.memref_slice %arg7[%add3A_276, %dma_wait3A_313] : memref<10240x64xf32, #tpu.memory_space<vmem_shared>> -> memref<320x64xf32, #tpu.memory_space<vmem_shared>>
        tpu.wait_dma2 semaphore(%arg15 : memref<!tpu.dma_semaphore, #tpu.memory_space<semaphore_mem>>) src(%arg8 : memref<320x64xf32, #tpu.memory_space<vmem>>) dst(%dma_wait3A_314 : memref<320x64xf32, #tpu.memory_space<vmem_shared>>)
      } else {
      }
      %add3A_297 = arith.constant 1 : i32
      %add3A_298 = arith.addi %scan3A_167, %add3A_297 : i32
      %dma_wait3A_299 = arith.constant 0 : i32
      %dma_wait3A_300 = tpu.memref_slice %arg6[%add3A_86, %add3A_298, %add3A_276, %dma_wait3A_299] : memref<4x11x10240x64xf32, #tpu.memory_space<hbm>> -> memref<1x1x320x64xf32, #tpu.memory_space<hbm>>
      %dma_wait3A_301 = tpu.memref_squeeze %dma_wait3A_300 : memref<1x1x320x64xf32, #tpu.memory_space<hbm>> -> memref<320x64xf32, #tpu.memory_space<hbm>>
      %dma_wait3A_302 = arith.constant 0 : i32
      %dma_wait3A_303 = tpu.memref_slice %arg6[%add3A_86, %add3A_298, %add3A_276, %dma_wait3A_302] : memref<4x11x10240x64xf32, #tpu.memory_space<hbm>> -> memref<1x1x320x64xf32, #tpu.memory_space<hbm>>
      %dma_wait3A_304 = tpu.memref_squeeze %dma_wait3A_303 : memref<1x1x320x64xf32, #tpu.memory_space<hbm>> -> memref<320x64xf32, #tpu.memory_space<hbm>>
      tpu.wait_dma2 semaphore(%arg14 : memref<!tpu.dma_semaphore, #tpu.memory_space<semaphore_mem>>) src(%arg8 : memref<320x64xf32, #tpu.memory_space<vmem>>) dst(%dma_wait3A_304 : memref<320x64xf32, #tpu.memory_space<hbm>>)
      %barrier3A_305 = arith.constant 0 : index
      tpu.barrier barrier_id(%barrier3A_305)
      %scan3A_306 = arith.constant 0 : i32
      scf.yield %scan3A_306 : i32
    }
    %scan3A_166 = arith.constant 10 : i32
    return
  }
}

#map = affine_map<(d0, d1) -> (0, 0, 0, 0)>
#map1 = affine_map<(d0, d1) -> (0)>
module attributes {stable_mosaic.version = 14 : i64} {
  func.func @_deg_body(%arg0: i32, %arg1: i32, %arg2: memref<16x80x1x128xi32, #tpu.memory_space<hbm>>, %arg3: memref<10240xf32, #tpu.memory_space<hbm>>, %arg4: memref<10240xf32, #tpu.memory_space<vmem>>, %arg5: memref<80x1x128xi32, #tpu.memory_space<vmem>>, %arg6: memref<16x1x10240xf32, #tpu.memory_space<vmem_shared>>, %arg7: memref<16x1x640xf32, #tpu.memory_space<vmem>>, %arg8: memref<640xf32, #tpu.memory_space<vmem>>, %arg9: memref<!tpu.dma_semaphore, #tpu.memory_space<semaphore_mem>>) attributes {dimension_semantics = [#tpu.dimension_semantics<core_parallel>, #tpu.dimension_semantics<subcore_parallel>], iteration_bounds = array<i64: 2, 16>, scalar_prefetch = 0 : i64, scratch_operands = 6 : i64, tpu.core_type = #tpu.core_type<sc_vector_subcore>, window_params = [{transform_indices = #map}, {transform_indices = #map1}]} {
    %mul3A = arith.constant 640 : i32
    %mul3A_0 = arith.muli %arg1, %mul3A : i32
    %broadcast_in_dim3A = arith.constant 0.000000e+00 : f32
    %broadcast_in_dim3A_1 = vector.broadcast %broadcast_in_dim3A : f32 to vector<16xf32>
    %scan3A = arith.constant 0 : i32
    %scan3A_2 = arith.constant 0 : i32
    %scan3A_3 = arith.constant 640 : i32
    %scan3A_4 = arith.addi %scan3A_2, %scan3A_3 : i32
    %scan3A_5 = arith.constant 1 : i32
    %scan3A_6 = scf.for %scan3A_24 = %scan3A_2 to %scan3A_4 step %scan3A_5 iter_args(%scan3A_25 = %scan3A) -> (i32)  : i32 {
      %mul3A_26 = arith.constant 16 : i32
      %mul3A_27 = arith.muli %scan3A_24, %mul3A_26 : i32
      %swap3A = arith.index_cast %mul3A_27 : i32 to index
      %swap3A_28 = tpu.vector_load %arg4[%swap3A] {strides = array<i32>} : memref<10240xf32, #tpu.memory_space<vmem>>, vector<16xf32>,
      tpu.vector_store %arg4[%swap3A], %broadcast_in_dim3A_1 {strides = array<i32>} : memref<10240xf32, #tpu.memory_space<vmem>>, vector<16xf32>,
      %scan3A_29 = arith.constant 0 : i32
      scf.yield %scan3A_29 : i32
    }
    %scan3A_7 = arith.constant 640 : i32
    "tpu.region"() ({
      %run_scoped3A_24 = tpu.sem_alloc : memref<!tpu.dma_semaphore, #tpu.memory_space<semaphore_mem>>
      %dma_start3A = arith.constant 0 : i32
      %dma_start3A_25 = arith.constant 0 : i32
      %dma_start3A_26 = arith.constant 0 : i32
      %dma_start3A_27 = tpu.memref_slice %arg2[%arg1, %dma_start3A, %dma_start3A_25, %dma_start3A_26] : memref<16x80x1x128xi32, #tpu.memory_space<hbm>> -> memref<1x80x1x128xi32, #tpu.memory_space<hbm>>
      %dma_start3A_28 = tpu.memref_squeeze %dma_start3A_27 : memref<1x80x1x128xi32, #tpu.memory_space<hbm>> -> memref<80x1x128xi32, #tpu.memory_space<hbm>>
      %dma_start3A_29 = arith.constant 0 : i32
      %dma_start3A_30 = arith.constant 0 : i32
      %dma_start3A_31 = arith.constant 0 : i32
      %dma_start3A_32 = tpu.memref_slice %arg2[%arg1, %dma_start3A_29, %dma_start3A_30, %dma_start3A_31] : memref<16x80x1x128xi32, #tpu.memory_space<hbm>> -> memref<1x80x1x128xi32, #tpu.memory_space<hbm>>
      %dma_start3A_33 = tpu.memref_squeeze %dma_start3A_32 : memref<1x80x1x128xi32, #tpu.memory_space<hbm>> -> memref<80x1x128xi32, #tpu.memory_space<hbm>>
      tpu.enqueue_dma source(%dma_start3A_33 : memref<80x1x128xi32, #tpu.memory_space<hbm>>) target(%arg5 : memref<80x1x128xi32, #tpu.memory_space<vmem>>) target_semaphore(%run_scoped3A_24 : memref<!tpu.dma_semaphore, #tpu.memory_space<semaphore_mem>>)
      %dma_wait3A = arith.constant 0 : i32
      %dma_wait3A_34 = arith.constant 0 : i32
      %dma_wait3A_35 = arith.constant 0 : i32
      %dma_wait3A_36 = tpu.memref_slice %arg2[%arg1, %dma_wait3A, %dma_wait3A_34, %dma_wait3A_35] : memref<16x80x1x128xi32, #tpu.memory_space<hbm>> -> memref<1x80x1x128xi32, #tpu.memory_space<hbm>>
      %dma_wait3A_37 = tpu.memref_squeeze %dma_wait3A_36 : memref<1x80x1x128xi32, #tpu.memory_space<hbm>> -> memref<80x1x128xi32, #tpu.memory_space<hbm>>
      %dma_wait3A_38 = arith.constant 0 : i32
      %dma_wait3A_39 = arith.constant 0 : i32
      %dma_wait3A_40 = arith.constant 0 : i32
      %dma_wait3A_41 = tpu.memref_slice %arg2[%arg1, %dma_wait3A_38, %dma_wait3A_39, %dma_wait3A_40] : memref<16x80x1x128xi32, #tpu.memory_space<hbm>> -> memref<1x80x1x128xi32, #tpu.memory_space<hbm>>
      %dma_wait3A_42 = tpu.memref_squeeze %dma_wait3A_41 : memref<1x80x1x128xi32, #tpu.memory_space<hbm>> -> memref<80x1x128xi32, #tpu.memory_space<hbm>>
      tpu.wait_dma2 semaphore(%run_scoped3A_24 : memref<!tpu.dma_semaphore, #tpu.memory_space<semaphore_mem>>) src(%dma_wait3A_42 : memref<80x1x128xi32, #tpu.memory_space<hbm>>) dst(%arg5 : memref<80x1x128xi32, #tpu.memory_space<vmem>>)
      tpu.yield
    }) : () -> ()
    %broadcast_in_dim3A_8 = arith.constant 1.000000e+00 : f32
    %broadcast_in_dim3A_9 = vector.broadcast %broadcast_in_dim3A_8 : f32 to vector<16xf32>
    %scan3A_10 = arith.constant 0 : i32
    %scan3A_11 = arith.constant 0 : i32
    %scan3A_12 = arith.constant 80 : i32
    %scan3A_13 = arith.addi %scan3A_11, %scan3A_12 : i32
    %scan3A_14 = arith.constant 1 : i32
    %scan3A_15 = scf.for %scan3A_24 = %scan3A_11 to %scan3A_13 step %scan3A_14 iter_args(%scan3A_25 = %scan3A_10) -> (i32)  : i32 {
      %scan3A_26 = arith.constant 0 : i32
      %scan3A_27 = arith.constant 0 : i32
      %scan3A_28 = arith.constant 8 : i32
      %scan3A_29 = arith.addi %scan3A_27, %scan3A_28 : i32
      %scan3A_30 = arith.constant 1 : i32
      %scan3A_31 = scf.for %scan3A_34 = %scan3A_27 to %scan3A_29 step %scan3A_30 iter_args(%scan3A_35 = %scan3A_26) -> (i32)  : i32 {
        %mul3A_36 = arith.constant 16 : i32
        %mul3A_37 = arith.muli %scan3A_34, %mul3A_36 : i32
        %get3A = arith.constant 0 : i32
        %get3A_38 = arith.index_cast %scan3A_24 : i32 to index
        %get3A_39 = arith.index_cast %get3A : i32 to index
        %get3A_40 = arith.index_cast %mul3A_37 : i32 to index
        %get3A_41 = tpu.vector_load %arg5[%get3A_38, %get3A_39, %get3A_40] {strides = array<i32>} : memref<80x1x128xi32, #tpu.memory_space<vmem>>, vector<16xi32>,
        tpu.vector_store_idx %arg4[%get3A_41], %broadcast_in_dim3A_9 {add = true} : memref<10240xf32, #tpu.memory_space<vmem>>[vector<16xi32>], vector<16xf32>,
        %scan3A_42 = arith.constant 0 : i32
        scf.yield %scan3A_42 : i32
      }
      %scan3A_32 = arith.constant 8 : i32
      %scan3A_33 = arith.constant 0 : i32
      scf.yield %scan3A_33 : i32
    }
    %scan3A_16 = arith.constant 80 : i32
    %run_scoped3A = arith.constant 0 : i32
    "tpu.region"() ({
      %run_scoped3A_24 = tpu.sem_alloc : memref<!tpu.dma_semaphore, #tpu.memory_space<semaphore_mem>>
      %dma_start3A = arith.constant 0 : i32
      %dma_start3A_25 = tpu.memref_slice %arg6[%arg1, %run_scoped3A, %dma_start3A] : memref<16x1x10240xf32, #tpu.memory_space<vmem_shared>> -> memref<1x1x10240xf32, #tpu.memory_space<vmem_shared>>
      %dma_start3A_26 = tpu.memref_squeeze %dma_start3A_25 : memref<1x1x10240xf32, #tpu.memory_space<vmem_shared>> -> memref<10240xf32, #tpu.memory_space<vmem_shared>>
      %dma_start3A_27 = arith.constant 0 : i32
      %dma_start3A_28 = tpu.memref_slice %arg6[%arg1, %run_scoped3A, %dma_start3A_27] : memref<16x1x10240xf32, #tpu.memory_space<vmem_shared>> -> memref<1x1x10240xf32, #tpu.memory_space<vmem_shared>>
      %dma_start3A_29 = tpu.memref_squeeze %dma_start3A_28 : memref<1x1x10240xf32, #tpu.memory_space<vmem_shared>> -> memref<10240xf32, #tpu.memory_space<vmem_shared>>
      tpu.enqueue_dma source(%arg4 : memref<10240xf32, #tpu.memory_space<vmem>>) target(%dma_start3A_29 : memref<10240xf32, #tpu.memory_space<vmem_shared>>) target_semaphore(%run_scoped3A_24 : memref<!tpu.dma_semaphore, #tpu.memory_space<semaphore_mem>>)
      %dma_wait3A = arith.constant 0 : i32
      %dma_wait3A_30 = tpu.memref_slice %arg6[%arg1, %run_scoped3A, %dma_wait3A] : memref<16x1x10240xf32, #tpu.memory_space<vmem_shared>> -> memref<1x1x10240xf32, #tpu.memory_space<vmem_shared>>
      %dma_wait3A_31 = tpu.memref_squeeze %dma_wait3A_30 : memref<1x1x10240xf32, #tpu.memory_space<vmem_shared>> -> memref<10240xf32, #tpu.memory_space<vmem_shared>>
      %dma_wait3A_32 = arith.constant 0 : i32
      %dma_wait3A_33 = tpu.memref_slice %arg6[%arg1, %run_scoped3A, %dma_wait3A_32] : memref<16x1x10240xf32, #tpu.memory_space<vmem_shared>> -> memref<1x1x10240xf32, #tpu.memory_space<vmem_shared>>
      %dma_wait3A_34 = tpu.memref_squeeze %dma_wait3A_33 : memref<1x1x10240xf32, #tpu.memory_space<vmem_shared>> -> memref<10240xf32, #tpu.memory_space<vmem_shared>>
      tpu.wait_dma2 semaphore(%run_scoped3A_24 : memref<!tpu.dma_semaphore, #tpu.memory_space<semaphore_mem>>) src(%arg4 : memref<10240xf32, #tpu.memory_space<vmem>>) dst(%dma_wait3A_34 : memref<10240xf32, #tpu.memory_space<vmem_shared>>)
      tpu.yield
    }) : () -> ()
    %barrier3A = arith.constant 0 : index
    tpu.barrier barrier_id(%barrier3A)
    "tpu.region"() ({
      %run_scoped3A_24 = tpu.sem_alloc : memref<!tpu.dma_semaphore, #tpu.memory_space<semaphore_mem>>
      %dma_start3A = arith.constant 0 : i32
      %dma_start3A_25 = arith.constant 0 : i32
      %dma_start3A_26 = tpu.memref_slice %arg6[%dma_start3A, %dma_start3A_25, %mul3A_0] : memref<16x1x10240xf32, #tpu.memory_space<vmem_shared>> -> memref<16x1x640xf32, #tpu.memory_space<vmem_shared>>
      %dma_start3A_27 = arith.constant 0 : i32
      %dma_start3A_28 = arith.constant 0 : i32
      %dma_start3A_29 = tpu.memref_slice %arg6[%dma_start3A_27, %dma_start3A_28, %mul3A_0] : memref<16x1x10240xf32, #tpu.memory_space<vmem_shared>> -> memref<16x1x640xf32, #tpu.memory_space<vmem_shared>>
      tpu.enqueue_dma source(%dma_start3A_29 : memref<16x1x640xf32, #tpu.memory_space<vmem_shared>>) target(%arg7 : memref<16x1x640xf32, #tpu.memory_space<vmem>>) target_semaphore(%run_scoped3A_24 : memref<!tpu.dma_semaphore, #tpu.memory_space<semaphore_mem>>)
      %dma_wait3A = arith.constant 0 : i32
      %dma_wait3A_30 = arith.constant 0 : i32
      %dma_wait3A_31 = tpu.memref_slice %arg6[%dma_wait3A, %dma_wait3A_30, %mul3A_0] : memref<16x1x10240xf32, #tpu.memory_space<vmem_shared>> -> memref<16x1x640xf32, #tpu.memory_space<vmem_shared>>
      %dma_wait3A_32 = arith.constant 0 : i32
      %dma_wait3A_33 = arith.constant 0 : i32
      %dma_wait3A_34 = tpu.memref_slice %arg6[%dma_wait3A_32, %dma_wait3A_33, %mul3A_0] : memref<16x1x10240xf32, #tpu.memory_space<vmem_shared>> -> memref<16x1x640xf32, #tpu.memory_space<vmem_shared>>
      tpu.wait_dma2 semaphore(%run_scoped3A_24 : memref<!tpu.dma_semaphore, #tpu.memory_space<semaphore_mem>>) src(%dma_wait3A_34 : memref<16x1x640xf32, #tpu.memory_space<vmem_shared>>) dst(%arg7 : memref<16x1x640xf32, #tpu.memory_space<vmem>>)
      tpu.yield
    }) : () -> ()
    %scan3A_17 = arith.constant 0 : i32
    %scan3A_18 = arith.constant 0 : i32
    %scan3A_19 = arith.constant 40 : i32
    %scan3A_20 = arith.addi %scan3A_18, %scan3A_19 : i32
    %scan3A_21 = arith.constant 1 : i32
    %scan3A_22 = scf.for %scan3A_24 = %scan3A_18 to %scan3A_20 step %scan3A_21 iter_args(%scan3A_25 = %scan3A_17) -> (i32)  : i32 {
      %broadcast_in_dim3A_26 = arith.constant 1.000000e+00 : f32
      %broadcast_in_dim3A_27 = vector.broadcast %broadcast_in_dim3A_26 : f32 to vector<16xf32>
      %mul3A_28 = arith.constant 16 : i32
      %mul3A_29 = arith.muli %scan3A_24, %mul3A_28 : i32
      %get3A = arith.constant 0 : i32
      %get3A_30 = arith.constant 0 : i32
      %get3A_31 = arith.index_cast %get3A : i32 to index
      %get3A_32 = arith.index_cast %get3A_30 : i32 to index
      %get3A_33 = arith.index_cast %mul3A_29 : i32 to index
      %get3A_34 = tpu.vector_load %arg7[%get3A_31, %get3A_32, %get3A_33] {strides = array<i32>} : memref<16x1x640xf32, #tpu.memory_space<vmem>>, vector<16xf32>,
      %add3A = arith.addf %broadcast_in_dim3A_27, %get3A_34 : vector<16xf32>
      %mul3A_35 = arith.constant 16 : i32
      %mul3A_36 = arith.muli %scan3A_24, %mul3A_35 : i32
      %get3A_37 = arith.constant 1 : i32
      %get3A_38 = arith.constant 0 : i32
      %get3A_39 = arith.index_cast %get3A_37 : i32 to index
      %get3A_40 = arith.index_cast %get3A_38 : i32 to index
      %get3A_41 = arith.index_cast %mul3A_36 : i32 to index
      %get3A_42 = tpu.vector_load %arg7[%get3A_39, %get3A_40, %get3A_41] {strides = array<i32>} : memref<16x1x640xf32, #tpu.memory_space<vmem>>, vector<16xf32>,
      %add3A_43 = arith.addf %add3A, %get3A_42 : vector<16xf32>
      %mul3A_44 = arith.constant 16 : i32
      %mul3A_45 = arith.muli %scan3A_24, %mul3A_44 : i32
      %get3A_46 = arith.constant 2 : i32
      %get3A_47 = arith.constant 0 : i32
      %get3A_48 = arith.index_cast %get3A_46 : i32 to index
      %get3A_49 = arith.index_cast %get3A_47 : i32 to index
      %get3A_50 = arith.index_cast %mul3A_45 : i32 to index
      %get3A_51 = tpu.vector_load %arg7[%get3A_48, %get3A_49, %get3A_50] {strides = array<i32>} : memref<16x1x640xf32, #tpu.memory_space<vmem>>, vector<16xf32>,
      %add3A_52 = arith.addf %add3A_43, %get3A_51 : vector<16xf32>
      %mul3A_53 = arith.constant 16 : i32
      %mul3A_54 = arith.muli %scan3A_24, %mul3A_53 : i32
      %get3A_55 = arith.constant 3 : i32
      %get3A_56 = arith.constant 0 : i32
      %get3A_57 = arith.index_cast %get3A_55 : i32 to index
      %get3A_58 = arith.index_cast %get3A_56 : i32 to index
      %get3A_59 = arith.index_cast %mul3A_54 : i32 to index
      %get3A_60 = tpu.vector_load %arg7[%get3A_57, %get3A_58, %get3A_59] {strides = array<i32>} : memref<16x1x640xf32, #tpu.memory_space<vmem>>, vector<16xf32>,
      %add3A_61 = arith.addf %add3A_52, %get3A_60 : vector<16xf32>
      %mul3A_62 = arith.constant 16 : i32
      %mul3A_63 = arith.muli %scan3A_24, %mul3A_62 : i32
      %get3A_64 = arith.constant 4 : i32
      %get3A_65 = arith.constant 0 : i32
      %get3A_66 = arith.index_cast %get3A_64 : i32 to index
      %get3A_67 = arith.index_cast %get3A_65 : i32 to index
      %get3A_68 = arith.index_cast %mul3A_63 : i32 to index
      %get3A_69 = tpu.vector_load %arg7[%get3A_66, %get3A_67, %get3A_68] {strides = array<i32>} : memref<16x1x640xf32, #tpu.memory_space<vmem>>, vector<16xf32>,
      %add3A_70 = arith.addf %add3A_61, %get3A_69 : vector<16xf32>
      %mul3A_71 = arith.constant 16 : i32
      %mul3A_72 = arith.muli %scan3A_24, %mul3A_71 : i32
      %get3A_73 = arith.constant 5 : i32
      %get3A_74 = arith.constant 0 : i32
      %get3A_75 = arith.index_cast %get3A_73 : i32 to index
      %get3A_76 = arith.index_cast %get3A_74 : i32 to index
      %get3A_77 = arith.index_cast %mul3A_72 : i32 to index
      %get3A_78 = tpu.vector_load %arg7[%get3A_75, %get3A_76, %get3A_77] {strides = array<i32>} : memref<16x1x640xf32, #tpu.memory_space<vmem>>, vector<16xf32>,
      %add3A_79 = arith.addf %add3A_70, %get3A_78 : vector<16xf32>
      %mul3A_80 = arith.constant 16 : i32
      %mul3A_81 = arith.muli %scan3A_24, %mul3A_80 : i32
      %get3A_82 = arith.constant 6 : i32
      %get3A_83 = arith.constant 0 : i32
      %get3A_84 = arith.index_cast %get3A_82 : i32 to index
      %get3A_85 = arith.index_cast %get3A_83 : i32 to index
      %get3A_86 = arith.index_cast %mul3A_81 : i32 to index
      %get3A_87 = tpu.vector_load %arg7[%get3A_84, %get3A_85, %get3A_86] {strides = array<i32>} : memref<16x1x640xf32, #tpu.memory_space<vmem>>, vector<16xf32>,
      %add3A_88 = arith.addf %add3A_79, %get3A_87 : vector<16xf32>
      %mul3A_89 = arith.constant 16 : i32
      %mul3A_90 = arith.muli %scan3A_24, %mul3A_89 : i32
      %get3A_91 = arith.constant 7 : i32
      %get3A_92 = arith.constant 0 : i32
      %get3A_93 = arith.index_cast %get3A_91 : i32 to index
      %get3A_94 = arith.index_cast %get3A_92 : i32 to index
      %get3A_95 = arith.index_cast %mul3A_90 : i32 to index
      %get3A_96 = tpu.vector_load %arg7[%get3A_93, %get3A_94, %get3A_95] {strides = array<i32>} : memref<16x1x640xf32, #tpu.memory_space<vmem>>, vector<16xf32>,
      %add3A_97 = arith.addf %add3A_88, %get3A_96 : vector<16xf32>
      %mul3A_98 = arith.constant 16 : i32
      %mul3A_99 = arith.muli %scan3A_24, %mul3A_98 : i32
      %get3A_100 = arith.constant 8 : i32
      %get3A_101 = arith.constant 0 : i32
      %get3A_102 = arith.index_cast %get3A_100 : i32 to index
      %get3A_103 = arith.index_cast %get3A_101 : i32 to index
      %get3A_104 = arith.index_cast %mul3A_99 : i32 to index
      %get3A_105 = tpu.vector_load %arg7[%get3A_102, %get3A_103, %get3A_104] {strides = array<i32>} : memref<16x1x640xf32, #tpu.memory_space<vmem>>, vector<16xf32>,
      %add3A_106 = arith.addf %add3A_97, %get3A_105 : vector<16xf32>
      %mul3A_107 = arith.constant 16 : i32
      %mul3A_108 = arith.muli %scan3A_24, %mul3A_107 : i32
      %get3A_109 = arith.constant 9 : i32
      %get3A_110 = arith.constant 0 : i32
      %get3A_111 = arith.index_cast %get3A_109 : i32 to index
      %get3A_112 = arith.index_cast %get3A_110 : i32 to index
      %get3A_113 = arith.index_cast %mul3A_108 : i32 to index
      %get3A_114 = tpu.vector_load %arg7[%get3A_111, %get3A_112, %get3A_113] {strides = array<i32>} : memref<16x1x640xf32, #tpu.memory_space<vmem>>, vector<16xf32>,
      %add3A_115 = arith.addf %add3A_106, %get3A_114 : vector<16xf32>
      %mul3A_116 = arith.constant 16 : i32
      %mul3A_117 = arith.muli %scan3A_24, %mul3A_116 : i32
      %get3A_118 = arith.constant 10 : i32
      %get3A_119 = arith.constant 0 : i32
      %get3A_120 = arith.index_cast %get3A_118 : i32 to index
      %get3A_121 = arith.index_cast %get3A_119 : i32 to index
      %get3A_122 = arith.index_cast %mul3A_117 : i32 to index
      %get3A_123 = tpu.vector_load %arg7[%get3A_120, %get3A_121, %get3A_122] {strides = array<i32>} : memref<16x1x640xf32, #tpu.memory_space<vmem>>, vector<16xf32>,
      %add3A_124 = arith.addf %add3A_115, %get3A_123 : vector<16xf32>
      %mul3A_125 = arith.constant 16 : i32
      %mul3A_126 = arith.muli %scan3A_24, %mul3A_125 : i32
      %get3A_127 = arith.constant 11 : i32
      %get3A_128 = arith.constant 0 : i32
      %get3A_129 = arith.index_cast %get3A_127 : i32 to index
      %get3A_130 = arith.index_cast %get3A_128 : i32 to index
      %get3A_131 = arith.index_cast %mul3A_126 : i32 to index
      %get3A_132 = tpu.vector_load %arg7[%get3A_129, %get3A_130, %get3A_131] {strides = array<i32>} : memref<16x1x640xf32, #tpu.memory_space<vmem>>, vector<16xf32>,
      %add3A_133 = arith.addf %add3A_124, %get3A_132 : vector<16xf32>
      %mul3A_134 = arith.constant 16 : i32
      %mul3A_135 = arith.muli %scan3A_24, %mul3A_134 : i32
      %get3A_136 = arith.constant 12 : i32
      %get3A_137 = arith.constant 0 : i32
      %get3A_138 = arith.index_cast %get3A_136 : i32 to index
      %get3A_139 = arith.index_cast %get3A_137 : i32 to index
      %get3A_140 = arith.index_cast %mul3A_135 : i32 to index
      %get3A_141 = tpu.vector_load %arg7[%get3A_138, %get3A_139, %get3A_140] {strides = array<i32>} : memref<16x1x640xf32, #tpu.memory_space<vmem>>, vector<16xf32>,
      %add3A_142 = arith.addf %add3A_133, %get3A_141 : vector<16xf32>
      %mul3A_143 = arith.constant 16 : i32
      %mul3A_144 = arith.muli %scan3A_24, %mul3A_143 : i32
      %get3A_145 = arith.constant 13 : i32
      %get3A_146 = arith.constant 0 : i32
      %get3A_147 = arith.index_cast %get3A_145 : i32 to index
      %get3A_148 = arith.index_cast %get3A_146 : i32 to index
      %get3A_149 = arith.index_cast %mul3A_144 : i32 to index
      %get3A_150 = tpu.vector_load %arg7[%get3A_147, %get3A_148, %get3A_149] {strides = array<i32>} : memref<16x1x640xf32, #tpu.memory_space<vmem>>, vector<16xf32>,
      %add3A_151 = arith.addf %add3A_142, %get3A_150 : vector<16xf32>
      %mul3A_152 = arith.constant 16 : i32
      %mul3A_153 = arith.muli %scan3A_24, %mul3A_152 : i32
      %get3A_154 = arith.constant 14 : i32
      %get3A_155 = arith.constant 0 : i32
      %get3A_156 = arith.index_cast %get3A_154 : i32 to index
      %get3A_157 = arith.index_cast %get3A_155 : i32 to index
      %get3A_158 = arith.index_cast %mul3A_153 : i32 to index
      %get3A_159 = tpu.vector_load %arg7[%get3A_156, %get3A_157, %get3A_158] {strides = array<i32>} : memref<16x1x640xf32, #tpu.memory_space<vmem>>, vector<16xf32>,
      %add3A_160 = arith.addf %add3A_151, %get3A_159 : vector<16xf32>
      %mul3A_161 = arith.constant 16 : i32
      %mul3A_162 = arith.muli %scan3A_24, %mul3A_161 : i32
      %get3A_163 = arith.constant 15 : i32
      %get3A_164 = arith.constant 0 : i32
      %get3A_165 = arith.index_cast %get3A_163 : i32 to index
      %get3A_166 = arith.index_cast %get3A_164 : i32 to index
      %get3A_167 = arith.index_cast %mul3A_162 : i32 to index
      %get3A_168 = tpu.vector_load %arg7[%get3A_165, %get3A_166, %get3A_167] {strides = array<i32>} : memref<16x1x640xf32, #tpu.memory_space<vmem>>, vector<16xf32>,
      %add3A_169 = arith.addf %add3A_160, %get3A_168 : vector<16xf32>
      %bitcast3A = vector.bitcast %add3A_169 : vector<16xf32> to vector<16xi32>
      %shift_right_arithmetic3A = arith.constant 1 : i32
      %shift_right_arithmetic3A_170 = vector.broadcast %shift_right_arithmetic3A : i32 to vector<16xi32>
      %shift_right_arithmetic3A_171 = arith.shrsi %bitcast3A, %shift_right_arithmetic3A_170 : vector<16xi32>
      %sub3A = arith.constant 1597463007 : i32
      %sub3A_172 = vector.broadcast %sub3A : i32 to vector<16xi32>
      %sub3A_173 = arith.subi %sub3A_172, %shift_right_arithmetic3A_171 : vector<16xi32>
      %bitcast3A_174 = vector.bitcast %sub3A_173 : vector<16xi32> to vector<16xf32>
      %mul3A_175 = arith.constant 5.000000e-01 : f32
      %mul3A_176 = vector.broadcast %mul3A_175 : f32 to vector<16xf32>
      %mul3A_177 = arith.mulf %mul3A_176, %add3A_169 : vector<16xf32>
      %mul3A_178 = arith.mulf %mul3A_177, %bitcast3A_174 : vector<16xf32>
      %mul3A_179 = arith.mulf %mul3A_178, %bitcast3A_174 : vector<16xf32>
      %sub3A_180 = arith.constant 1.500000e+00 : f32
      %sub3A_181 = vector.broadcast %sub3A_180 : f32 to vector<16xf32>
      %sub3A_182 = arith.subf %sub3A_181, %mul3A_179 : vector<16xf32>
      %mul3A_183 = arith.mulf %bitcast3A_174, %sub3A_182 : vector<16xf32>
      %mul3A_184 = arith.constant 5.000000e-01 : f32
      %mul3A_185 = vector.broadcast %mul3A_184 : f32 to vector<16xf32>
      %mul3A_186 = arith.mulf %mul3A_185, %add3A_169 : vector<16xf32>
      %mul3A_187 = arith.mulf %mul3A_186, %mul3A_183 : vector<16xf32>
      %mul3A_188 = arith.mulf %mul3A_187, %mul3A_183 : vector<16xf32>
      %sub3A_189 = arith.constant 1.500000e+00 : f32
      %sub3A_190 = vector.broadcast %sub3A_189 : f32 to vector<16xf32>
      %sub3A_191 = arith.subf %sub3A_190, %mul3A_188 : vector<16xf32>
      %mul3A_192 = arith.mulf %mul3A_183, %sub3A_191 : vector<16xf32>
      %mul3A_193 = arith.constant 5.000000e-01 : f32
      %mul3A_194 = vector.broadcast %mul3A_193 : f32 to vector<16xf32>
      %mul3A_195 = arith.mulf %mul3A_194, %add3A_169 : vector<16xf32>
      %mul3A_196 = arith.mulf %mul3A_195, %mul3A_192 : vector<16xf32>
      %mul3A_197 = arith.mulf %mul3A_196, %mul3A_192 : vector<16xf32>
      %sub3A_198 = arith.constant 1.500000e+00 : f32
      %sub3A_199 = vector.broadcast %sub3A_198 : f32 to vector<16xf32>
      %sub3A_200 = arith.subf %sub3A_199, %mul3A_197 : vector<16xf32>
      %mul3A_201 = arith.mulf %mul3A_192, %sub3A_200 : vector<16xf32>
      %mul3A_202 = arith.constant 5.000000e-01 : f32
      %mul3A_203 = vector.broadcast %mul3A_202 : f32 to vector<16xf32>
      %mul3A_204 = arith.mulf %mul3A_203, %add3A_169 : vector<16xf32>
      %mul3A_205 = arith.mulf %mul3A_204, %mul3A_201 : vector<16xf32>
      %mul3A_206 = arith.mulf %mul3A_205, %mul3A_201 : vector<16xf32>
      %sub3A_207 = arith.constant 1.500000e+00 : f32
      %sub3A_208 = vector.broadcast %sub3A_207 : f32 to vector<16xf32>
      %sub3A_209 = arith.subf %sub3A_208, %mul3A_206 : vector<16xf32>
      %mul3A_210 = arith.mulf %mul3A_201, %sub3A_209 : vector<16xf32>
      %mul3A_211 = arith.constant 16 : i32
      %mul3A_212 = arith.muli %scan3A_24, %mul3A_211 : i32
      %swap3A = arith.index_cast %mul3A_212 : i32 to index
      %swap3A_213 = tpu.vector_load %arg8[%swap3A] {strides = array<i32>} : memref<640xf32, #tpu.memory_space<vmem>>, vector<16xf32>,
      tpu.vector_store %arg8[%swap3A], %mul3A_210 {strides = array<i32>} : memref<640xf32, #tpu.memory_space<vmem>>, vector<16xf32>,
      %scan3A_214 = arith.constant 0 : i32
      scf.yield %scan3A_214 : i32
    }
    %scan3A_23 = arith.constant 40 : i32
    "tpu.region"() ({
      %run_scoped3A_24 = tpu.sem_alloc : memref<!tpu.dma_semaphore, #tpu.memory_space<semaphore_mem>>
      %dma_start3A = tpu.memref_slice %arg3[%mul3A_0] : memref<10240xf32, #tpu.memory_space<hbm>> -> memref<640xf32, #tpu.memory_space<hbm>>
      %dma_start3A_25 = tpu.memref_slice %arg3[%mul3A_0] : memref<10240xf32, #tpu.memory_space<hbm>> -> memref<640xf32, #tpu.memory_space<hbm>>
      tpu.enqueue_dma source(%arg8 : memref<640xf32, #tpu.memory_space<vmem>>) target(%dma_start3A_25 : memref<640xf32, #tpu.memory_space<hbm>>) target_semaphore(%run_scoped3A_24 : memref<!tpu.dma_semaphore, #tpu.memory_space<semaphore_mem>>)
      %dma_wait3A = tpu.memref_slice %arg3[%mul3A_0] : memref<10240xf32, #tpu.memory_space<hbm>> -> memref<640xf32, #tpu.memory_space<hbm>>
      %dma_wait3A_26 = tpu.memref_slice %arg3[%mul3A_0] : memref<10240xf32, #tpu.memory_space<hbm>> -> memref<640xf32, #tpu.memory_space<hbm>>
      tpu.wait_dma2 semaphore(%run_scoped3A_24 : memref<!tpu.dma_semaphore, #tpu.memory_space<semaphore_mem>>) src(%arg8 : memref<640xf32, #tpu.memory_space<vmem>>) dst(%dma_wait3A_26 : memref<640xf32, #tpu.memory_space<hbm>>)
      tpu.yield
    }) : () -> ()
    return
  }
}

module attributes {stable_mosaic.version = 14 : i64} {
  func.func @_mlp_body(%arg0: i32, %arg1: memref<400x512xf32, #tpu.memory_space<vmem>>, %arg2: memref<512x512xf32, #tpu.memory_space<vmem>>, %arg3: memref<1x512xf32, #tpu.memory_space<vmem>>, %arg4: memref<512x256xf32, #tpu.memory_space<vmem>>, %arg5: memref<1x256xf32, #tpu.memory_space<vmem>>, %arg6: memref<4x400x64xf32, #tpu.memory_space<vmem>>) attributes {dimension_semantics = [#tpu.dimension_semantics<arbitrary>], iteration_bounds = array<i64: 25>, scalar_prefetch = 0 : i64, scratch_operands = 0 : i64, tpu.core_type = #tpu.core_type<tc>, window_params = [{transform_indices = @transform_0, window_bounds = array<i64: 400, 512>}, {pipeline_mode = #tpu.pipeline_mode<synchronous>, transform_indices = @transform_1, window_bounds = array<i64: 512, 512>}, {pipeline_mode = #tpu.pipeline_mode<synchronous>, transform_indices = @transform_2, window_bounds = array<i64: 1, 512>}, {pipeline_mode = #tpu.pipeline_mode<synchronous>, transform_indices = @transform_3, window_bounds = array<i64: 512, 256>}, {pipeline_mode = #tpu.pipeline_mode<synchronous>, transform_indices = @transform_4, window_bounds = array<i64: 1, 256>}, {transform_indices = @transform_5, window_bounds = array<i64: 4, 400, 64>}]} {
    %get3A = arith.constant 0 : index
    %get3A_0 = arith.constant 0 : index
    %get3A_1 = vector.load %arg1[%get3A, %get3A_0] : memref<400x512xf32, #tpu.memory_space<vmem>>, vector<400x512xf32>
    %get3A_2 = arith.constant 0 : index
    %get3A_3 = arith.constant 0 : index
    %get3A_4 = vector.load %arg2[%get3A_2, %get3A_3] : memref<512x512xf32, #tpu.memory_space<vmem>>, vector<512x512xf32>
    %dot_general3A = arith.constant dense<0.000000e+00> : vector<400x512xf32>
    %dot_general3A_5 = tpu.matmul %get3A_1, %get3A_4, %dot_general3A {dimension_numbers = #tpu.dot_dimension_numbers<[1], [0], [0], [1], [0, 0, 1, 1], [], []>, transpose_lhs_hint = false} : vector<400x512xf32>, vector<512x512xf32>, vector<400x512xf32> -> vector<400x512xf32>
    %get3A_6 = arith.constant 0 : index
    %get3A_7 = arith.constant 0 : index
    %get3A_8 = vector.load %arg3[%get3A_6, %get3A_7] : memref<1x512xf32, #tpu.memory_space<vmem>>, vector<1x512xf32>
    %add3A = vector.broadcast %get3A_8 : vector<1x512xf32> to vector<400x512xf32>
    %add3A_9 = arith.addf %dot_general3A_5, %add3A : vector<400x512xf32>
    %max3A = arith.constant 0.000000e+00 : f32
    %max3A_10 = vector.broadcast %max3A : f32 to vector<400x512xf32>
    %max3A_11 = arith.maximumf %add3A_9, %max3A_10 : vector<400x512xf32>
    %get3A_12 = arith.constant 0 : index
    %get3A_13 = arith.constant 0 : index
    %get3A_14 = vector.load %arg4[%get3A_12, %get3A_13] : memref<512x256xf32, #tpu.memory_space<vmem>>, vector<512x256xf32>
    %dot_general3A_15 = arith.constant dense<0.000000e+00> : vector<400x256xf32>
    %dot_general3A_16 = tpu.matmul %max3A_11, %get3A_14, %dot_general3A_15 {dimension_numbers = #tpu.dot_dimension_numbers<[1], [0], [0], [1], [0, 0, 1, 1], [], []>, transpose_lhs_hint = false} : vector<400x512xf32>, vector<512x256xf32>, vector<400x256xf32> -> vector<400x256xf32>
    %get3A_17 = arith.constant 0 : index
    %get3A_18 = arith.constant 0 : index
    %get3A_19 = vector.load %arg5[%get3A_17, %get3A_18] : memref<1x256xf32, #tpu.memory_space<vmem>>, vector<1x256xf32>
    %add3A_20 = vector.broadcast %get3A_19 : vector<1x256xf32> to vector<400x256xf32>
    %add3A_21 = arith.addf %dot_general3A_16, %add3A_20 : vector<400x256xf32>
    %slice3A = vector.extract_strided_slice %add3A_21 {offsets = [0, 0], sizes = [400, 64], strides = [1, 1]} : vector<400x256xf32> to vector<400x64xf32>
    %swap3A = arith.constant 0 : index
    %swap3A_22 = arith.constant 0 : index
    %swap3A_23 = arith.constant 0 : index
    %swap3A_24 = vector.load %arg6[%swap3A, %swap3A_22, %swap3A_23] : memref<4x400x64xf32, #tpu.memory_space<vmem>>, vector<1x400x64xf32>
    %swap3A_25 = vector.shape_cast %swap3A_24 : vector<1x400x64xf32> to vector<400x64xf32>
    %swap3A_26 = vector.shape_cast %slice3A : vector<400x64xf32> to vector<1x400x64xf32>
    tpu.vector_store %arg6[%swap3A, %swap3A_22, %swap3A_23], %swap3A_26 {strides = array<i32>} : memref<4x400x64xf32, #tpu.memory_space<vmem>>, vector<1x400x64xf32>,
    %slice3A_27 = vector.extract_strided_slice %add3A_21 {offsets = [0, 64], sizes = [400, 64], strides = [1, 1]} : vector<400x256xf32> to vector<400x64xf32>
    %swap3A_28 = arith.constant 1 : index
    %swap3A_29 = arith.constant 0 : index
    %swap3A_30 = arith.constant 0 : index
    %swap3A_31 = vector.load %arg6[%swap3A_28, %swap3A_29, %swap3A_30] : memref<4x400x64xf32, #tpu.memory_space<vmem>>, vector<1x400x64xf32>
    %swap3A_32 = vector.shape_cast %swap3A_31 : vector<1x400x64xf32> to vector<400x64xf32>
    %swap3A_33 = vector.shape_cast %slice3A_27 : vector<400x64xf32> to vector<1x400x64xf32>
    tpu.vector_store %arg6[%swap3A_28, %swap3A_29, %swap3A_30], %swap3A_33 {strides = array<i32>} : memref<4x400x64xf32, #tpu.memory_space<vmem>>, vector<1x400x64xf32>,
    %slice3A_34 = vector.extract_strided_slice %add3A_21 {offsets = [0, 128], sizes = [400, 64], strides = [1, 1]} : vector<400x256xf32> to vector<400x64xf32>
    %swap3A_35 = arith.constant 2 : index
    %swap3A_36 = arith.constant 0 : index
    %swap3A_37 = arith.constant 0 : index
    %swap3A_38 = vector.load %arg6[%swap3A_35, %swap3A_36, %swap3A_37] : memref<4x400x64xf32, #tpu.memory_space<vmem>>, vector<1x400x64xf32>
    %swap3A_39 = vector.shape_cast %swap3A_38 : vector<1x400x64xf32> to vector<400x64xf32>
    %swap3A_40 = vector.shape_cast %slice3A_34 : vector<400x64xf32> to vector<1x400x64xf32>
    tpu.vector_store %arg6[%swap3A_35, %swap3A_36, %swap3A_37], %swap3A_40 {strides = array<i32>} : memref<4x400x64xf32, #tpu.memory_space<vmem>>, vector<1x400x64xf32>,
    %slice3A_41 = vector.extract_strided_slice %add3A_21 {offsets = [0, 192], sizes = [400, 64], strides = [1, 1]} : vector<400x256xf32> to vector<400x64xf32>
    %swap3A_42 = arith.constant 3 : index
    %swap3A_43 = arith.constant 0 : index
    %swap3A_44 = arith.constant 0 : index
    %swap3A_45 = vector.load %arg6[%swap3A_42, %swap3A_43, %swap3A_44] : memref<4x400x64xf32, #tpu.memory_space<vmem>>, vector<1x400x64xf32>
    %swap3A_46 = vector.shape_cast %swap3A_45 : vector<1x400x64xf32> to vector<400x64xf32>
    %swap3A_47 = vector.shape_cast %slice3A_41 : vector<400x64xf32> to vector<1x400x64xf32>
    tpu.vector_store %arg6[%swap3A_42, %swap3A_43, %swap3A_44], %swap3A_47 {strides = array<i32>} : memref<4x400x64xf32, #tpu.memory_space<vmem>>, vector<1x400x64xf32>,
    return
  }
  func.func @transform_0(%arg0: i32) -> (i32, i32) {
    %c0_i32 = arith.constant 0 : i32
    %c0_i32_0 = arith.constant 0 : i32
    return %arg0, %c0_i32 : i32, i32
  }
  func.func @transform_1(%arg0: i32) -> (i32, i32) {
    %c0_i32 = arith.constant 0 : i32
    %c0_i32_0 = arith.constant 0 : i32
    %c0_i32_1 = arith.constant 0 : i32
    return %c0_i32, %c0_i32_0 : i32, i32
  }
  func.func @transform_2(%arg0: i32) -> (i32, i32) {
    %c0_i32 = arith.constant 0 : i32
    %c0_i32_0 = arith.constant 0 : i32
    %c0_i32_1 = arith.constant 0 : i32
    return %c0_i32, %c0_i32_0 : i32, i32
  }
  func.func @transform_3(%arg0: i32) -> (i32, i32) {
    %c0_i32 = arith.constant 0 : i32
    %c0_i32_0 = arith.constant 0 : i32
    %c0_i32_1 = arith.constant 0 : i32
    return %c0_i32, %c0_i32_0 : i32, i32
  }
  func.func @transform_4(%arg0: i32) -> (i32, i32) {
    %c0_i32 = arith.constant 0 : i32
    %c0_i32_0 = arith.constant 0 : i32
    %c0_i32_1 = arith.constant 0 : i32
    return %c0_i32, %c0_i32_0 : i32, i32
  }
  func.func @transform_5(%arg0: i32) -> (i32, i32, i32) {
    %c0_i32 = arith.constant 0 : i32
    %c0_i32_0 = arith.constant 0 : i32
    %c0_i32_1 = arith.constant 0 : i32
    return %c0_i32, %arg0, %c0_i32_0 : i32, i32, i32
  }
}

module attributes {stable_mosaic.version = 14 : i64} {
  func.func @_combine_body(%arg0: i32, %arg1: memref<4x400x64xf32, #tpu.memory_space<vmem>>, %arg2: memref<4x11x400x64xf32, #tpu.memory_space<vmem>>, %arg3: memref<400x1xf32, #tpu.memory_space<vmem>>, %arg4: memref<1x256xf32, #tpu.memory_space<vmem>>, %arg5: memref<1x1xf32, #tpu.memory_space<vmem>>, %arg6: memref<400x256xf32, #tpu.memory_space<vmem>>) attributes {dimension_semantics = [#tpu.dimension_semantics<arbitrary>], iteration_bounds = array<i64: 25>, scalar_prefetch = 0 : i64, scratch_operands = 0 : i64, tpu.core_type = #tpu.core_type<tc>, window_params = [{transform_indices = @transform_0, window_bounds = array<i64: 4, 400, 64>}, {transform_indices = @transform_1, window_bounds = array<i64: 4, 11, 400, 64>}, {transform_indices = @transform_2, window_bounds = array<i64: 400, 1>}, {pipeline_mode = #tpu.pipeline_mode<synchronous>, transform_indices = @transform_3, window_bounds = array<i64: 1, 256>}, {pipeline_mode = #tpu.pipeline_mode<synchronous>, transform_indices = @transform_4, window_bounds = array<i64: 1, 1>}, {transform_indices = @transform_5, window_bounds = array<i64: 400, 256>}]} {
    %get3A = arith.constant 0 : index
    %get3A_0 = arith.constant 0 : index
    %get3A_1 = vector.load %arg4[%get3A, %get3A_0] : memref<1x256xf32, #tpu.memory_space<vmem>>, vector<1x256xf32>
    %get3A_2 = arith.constant 0 : index
    %get3A_3 = arith.constant 0 : index
    %get3A_4 = vector.load %arg5[%get3A_2, %get3A_3] : memref<1x1xf32, #tpu.memory_space<vmem>>, vector<1x1xf32>
    %get3A_5 = vector.extract %get3A_4[0, 0] : f32 from vector<1x1xf32>
    %get3A_6 = arith.constant 0 : index
    %get3A_7 = arith.constant 0 : index
    %get3A_8 = vector.load %arg3[%get3A_6, %get3A_7] : memref<400x1xf32, #tpu.memory_space<vmem>>, vector<400x1xf32>
    %div3A = arith.constant 1.000000e+00 : f32
    %div3A_9 = vector.broadcast %div3A : f32 to vector<400x1xf32>
    %div3A_10 = arith.divf %div3A_9, %get3A_8 : vector<400x1xf32>
    %get3A_11 = arith.constant 0 : index
    %get3A_12 = arith.constant 0 : index
    %get3A_13 = arith.constant 0 : index
    %get3A_14 = vector.load %arg1[%get3A_11, %get3A_12, %get3A_13] : memref<4x400x64xf32, #tpu.memory_space<vmem>>, vector<4x400x64xf32>
    %get3A_15 = arith.constant 0 : index
    %get3A_16 = arith.constant 0 : index
    %get3A_17 = arith.constant 0 : index
    %get3A_18 = arith.constant 0 : index
    %get3A_19 = vector.load %arg2[%get3A_15, %get3A_16, %get3A_17, %get3A_18] : memref<4x11x400x64xf32, #tpu.memory_space<vmem>>, vector<4x11x400x64xf32>
    %broadcast_in_dim3A = arith.constant 0.000000e+00 : f32
    %broadcast_in_dim3A_20 = vector.broadcast %broadcast_in_dim3A : f32 to vector<400x256xf32>
    %slice3A = vector.extract_strided_slice %get3A_14 {offsets = [0, 0, 0], sizes = [1, 400, 64], strides = [1, 1, 1]} : vector<4x400x64xf32> to vector<1x400x64xf32>
    %squeeze3A = vector.shape_cast %slice3A : vector<1x400x64xf32> to vector<400x64xf32>
    %slice3A_21 = vector.extract_strided_slice %get3A_14 {offsets = [1, 0, 0], sizes = [1, 400, 64], strides = [1, 1, 1]} : vector<4x400x64xf32> to vector<1x400x64xf32>
    %squeeze3A_22 = vector.shape_cast %slice3A_21 : vector<1x400x64xf32> to vector<400x64xf32>
    %slice3A_23 = vector.extract_strided_slice %get3A_14 {offsets = [2, 0, 0], sizes = [1, 400, 64], strides = [1, 1, 1]} : vector<4x400x64xf32> to vector<1x400x64xf32>
    %squeeze3A_24 = vector.shape_cast %slice3A_23 : vector<1x400x64xf32> to vector<400x64xf32>
    %slice3A_25 = vector.extract_strided_slice %get3A_14 {offsets = [3, 0, 0], sizes = [1, 400, 64], strides = [1, 1, 1]} : vector<4x400x64xf32> to vector<1x400x64xf32>
    %squeeze3A_26 = vector.shape_cast %slice3A_25 : vector<1x400x64xf32> to vector<400x64xf32>
    %concatenate3A = tpu.concatenate %squeeze3A, %squeeze3A_22, %squeeze3A_24, %squeeze3A_26 in 1 : vector<400x64xf32>, vector<400x64xf32>, vector<400x64xf32>, vector<400x64xf32> -> vector<400x256xf32>
    %mul3A = vector.broadcast %get3A_1 : vector<1x256xf32> to vector<400x256xf32>
    %mul3A_27 = arith.mulf %concatenate3A, %mul3A : vector<400x256xf32>
    %reduce_sum3A = arith.constant dense<0.000000e+00> : vector<400xf32>
    %reduce_sum3A_28 = vector.multi_reduction <add>, %mul3A_27, %reduce_sum3A [1] : vector<400x256xf32> to vector<400xf32>
    %add3A = vector.broadcast %get3A_5 : f32 to vector<400xf32>
    %add3A_29 = arith.addf %reduce_sum3A_28, %add3A : vector<400xf32>
    %logistic3A = arith.negf %add3A_29 : vector<400xf32>
    %logistic3A_30 = math.exp %logistic3A : vector<400xf32>
    %logistic3A_31 = arith.constant 1.000000e+00 : f32
    %logistic3A_32 = vector.broadcast %logistic3A_31 : f32 to vector<400xf32>
    %logistic3A_33 = arith.addf %logistic3A_32, %logistic3A_30 : vector<400xf32>
    %logistic3A_34 = arith.divf %logistic3A_32, %logistic3A_33 : vector<400xf32>
    %broadcast_in_dim3A_35 = vector.shape_cast %logistic3A_34 : vector<400xf32> to vector<400x1xf32>
    %mul3A_36 = vector.broadcast %broadcast_in_dim3A_35 : vector<400x1xf32> to vector<400x256xf32>
    %mul3A_37 = arith.mulf %mul3A_36, %concatenate3A : vector<400x256xf32>
    %add3A_38 = arith.addf %broadcast_in_dim3A_20, %mul3A_37 : vector<400x256xf32>
    %slice3A_39 = vector.extract_strided_slice %get3A_19 {offsets = [0, 1, 0, 0], sizes = [1, 1, 400, 64], strides = [1, 1, 1, 1]} : vector<4x11x400x64xf32> to vector<1x1x400x64xf32>
    %squeeze3A_40 = vector.shape_cast %slice3A_39 : vector<1x1x400x64xf32> to vector<400x64xf32>
    %slice3A_41 = vector.extract_strided_slice %get3A_19 {offsets = [1, 1, 0, 0], sizes = [1, 1, 400, 64], strides = [1, 1, 1, 1]} : vector<4x11x400x64xf32> to vector<1x1x400x64xf32>
    %squeeze3A_42 = vector.shape_cast %slice3A_41 : vector<1x1x400x64xf32> to vector<400x64xf32>
    %slice3A_43 = vector.extract_strided_slice %get3A_19 {offsets = [2, 1, 0, 0], sizes = [1, 1, 400, 64], strides = [1, 1, 1, 1]} : vector<4x11x400x64xf32> to vector<1x1x400x64xf32>
    %squeeze3A_44 = vector.shape_cast %slice3A_43 : vector<1x1x400x64xf32> to vector<400x64xf32>
    %slice3A_45 = vector.extract_strided_slice %get3A_19 {offsets = [3, 1, 0, 0], sizes = [1, 1, 400, 64], strides = [1, 1, 1, 1]} : vector<4x11x400x64xf32> to vector<1x1x400x64xf32>
    %squeeze3A_46 = vector.shape_cast %slice3A_45 : vector<1x1x400x64xf32> to vector<400x64xf32>
    %concatenate3A_47 = tpu.concatenate %squeeze3A_40, %squeeze3A_42, %squeeze3A_44, %squeeze3A_46 in 1 : vector<400x64xf32>, vector<400x64xf32>, vector<400x64xf32>, vector<400x64xf32> -> vector<400x256xf32>
    %mul3A_48 = vector.broadcast %div3A_10 : vector<400x1xf32> to vector<400x256xf32>
    %mul3A_49 = arith.mulf %concatenate3A_47, %mul3A_48 : vector<400x256xf32>
    %mul3A_50 = vector.broadcast %get3A_1 : vector<1x256xf32> to vector<400x256xf32>
    %mul3A_51 = arith.mulf %mul3A_49, %mul3A_50 : vector<400x256xf32>
    %reduce_sum3A_52 = arith.constant dense<0.000000e+00> : vector<400xf32>
    %reduce_sum3A_53 = vector.multi_reduction <add>, %mul3A_51, %reduce_sum3A_52 [1] : vector<400x256xf32> to vector<400xf32>
    %add3A_54 = vector.broadcast %get3A_5 : f32 to vector<400xf32>
    %add3A_55 = arith.addf %reduce_sum3A_53, %add3A_54 : vector<400xf32>
    %logistic3A_56 = arith.negf %add3A_55 : vector<400xf32>
    %logistic3A_57 = math.exp %logistic3A_56 : vector<400xf32>
    %logistic3A_58 = arith.constant 1.000000e+00 : f32
    %logistic3A_59 = vector.broadcast %logistic3A_58 : f32 to vector<400xf32>
    %logistic3A_60 = arith.addf %logistic3A_59, %logistic3A_57 : vector<400xf32>
    %logistic3A_61 = arith.divf %logistic3A_59, %logistic3A_60 : vector<400xf32>
    %broadcast_in_dim3A_62 = vector.shape_cast %logistic3A_61 : vector<400xf32> to vector<400x1xf32>
    %mul3A_63 = vector.broadcast %broadcast_in_dim3A_62 : vector<400x1xf32> to vector<400x256xf32>
    %mul3A_64 = arith.mulf %mul3A_63, %mul3A_49 : vector<400x256xf32>
    %add3A_65 = arith.addf %add3A_38, %mul3A_64 : vector<400x256xf32>
    %slice3A_66 = vector.extract_strided_slice %get3A_19 {offsets = [0, 2, 0, 0], sizes = [1, 1, 400, 64], strides = [1, 1, 1, 1]} : vector<4x11x400x64xf32> to vector<1x1x400x64xf32>
    %squeeze3A_67 = vector.shape_cast %slice3A_66 : vector<1x1x400x64xf32> to vector<400x64xf32>
    %slice3A_68 = vector.extract_strided_slice %get3A_19 {offsets = [1, 2, 0, 0], sizes = [1, 1, 400, 64], strides = [1, 1, 1, 1]} : vector<4x11x400x64xf32> to vector<1x1x400x64xf32>
    %squeeze3A_69 = vector.shape_cast %slice3A_68 : vector<1x1x400x64xf32> to vector<400x64xf32>
    %slice3A_70 = vector.extract_strided_slice %get3A_19 {offsets = [2, 2, 0, 0], sizes = [1, 1, 400, 64], strides = [1, 1, 1, 1]} : vector<4x11x400x64xf32> to vector<1x1x400x64xf32>
    %squeeze3A_71 = vector.shape_cast %slice3A_70 : vector<1x1x400x64xf32> to vector<400x64xf32>
    %slice3A_72 = vector.extract_strided_slice %get3A_19 {offsets = [3, 2, 0, 0], sizes = [1, 1, 400, 64], strides = [1, 1, 1, 1]} : vector<4x11x400x64xf32> to vector<1x1x400x64xf32>
    %squeeze3A_73 = vector.shape_cast %slice3A_72 : vector<1x1x400x64xf32> to vector<400x64xf32>
    %concatenate3A_74 = tpu.concatenate %squeeze3A_67, %squeeze3A_69, %squeeze3A_71, %squeeze3A_73 in 1 : vector<400x64xf32>, vector<400x64xf32>, vector<400x64xf32>, vector<400x64xf32> -> vector<400x256xf32>
    %mul3A_75 = vector.broadcast %div3A_10 : vector<400x1xf32> to vector<400x256xf32>
    %mul3A_76 = arith.mulf %concatenate3A_74, %mul3A_75 : vector<400x256xf32>
    %mul3A_77 = vector.broadcast %get3A_1 : vector<1x256xf32> to vector<400x256xf32>
    %mul3A_78 = arith.mulf %mul3A_76, %mul3A_77 : vector<400x256xf32>
    %reduce_sum3A_79 = arith.constant dense<0.000000e+00> : vector<400xf32>
    %reduce_sum3A_80 = vector.multi_reduction <add>, %mul3A_78, %reduce_sum3A_79 [1] : vector<400x256xf32> to vector<400xf32>
    %add3A_81 = vector.broadcast %get3A_5 : f32 to vector<400xf32>
    %add3A_82 = arith.addf %reduce_sum3A_80, %add3A_81 : vector<400xf32>
    %logistic3A_83 = arith.negf %add3A_82 : vector<400xf32>
    %logistic3A_84 = math.exp %logistic3A_83 : vector<400xf32>
    %logistic3A_85 = arith.constant 1.000000e+00 : f32
    %logistic3A_86 = vector.broadcast %logistic3A_85 : f32 to vector<400xf32>
    %logistic3A_87 = arith.addf %logistic3A_86, %logistic3A_84 : vector<400xf32>
    %logistic3A_88 = arith.divf %logistic3A_86, %logistic3A_87 : vector<400xf32>
    %broadcast_in_dim3A_89 = vector.shape_cast %logistic3A_88 : vector<400xf32> to vector<400x1xf32>
    %mul3A_90 = vector.broadcast %broadcast_in_dim3A_89 : vector<400x1xf32> to vector<400x256xf32>
    %mul3A_91 = arith.mulf %mul3A_90, %mul3A_76 : vector<400x256xf32>
    %add3A_92 = arith.addf %add3A_65, %mul3A_91 : vector<400x256xf32>
    %slice3A_93 = vector.extract_strided_slice %get3A_19 {offsets = [0, 3, 0, 0], sizes = [1, 1, 400, 64], strides = [1, 1, 1, 1]} : vector<4x11x400x64xf32> to vector<1x1x400x64xf32>
    %squeeze3A_94 = vector.shape_cast %slice3A_93 : vector<1x1x400x64xf32> to vector<400x64xf32>
    %slice3A_95 = vector.extract_strided_slice %get3A_19 {offsets = [1, 3, 0, 0], sizes = [1, 1, 400, 64], strides = [1, 1, 1, 1]} : vector<4x11x400x64xf32> to vector<1x1x400x64xf32>
    %squeeze3A_96 = vector.shape_cast %slice3A_95 : vector<1x1x400x64xf32> to vector<400x64xf32>
    %slice3A_97 = vector.extract_strided_slice %get3A_19 {offsets = [2, 3, 0, 0], sizes = [1, 1, 400, 64], strides = [1, 1, 1, 1]} : vector<4x11x400x64xf32> to vector<1x1x400x64xf32>
    %squeeze3A_98 = vector.shape_cast %slice3A_97 : vector<1x1x400x64xf32> to vector<400x64xf32>
    %slice3A_99 = vector.extract_strided_slice %get3A_19 {offsets = [3, 3, 0, 0], sizes = [1, 1, 400, 64], strides = [1, 1, 1, 1]} : vector<4x11x400x64xf32> to vector<1x1x400x64xf32>
    %squeeze3A_100 = vector.shape_cast %slice3A_99 : vector<1x1x400x64xf32> to vector<400x64xf32>
    %concatenate3A_101 = tpu.concatenate %squeeze3A_94, %squeeze3A_96, %squeeze3A_98, %squeeze3A_100 in 1 : vector<400x64xf32>, vector<400x64xf32>, vector<400x64xf32>, vector<400x64xf32> -> vector<400x256xf32>
    %mul3A_102 = vector.broadcast %div3A_10 : vector<400x1xf32> to vector<400x256xf32>
    %mul3A_103 = arith.mulf %concatenate3A_101, %mul3A_102 : vector<400x256xf32>
    %mul3A_104 = vector.broadcast %get3A_1 : vector<1x256xf32> to vector<400x256xf32>
    %mul3A_105 = arith.mulf %mul3A_103, %mul3A_104 : vector<400x256xf32>
    %reduce_sum3A_106 = arith.constant dense<0.000000e+00> : vector<400xf32>
    %reduce_sum3A_107 = vector.multi_reduction <add>, %mul3A_105, %reduce_sum3A_106 [1] : vector<400x256xf32> to vector<400xf32>
    %add3A_108 = vector.broadcast %get3A_5 : f32 to vector<400xf32>
    %add3A_109 = arith.addf %reduce_sum3A_107, %add3A_108 : vector<400xf32>
    %logistic3A_110 = arith.negf %add3A_109 : vector<400xf32>
    %logistic3A_111 = math.exp %logistic3A_110 : vector<400xf32>
    %logistic3A_112 = arith.constant 1.000000e+00 : f32
    %logistic3A_113 = vector.broadcast %logistic3A_112 : f32 to vector<400xf32>
    %logistic3A_114 = arith.addf %logistic3A_113, %logistic3A_111 : vector<400xf32>
    %logistic3A_115 = arith.divf %logistic3A_113, %logistic3A_114 : vector<400xf32>
    %broadcast_in_dim3A_116 = vector.shape_cast %logistic3A_115 : vector<400xf32> to vector<400x1xf32>
    %mul3A_117 = vector.broadcast %broadcast_in_dim3A_116 : vector<400x1xf32> to vector<400x256xf32>
    %mul3A_118 = arith.mulf %mul3A_117, %mul3A_103 : vector<400x256xf32>
    %add3A_119 = arith.addf %add3A_92, %mul3A_118 : vector<400x256xf32>
    %slice3A_120 = vector.extract_strided_slice %get3A_19 {offsets = [0, 4, 0, 0], sizes = [1, 1, 400, 64], strides = [1, 1, 1, 1]} : vector<4x11x400x64xf32> to vector<1x1x400x64xf32>
    %squeeze3A_121 = vector.shape_cast %slice3A_120 : vector<1x1x400x64xf32> to vector<400x64xf32>
    %slice3A_122 = vector.extract_strided_slice %get3A_19 {offsets = [1, 4, 0, 0], sizes = [1, 1, 400, 64], strides = [1, 1, 1, 1]} : vector<4x11x400x64xf32> to vector<1x1x400x64xf32>
    %squeeze3A_123 = vector.shape_cast %slice3A_122 : vector<1x1x400x64xf32> to vector<400x64xf32>
    %slice3A_124 = vector.extract_strided_slice %get3A_19 {offsets = [2, 4, 0, 0], sizes = [1, 1, 400, 64], strides = [1, 1, 1, 1]} : vector<4x11x400x64xf32> to vector<1x1x400x64xf32>
    %squeeze3A_125 = vector.shape_cast %slice3A_124 : vector<1x1x400x64xf32> to vector<400x64xf32>
    %slice3A_126 = vector.extract_strided_slice %get3A_19 {offsets = [3, 4, 0, 0], sizes = [1, 1, 400, 64], strides = [1, 1, 1, 1]} : vector<4x11x400x64xf32> to vector<1x1x400x64xf32>
    %squeeze3A_127 = vector.shape_cast %slice3A_126 : vector<1x1x400x64xf32> to vector<400x64xf32>
    %concatenate3A_128 = tpu.concatenate %squeeze3A_121, %squeeze3A_123, %squeeze3A_125, %squeeze3A_127 in 1 : vector<400x64xf32>, vector<400x64xf32>, vector<400x64xf32>, vector<400x64xf32> -> vector<400x256xf32>
    %mul3A_129 = vector.broadcast %div3A_10 : vector<400x1xf32> to vector<400x256xf32>
    %mul3A_130 = arith.mulf %concatenate3A_128, %mul3A_129 : vector<400x256xf32>
    %mul3A_131 = vector.broadcast %get3A_1 : vector<1x256xf32> to vector<400x256xf32>
    %mul3A_132 = arith.mulf %mul3A_130, %mul3A_131 : vector<400x256xf32>
    %reduce_sum3A_133 = arith.constant dense<0.000000e+00> : vector<400xf32>
    %reduce_sum3A_134 = vector.multi_reduction <add>, %mul3A_132, %reduce_sum3A_133 [1] : vector<400x256xf32> to vector<400xf32>
    %add3A_135 = vector.broadcast %get3A_5 : f32 to vector<400xf32>
    %add3A_136 = arith.addf %reduce_sum3A_134, %add3A_135 : vector<400xf32>
    %logistic3A_137 = arith.negf %add3A_136 : vector<400xf32>
    %logistic3A_138 = math.exp %logistic3A_137 : vector<400xf32>
    %logistic3A_139 = arith.constant 1.000000e+00 : f32
    %logistic3A_140 = vector.broadcast %logistic3A_139 : f32 to vector<400xf32>
    %logistic3A_141 = arith.addf %logistic3A_140, %logistic3A_138 : vector<400xf32>
    %logistic3A_142 = arith.divf %logistic3A_140, %logistic3A_141 : vector<400xf32>
    %broadcast_in_dim3A_143 = vector.shape_cast %logistic3A_142 : vector<400xf32> to vector<400x1xf32>
    %mul3A_144 = vector.broadcast %broadcast_in_dim3A_143 : vector<400x1xf32> to vector<400x256xf32>
    %mul3A_145 = arith.mulf %mul3A_144, %mul3A_130 : vector<400x256xf32>
    %add3A_146 = arith.addf %add3A_119, %mul3A_145 : vector<400x256xf32>
    %slice3A_147 = vector.extract_strided_slice %get3A_19 {offsets = [0, 5, 0, 0], sizes = [1, 1, 400, 64], strides = [1, 1, 1, 1]} : vector<4x11x400x64xf32> to vector<1x1x400x64xf32>
    %squeeze3A_148 = vector.shape_cast %slice3A_147 : vector<1x1x400x64xf32> to vector<400x64xf32>
    %slice3A_149 = vector.extract_strided_slice %get3A_19 {offsets = [1, 5, 0, 0], sizes = [1, 1, 400, 64], strides = [1, 1, 1, 1]} : vector<4x11x400x64xf32> to vector<1x1x400x64xf32>
    %squeeze3A_150 = vector.shape_cast %slice3A_149 : vector<1x1x400x64xf32> to vector<400x64xf32>
    %slice3A_151 = vector.extract_strided_slice %get3A_19 {offsets = [2, 5, 0, 0], sizes = [1, 1, 400, 64], strides = [1, 1, 1, 1]} : vector<4x11x400x64xf32> to vector<1x1x400x64xf32>
    %squeeze3A_152 = vector.shape_cast %slice3A_151 : vector<1x1x400x64xf32> to vector<400x64xf32>
    %slice3A_153 = vector.extract_strided_slice %get3A_19 {offsets = [3, 5, 0, 0], sizes = [1, 1, 400, 64], strides = [1, 1, 1, 1]} : vector<4x11x400x64xf32> to vector<1x1x400x64xf32>
    %squeeze3A_154 = vector.shape_cast %slice3A_153 : vector<1x1x400x64xf32> to vector<400x64xf32>
    %concatenate3A_155 = tpu.concatenate %squeeze3A_148, %squeeze3A_150, %squeeze3A_152, %squeeze3A_154 in 1 : vector<400x64xf32>, vector<400x64xf32>, vector<400x64xf32>, vector<400x64xf32> -> vector<400x256xf32>
    %mul3A_156 = vector.broadcast %div3A_10 : vector<400x1xf32> to vector<400x256xf32>
    %mul3A_157 = arith.mulf %concatenate3A_155, %mul3A_156 : vector<400x256xf32>
    %mul3A_158 = vector.broadcast %get3A_1 : vector<1x256xf32> to vector<400x256xf32>
    %mul3A_159 = arith.mulf %mul3A_157, %mul3A_158 : vector<400x256xf32>
    %reduce_sum3A_160 = arith.constant dense<0.000000e+00> : vector<400xf32>
    %reduce_sum3A_161 = vector.multi_reduction <add>, %mul3A_159, %reduce_sum3A_160 [1] : vector<400x256xf32> to vector<400xf32>
    %add3A_162 = vector.broadcast %get3A_5 : f32 to vector<400xf32>
    %add3A_163 = arith.addf %reduce_sum3A_161, %add3A_162 : vector<400xf32>
    %logistic3A_164 = arith.negf %add3A_163 : vector<400xf32>
    %logistic3A_165 = math.exp %logistic3A_164 : vector<400xf32>
    %logistic3A_166 = arith.constant 1.000000e+00 : f32
    %logistic3A_167 = vector.broadcast %logistic3A_166 : f32 to vector<400xf32>
    %logistic3A_168 = arith.addf %logistic3A_167, %logistic3A_165 : vector<400xf32>
    %logistic3A_169 = arith.divf %logistic3A_167, %logistic3A_168 : vector<400xf32>
    %broadcast_in_dim3A_170 = vector.shape_cast %logistic3A_169 : vector<400xf32> to vector<400x1xf32>
    %mul3A_171 = vector.broadcast %broadcast_in_dim3A_170 : vector<400x1xf32> to vector<400x256xf32>
    %mul3A_172 = arith.mulf %mul3A_171, %mul3A_157 : vector<400x256xf32>
    %add3A_173 = arith.addf %add3A_146, %mul3A_172 : vector<400x256xf32>
    %slice3A_174 = vector.extract_strided_slice %get3A_19 {offsets = [0, 6, 0, 0], sizes = [1, 1, 400, 64], strides = [1, 1, 1, 1]} : vector<4x11x400x64xf32> to vector<1x1x400x64xf32>
    %squeeze3A_175 = vector.shape_cast %slice3A_174 : vector<1x1x400x64xf32> to vector<400x64xf32>
    %slice3A_176 = vector.extract_strided_slice %get3A_19 {offsets = [1, 6, 0, 0], sizes = [1, 1, 400, 64], strides = [1, 1, 1, 1]} : vector<4x11x400x64xf32> to vector<1x1x400x64xf32>
    %squeeze3A_177 = vector.shape_cast %slice3A_176 : vector<1x1x400x64xf32> to vector<400x64xf32>
    %slice3A_178 = vector.extract_strided_slice %get3A_19 {offsets = [2, 6, 0, 0], sizes = [1, 1, 400, 64], strides = [1, 1, 1, 1]} : vector<4x11x400x64xf32> to vector<1x1x400x64xf32>
    %squeeze3A_179 = vector.shape_cast %slice3A_178 : vector<1x1x400x64xf32> to vector<400x64xf32>
    %slice3A_180 = vector.extract_strided_slice %get3A_19 {offsets = [3, 6, 0, 0], sizes = [1, 1, 400, 64], strides = [1, 1, 1, 1]} : vector<4x11x400x64xf32> to vector<1x1x400x64xf32>
    %squeeze3A_181 = vector.shape_cast %slice3A_180 : vector<1x1x400x64xf32> to vector<400x64xf32>
    %concatenate3A_182 = tpu.concatenate %squeeze3A_175, %squeeze3A_177, %squeeze3A_179, %squeeze3A_181 in 1 : vector<400x64xf32>, vector<400x64xf32>, vector<400x64xf32>, vector<400x64xf32> -> vector<400x256xf32>
    %mul3A_183 = vector.broadcast %div3A_10 : vector<400x1xf32> to vector<400x256xf32>
    %mul3A_184 = arith.mulf %concatenate3A_182, %mul3A_183 : vector<400x256xf32>
    %mul3A_185 = vector.broadcast %get3A_1 : vector<1x256xf32> to vector<400x256xf32>
    %mul3A_186 = arith.mulf %mul3A_184, %mul3A_185 : vector<400x256xf32>
    %reduce_sum3A_187 = arith.constant dense<0.000000e+00> : vector<400xf32>
    %reduce_sum3A_188 = vector.multi_reduction <add>, %mul3A_186, %reduce_sum3A_187 [1] : vector<400x256xf32> to vector<400xf32>
    %add3A_189 = vector.broadcast %get3A_5 : f32 to vector<400xf32>
    %add3A_190 = arith.addf %reduce_sum3A_188, %add3A_189 : vector<400xf32>
    %logistic3A_191 = arith.negf %add3A_190 : vector<400xf32>
    %logistic3A_192 = math.exp %logistic3A_191 : vector<400xf32>
    %logistic3A_193 = arith.constant 1.000000e+00 : f32
    %logistic3A_194 = vector.broadcast %logistic3A_193 : f32 to vector<400xf32>
    %logistic3A_195 = arith.addf %logistic3A_194, %logistic3A_192 : vector<400xf32>
    %logistic3A_196 = arith.divf %logistic3A_194, %logistic3A_195 : vector<400xf32>
    %broadcast_in_dim3A_197 = vector.shape_cast %logistic3A_196 : vector<400xf32> to vector<400x1xf32>
    %mul3A_198 = vector.broadcast %broadcast_in_dim3A_197 : vector<400x1xf32> to vector<400x256xf32>
    %mul3A_199 = arith.mulf %mul3A_198, %mul3A_184 : vector<400x256xf32>
    %add3A_200 = arith.addf %add3A_173, %mul3A_199 : vector<400x256xf32>
    %slice3A_201 = vector.extract_strided_slice %get3A_19 {offsets = [0, 7, 0, 0], sizes = [1, 1, 400, 64], strides = [1, 1, 1, 1]} : vector<4x11x400x64xf32> to vector<1x1x400x64xf32>
    %squeeze3A_202 = vector.shape_cast %slice3A_201 : vector<1x1x400x64xf32> to vector<400x64xf32>
    %slice3A_203 = vector.extract_strided_slice %get3A_19 {offsets = [1, 7, 0, 0], sizes = [1, 1, 400, 64], strides = [1, 1, 1, 1]} : vector<4x11x400x64xf32> to vector<1x1x400x64xf32>
    %squeeze3A_204 = vector.shape_cast %slice3A_203 : vector<1x1x400x64xf32> to vector<400x64xf32>
    %slice3A_205 = vector.extract_strided_slice %get3A_19 {offsets = [2, 7, 0, 0], sizes = [1, 1, 400, 64], strides = [1, 1, 1, 1]} : vector<4x11x400x64xf32> to vector<1x1x400x64xf32>
    %squeeze3A_206 = vector.shape_cast %slice3A_205 : vector<1x1x400x64xf32> to vector<400x64xf32>
    %slice3A_207 = vector.extract_strided_slice %get3A_19 {offsets = [3, 7, 0, 0], sizes = [1, 1, 400, 64], strides = [1, 1, 1, 1]} : vector<4x11x400x64xf32> to vector<1x1x400x64xf32>
    %squeeze3A_208 = vector.shape_cast %slice3A_207 : vector<1x1x400x64xf32> to vector<400x64xf32>
    %concatenate3A_209 = tpu.concatenate %squeeze3A_202, %squeeze3A_204, %squeeze3A_206, %squeeze3A_208 in 1 : vector<400x64xf32>, vector<400x64xf32>, vector<400x64xf32>, vector<400x64xf32> -> vector<400x256xf32>
    %mul3A_210 = vector.broadcast %div3A_10 : vector<400x1xf32> to vector<400x256xf32>
    %mul3A_211 = arith.mulf %concatenate3A_209, %mul3A_210 : vector<400x256xf32>
    %mul3A_212 = vector.broadcast %get3A_1 : vector<1x256xf32> to vector<400x256xf32>
    %mul3A_213 = arith.mulf %mul3A_211, %mul3A_212 : vector<400x256xf32>
    %reduce_sum3A_214 = arith.constant dense<0.000000e+00> : vector<400xf32>
    %reduce_sum3A_215 = vector.multi_reduction <add>, %mul3A_213, %reduce_sum3A_214 [1] : vector<400x256xf32> to vector<400xf32>
    %add3A_216 = vector.broadcast %get3A_5 : f32 to vector<400xf32>
    %add3A_217 = arith.addf %reduce_sum3A_215, %add3A_216 : vector<400xf32>
    %logistic3A_218 = arith.negf %add3A_217 : vector<400xf32>
    %logistic3A_219 = math.exp %logistic3A_218 : vector<400xf32>
    %logistic3A_220 = arith.constant 1.000000e+00 : f32
    %logistic3A_221 = vector.broadcast %logistic3A_220 : f32 to vector<400xf32>
    %logistic3A_222 = arith.addf %logistic3A_221, %logistic3A_219 : vector<400xf32>
    %logistic3A_223 = arith.divf %logistic3A_221, %logistic3A_222 : vector<400xf32>
    %broadcast_in_dim3A_224 = vector.shape_cast %logistic3A_223 : vector<400xf32> to vector<400x1xf32>
    %mul3A_225 = vector.broadcast %broadcast_in_dim3A_224 : vector<400x1xf32> to vector<400x256xf32>
    %mul3A_226 = arith.mulf %mul3A_225, %mul3A_211 : vector<400x256xf32>
    %add3A_227 = arith.addf %add3A_200, %mul3A_226 : vector<400x256xf32>
    %slice3A_228 = vector.extract_strided_slice %get3A_19 {offsets = [0, 8, 0, 0], sizes = [1, 1, 400, 64], strides = [1, 1, 1, 1]} : vector<4x11x400x64xf32> to vector<1x1x400x64xf32>
    %squeeze3A_229 = vector.shape_cast %slice3A_228 : vector<1x1x400x64xf32> to vector<400x64xf32>
    %slice3A_230 = vector.extract_strided_slice %get3A_19 {offsets = [1, 8, 0, 0], sizes = [1, 1, 400, 64], strides = [1, 1, 1, 1]} : vector<4x11x400x64xf32> to vector<1x1x400x64xf32>
    %squeeze3A_231 = vector.shape_cast %slice3A_230 : vector<1x1x400x64xf32> to vector<400x64xf32>
    %slice3A_232 = vector.extract_strided_slice %get3A_19 {offsets = [2, 8, 0, 0], sizes = [1, 1, 400, 64], strides = [1, 1, 1, 1]} : vector<4x11x400x64xf32> to vector<1x1x400x64xf32>
    %squeeze3A_233 = vector.shape_cast %slice3A_232 : vector<1x1x400x64xf32> to vector<400x64xf32>
    %slice3A_234 = vector.extract_strided_slice %get3A_19 {offsets = [3, 8, 0, 0], sizes = [1, 1, 400, 64], strides = [1, 1, 1, 1]} : vector<4x11x400x64xf32> to vector<1x1x400x64xf32>
    %squeeze3A_235 = vector.shape_cast %slice3A_234 : vector<1x1x400x64xf32> to vector<400x64xf32>
    %concatenate3A_236 = tpu.concatenate %squeeze3A_229, %squeeze3A_231, %squeeze3A_233, %squeeze3A_235 in 1 : vector<400x64xf32>, vector<400x64xf32>, vector<400x64xf32>, vector<400x64xf32> -> vector<400x256xf32>
    %mul3A_237 = vector.broadcast %div3A_10 : vector<400x1xf32> to vector<400x256xf32>
    %mul3A_238 = arith.mulf %concatenate3A_236, %mul3A_237 : vector<400x256xf32>
    %mul3A_239 = vector.broadcast %get3A_1 : vector<1x256xf32> to vector<400x256xf32>
    %mul3A_240 = arith.mulf %mul3A_238, %mul3A_239 : vector<400x256xf32>
    %reduce_sum3A_241 = arith.constant dense<0.000000e+00> : vector<400xf32>
    %reduce_sum3A_242 = vector.multi_reduction <add>, %mul3A_240, %reduce_sum3A_241 [1] : vector<400x256xf32> to vector<400xf32>
    %add3A_243 = vector.broadcast %get3A_5 : f32 to vector<400xf32>
    %add3A_244 = arith.addf %reduce_sum3A_242, %add3A_243 : vector<400xf32>
    %logistic3A_245 = arith.negf %add3A_244 : vector<400xf32>
    %logistic3A_246 = math.exp %logistic3A_245 : vector<400xf32>
    %logistic3A_247 = arith.constant 1.000000e+00 : f32
    %logistic3A_248 = vector.broadcast %logistic3A_247 : f32 to vector<400xf32>
    %logistic3A_249 = arith.addf %logistic3A_248, %logistic3A_246 : vector<400xf32>
    %logistic3A_250 = arith.divf %logistic3A_248, %logistic3A_249 : vector<400xf32>
    %broadcast_in_dim3A_251 = vector.shape_cast %logistic3A_250 : vector<400xf32> to vector<400x1xf32>
    %mul3A_252 = vector.broadcast %broadcast_in_dim3A_251 : vector<400x1xf32> to vector<400x256xf32>
    %mul3A_253 = arith.mulf %mul3A_252, %mul3A_238 : vector<400x256xf32>
    %add3A_254 = arith.addf %add3A_227, %mul3A_253 : vector<400x256xf32>
    %slice3A_255 = vector.extract_strided_slice %get3A_19 {offsets = [0, 9, 0, 0], sizes = [1, 1, 400, 64], strides = [1, 1, 1, 1]} : vector<4x11x400x64xf32> to vector<1x1x400x64xf32>
    %squeeze3A_256 = vector.shape_cast %slice3A_255 : vector<1x1x400x64xf32> to vector<400x64xf32>
    %slice3A_257 = vector.extract_strided_slice %get3A_19 {offsets = [1, 9, 0, 0], sizes = [1, 1, 400, 64], strides = [1, 1, 1, 1]} : vector<4x11x400x64xf32> to vector<1x1x400x64xf32>
    %squeeze3A_258 = vector.shape_cast %slice3A_257 : vector<1x1x400x64xf32> to vector<400x64xf32>
    %slice3A_259 = vector.extract_strided_slice %get3A_19 {offsets = [2, 9, 0, 0], sizes = [1, 1, 400, 64], strides = [1, 1, 1, 1]} : vector<4x11x400x64xf32> to vector<1x1x400x64xf32>
    %squeeze3A_260 = vector.shape_cast %slice3A_259 : vector<1x1x400x64xf32> to vector<400x64xf32>
    %slice3A_261 = vector.extract_strided_slice %get3A_19 {offsets = [3, 9, 0, 0], sizes = [1, 1, 400, 64], strides = [1, 1, 1, 1]} : vector<4x11x400x64xf32> to vector<1x1x400x64xf32>
    %squeeze3A_262 = vector.shape_cast %slice3A_261 : vector<1x1x400x64xf32> to vector<400x64xf32>
    %concatenate3A_263 = tpu.concatenate %squeeze3A_256, %squeeze3A_258, %squeeze3A_260, %squeeze3A_262 in 1 : vector<400x64xf32>, vector<400x64xf32>, vector<400x64xf32>, vector<400x64xf32> -> vector<400x256xf32>
    %mul3A_264 = vector.broadcast %div3A_10 : vector<400x1xf32> to vector<400x256xf32>
    %mul3A_265 = arith.mulf %concatenate3A_263, %mul3A_264 : vector<400x256xf32>
    %mul3A_266 = vector.broadcast %get3A_1 : vector<1x256xf32> to vector<400x256xf32>
    %mul3A_267 = arith.mulf %mul3A_265, %mul3A_266 : vector<400x256xf32>
    %reduce_sum3A_268 = arith.constant dense<0.000000e+00> : vector<400xf32>
    %reduce_sum3A_269 = vector.multi_reduction <add>, %mul3A_267, %reduce_sum3A_268 [1] : vector<400x256xf32> to vector<400xf32>
    %add3A_270 = vector.broadcast %get3A_5 : f32 to vector<400xf32>
    %add3A_271 = arith.addf %reduce_sum3A_269, %add3A_270 : vector<400xf32>
    %logistic3A_272 = arith.negf %add3A_271 : vector<400xf32>
    %logistic3A_273 = math.exp %logistic3A_272 : vector<400xf32>
    %logistic3A_274 = arith.constant 1.000000e+00 : f32
    %logistic3A_275 = vector.broadcast %logistic3A_274 : f32 to vector<400xf32>
    %logistic3A_276 = arith.addf %logistic3A_275, %logistic3A_273 : vector<400xf32>
    %logistic3A_277 = arith.divf %logistic3A_275, %logistic3A_276 : vector<400xf32>
    %broadcast_in_dim3A_278 = vector.shape_cast %logistic3A_277 : vector<400xf32> to vector<400x1xf32>
    %mul3A_279 = vector.broadcast %broadcast_in_dim3A_278 : vector<400x1xf32> to vector<400x256xf32>
    %mul3A_280 = arith.mulf %mul3A_279, %mul3A_265 : vector<400x256xf32>
    %add3A_281 = arith.addf %add3A_254, %mul3A_280 : vector<400x256xf32>
    %slice3A_282 = vector.extract_strided_slice %get3A_19 {offsets = [0, 10, 0, 0], sizes = [1, 1, 400, 64], strides = [1, 1, 1, 1]} : vector<4x11x400x64xf32> to vector<1x1x400x64xf32>
    %squeeze3A_283 = vector.shape_cast %slice3A_282 : vector<1x1x400x64xf32> to vector<400x64xf32>
    %slice3A_284 = vector.extract_strided_slice %get3A_19 {offsets = [1, 10, 0, 0], sizes = [1, 1, 400, 64], strides = [1, 1, 1, 1]} : vector<4x11x400x64xf32> to vector<1x1x400x64xf32>
    %squeeze3A_285 = vector.shape_cast %slice3A_284 : vector<1x1x400x64xf32> to vector<400x64xf32>
    %slice3A_286 = vector.extract_strided_slice %get3A_19 {offsets = [2, 10, 0, 0], sizes = [1, 1, 400, 64], strides = [1, 1, 1, 1]} : vector<4x11x400x64xf32> to vector<1x1x400x64xf32>
    %squeeze3A_287 = vector.shape_cast %slice3A_286 : vector<1x1x400x64xf32> to vector<400x64xf32>
    %slice3A_288 = vector.extract_strided_slice %get3A_19 {offsets = [3, 10, 0, 0], sizes = [1, 1, 400, 64], strides = [1, 1, 1, 1]} : vector<4x11x400x64xf32> to vector<1x1x400x64xf32>
    %squeeze3A_289 = vector.shape_cast %slice3A_288 : vector<1x1x400x64xf32> to vector<400x64xf32>
    %concatenate3A_290 = tpu.concatenate %squeeze3A_283, %squeeze3A_285, %squeeze3A_287, %squeeze3A_289 in 1 : vector<400x64xf32>, vector<400x64xf32>, vector<400x64xf32>, vector<400x64xf32> -> vector<400x256xf32>
    %mul3A_291 = vector.broadcast %div3A_10 : vector<400x1xf32> to vector<400x256xf32>
    %mul3A_292 = arith.mulf %concatenate3A_290, %mul3A_291 : vector<400x256xf32>
    %mul3A_293 = vector.broadcast %get3A_1 : vector<1x256xf32> to vector<400x256xf32>
    %mul3A_294 = arith.mulf %mul3A_292, %mul3A_293 : vector<400x256xf32>
    %reduce_sum3A_295 = arith.constant dense<0.000000e+00> : vector<400xf32>
    %reduce_sum3A_296 = vector.multi_reduction <add>, %mul3A_294, %reduce_sum3A_295 [1] : vector<400x256xf32> to vector<400xf32>
    %add3A_297 = vector.broadcast %get3A_5 : f32 to vector<400xf32>
    %add3A_298 = arith.addf %reduce_sum3A_296, %add3A_297 : vector<400xf32>
    %logistic3A_299 = arith.negf %add3A_298 : vector<400xf32>
    %logistic3A_300 = math.exp %logistic3A_299 : vector<400xf32>
    %logistic3A_301 = arith.constant 1.000000e+00 : f32
    %logistic3A_302 = vector.broadcast %logistic3A_301 : f32 to vector<400xf32>
    %logistic3A_303 = arith.addf %logistic3A_302, %logistic3A_300 : vector<400xf32>
    %logistic3A_304 = arith.divf %logistic3A_302, %logistic3A_303 : vector<400xf32>
    %broadcast_in_dim3A_305 = vector.shape_cast %logistic3A_304 : vector<400xf32> to vector<400x1xf32>
    %mul3A_306 = vector.broadcast %broadcast_in_dim3A_305 : vector<400x1xf32> to vector<400x256xf32>
    %mul3A_307 = arith.mulf %mul3A_306, %mul3A_292 : vector<400x256xf32>
    %add3A_308 = arith.addf %add3A_281, %mul3A_307 : vector<400x256xf32>
    %swap3A = arith.constant 0 : index
    %swap3A_309 = arith.constant 0 : index
    %swap3A_310 = vector.load %arg6[%swap3A, %swap3A_309] : memref<400x256xf32, #tpu.memory_space<vmem>>, vector<400x256xf32>
    tpu.vector_store %arg6[%swap3A, %swap3A_309], %add3A_308 {strides = array<i32>} : memref<400x256xf32, #tpu.memory_space<vmem>>, vector<400x256xf32>,
    return
  }
  func.func @transform_0(%arg0: i32) -> (i32, i32, i32) {
    %c0_i32 = arith.constant 0 : i32
    %c0_i32_0 = arith.constant 0 : i32
    %c0_i32_1 = arith.constant 0 : i32
    return %c0_i32, %arg0, %c0_i32_0 : i32, i32, i32
  }
  func.func @transform_1(%arg0: i32) -> (i32, i32, i32, i32) {
    %c0_i32 = arith.constant 0 : i32
    %c0_i32_0 = arith.constant 0 : i32
    %c0_i32_1 = arith.constant 0 : i32
    %c0_i32_2 = arith.constant 0 : i32
    return %c0_i32, %c0_i32_0, %arg0, %c0_i32_1 : i32, i32, i32, i32
  }
  func.func @transform_2(%arg0: i32) -> (i32, i32) {
    %c0_i32 = arith.constant 0 : i32
    %c0_i32_0 = arith.constant 0 : i32
    return %arg0, %c0_i32 : i32, i32
  }
  func.func @transform_3(%arg0: i32) -> (i32, i32) {
    %c0_i32 = arith.constant 0 : i32
    %c0_i32_0 = arith.constant 0 : i32
    %c0_i32_1 = arith.constant 0 : i32
    return %c0_i32, %c0_i32_0 : i32, i32
  }
  func.func @transform_4(%arg0: i32) -> (i32, i32) {
    %c0_i32 = arith.constant 0 : i32
    %c0_i32_0 = arith.constant 0 : i32
    %c0_i32_1 = arith.constant 0 : i32
    return %c0_i32, %c0_i32_0 : i32, i32
  }
  func.func @transform_5(%arg0: i32) -> (i32, i32) {
    %c0_i32 = arith.constant 0 : i32
    %c0_i32_0 = arith.constant 0 : i32
    return %arg0, %c0_i32 : i32, i32
  }
}

</mosaic_0001>

<sc_bundles>
// kernel: kernel.6.cloned.1.call-start
scs
__scs_entry_jumppad:
0x0: {  	(pc) =	sbr.rel $0x88, $3  }
0x1: {  	(tag) =	ssettag $0x0;
	lr =	simm.s32 $0x1  }
0x2: {  	[smem:$0x3F99] =	sst lr;
	_ =	strace $0xD0000000  }
0x3: {  	_ = 	snop  }
0x4: {  	_ = 	snop  }
0x5: {  	_ = 	snop  }
0x6: {  	_ = 	snop  }
0x7: {  	_ = 	snop  }
__scs_overlays_trampoline_lowered:
0x8: {  	[smem:$0x3FA8] =	sst s0  }
0x9: {  	[smem:$0x3FA9] =	sst s1  }
0xa: {  	[smem:$0x3FAA] =	sst s2  }
0xb: {  	[smem:$0x3FAB] =	sst s3  }
0xc: {  	[smem:$0x3FAC] =	sst s4  }
0xd: {  	[smem:$0x3FAD] =	sst s5  }
0xe: {  	[smem:$0x3FAE] =	sst s6  }
0xf: {  	[smem:$0x3FAF] =	sst s7  }
0x10: {  	[smem:$0x3FB0] =	sst s8  }
0x11: {  	[smem:$0x3FB1] =	sst s9;
	s0 =	simm.s32 @!p0 $0x0  }
0x12: {  	s1 =	sld [smem:$0x3F97];
	s0 =	simm.s32 @p0 $0x1  }
0x13: {  	[smem:$0x3FB2] =	sst s0;
	s0 =	simm.s32 @!p1 $0x0  }
0x14: {  	s2 =	sld [smem:$0x3F96];
	s0 =	simm.s32 @p1 $0x1  }
0x15: {  	[smem:$0x3FB3] =	sst s0;
	s0 =	simm.s32 @!p2 $0x0  }
0x16: {  	s3 =	sld [smem:$0x3FDB];
	s0 =	simm.s32 @p2 $0x1  }
0x17: {  	s4 =	simm.s32 $0x1BF5;
	[smem:$0x3FB5] =	sst s0  }
0x18: {  	s0 =	sld [smem:$0x3F98];
	_ =	swait.ge [sflag:s4], $0x0  }
0x19: {  	s7 =	sld [smem:$0x3F99]  }
0x1a: {  	s8 =	sadd.s32 $0xFFFFE003, lr  }
0x1b: {  	s9 =	sadd.s32 $0xFFFFFEF7, lr;
	s5 =	simm.s32 $0xFFFFFFFF;
	p2 =	slt.u32 s8, $0xFFFFF086  }
0x1c: {  	p1 =	slt.u32 s9, $0xF7A;
	s5 =	simm.s32 @!p2 $0x0  }
0x1d: {  	s5 =	simm.s32 @p1 $0x1;
	p0 =	seq.s32 s7, s2  }
0x1e: {  	s7 =	smul.u32 @!p0 $0xF7A, s2;
	p2 =	seq.s32 @!p0 s5, $0x0  }
0x1f: {  	s9 =	smul.u32 $0xF7A, s1;
	s8 =	simm.s32 @!p0 $0x1BF5;
	p2 =	por !p2, p0  }
0x20: {  	[sflag:s8] =	ssyncset.s32 @!p0 $0xFFFFF086;
	s6 =	sadd.s32 @!p0 s3, s7;
	s7 =	simm.s32 @!p0 $0x108  }
0x21: {  	s3 =	sadd.s32 s3, s9;
	s6 =	sadd.s32 @!p0 $0x88, s6;
	s7 =	simm.s32 @p2 $0x1082  }
0x22: {  	[simem:s7], [sflag:s8] =	dma.local @!p0 [hbm:s6], $0xF7A  }
0x23: {  	s9 =	sor.u32 $0xD0000000, s2;
	s6 =	simm.s32 $0x108;
	_ =	swait.ge @!p0 [sflag:s8], $0x0  }
0x24: {  	s3 =	sadd.s32 $0x88, s3;
	s6 =	simm.s32 @!p1 $0x1082;
	[sflag:s4] =	ssyncset.s32 $0xFFFFF086  }
0x25: {  	[simem:s6], [sflag:s4] =	dma.local [hbm:s3], $0xF7A  }
0x26: {  	[smem:$0x3F99] =	sst s1;
	(tag) =	ssettag s2;
	_ =	strace s9  }
0x27: {  	s1 =	sld [smem:$0x3FA9]  }
0x28: {  	s2 =	sld [smem:$0x3FAA]  }
0x29: {  	s4 =	sld [smem:$0x3FAC]  }
0x2a: {  	p0 =	seq.s32 s5, $0x0;
	s5 =	sld [smem:$0x3FAD]  }
0x2b: {  	s6 =	sld [smem:$0x3FAE]  }
0x2c: {  	s7 =	sld [smem:$0x3FAF]  }
0x2d: {  	s3 =	simm.s32 $0x108;
	s8 =	sld [smem:$0x3FB0]  }
0x2e: {  	s3 =	simm.s32 @!p0 $0x1082;
	s9 =	sld [smem:$0x3FB1]  }
0x2f: {  	lr =	sadd.s32 s0, s3;
	s0 =	sld [smem:$0x3FA8]  }
0x30: {  	s3 =	sld [smem:$0x3FAB]  }
0x31: {  	[smem:$0x3FB4] =	sst s10  }
0x32: {  	s10 =	sld [smem:$0x3FB2];
	_ =	sdelay $0x3  }
0x33: {  	p0 =	seq.s32 s10, $0x1;
	s10 =	sld [smem:$0x3FB4];
	_ =	sdelay $0x3  }
0x34: {  	[smem:$0x3FB4] =	sst s10  }
0x35: {  	s10 =	sld [smem:$0x3FB3];
	_ =	sdelay $0x3  }
0x36: {  	p1 =	seq.s32 s10, $0x1;
	s10 =	sld [smem:$0x3FB4];
	_ =	sdelay $0x3  }
0x37: {  	[smem:$0x3FB4] =	sst s10  }
0x38: {  	s10 =	sld [smem:$0x3FB5]  }
0x39: {  	_ = 	snop;
	(pc) =	sbr.ind lr, $3  }
0x3a: {  	_ = 	snop  }
0x3b: {  	_ = 	snop  }
0x3c: {  	p2 =	seq.s32 s10, $0x1;
	s10 =	sld [smem:$0x3FB4]  }
0x3d: {  	_ =	shalt  }
0x3e: {  	_ =	shalt  }
0x3f: {  	_ =	shalt  }
0x40: {  	_ =	shalt  }
0x41: {  	_ =	shalt  }
0x42: {  	_ =	shalt  }
0x43: {  	_ =	shalt  }
0x44: {  	_ =	shalt  }
0x45: {  	_ =	shalt  }
0x46: {  	_ =	shalt  }
0x47: {  	_ =	shalt  }
0x48: {  	_ =	shalt  }
0x49: {  	_ =	shalt  }
0x4a: {  	_ =	shalt  }
0x4b: {  	_ =	shalt  }
0x4c: {  	_ =	shalt  }
0x4d: {  	_ =	shalt  }
0x4e: {  	_ =	shalt  }
0x4f: {  	_ =	shalt  }
0x50: {  	_ =	shalt  }
0x51: {  	_ =	shalt  }
0x52: {  	_ =	shalt  }
0x53: {  	_ =	shalt  }
0x54: {  	_ =	shalt  }
0x55: {  	_ =	shalt  }
0x56: {  	_ =	shalt  }
0x57: {  	_ =	shalt  }
0x58: {  	_ =	shalt  }
0x59: {  	_ =	shalt  }
0x5a: {  	_ =	shalt  }
0x5b: {  	_ =	shalt  }
0x5c: {  	_ =	shalt  }
0x5d: {  	_ =	shalt  }
0x5e: {  	_ =	shalt  }
0x5f: {  	_ =	shalt  }
0x60: {  	_ =	shalt  }
0x61: {  	_ =	shalt  }
0x62: {  	_ =	shalt  }
0x63: {  	_ =	shalt  }
0x64: {  	_ =	shalt  }
0x65: {  	_ =	shalt  }
0x66: {  	_ =	shalt  }
0x67: {  	_ =	shalt  }
0x68: {  	_ =	shalt  }
0x69: {  	_ =	shalt  }
0x6a: {  	_ =	shalt  }
0x6b: {  	_ =	shalt  }
0x6c: {  	_ =	shalt  }
0x6d: {  	_ =	shalt  }
0x6e: {  	_ =	shalt  }
0x6f: {  	_ =	shalt  }
0x70: {  	_ =	shalt  }
0x71: {  	_ =	shalt  }
0x72: {  	_ =	shalt  }
0x73: {  	_ =	shalt  }
0x74: {  	_ =	shalt  }
0x75: {  	_ =	shalt  }
0x76: {  	_ =	shalt  }
0x77: {  	_ =	shalt  }
0x78: {  	_ =	shalt  }
0x79: {  	_ =	shalt  }
0x7a: {  	_ =	shalt  }
0x7b: {  	_ =	shalt  }
0x7c: {  	_ =	shalt  }
0x7d: {  	_ =	shalt  }
0x7e: {  	_ =	shalt  }
0x7f: {  	_ =	shalt  }
0x80: {  	_ =	shalt  }
0x81: {  	_ =	shalt  }
0x82: {  	_ =	shalt  }
0x83: {  	_ =	shalt  }
0x84: {  	_ =	shalt  }
0x85: {  	_ =	shalt  }
0x86: {  	_ =	shalt  }
0x87: {  	_ =	shalt  }
.Lfunc_end0:
.L_simem_size_0:
called_computation_lowered:
.L_overlay_start_0:
0x88: {  	s2 =	sld [smem:$0x3FD9]  }
0x89: {  	s3 =	sld [smem:$0x3FFE];
	_ =	sdelay $0x1  }
0x8a: {  	s1 =	srdreg.scid  }
0x8b: {  	s0 =	sand.u32 $0x1, s1  }
0x8c: {  	s16 =	sshll.u32 s0, $0xA;
	s2 =	sadd.s32 s3, s2  }
0x8d: {  	s2 =	sadd.s32 s2, s16  }
0x8e: {  	[smem:$0x3FC0] =	sst s2  }
0x8f: {  	_ = 	snop  }
0x90: {  	(tm) =	ssettm $0x1  }
0x91: {  	s17 =	sld [smem:$0x3FFB];
	_ =	sdelay $0x3  }
0x92: {  	_ =	strace s17  }
0x93: {  	s2 =	sld [smem:$0x3FFC];
	_ =	sdelay $0x3  }
0x94: {  	_ =	strace s2  }
0x95: {  	s2 =	sld [smem:$0x3FFD];
	_ =	sdelay $0x3  }
0x96: {  	_ =	strace s2  }
0x97: {  	_ =	strace $0x8FFFFFFF  }
0x98: {  	s18 =	sld [smem:$0x3FDB];
	_ =	sdelay $0x1  }
0x99: {  	s19 =	simm.s32 $_scs_section_size  }
0x9a: {  	s4 =	simm.s32 $_size__tile_overlayer_lowered;
	s5 =	simm.s32 $_tile_overlayer_lowered  }
0x9b: {  	s22 =	simm.s32 $0x1BFF;
	s21 =	sshll.u32 s5, $0x1;
	s2 =	sadd.s32 s19, s18  }
0x9c: {  	s6 =	simm.s32 $0x0;
	s20 =	sshll.u32 s4, $0x1;
	s4 =	sadd.s32 s21, s2  }
0x9d: {  	[timem:s6], [sflag:s22] =	dma.local [hbm:s4], s20  }
0x9e: {  	_ =	swait.ge [sflag:s22], s20  }
0x9f: {  	s3 =	ssub.s32 $0x0, s20;
	[sflag:s22] =	ssyncset.done $0x0  }
0xa0: {  	[sflag:s22] =	ssyncadd.s32 s3;
	_ =	sdelay $0x1  }
0xa1: {  	s23 =	simm.s32 $0x1B8B  }
0xa2: {  	_ =	swait.ge [sflag:s23], $0x1  }
0xa3: {  	[sflag:s23] =	ssyncset.done $0x0  }
0xa4: {  	s25 =	simm.s32 $0x1B8E;
	s24 =	sld [smem:$0x3FFE];
	[sflag:s23] =	ssyncadd.s32 $0xFFFFFFFF  }
0xa5: {  	s26 =	simm.s32 $execute0_lowered;
	[smem:$0x3FD2] =	sst s25  }
0xa6: {  	s4 =	sshll.u32 s26, $0x1;
	_ =	strace $0x80000046;
	[dreg:$0x1] =	wrdreg $0xFFFFFFFF  }
0xa7: {  	s28 =	simm.s32 $_size_execute0_lowered;
	s2 =	sadd.s32 s2, s4;
	[dreg:$0x0] =	wrdreg $0x0  }
0xa8: {  	s4 =	sshll.u32 s28, $0x1;
	[dreg:$0x2] =	wrdreg s2  }
0xa9: {  	[dreg:$0x3] =	wrdreg s4  }
0xaa: {  	[dreg:$0x4] =	wrdreg $0xC0  }
0xab: {  	_ =	task [dreg:s6], $0x5FFFF  }
0xac: {  	[dreg:$0x1] =	wrdreg $0xFFFFFFFF  }
0xad: {  	[dreg:$0x0] =	wrdreg $0x60  }
0xae: {  	[dreg:$0x2] =	wrdreg s24  }
0xaf: {  	[dreg:$0x3] =	wrdreg $0x50000  }
0xb0: {  	[dreg:$0x4] =	wrdreg $0x9  }
0xb1: {  	_ =	task.clear_ibuf [dreg:s6], $0x5FFFF;
	_ =	strace $0x90000046  }
0xb2: {  	s29 =	simm.s32 $0x9;
	_ =	strace $0x80000048  }
0xb3: {  	_ =	swait.ge [sflag:s29], $0x1  }
0xb4: {  	[sflag:s29] =	ssyncadd.s32 $0xFFFFFFFF  }
0xb5: {  	_ =	strace $0x90000048  }
0xb6: {  	_ =	sfence  }
0xb7: {  	s30 =	sld [smem:$0x0];
	_ =	sdelay $0x2  }
0xb8: {  	s31 =	sshll.u32 s1, $0xD;
	s1 =	sshrl.u32 s1, $0x2  }
0xb9: {  	s3 =	sand.u32 $0x4000, s31;
	s1 =	sadd.s32 s1, s30  }
0xba: {  	s0 =	sor.u32 s3, s0;
	s1 =	sshll.u32 s1, $0x11  }
0xbb: {  	s0 =	sor.u32 s1, s0  }
0xbc: {  	s0 =	sadd.s32 $0x8F2B, s0  }
0xbd: {  	[sflag:s0] =	ssyncadd.remote.s32 $0x1  }
0xbe: {  	_ =	sfence.sel $0xFFFF  }
0xbf: {  	[dreg:$0x0] =	wrdreg $0xFFFFFFFF;
	(pc) =	sbr.abs _section_cstart, $3  }
0xc0: {  	[dreg:$0x1] =	wrdreg $0xFFFFFFFF  }
0xc1: {  	_ =	task.clear_ibuf [dreg:s6], $0x2FFFF;
	_ =	strace $0x9FFFFFFF  }
0xc2: {  	(tm) =	ssettm $0x7FFFFFFF  }
0xc3: {  	_ =	shalt  }
tec
execute0_lowered:
.L_overlay_start_1:
0x0: {  	(tag) =	ssettag $0x1  }
0x1: {  	s3 =	rddreg [dreg:$0x0]  }
0x2: {  	s5 =	rddreg [dreg:$0x1]  }
0x3: {  	s0 =	rddreg [dreg:$0x2];
	s2 =	simm.s32 $0x0;
	s1 =	stileid.u32  }
0x4: {  	s7 =	srdreg.scid;
	s10 =	simm.s32 $0x280;
	s11 =	simm.s32 $0x7800  }
0x5: {  	s12 =	simm.s32 $0xA000;
	s13 =	simm.s32 $0x0;
	s4 =	smul.u32 $0x2800, s1  }
0x6: {  	[smem:$0x7FF] =	sst s2;
	s6 =	smul.u32 $0x280, s1;
	s7 =	sand.u32 $0x1, s7  }
0x7: {  	_ =	strace $0x80000047;
	s7 =	ssub.s32 $0x2, s7;
	s8 =	sshrl.u32 s4, $0x3  }
0x8: {  	s9 =	sshrl.u32 s6, $0x3;
	s31 =	sshrl.u32 s7, $0x1;
	s4 =	sadd.s32 s4, s5  }
0x9: {  	s5 =	sadd.s32 s6, s5;
	s8 =	sadd.s32 s8, s3;
	s9 =	sadd.s32 s9, s3  }
0xa: {  	s7 =	ssub.s32 s7, s31;
	s3 =	sadd.s32 $0x1800, s8;
	s6 =	sadd.s32 $0x6800, s9  }
0xb: {  	v0 =	vimm.f32 $0.0e+00;
	v1 =	vimm.f32 $1.000000000e+00;
	s7 =	smax.u32 s7, $0x1;
	s8 =	simm.s32 $0x2800;
	s9 =	simm.s32 $0x1  }
.LBB2_1:
0xc: {  	s14 =	simm.s32 $0x40;
	s15 =	simm.s32 $0x0  }
.LBB2_2:
0xd: {  	p0 =	sne.s32 s14, $0x9FC0;
	[tilespmem:s15+$0x0] =	vst v0;
	s15 =	smov.u32 s14;
	s14 =	sadd.s32 $0x40, s14  }
.Ltmp0:
0xe: {  	(pc) =	sbr.rel @p0 .LBB2_2-.Ltmp0, $2  }
0xf: {  	_ =	sdelay $0x2  }
0x10: {  	s15 =	sshra.s32 s15, $0x2  }
0x11: {  	[tilespmem:s15+$0x0] =	vst v0  }
0x12: {  	[tilespmem:s8], [sflag:$0x1] =	stream.linear.gather [hbm4b:s3+s2], $0x2800, $0x38;
	[tilespmem:$0xA280] =	vst v63  }
0x13: {  	_ =	swait.ge [sflag:s9], $0x2800  }
0x14: {  	[sflag:s9] =	ssyncset.done $0x0  }
0x15: {  	s14 =	simm.s32 $0x1C0;
	[sflag:s9] =	ssyncadd.s32 $0xFFFFD800  }
.LBB2_4:
0x16: {  	s15 =	sshra.s32 s14, $0x2  }
0x17: {  	v2 =	vld [tilespmem:s15+$0x2790];
	_ =	sdelay $0x7  }
0x18: {  	[tilespmem:v2+s2+$0x0] =	vst.idx.add.f32.msk $0xffff, v1  }
0x19: {  	v2 =	vld [tilespmem:s15+$0x27A0];
	_ =	sdelay $0x7  }
0x1a: {  	[tilespmem:v2+s2+$0x0] =	vst.idx.add.f32.msk $0xffff, v1  }
0x1b: {  	v2 =	vld [tilespmem:s15+$0x27B0];
	_ =	sdelay $0x7  }
0x1c: {  	[tilespmem:v2+s2+$0x0] =	vst.idx.add.f32.msk $0xffff, v1  }
0x1d: {  	v2 =	vld [tilespmem:s15+$0x27C0];
	_ =	sdelay $0x7  }
0x1e: {  	[tilespmem:v2+s2+$0x0] =	vst.idx.add.f32.msk $0xffff, v1  }
0x1f: {  	v2 =	vld [tilespmem:s15+$0x27D0];
	_ =	sdelay $0x7  }
0x20: {  	[tilespmem:v2+s2+$0x0] =	vst.idx.add.f32.msk $0xffff, v1  }
0x21: {  	v2 =	vld [tilespmem:s15+$0x27E0];
	_ =	sdelay $0x7  }
0x22: {  	[tilespmem:v2+s2+$0x0] =	vst.idx.add.f32.msk $0xffff, v1  }
0x23: {  	v2 =	vld [tilespmem:s15+$0x27F0];
	_ =	sdelay $0x7  }
0x24: {  	[tilespmem:v2+s2+$0x0] =	vst.idx.add.f32.msk $0xffff, v1  }
0x25: {  	v2 =	vld [tilespmem:s15+$0x2800];
	_ =	sdelay $0x2  }
0x26: {  	p0 =	sne.s32 s14, $0x9FC0  }
.Ltmp1:
0x27: {  	_ = 	snop;
	(pc) =	sbr.rel @p0 .LBB2_4-.Ltmp1, $2  }
0x28: {  	_ =	sdelay $0x2  }
0x29: {  	s14 =	sadd.s32 $0x200, s14;
	[tilespmem:v2+s2+$0x0] =	vst.idx.add.f32.msk $0xffff, v1  }
0x2a: {  	s14 =	simm.s32 $0x0  }
0x2b: {  	[spmem:s4] =	stream.linear.scatter [tilespmem:s14], [sflag:$0x1], $0x2800, $0x38;
	[tilespmem:$0xA280] =	vst v63  }
0x2c: {  	_ =	swait.ge [sflag:s9], $0x2800  }
0x2d: {  	[sflag:s9] =	ssyncset.done $0x0  }
0x2e: {  	[sflag:s9] =	ssyncadd.s32 $0xFFFFD800  }
0x2f: {  	[bflag:$0x0] =	sbarrier.arrive $0xFFFF  }
0x30: {  	[tilespmem:s11], [sflag:$0x1] =	stream.strided.gather [spmem:s5], $0x2800, s8, s10, $0x38;
	[tilespmem:$0xA280] =	vst v63  }
0x31: {  	_ =	swait.ge [sflag:s9], $0x2800  }
0x32: {  	[sflag:s9] =	ssyncset.done $0x0  }
0x33: {  	s17 =	simm.s32 $0x0;
	[sflag:s9] =	ssyncadd.s32 $0xFFFFD800  }
0x34: {  	v2 =	vld [tilespmem:s17+$0x7800];
	_ =	sdelay $0x1  }
0x35: {  	v3 =	vld [tilespmem:s17+$0x7A80];
	_ =	sdelay $0x1  }
0x36: {  	v4 =	vld [tilespmem:s17+$0x7D00]  }
0x37: {  	v2 =	vadd.f32 $1.000000000e+00, v2  }
0x38: {  	v5 =	vld [tilespmem:s17+$0x7F80]  }
0x39: {  	v2 =	vadd.f32 v3, v2  }
0x3a: {  	v3 =	vld [tilespmem:s17+$0x8200]  }
0x3b: {  	v2 =	vadd.f32 v4, v2  }
0x3c: {  	v4 =	vld [tilespmem:s17+$0x8480]  }
0x3d: {  	v2 =	vadd.f32 v5, v2  }
0x3e: {  	v5 =	vld [tilespmem:s17+$0x8700]  }
0x3f: {  	v6 =	vld [tilespmem:s17+$0x8C00];
	v2 =	vadd.f32 v3, v2  }
0x40: {  	v3 =	vld [tilespmem:s17+$0x8980]  }
0x41: {  	s16 =	simm.s32 $0x10;
	v7 =	vld [tilespmem:s17+$0x8E80];
	v2 =	vadd.f32 v4, v2  }
0x42: {  	v4 =	vld [tilespmem:s16+$0x7800]  }
0x43: {  	v8 =	vld [tilespmem:s17+$0x9100];
	v2 =	vadd.f32 v5, v2  }
0x44: {  	v5 =	vld [tilespmem:s16+$0x7A80]  }
0x45: {  	v9 =	vld [tilespmem:s17+$0x9380];
	v2 =	vadd.f32 v3, v2  }
0x46: {  	v3 =	vld [tilespmem:s16+$0x7D00]  }
0x47: {  	v10 =	vld [tilespmem:s17+$0x9600];
	v4 =	vadd.f32 $1.000000000e+00, v4;
	v2 =	vadd.f32 v6, v2  }
0x48: {  	v6 =	vld [tilespmem:s16+$0x7F80]  }
0x49: {  	v4 =	vadd.f32 v5, v4;
	v5 =	vld [tilespmem:s16+$0x8200];
	v2 =	vadd.f32 v7, v2  }
0x4a: {  	v7 =	vld [tilespmem:s17+$0x9880]  }
0x4b: {  	v3 =	vadd.f32 v3, v4;
	v4 =	vld [tilespmem:s16+$0x8480];
	v2 =	vadd.f32 v8, v2  }
0x4c: {  	v8 =	vld [tilespmem:s17+$0x9B00]  }
0x4d: {  	v3 =	vadd.f32 v6, v3;
	v6 =	vld [tilespmem:s16+$0x8700];
	v2 =	vadd.f32 v9, v2  }
0x4e: {  	v9 =	vld [tilespmem:s17+$0x9D80]  }
0x4f: {  	v3 =	vadd.f32 v5, v3;
	v5 =	vld [tilespmem:s16+$0x8980];
	v2 =	vadd.f32 v10, v2  }
0x50: {  	s14 =	simm.s32 $0x20;
	v10 =	vld [tilespmem:s16+$0x8C00]  }
0x51: {  	v3 =	vadd.f32 v4, v3;
	v4 =	vld [tilespmem:s14+$0x7800];
	v2 =	vadd.f32 v7, v2  }
0x52: {  	v7 =	vld [tilespmem:s16+$0x8E80]  }
0x53: {  	v3 =	vadd.f32 v6, v3;
	v6 =	vld [tilespmem:s14+$0x7A80];
	v2 =	vadd.f32 v8, v2  }
0x54: {  	v8 =	vld [tilespmem:s16+$0x9100]  }
0x55: {  	v3 =	vadd.f32 v5, v3;
	v5 =	vld [tilespmem:s14+$0x7D00];
	v2 =	vadd.f32 v9, v2  }
0x56: {  	v4 =	vadd.f32 $1.000000000e+00, v4;
	v9 =	vld [tilespmem:s16+$0x9380]  }
0x57: {  	v3 =	vadd.f32 v10, v3;
	v10 =	vld [tilespmem:s14+$0x7F80];
	v14 =	vmul.f32 $5.000000000e-01, v2;
	v2 =	vshra.s32 v2, $0x1  }
0x58: {  	v4 =	vadd.f32 v6, v4;
	v6 =	vld [tilespmem:s16+$0x9600];
	v2 =	vsub.s32 $0x5F3759DF, v2  }
0x59: {  	v3 =	vadd.f32 v7, v3;
	v7 =	vld [tilespmem:s14+$0x8200];
	v11 =	vmul.f32 v2, v14  }
0x5a: {  	v4 =	vadd.f32 v5, v4;
	v5 =	vld [tilespmem:s16+$0x9880]  }
0x5b: {  	v3 =	vadd.f32 v8, v3;
	v8 =	vld [tilespmem:s14+$0x8480];
	v11 =	vmul.f32 v2, v11  }
0x5c: {  	v4 =	vadd.f32 v10, v4;
	v10 =	vld [tilespmem:s16+$0x9B00]  }
0x5d: {  	v3 =	vadd.f32 v9, v3;
	v9 =	vld [tilespmem:s14+$0x8700];
	v11 =	vsub.f32 $1.500000000e+00, v11  }
0x5e: {  	v4 =	vadd.f32 v7, v4;
	v7 =	vld [tilespmem:s16+$0x9D80]  }
0x5f: {  	v3 =	vadd.f32 v6, v3;
	v6 =	vld [tilespmem:s14+$0x8980];
	v11 =	vmul.f32 v2, v11  }
0x60: {  	s15 =	simm.s32 $0x30;
	v2 =	vadd.f32 v8, v4;
	v4 =	vld [tilespmem:s14+$0x8C00]  }
0x61: {  	v3 =	vadd.f32 v5, v3;
	v5 =	vld [tilespmem:s15+$0x7800];
	v8 =	vmul.f32 v11, v14  }
0x62: {  	v2 =	vadd.f32 v9, v2;
	v9 =	vld [tilespmem:s14+$0x8E80]  }
0x63: {  	v3 =	vadd.f32 v10, v3;
	v10 =	vld [tilespmem:s15+$0x7A80];
	v8 =	vmul.f32 v8, v11  }
0x64: {  	v2 =	vadd.f32 v6, v2;
	v6 =	vld [tilespmem:s14+$0x9100]  }
0x65: {  	v3 =	vadd.f32 v7, v3;
	v7 =	vld [tilespmem:s15+$0x7D00];
	v8 =	vsub.f32 $1.500000000e+00, v8  }
0x66: {  	v12 =	vld [tilespmem:s14+$0x9380];
	v5 =	vadd.f32 $1.000000000e+00, v5;
	v4 =	vadd.f32 v4, v2  }
0x67: {  	v13 =	vld [tilespmem:s15+$0x7F80];
	v2 =	vmul.f32 $5.000000000e-01, v3;
	v3 =	vshra.s32 v3, $0x1;
	v11 =	vmul.f32 v8, v11  }
0x68: {  	v5 =	vadd.f32 v10, v5;
	v4 =	vadd.f32 v9, v4;
	v8 =	vld [tilespmem:s14+$0x9600];
	v9 =	vsub.s32 $0x5F3759DF, v3  }
0x69: {  	v10 =	vld [tilespmem:s15+$0x8200];
	v3 =	vmul.f32 v9, v2;
	v15 =	vmul.f32 v11, v14  }
0x6a: {  	v16 =	vld [tilespmem:s14+$0x9880];
	v5 =	vadd.f32 v7, v5;
	v4 =	vadd.f32 v6, v4  }
0x6b: {  	v6 =	vld [tilespmem:s15+$0x8480];
	v17 =	vmul.f32 v9, v3;
	v15 =	vmul.f32 v15, v11  }
0x6c: {  	v7 =	vld [tilespmem:s15+$0x8700];
	v5 =	vadd.f32 v13, v5;
	v12 =	vadd.f32 v12, v4  }
0x6d: {  	v3 =	vld [tilespmem:s14+$0x9B00];
	v13 =	vsub.f32 $1.500000000e+00, v17;
	v15 =	vsub.f32 $1.500000000e+00, v15  }
0x6e: {  	v4 =	vld [tilespmem:s14+$0x9D80];
	v5 =	vadd.f32 v10, v5;
	v12 =	vadd.f32 v8, v12  }
0x6f: {  	v8 =	vld [tilespmem:s15+$0x8980];
	v9 =	vmul.f32 v9, v13;
	v10 =	vmul.f32 v15, v11  }
0x70: {  	s18 =	simm.s32 $0x40;
	v11 =	vadd.f32 v6, v5;
	v6 =	vld [tilespmem:s15+$0x8C00];
	v5 =	vadd.f32 v16, v12  }
0x71: {  	s19 =	simm.s32 $0x140;
	v12 =	vld [tilespmem:s18+$0x7800];
	v13 =	vmul.f32 v9, v2;
	v14 =	vmul.f32 v10, v14  }
.LBB2_6:
0x72: {  	p0 =	sne.s32 s19, $0x9C0;
	v7 =	vadd.f32 v7, v11;
	v11 =	vld [tilespmem:s15+$0x8E80];
	v3 =	vadd.f32 v3, v5  }
0x73: {  	v5 =	vld [tilespmem:s18+$0x7A80];
	v13 =	vmul.f32 v13, v9;
	v14 =	vmul.f32 v14, v10  }
0x74: {  	v7 =	vadd.f32 v8, v7;
	v8 =	vld [tilespmem:s15+$0x9100];
	v3 =	vadd.f32 v4, v3  }
0x75: {  	v4 =	vld [tilespmem:s18+$0x7D00];
	v13 =	vsub.f32 $1.500000000e+00, v13;
	v14 =	vsub.f32 $1.500000000e+00, v14  }
0x76: {  	v12 =	vadd.f32 $1.000000000e+00, v12;
	v6 =	vadd.f32 v6, v7;
	v7 =	vld [tilespmem:s15+$0x9380];
	v15 =	vmul.f32 $5.000000000e-01, v3  }
0x77: {  	v3 =	vshra.s32 v3, $0x1;
	v16 =	vld [tilespmem:s18+$0x7F80];
	v13 =	vmul.f32 v13, v9;
	v9 =	vmul.f32 v14, v10  }
0x78: {  	v5 =	vadd.f32 v5, v12;
	v6 =	vadd.f32 v11, v6;
	v10 =	vld [tilespmem:s15+$0x9600];
	v11 =	vsub.s32 $0x5F3759DF, v3  }
0x79: {  	v12 =	vld [tilespmem:s18+$0x8200];
	v3 =	vmul.f32 v11, v15;
	v14 =	vmul.f32 v13, v2;
	[tilespmem:s17+$0xA000] =	vst v9;
	s17 =	smov.u32 s16;
	s16 =	smov.u32 s14;
	s14 =	smov.u32 s15  }
0x7a: {  	s15 =	smov.u32 s18;
	v4 =	vadd.f32 v4, v5;
	v5 =	vadd.f32 v8, v6;
	v17 =	vld [tilespmem:s14+$0x9880]  }
0x7b: {  	v6 =	vld [tilespmem:s15+$0x8480];
	v8 =	vmul.f32 v11, v3;
	v9 =	vmul.f32 v14, v13  }
0x7c: {  	v4 =	vadd.f32 v16, v4;
	v5 =	vadd.f32 v7, v5;
	v3 =	vld [tilespmem:s14+$0x9B00]  }
.Ltmp2:
0x7d: {  	v7 =	vld [tilespmem:s15+$0x8700];
	v14 =	vsub.f32 $1.500000000e+00, v8;
	v16 =	vsub.f32 $1.500000000e+00, v9;
	(pc) =	sbr.rel @p0 .LBB2_6-.Ltmp2, $4  }
0x7e: {  	v12 =	vadd.f32 v12, v4;
	v5 =	vadd.f32 v10, v5;
	v4 =	vld [tilespmem:s14+$0x9D80]  }
0x7f: {  	v8 =	vld [tilespmem:s15+$0x8980];
	v9 =	vmul.f32 v11, v14;
	v10 =	vmul.f32 v16, v13  }
0x80: {  	s18 =	sshra.s32 s19, $0x2;
	v11 =	vadd.f32 v6, v12;
	v6 =	vld [tilespmem:s15+$0x8C00];
	v5 =	vadd.f32 v17, v5  }
0x81: {  	s19 =	sadd.s32 $0x40, s19;
	v12 =	vld [tilespmem:s18+$0x7800];
	v13 =	vmul.f32 v9, v15;
	v14 =	vmul.f32 v10, v2;
	v2 =	vmov v15  }
0x82: {  	_ = 	snop  }
0x83: {  	v16 =	vld [tilespmem:s18+$0x7A80];
	v13 =	vmul.f32 v13, v9  }
0x84: {  	v15 =	vld [tilespmem:s15+$0x8E80];
	v14 =	vmul.f32 v14, v10  }
0x85: {  	v18 =	vld [tilespmem:s18+$0x7D00];
	v13 =	vsub.f32 $1.500000000e+00, v13  }
0x86: {  	v17 =	vld [tilespmem:s15+$0x9100];
	v14 =	vsub.f32 $1.500000000e+00, v14;
	v12 =	vadd.f32 $1.000000000e+00, v12  }
0x87: {  	v20 =	vld [tilespmem:s18+$0x7F80]  }
0x88: {  	v19 =	vld [tilespmem:s15+$0x9380];
	v24 =	vmul.f32 v13, v9;
	v25 =	vmul.f32 v14, v10;
	v12 =	vadd.f32 v16, v12  }
0x89: {  	v27 =	vld [tilespmem:s18+$0x8200]  }
0x8a: {  	v26 =	vld [tilespmem:s15+$0x9600];
	[tilespmem:s17+$0xA000] =	vst v25;
	v28 =	vmul.f32 v24, v2;
	v12 =	vadd.f32 v18, v12  }
0x8b: {  	v29 =	vld [tilespmem:s18+$0x8480]  }
0x8c: {  	v10 =	vmul.f32 v28, v24;
	v12 =	vadd.f32 v20, v12  }
0x8d: {  	v30 =	vld [tilespmem:s18+$0x8700]  }
0x8e: {  	v10 =	vsub.f32 $1.500000000e+00, v10;
	v12 =	vadd.f32 v27, v12  }
0x8f: {  	v31 =	vld [tilespmem:s18+$0x8980]  }
0x90: {  	v9 =	vmul.f32 v10, v24;
	v32 =	vadd.f32 v29, v12  }
0x91: {  	v7 =	vadd.f32 v7, v11;
	v33 =	vld [tilespmem:s18+$0x8C00]  }
0x92: {  	v2 =	vmul.f32 v9, v2;
	v10 =	vadd.f32 v30, v32  }
0x93: {  	v7 =	vadd.f32 v8, v7;
	v34 =	vld [tilespmem:s18+$0x8E80]  }
0x94: {  	v2 =	vmul.f32 v2, v9;
	v10 =	vadd.f32 v31, v10  }
0x95: {  	v6 =	vadd.f32 v6, v7;
	v36 =	vld [tilespmem:s18+$0x9100]  }
0x96: {  	v35 =	vld [tilespmem:s15+$0x9880];
	v2 =	vsub.f32 $1.500000000e+00, v2;
	v10 =	vadd.f32 v33, v10  }
0x97: {  	v6 =	vadd.f32 v15, v6;
	v38 =	vld [tilespmem:s18+$0x9380]  }
0x98: {  	v37 =	vld [tilespmem:s15+$0x9B00];
	v2 =	vmul.f32 v2, v9;
	v8 =	vadd.f32 v34, v10  }
0x99: {  	v6 =	vadd.f32 v17, v6;
	v40 =	vld [tilespmem:s18+$0x9600]  }
0x9a: {  	v39 =	vld [tilespmem:s15+$0x9D80];
	[tilespmem:s16+$0xA000] =	vst v2;
	v2 =	vadd.f32 v36, v8  }
0x9b: {  	v6 =	vadd.f32 v19, v6;
	v41 =	vld [tilespmem:s18+$0x9880]  }
0x9c: {  	v2 =	vadd.f32 v38, v2  }
0x9d: {  	v6 =	vadd.f32 v26, v6;
	v42 =	vld [tilespmem:s18+$0x9B00]  }
0x9e: {  	v2 =	vadd.f32 v40, v2  }
0x9f: {  	v3 =	vadd.f32 v3, v5;
	v43 =	vadd.f32 v35, v6;
	v44 =	vld [tilespmem:s18+$0x9D80]  }
0xa0: {  	v2 =	vadd.f32 v41, v2  }
0xa1: {  	v3 =	vadd.f32 v4, v3;
	v45 =	vadd.f32 v37, v43  }
0xa2: {  	v2 =	vadd.f32 v42, v2  }
0xa3: {  	v46 =	vmul.f32 $5.000000000e-01, v3;
	v3 =	vshra.s32 v3, $0x1;
	v4 =	vadd.f32 v39, v45  }
0xa4: {  	v3 =	vsub.s32 $0x5F3759DF, v3;
	v2 =	vadd.f32 v44, v2  }
0xa5: {  	v47 =	vmul.f32 v3, v46;
	v48 =	vmul.f32 $5.000000000e-01, v4;
	v4 =	vshra.s32 v4, $0x1  }
0xa6: {  	v4 =	vsub.s32 $0x5F3759DF, v4;
	v49 =	vmul.f32 $5.000000000e-01, v2;
	v2 =	vshra.s32 v2, $0x1  }
0xa7: {  	v50 =	vmul.f32 v4, v48;
	v2 =	vsub.s32 $0x5F3759DF, v2  }
0xa8: {  	v6 =	vmul.f32 v3, v47;
	v51 =	vmul.f32 v2, v49  }
0xa9: {  	v9 =	vmul.f32 v4, v50  }
0xaa: {  	v6 =	vsub.f32 $1.500000000e+00, v6;
	v10 =	vmul.f32 v2, v51  }
0xab: {  	v9 =	vsub.f32 $1.500000000e+00, v9  }
0xac: {  	v3 =	vmul.f32 v3, v6;
	v52 =	vsub.f32 $1.500000000e+00, v10  }
0xad: {  	v4 =	vmul.f32 v4, v9  }
0xae: {  	v53 =	vmul.f32 v3, v46;
	v2 =	vmul.f32 v2, v52  }
0xaf: {  	v54 =	vmul.f32 v4, v48  }
0xb0: {  	v9 =	vmul.f32 v53, v3;
	v55 =	vmul.f32 v2, v49  }
0xb1: {  	v6 =	vmul.f32 v54, v4  }
0xb2: {  	v9 =	vsub.f32 $1.500000000e+00, v9;
	v10 =	vmul.f32 v55, v2  }
0xb3: {  	v6 =	vsub.f32 $1.500000000e+00, v6  }
0xb4: {  	v3 =	vmul.f32 v9, v3;
	v56 =	vsub.f32 $1.500000000e+00, v10  }
0xb5: {  	v4 =	vmul.f32 v6, v4  }
0xb6: {  	v57 =	vmul.f32 v3, v46;
	v2 =	vmul.f32 v56, v2  }
0xb7: {  	v58 =	vmul.f32 v4, v48  }
0xb8: {  	v6 =	vmul.f32 v57, v3;
	v59 =	vmul.f32 v2, v49  }
0xb9: {  	v9 =	vmul.f32 v58, v4  }
0xba: {  	v6 =	vsub.f32 $1.500000000e+00, v6;
	v10 =	vmul.f32 v59, v2  }
0xbb: {  	v9 =	vsub.f32 $1.500000000e+00, v9  }
0xbc: {  	v3 =	vmul.f32 v6, v3;
	v60 =	vsub.f32 $1.500000000e+00, v10  }
0xbd: {  	v4 =	vmul.f32 v9, v4  }
0xbe: {  	v5 =	vmul.f32 v3, v46;
	v2 =	vmul.f32 v60, v2  }
0xbf: {  	v61 =	vmul.f32 v4, v48  }
0xc0: {  	v5 =	vmul.f32 v5, v3;
	v62 =	vmul.f32 v2, v49  }
0xc1: {  	v6 =	vmul.f32 v61, v4  }
0xc2: {  	v5 =	vsub.f32 $1.500000000e+00, v5;
	v7 =	vmul.f32 v62, v2  }
0xc3: {  	v6 =	vsub.f32 $1.500000000e+00, v6  }
0xc4: {  	v3 =	vmul.f32 v5, v3;
	v63 =	vsub.f32 $1.500000000e+00, v7  }
0xc5: {  	v4 =	vmul.f32 v6, v4  }
0xc6: {  	s13 =	sadd.s32 $0x1, s13;
	[tilespmem:s14+$0xA000] =	vst v3;
	v2 =	vmul.f32 v63, v2  }
0xc7: {  	p0 =	sne.s32 s13, s7;
	[tilespmem:s15+$0xA000] =	vst v4  }
.Ltmp3:
0xc8: {  	[tilespmem:s18+$0xA000] =	vst v2;
	(pc) =	sbr.rel @p0 .LBB2_1-.Ltmp3, $4  }
0xc9: {  	[hbm4b:s6+s2] =	stream.linear.scatter [tilespmem:s12], [sflag:$0x1], $0x280, $0x38;
	[tilespmem:$0xA280] =	vst v63  }
0xca: {  	_ =	swait.ge [sflag:s9], $0x280  }
0xcb: {  	[sflag:s9] =	ssyncset.done $0x0  }
0xcc: {  	[sflag:s9] =	ssyncadd.s32 $0xFFFFFD80  }
0xcd: {  	_ =	sfence.sel $0x180000  }
0xce: {  	[bflag:$0x0] =	sbarrier.arrive $0xFFFF  }
0xcf: {  	p0 =	sne.s32 s1, $0x0;
	_ =	strace $0x90000047  }
0xd0: {  	s0 =	sadd.s32 @!p0 $0x100000, s0;
	[bflag:$0x2] =	sbarrier.arrive $0xFFFF  }
0xd1: {  	[sflag:s0] =	ssyncadd.tile.s32 @!p0 $0x1;
	_ =	shalt  }
.Lfunc_end2:
_tile_overlayer_lowered:
.L_overlay_start_2:
0xd2: {  	(tag) =	ssettag $0x2  }
0xd3: {  	s0 =	rddreg [dreg:$0x0];
	s2 =	stileid.u32  }
0xd4: {  	s1 =	rddreg [dreg:$0x1];
	p0 =	sne.s32 s2, $0x0  }
0xd5: {  	s3 =	rddreg [dreg:$0x2];
	[bflag:$0x3] =	sbarrier.arrive $0xFFFF;
	s2 =	simm.s32 @!p0 $0x1C01  }
0xd6: {  	[timem:s3], [sflag:s2] =	dma.local @!p0 [hbm:s0], s1  }
0xd7: {  	s0 =	simm.s32 @!p0 $0x1  }
0xd8: {  	_ =	swait.ge @!p0 [sflag:s0], s1  }
0xd9: {  	s1 =	ssub.s32 @!p0 $0x0, s1;
	[sflag:s0] =	ssyncset.done @!p0 $0x0  }
0xda: {  	[sflag:s0] =	ssyncadd.s32 @!p0 s1  }
0xdb: {  	[bflag:$0x3] =	sbarrier.arrive $0xFFFF  }
0xdc: {  	_ =	shalt  }

// kernel: kernel.9.cloned.1.call-start
scs
__scs_entry_jumppad:
0x0: {  	(pc) =	sbr.rel $0x88, $3  }
0x1: {  	(tag) =	ssettag $0x0;
	lr =	simm.s32 $0x1  }
0x2: {  	[smem:$0x3F99] =	sst lr;
	_ =	strace $0xD0000000  }
0x3: {  	_ = 	snop  }
0x4: {  	_ = 	snop  }
0x5: {  	_ = 	snop  }
0x6: {  	_ = 	snop  }
0x7: {  	_ = 	snop  }
__scs_overlays_trampoline_lowered:
0x8: {  	[smem:$0x3FA8] =	sst s0  }
0x9: {  	[smem:$0x3FA9] =	sst s1  }
0xa: {  	[smem:$0x3FAA] =	sst s2  }
0xb: {  	[smem:$0x3FAB] =	sst s3  }
0xc: {  	[smem:$0x3FAC] =	sst s4  }
0xd: {  	[smem:$0x3FAD] =	sst s5  }
0xe: {  	[smem:$0x3FAE] =	sst s6  }
0xf: {  	[smem:$0x3FAF] =	sst s7  }
0x10: {  	[smem:$0x3FB0] =	sst s8  }
0x11: {  	[smem:$0x3FB1] =	sst s9;
	s0 =	simm.s32 @!p0 $0x0  }
0x12: {  	s1 =	sld [smem:$0x3F97];
	s0 =	simm.s32 @p0 $0x1  }
0x13: {  	[smem:$0x3FB2] =	sst s0;
	s0 =	simm.s32 @!p1 $0x0  }
0x14: {  	s2 =	sld [smem:$0x3F96];
	s0 =	simm.s32 @p1 $0x1  }
0x15: {  	[smem:$0x3FB3] =	sst s0;
	s0 =	simm.s32 @!p2 $0x0  }
0x16: {  	s3 =	sld [smem:$0x3FDB];
	s0 =	simm.s32 @p2 $0x1  }
0x17: {  	s4 =	simm.s32 $0x1BF5;
	[smem:$0x3FB5] =	sst s0  }
0x18: {  	s0 =	sld [smem:$0x3F98];
	_ =	swait.ge [sflag:s4], $0x0  }
0x19: {  	s7 =	sld [smem:$0x3F99]  }
0x1a: {  	s8 =	sadd.s32 $0xFFFFE003, lr  }
0x1b: {  	s9 =	sadd.s32 $0xFFFFFEF7, lr;
	s5 =	simm.s32 $0xFFFFFFFF;
	p2 =	slt.u32 s8, $0xFFFFF086  }
0x1c: {  	p1 =	slt.u32 s9, $0xF7A;
	s5 =	simm.s32 @!p2 $0x0  }
0x1d: {  	s5 =	simm.s32 @p1 $0x1;
	p0 =	seq.s32 s7, s2  }
0x1e: {  	s7 =	smul.u32 @!p0 $0xF7A, s2;
	p2 =	seq.s32 @!p0 s5, $0x0  }
0x1f: {  	s9 =	smul.u32 $0xF7A, s1;
	s8 =	simm.s32 @!p0 $0x1BF5;
	p2 =	por !p2, p0  }
0x20: {  	[sflag:s8] =	ssyncset.s32 @!p0 $0xFFFFF086;
	s6 =	sadd.s32 @!p0 s3, s7;
	s7 =	simm.s32 @!p0 $0x108  }
0x21: {  	s3 =	sadd.s32 s3, s9;
	s6 =	sadd.s32 @!p0 $0x88, s6;
	s7 =	simm.s32 @p2 $0x1082  }
0x22: {  	[simem:s7], [sflag:s8] =	dma.local @!p0 [hbm:s6], $0xF7A  }
0x23: {  	s9 =	sor.u32 $0xD0000000, s2;
	s6 =	simm.s32 $0x108;
	_ =	swait.ge @!p0 [sflag:s8], $0x0  }
0x24: {  	s3 =	sadd.s32 $0x88, s3;
	s6 =	simm.s32 @!p1 $0x1082;
	[sflag:s4] =	ssyncset.s32 $0xFFFFF086  }
0x25: {  	[simem:s6], [sflag:s4] =	dma.local [hbm:s3], $0xF7A  }
0x26: {  	[smem:$0x3F99] =	sst s1;
	(tag) =	ssettag s2;
	_ =	strace s9  }
0x27: {  	s1 =	sld [smem:$0x3FA9]  }
0x28: {  	s2 =	sld [smem:$0x3FAA]  }
0x29: {  	s4 =	sld [smem:$0x3FAC]  }
0x2a: {  	p0 =	seq.s32 s5, $0x0;
	s5 =	sld [smem:$0x3FAD]  }
0x2b: {  	s6 =	sld [smem:$0x3FAE]  }
0x2c: {  	s7 =	sld [smem:$0x3FAF]  }
0x2d: {  	s3 =	simm.s32 $0x108;
	s8 =	sld [smem:$0x3FB0]  }
0x2e: {  	s3 =	simm.s32 @!p0 $0x1082;
	s9 =	sld [smem:$0x3FB1]  }
0x2f: {  	lr =	sadd.s32 s0, s3;
	s0 =	sld [smem:$0x3FA8]  }
0x30: {  	s3 =	sld [smem:$0x3FAB]  }
0x31: {  	[smem:$0x3FB4] =	sst s10  }
0x32: {  	s10 =	sld [smem:$0x3FB2];
	_ =	sdelay $0x3  }
0x33: {  	p0 =	seq.s32 s10, $0x1;
	s10 =	sld [smem:$0x3FB4];
	_ =	sdelay $0x3  }
0x34: {  	[smem:$0x3FB4] =	sst s10  }
0x35: {  	s10 =	sld [smem:$0x3FB3];
	_ =	sdelay $0x3  }
0x36: {  	p1 =	seq.s32 s10, $0x1;
	s10 =	sld [smem:$0x3FB4];
	_ =	sdelay $0x3  }
0x37: {  	[smem:$0x3FB4] =	sst s10  }
0x38: {  	s10 =	sld [smem:$0x3FB5]  }
0x39: {  	_ = 	snop;
	(pc) =	sbr.ind lr, $3  }
0x3a: {  	_ = 	snop  }
0x3b: {  	_ = 	snop  }
0x3c: {  	p2 =	seq.s32 s10, $0x1;
	s10 =	sld [smem:$0x3FB4]  }
0x3d: {  	_ =	shalt  }
0x3e: {  	_ =	shalt  }
0x3f: {  	_ =	shalt  }
0x40: {  	_ =	shalt  }
0x41: {  	_ =	shalt  }
0x42: {  	_ =	shalt  }
0x43: {  	_ =	shalt  }
0x44: {  	_ =	shalt  }
0x45: {  	_ =	shalt  }
0x46: {  	_ =	shalt  }
0x47: {  	_ =	shalt  }
0x48: {  	_ =	shalt  }
0x49: {  	_ =	shalt  }
0x4a: {  	_ =	shalt  }
0x4b: {  	_ =	shalt  }
0x4c: {  	_ =	shalt  }
0x4d: {  	_ =	shalt  }
0x4e: {  	_ =	shalt  }
0x4f: {  	_ =	shalt  }
0x50: {  	_ =	shalt  }
0x51: {  	_ =	shalt  }
0x52: {  	_ =	shalt  }
0x53: {  	_ =	shalt  }
0x54: {  	_ =	shalt  }
0x55: {  	_ =	shalt  }
0x56: {  	_ =	shalt  }
0x57: {  	_ =	shalt  }
0x58: {  	_ =	shalt  }
0x59: {  	_ =	shalt  }
0x5a: {  	_ =	shalt  }
0x5b: {  	_ =	shalt  }
0x5c: {  	_ =	shalt  }
0x5d: {  	_ =	shalt  }
0x5e: {  	_ =	shalt  }
0x5f: {  	_ =	shalt  }
0x60: {  	_ =	shalt  }
0x61: {  	_ =	shalt  }
0x62: {  	_ =	shalt  }
0x63: {  	_ =	shalt  }
0x64: {  	_ =	shalt  }
0x65: {  	_ =	shalt  }
0x66: {  	_ =	shalt  }
0x67: {  	_ =	shalt  }
0x68: {  	_ =	shalt  }
0x69: {  	_ =	shalt  }
0x6a: {  	_ =	shalt  }
0x6b: {  	_ =	shalt  }
0x6c: {  	_ =	shalt  }
0x6d: {  	_ =	shalt  }
0x6e: {  	_ =	shalt  }
0x6f: {  	_ =	shalt  }
0x70: {  	_ =	shalt  }
0x71: {  	_ =	shalt  }
0x72: {  	_ =	shalt  }
0x73: {  	_ =	shalt  }
0x74: {  	_ =	shalt  }
0x75: {  	_ =	shalt  }
0x76: {  	_ =	shalt  }
0x77: {  	_ =	shalt  }
0x78: {  	_ =	shalt  }
0x79: {  	_ =	shalt  }
0x7a: {  	_ =	shalt  }
0x7b: {  	_ =	shalt  }
0x7c: {  	_ =	shalt  }
0x7d: {  	_ =	shalt  }
0x7e: {  	_ =	shalt  }
0x7f: {  	_ =	shalt  }
0x80: {  	_ =	shalt  }
0x81: {  	_ =	shalt  }
0x82: {  	_ =	shalt  }
0x83: {  	_ =	shalt  }
0x84: {  	_ =	shalt  }
0x85: {  	_ =	shalt  }
0x86: {  	_ =	shalt  }
0x87: {  	_ =	shalt  }
.Lfunc_end0:
.L_simem_size_0:
called_computation.1_lowered:
.L_overlay_start_0:
0x88: {  	s2 =	sld [smem:$0x3FD9]  }
0x89: {  	s3 =	sld [smem:$0x3FFE];
	_ =	sdelay $0x1  }
0x8a: {  	s1 =	srdreg.scid  }
0x8b: {  	s0 =	sand.u32 $0x1, s1  }
0x8c: {  	s17 =	sshll.u32 s0, $0xA;
	s2 =	sadd.s32 s3, s2  }
0x8d: {  	s2 =	sadd.s32 s2, s17  }
0x8e: {  	[smem:$0x3FC0] =	sst s2  }
0x8f: {  	_ = 	snop  }
0x90: {  	s2 =	sld [smem:$0x3FD0];
	(tm) =	ssettm $0x1  }
0x91: {  	s18 =	sld [smem:$0x3FFB];
	_ =	sdelay $0x3  }
0x92: {  	_ =	strace s18  }
0x93: {  	s3 =	sld [smem:$0x3FFC];
	_ =	sdelay $0x3  }
0x94: {  	_ =	strace s3  }
0x95: {  	s3 =	sld [smem:$0x3FFD];
	_ =	sdelay $0x3  }
0x96: {  	_ =	strace s3  }
0x97: {  	_ =	strace $0x8FFFFFFF  }
0x98: {  	s19 =	sld [smem:$0x3FDB];
	_ =	sdelay $0x1  }
0x99: {  	s4 =	simm.s32 $_scs_section_size  }
0x9a: {  	s5 =	simm.s32 $_size__tile_overlayer_lowered;
	s6 =	simm.s32 $_tile_overlayer_lowered  }
0x9b: {  	s22 =	simm.s32 $0x1BFF;
	s21 =	sshll.u32 s6, $0x1;
	s3 =	sadd.s32 s4, s19  }
0x9c: {  	s7 =	simm.s32 $0x0;
	s20 =	sshll.u32 s5, $0x1;
	s5 =	sadd.s32 s21, s3  }
0x9d: {  	[timem:s7], [sflag:s22] =	dma.local [hbm:s5], s20  }
0x9e: {  	_ =	swait.ge [sflag:s22], s20  }
0x9f: {  	s4 =	ssub.s32 $0x0, s20;
	[sflag:s22] =	ssyncset.done $0x0  }
0xa0: {  	[sflag:s22] =	ssyncadd.s32 s4;
	_ =	sdelay $0x1  }
0xa1: {  	s23 =	simm.s32 $0x1B8B  }
0xa2: {  	_ =	swait.ge [sflag:s23], $0x1  }
0xa3: {  	[sflag:s23] =	ssyncset.done $0x0  }
0xa4: {  	s25 =	simm.s32 $0x1B8E;
	s24 =	sld [smem:$0x3FFE];
	[sflag:s23] =	ssyncadd.s32 $0xFFFFFFFF  }
0xa5: {  	s26 =	simm.s32 $execute0_lowered;
	[smem:$0x3FD2] =	sst s25  }
0xa6: {  	s5 =	sshll.u32 s26, $0x1;
	_ =	strace $0x80000049;
	[dreg:$0x1] =	wrdreg $0xFFFFFFFF  }
0xa7: {  	s28 =	simm.s32 $_size_execute0_lowered;
	s3 =	sadd.s32 s3, s5;
	[dreg:$0x0] =	wrdreg $0x0  }
0xa8: {  	s5 =	sshll.u32 s28, $0x1;
	[dreg:$0x2] =	wrdreg s3  }
0xa9: {  	[dreg:$0x3] =	wrdreg s5  }
0xaa: {  	[dreg:$0x4] =	wrdreg $0xC0  }
0xab: {  	_ =	task [dreg:s7], $0x5FFFF  }
0xac: {  	[dreg:$0x1] =	wrdreg $0xFFFFFFFF  }
0xad: {  	[dreg:$0x0] =	wrdreg $0x60  }
0xae: {  	[dreg:$0x2] =	wrdreg s2  }
0xaf: {  	[dreg:$0x3] =	wrdreg s24  }
0xb0: {  	[dreg:$0x4] =	wrdreg $0x0  }
0xb1: {  	[dreg:$0x5] =	wrdreg $0x9  }
0xb2: {  	_ =	task.clear_ibuf [dreg:s7], $0x6FFFF;
	_ =	strace $0x90000049  }
0xb3: {  	s29 =	simm.s32 $0x9;
	_ =	strace $0x8000004B  }
0xb4: {  	_ =	swait.ge [sflag:s29], $0x1  }
0xb5: {  	[sflag:s29] =	ssyncadd.s32 $0xFFFFFFFF  }
0xb6: {  	_ =	strace $0x9000004B  }
0xb7: {  	_ =	sfence  }
0xb8: {  	s30 =	sld [smem:$0x0];
	_ =	sdelay $0x2  }
0xb9: {  	s31 =	sshll.u32 s1, $0xD;
	s1 =	sshrl.u32 s1, $0x2  }
0xba: {  	s3 =	sand.u32 $0x4000, s31;
	s1 =	sadd.s32 s1, s30  }
0xbb: {  	s0 =	sor.u32 s3, s0;
	s1 =	sshll.u32 s1, $0x11  }
0xbc: {  	s0 =	sor.u32 s1, s0  }
0xbd: {  	s0 =	sadd.s32 $0x8F2B, s0  }
0xbe: {  	[sflag:s0] =	ssyncadd.remote.s32 $0x1  }
0xbf: {  	_ =	sfence.sel $0xFFFF  }
0xc0: {  	[dreg:$0x0] =	wrdreg $0xFFFFFFFF;
	(pc) =	sbr.abs _section_cstart, $3  }
0xc1: {  	[dreg:$0x1] =	wrdreg $0xFFFFFFFF  }
0xc2: {  	_ =	task.clear_ibuf [dreg:s7], $0x2FFFF;
	_ =	strace $0x9FFFFFFF  }
0xc3: {  	(tm) =	ssettm $0x7FFFFFFF  }
tec
execute0_lowered:
.L_overlay_start_1:
0x0: {  	(tag) =	ssettag $0x1  }
0x1: {  	s0 =	rddreg [dreg:$0x0]  }
0x2: {  	s1 =	rddreg [dreg:$0x1]  }
0x3: {  	s2 =	rddreg [dreg:$0x2];
	s12 =	stileid.u32;
	s3 =	simm.s32 $0x0  }
0x4: {  	s5 =	srdreg.scid;
	s29 =	simm.s32 $0x1C000;
	s30 =	simm.s32 $0xA000  }
0x5: {  	s31 =	simm.s32 $0x2;
	s28 =	simm.s32 $0xF000;
	s4 =	smul.u32 $0x50, s12  }
0x6: {  	[smem:$0x7FF] =	sst s3;
	s6 =	smul.u32 $0x500, s12;
	s7 =	sand.u32 $0x1, s5  }
0x7: {  	s5 =	sadd.s32 $0xA8200, s1;
	p0 =	seq.s32 s12, $0xF;
	_ =	strace $0x8000004A  }
0x8: {  	s9 =	smul.u32 $0x138800, s7;
	s11 =	ssub.s32 $0x2, s7;
	s8 =	sadd.s32 s4, s1  }
0x9: {  	s10 =	sadd.s32 s6, s1;
	s4 =	smul.u32 $0xA000, s12;
	s17 =	sshrl.u32 s11, $0x1  }
0xa: {  	s6 =	smul.u32 $0xDC0000, s7;
	s7 =	sshllo.u32 s7, $0x1;
	s12 =	simm.s32 $0x1BF00  }
0xb: {  	s1 =	ssub.s32 s11, s17;
	s18 =	sadd.s32 $0xA3200, s10;
	s10 =	sadd.s32 $0x1800, s10  }
0xc: {  	s8 =	sadd.s32 $0x6800, s8;
	s25 =	smul.u32 $0x9C400, s7;
	[dreg:$0x4] =	wrdreg s18  }
0xd: {  	s24 =	sshrl.u32 s9, $0x3;
	s15 =	smul.u32 $0x6E0000, s7;
	[dreg:$0x5] =	wrdreg s10  }
0xe: {  	s11 =	simm.s32 $0x1BE80;
	[dreg:$0x6] =	wrdreg s8;
	s19 =	sadd.s32 s4, s9  }
0xf: {  	s20 =	sadd.s32 s4, s6;
	s10 =	sadd.s32 $0x5000, s4;
	s13 =	sadd.s32 s4, s2  }
0x10: {  	s8 =	sshrl.u32 s19, $0x3;
	s21 =	sshrl.u32 s20, $0x3;
	s23 =	sadd.s32 s9, s10  }
0x11: {  	s26 =	sadd.s32 s6, s10;
	s16 =	sadd.s32 s4, s25;
	s19 =	sadd.s32 s4, s15  }
0x12: {  	s18 =	sadd.s32 s10, s2;
	s9 =	simm.s32 $0x1BE00;
	s8 =	sadd.s32 s0, s8  }
0x13: {  	s22 =	sadd.s32 s5, s21;
	s14 =	sshrl.u32 s26, $0x3;
	s17 =	sshrl.u32 s16, $0x3  }
0x14: {  	s20 =	sshrl.u32 s19, $0x3;
	s21 =	sadd.s32 s10, s25;
	s26 =	smax.u32 s1, $0x1  }
0x15: {  	s1 =	simm.s32 $0x80;
	s16 =	simm.s32 $0x11000;
	[dreg:$0x7] =	wrdreg s8  }
0x16: {  	s19 =	simm.s32 $0x1C280;
	[dreg:$0x8] =	wrdreg s22;
	s8 =	sshrl.u32 s23, $0x3  }
0x17: {  	s7 =	sadd.s32 s5, s14;
	s22 =	sshrl.u32 s25, $0x3;
	s23 =	sadd.s32 s10, s15  }
0x18: {  	[dreg:$0x11] =	wrdreg s26;
	s26 =	simm.s32 $0x3;
	s14 =	simm.s32 $0x0  }
0x19: {  	s8 =	sadd.s32 s0, s8;
	[dreg:$0xb] =	wrdreg s7;
	s7 =	sadd.s32 s0, s17  }
0x1a: {  	s25 =	sshrl.u32 s23, $0x3;
	s17 =	simm.s32 $0x1BF80;
	[dreg:$0x9] =	wrdreg s8  }
0x1b: {  	s8 =	sadd.s32 s0, s24;
	[dreg:$0xc] =	wrdreg s7;
	s7 =	sadd.s32 s5, s20  }
0x1c: {  	s8 =	sadd.s32 $0x13600, s8;
	[dreg:$0xd] =	wrdreg s7;
	s7 =	sshrl.u32 s21, $0x3  }
0x1d: {  	[dreg:$0xa] =	wrdreg s8;
	s8 =	sadd.s32 s0, s22;
	s0 =	sadd.s32 s0, s7  }
0x1e: {  	s22 =	simm.s32 $0x13000;
	[dreg:$0xe] =	wrdreg s0;
	s24 =	sadd.s32 $0x13600, s8  }
0x1f: {  	s0 =	sadd.s32 s5, s25;
	s25 =	simm.s32 $0x17000;
	[dreg:$0xf] =	wrdreg s24  }
0x20: {  	v0 =	vimm.f32 $0.0e+00;
	s8 =	simm.s32 $0x15000;
	[dreg:$0x10] =	wrdreg s0;
	s0 =	simm.s32 $0x1  }
.LBB2_1:
0x21: {  	[dreg:$0x12] =	wrdreg s14  }
0x22: {  	s7 =	rddreg [dreg:$0x4]  }
0x23: {  	[tilespmem:s25], [sflag:$0x3] =	stream.linear.gather [hbm4b:s7+s3], $0x2800, $0x38;
	[tilespmem:$0x1C500] =	vst v63  }
0x24: {  	_ =	swait.ge [sflag:s26], $0x2800  }
0x25: {  	[sflag:s26] =	ssyncset.done $0x0  }
0x26: {  	s23 =	simm.s32 $0x19800;
	s21 =	rddreg [dreg:$0x5];
	[sflag:s26] =	ssyncadd.s32 $0xFFFFD800  }
0x27: {  	[tilespmem:s23], [sflag:$0x3] =	stream.linear.gather [hbm4b:s21+s3], $0x2800, $0x38;
	[tilespmem:$0x1C500] =	vst v63  }
0x28: {  	_ =	swait.ge [sflag:s26], $0x2800  }
0x29: {  	[sflag:s26] =	ssyncset.done $0x0  }
0x2a: {  	s24 =	rddreg [dreg:$0x6];
	[sflag:s26] =	ssyncadd.s32 $0xFFFFD800  }
0x2b: {  	[tilespmem:s29], [sflag:$0x3] =	stream.linear.gather [hbm4b:s24+s3], $0x280, $0x38;
	[tilespmem:$0x1C500] =	vst v63  }
0x2c: {  	_ =	swait.ge [sflag:s26], $0x280  }
0x2d: {  	[sflag:s26] =	ssyncset.done $0x0  }
0x2e: {  	s14 =	simm.s32 $0x0;
	[sflag:s26] =	ssyncadd.s32 $0xFFFFFD80  }
0x2f: {  	v1 =	vld [tilespmem:s14+$0x1C000]  }
0x30: {  	s20 =	simm.s32 $0x40  }
.LBB2_2:
0x31: {  	p1 =	sne.s32 s20, $0x9C0  }
.Ltmp0:
0x32: {  	_ = 	snop;
	(pc) =	sbr.rel @p1 .LBB2_2-.Ltmp0, $4  }
0x33: {  	_ = 	snop  }
0x34: {  	s21 =	sshra.s32 s20, $0x2;
	s20 =	sadd.s32 $0x40, s20;
	v2 =	vmul.f32 v1, v1  }
0x35: {  	v1 =	vld [tilespmem:s21+$0x1C000]  }
0x36: {  	[tilespmem:s14+$0x1C280] =	vst v2;
	s14 =	smov.u32 s21  }
0x37: {  	_ =	sdelay $0x2  }
0x38: {  	v1 =	vmul.f32 v1, v1;
	_ =	sdelay $0x1  }
0x39: {  	s23 =	simm.s32 $0x0;
	s7 =	rddreg [dreg:$0x7];
	[tilespmem:s14+$0x1C280] =	vst v1  }
0x3a: {  	[tilespmem:s30], [sflag:$0x3] =	stream.linear.gather [hbm4b:s7+s23], $0x5000, $0x38;
	[tilespmem:$0x1C500] =	vst v63  }
0x3b: {  	v1 =	vmov s23;
	_ =	swait.ge [sflag:s26], $0x5000  }
0x3c: {  	[sflag:s26] =	ssyncset.done $0x0  }
0x3d: {  	s20 =	simm.s32 $0xA020;
	[sflag:s26] =	ssyncadd.s32 $0xFFFFB000  }
0x3e: {  	v3 =	vld [tilespmem:s20+$0xFFFFFFF0]  }
0x3f: {  	v4 =	vld [tilespmem:s20+$0x10]  }
0x40: {  	v6 =	vld.idx.msk [tilespmem:v1+s29+$0x0], $0xffff  }
0x41: {  	v1 =	vld [tilespmem:s20+$0xFFFFFFE0]  }
0x42: {  	v7 =	vld [tilespmem:s20+$0x0];
	_ =	sdelay $0x3  }
0x43: {  	s24 =	simm.s32 $0x1;
	v2 =	vmul.f32 v1, v6;
	v5 =	vmul.f32 v4, v6  }
0x44: {  	s14 =	simm.s32 $0xA020;
	s23 =	simm.s32 $0x2;
	v1 =	vmov s24;
	v4 =	vmul.f32 v3, v6;
	v3 =	vmul.f32 v7, v6  }
.LBB2_4:
0x45: {  	p1 =	sne.s32 s23, $0x13F  }
0x46: {  	[tilespmem:s20+$0x10] =	vst v5;
	s14 =	sadd.s32 $0x40, s14;
	s21 =	smov.u32 s23;
	s23 =	sadd.s32 $0x1, s23  }
0x47: {  	[tilespmem:s20+$0xFFFFFFE0] =	vst v2  }
0x48: {  	v6 =	vld [tilespmem:s14+$0xFFFFFFF0];
	[tilespmem:s20+$0xFFFFFFF0] =	vst v4  }
0x49: {  	v4 =	vld [tilespmem:s14+$0x10];
	[tilespmem:s20+$0x0] =	vst v3;
	s20 =	smov.u32 s14  }
0x4a: {  	v3 =	vld.idx.msk [tilespmem:v1+s29+$0x0], $0xffff  }
0x4b: {  	v1 =	vld [tilespmem:s14+$0xFFFFFFE0]  }
0x4c: {  	v7 =	vld [tilespmem:s14+$0x0]  }
.Ltmp1:
0x4d: {  	(pc) =	sbr.rel @p1 .LBB2_4-.Ltmp1, $3  }
0x4e: {  	_ =	sdelay $0x1  }
0x4f: {  	v5 =	vmul.f32 v4, v3;
	v2 =	vmul.f32 v1, v3  }
0x50: {  	v4 =	vmul.f32 v6, v3;
	v1 =	vmov s21;
	v3 =	vmul.f32 v7, v3  }
0x51: {  	[tilespmem:s20+$0x10] =	vst v5  }
0x52: {  	s14 =	sadd.s32 $0x40, s14;
	[tilespmem:s20+$0xFFFFFFE0] =	vst v2  }
0x53: {  	v2 =	vld [tilespmem:s14+$0xFFFFFFF0];
	[tilespmem:s20+$0xFFFFFFF0] =	vst v4  }
0x54: {  	v4 =	vld [tilespmem:s14+$0x10];
	[tilespmem:s20+$0x0] =	vst v3  }
0x55: {  	v1 =	vld.idx.msk [tilespmem:v1+s29+$0x0], $0xffff  }
0x56: {  	v3 =	vld [tilespmem:s14+$0xFFFFFFE0];
	_ =	sdelay $0x1  }
0x57: {  	v5 =	vld [tilespmem:s14+$0x0];
	_ =	sdelay $0x1  }
0x58: {  	v4 =	vmul.f32 v4, v1  }
0x59: {  	v3 =	vmul.f32 v3, v1  }
0x5a: {  	v2 =	vmul.f32 v2, v1;
	[tilespmem:s14+$0x10] =	vst v4  }
0x5b: {  	v1 =	vmul.f32 v5, v1;
	[tilespmem:s14+$0xFFFFFFE0] =	vst v3  }
0x5c: {  	[tilespmem:s14+$0xFFFFFFF0] =	vst v2  }
0x5d: {  	s7 =	rddreg [dreg:$0x8];
	[tilespmem:s14+$0x0] =	vst v1  }
0x5e: {  	[hbm4b:s7+s3] =	stream.linear.scatter [tilespmem:s30], [sflag:$0x1], $0x5000, $0x38;
	[tilespmem:$0x1C500] =	vst v63  }
0x5f: {  	_ = 	snop  }
0x60: {  	[spmem:s13] =	stream.linear.scatter [tilespmem:s30], [sflag:$0x2], $0x5000, $0x38;
	[tilespmem:$0x1C500] =	vst v63  }
0x61: {  	_ =	swait.ge [sflag:s31], $0x5000  }
.Ltmp2:
0x62: {  	[sflag:s31] =	ssyncset.done $0x0;
	(pc) =	sbr.rel @!p0 .LBB2_6-.Ltmp2, $4  }
0x63: {  	[sflag:s31] =	ssyncadd.s32 $0xFFFFB000  }
0x64: {  	_ =	swait.ge [sflag:s0], $0x5000  }
0x65: {  	[sflag:s0] =	ssyncset.done $0x0  }
0x66: {  	[sflag:s0] =	ssyncadd.s32 $0xFFFFB000  }
0x67: {  	s14 =	simm.s32 $0x0;
	s7 =	rddreg [dreg:$0xa]  }
0x68: {  	[tilespmem:s30], [sflag:$0x3] =	stream.linear.gather [hbm4b:s7+s14], $0x1400, $0x38;
	[tilespmem:$0x1C500] =	vst v63  }
0x69: {  	_ =	swait.ge [sflag:s26], $0x1400  }
0x6a: {  	[sflag:s26] =	ssyncset.done $0x0  }
0x6b: {  	s20 =	simm.s32 $0x100;
	s14 =	simm.s32 $0x0;
	[sflag:s26] =	ssyncadd.s32 $0xFFFFEC00  }
.LBB2_8:
0x6c: {  	p1 =	sne.s32 s20, $0xEF00;
	[tilespmem:s14+$0xB430] =	vst v0;
	s21 =	smov.u32 s20;
	s20 =	sadd.s32 $0x100, s20  }
.Ltmp3:
0x6d: {  	[tilespmem:s14+$0xB420] =	vst v0;
	(pc) =	sbr.rel @p1 .LBB2_8-.Ltmp3, $3  }
0x6e: {  	[tilespmem:s14+$0xB400] =	vst v0  }
0x6f: {  	[tilespmem:s14+$0xB410] =	vst v0;
	_ =	sdelay $0x1  }
0x70: {  	s14 =	sshra.s32 s21, $0x2  }
.Ltmp4:
0x71: {  	(pc) =	sbr.rel .LBB2_10-.Ltmp4, $4  }
0x72: {  	[tilespmem:s14+$0xB430] =	vst v0  }
0x73: {  	[tilespmem:s14+$0xB420] =	vst v0  }
0x74: {  	[tilespmem:s14+$0xB400] =	vst v0  }
0x75: {  	[tilespmem:s14+$0xB410] =	vst v0  }
.LBB2_6:
0x76: {  	s7 =	rddreg [dreg:$0x9]  }
0x77: {  	[tilespmem:s30], [sflag:$0x3] =	stream.linear.gather [hbm4b:s7+s3], $0x5000, $0x38;
	[tilespmem:$0x1C500] =	vst v63  }
0x78: {  	_ =	swait.ge [sflag:s26], $0x5000  }
0x79: {  	[sflag:s26] =	ssyncset.done $0x0  }
0x7a: {  	[sflag:s26] =	ssyncadd.s32 $0xFFFFB000  }
.LBB2_10:
0x7b: {  	s14 =	simm.s32 $0x140  }
0x7c: {  	v1 =	vmov s14;
	_ =	sdelay $0x1  }
0x7d: {  	s20 =	simm.s32 $0xA020  }
0x7e: {  	v3 =	vld [tilespmem:s20+$0xFFFFFFF0]  }
0x7f: {  	v4 =	vld [tilespmem:s20+$0x10]  }
0x80: {  	v6 =	vld.idx.msk [tilespmem:v1+s29+$0x0], $0xffff  }
0x81: {  	v1 =	vld [tilespmem:s20+$0xFFFFFFE0]  }
0x82: {  	v7 =	vld [tilespmem:s20+$0x0];
	_ =	sdelay $0x3  }
0x83: {  	s24 =	simm.s32 $0x141;
	v2 =	vmul.f32 v1, v6;
	v5 =	vmul.f32 v4, v6  }
0x84: {  	s23 =	simm.s32 $0x142;
	s14 =	simm.s32 $0xA020;
	v1 =	vmov s24;
	v4 =	vmul.f32 v3, v6;
	v3 =	vmul.f32 v7, v6  }
.LBB2_11:
0x85: {  	p1 =	sne.s32 s23, $0x27F  }
0x86: {  	[tilespmem:s20+$0x10] =	vst v5;
	s14 =	sadd.s32 $0x40, s14;
	s21 =	smov.u32 s23;
	s23 =	sadd.s32 $0x1, s23  }
0x87: {  	[tilespmem:s20+$0xFFFFFFE0] =	vst v2  }
0x88: {  	v6 =	vld [tilespmem:s14+$0xFFFFFFF0];
	[tilespmem:s20+$0xFFFFFFF0] =	vst v4  }
0x89: {  	v4 =	vld [tilespmem:s14+$0x10];
	[tilespmem:s20+$0x0] =	vst v3;
	s20 =	smov.u32 s14  }
0x8a: {  	v3 =	vld.idx.msk [tilespmem:v1+s29+$0x0], $0xffff  }
0x8b: {  	v1 =	vld [tilespmem:s14+$0xFFFFFFE0]  }
0x8c: {  	v7 =	vld [tilespmem:s14+$0x0]  }
.Ltmp5:
0x8d: {  	(pc) =	sbr.rel @p1 .LBB2_11-.Ltmp5, $3  }
0x8e: {  	_ =	sdelay $0x1  }
0x8f: {  	v5 =	vmul.f32 v4, v3;
	v2 =	vmul.f32 v1, v3  }
0x90: {  	v4 =	vmul.f32 v6, v3;
	v1 =	vmov s21;
	v3 =	vmul.f32 v7, v3  }
0x91: {  	[tilespmem:s20+$0x10] =	vst v5  }
0x92: {  	s14 =	sadd.s32 $0x40, s14;
	[tilespmem:s20+$0xFFFFFFE0] =	vst v2  }
0x93: {  	v2 =	vld [tilespmem:s14+$0xFFFFFFF0];
	[tilespmem:s20+$0xFFFFFFF0] =	vst v4  }
0x94: {  	v4 =	vld [tilespmem:s14+$0x10];
	[tilespmem:s20+$0x0] =	vst v3  }
0x95: {  	v1 =	vld.idx.msk [tilespmem:v1+s29+$0x0], $0xffff  }
0x96: {  	v3 =	vld [tilespmem:s14+$0xFFFFFFE0];
	_ =	sdelay $0x1  }
0x97: {  	v5 =	vld [tilespmem:s14+$0x0];
	_ =	sdelay $0x1  }
0x98: {  	v4 =	vmul.f32 v4, v1  }
0x99: {  	v3 =	vmul.f32 v3, v1  }
0x9a: {  	v2 =	vmul.f32 v2, v1;
	[tilespmem:s14+$0x10] =	vst v4  }
0x9b: {  	v1 =	vmul.f32 v5, v1;
	[tilespmem:s14+$0xFFFFFFE0] =	vst v3  }
0x9c: {  	[tilespmem:s14+$0xFFFFFFF0] =	vst v2  }
0x9d: {  	s23 =	simm.s32 $0x0;
	s7 =	rddreg [dreg:$0xb];
	[tilespmem:s14+$0x0] =	vst v1  }
0x9e: {  	[hbm4b:s7+s23] =	stream.linear.scatter [tilespmem:s30], [sflag:$0x1], $0x5000, $0x38;
	[tilespmem:$0x1C500] =	vst v63  }
0x9f: {  	_ = 	snop  }
0xa0: {  	[spmem:s18] =	stream.linear.scatter [tilespmem:s30], [sflag:$0x2], $0x5000, $0x38;
	[tilespmem:$0x1C500] =	vst v63  }
0xa1: {  	_ =	swait.ge [sflag:s31], $0x5000  }
0xa2: {  	[sflag:s31] =	ssyncset.done $0x0  }
0xa3: {  	[sflag:s31] =	ssyncadd.s32 $0xFFFFB000  }
0xa4: {  	_ =	swait.ge [sflag:s0], $0x5000  }
0xa5: {  	[sflag:s0] =	ssyncset.done $0x0  }
0xa6: {  	[sflag:s0] =	ssyncadd.s32 $0xFFFFB000  }
0xa7: {  	[bflag:$0x0] =	sbarrier.arrive $0xFFFF  }
.LBB2_13:
0xa8: {  	s14 =	smul.u32 $0xA0000, s23;
	_ =	sdelay $0x1  }
0xa9: {  	s14 =	sadd.s32 s6, s14  }
0xaa: {  	s14 =	sshrl.u32 s14, $0x3  }
0xab: {  	s24 =	sadd.s32 s5, s14  }
0xac: {  	[tilespmem:s28], [sflag:$0x1] =	stream.indirect.gather [hbm4b:s24+s1], $0x40, s25, s1, $0xb8;
	[tilespmem:$0x1C500] =	vst v63  }
0xad: {  	s7 =	simm.s32 $0x17080  }
0xae: {  	[tilespmem:s16], [sflag:$0x1] =	stream.indirect.gather [hbm4b:s24+s1], $0x40, s7, s1, $0xb8;
	[tilespmem:$0x1C500] =	vst v63  }
0xaf: {  	s14 =	simm.s32 $0x17100  }
0xb0: {  	[tilespmem:s22], [sflag:$0x2] =	stream.indirect.gather [hbm4b:s24+s1], $0x40, s14, s1, $0xb8;
	[tilespmem:$0x1C500] =	vst v63  }
0xb1: {  	s20 =	simm.s32 $0x17180  }
0xb2: {  	[tilespmem:s8], [sflag:$0x2] =	stream.indirect.gather [hbm4b:s24+s1], $0x40, s20, s1, $0xb8;
	[tilespmem:$0x1C500] =	vst v63  }
0xb3: {  	_ =	swait.ge [sflag:s0], $0x2000  }
0xb4: {  	[sflag:s0] =	ssyncset.done $0x0  }
0xb5: {  	[sflag:s0] =	ssyncadd.s32 $0xFFFFE000  }
0xb6: {  	_ =	swait.ge [sflag:s0], $0x2000  }
0xb7: {  	[sflag:s0] =	ssyncset.done $0x0  }
0xb8: {  	s21 =	simm.s32 $0x19800;
	[sflag:s0] =	ssyncadd.s32 $0xFFFFE000  }
0xb9: {  	[spmem:s2] =	stream.indirect.scatter.add.f32 [tilespmem:s28], [sflag:$0x3], $0x40, s21, s1, $0xb8;
	[tilespmem:$0x1C500] =	vst v63  }
0xba: {  	_ =	swait.ge [sflag:s26], $0x2000  }
0xbb: {  	[sflag:s26] =	ssyncset.done $0x0  }
0xbc: {  	s7 =	simm.s32 $0x19880;
	[sflag:s26] =	ssyncadd.s32 $0xFFFFE000  }
0xbd: {  	[spmem:s2] =	stream.indirect.scatter.add.f32 [tilespmem:s16], [sflag:$0x3], $0x40, s7, s1, $0xb8;
	[tilespmem:$0x1C500] =	vst v63  }
0xbe: {  	_ =	swait.ge [sflag:s26], $0x2000  }
0xbf: {  	[sflag:s26] =	ssyncset.done $0x0  }
0xc0: {  	s20 =	simm.s32 $0x17200;
	[sflag:s26] =	ssyncadd.s32 $0xFFFFE000  }
0xc1: {  	[tilespmem:s28], [sflag:$0x1] =	stream.indirect.gather [hbm4b:s24+s1], $0x40, s20, s1, $0xb8;
	[tilespmem:$0x1C500] =	vst v63  }
0xc2: {  	s21 =	simm.s32 $0x17280  }
0xc3: {  	[tilespmem:s16], [sflag:$0x1] =	stream.indirect.gather [hbm4b:s24+s1], $0x40, s21, s1, $0xb8;
	[tilespmem:$0x1C500] =	vst v63  }
0xc4: {  	_ =	swait.ge [sflag:s31], $0x2000  }
0xc5: {  	[sflag:s31] =	ssyncset.done $0x0  }
0xc6: {  	[sflag:s31] =	ssyncadd.s32 $0xFFFFE000  }
0xc7: {  	_ =	swait.ge [sflag:s31], $0x2000  }
0xc8: {  	[sflag:s31] =	ssyncset.done $0x0  }
0xc9: {  	s7 =	simm.s32 $0x19900;
	[sflag:s31] =	ssyncadd.s32 $0xFFFFE000  }
0xca: {  	[spmem:s2] =	stream.indirect.scatter.add.f32 [tilespmem:s22], [sflag:$0x3], $0x40, s7, s1, $0xb8;
	[tilespmem:$0x1C500] =	vst v63  }
0xcb: {  	_ =	swait.ge [sflag:s26], $0x2000  }
0xcc: {  	[sflag:s26] =	ssyncset.done $0x0  }
0xcd: {  	s20 =	simm.s32 $0x19980;
	[sflag:s26] =	ssyncadd.s32 $0xFFFFE000  }
0xce: {  	[spmem:s2] =	stream.indirect.scatter.add.f32 [tilespmem:s8], [sflag:$0x3], $0x40, s20, s1, $0xb8;
	[tilespmem:$0x1C500] =	vst v63  }
0xcf: {  	_ =	swait.ge [sflag:s26], $0x2000  }
0xd0: {  	s14 =	simm.s32 $0x17380;
	[sflag:s26] =	ssyncset.done $0x0  }
0xd1: {  	s21 =	simm.s32 $0x17300;
	s20 =	simm.s32 $0x800;
	[sflag:s26] =	ssyncadd.s32 $0xFFFFE000  }
0xd2: {  	[tilespmem:s22], [sflag:$0x2] =	stream.indirect.gather [hbm4b:s24+s1], $0x40, s21, s1, $0xb8;
	[tilespmem:$0x1C500] =	vst v63  }
.LBB2_14:
0xd3: {  	[tilespmem:s8], [sflag:$0x2] =	stream.indirect.gather [hbm4b:s24+s1], $0x40, s14, s1, $0xb8;
	[tilespmem:$0x1C500] =	vst v63  }
0xd4: {  	s14 =	smov.u32 s20  }
0xd5: {  	p1 =	sne.s32 s20, $0x9000;
	s20 =	sadd.s32 $0x800, s20;
	_ =	swait.ge [sflag:s0], $0x2000  }
0xd6: {  	[sflag:s0] =	ssyncset.done $0x0  }
0xd7: {  	[sflag:s0] =	ssyncadd.s32 $0xFFFFE000  }
0xd8: {  	_ =	swait.ge [sflag:s0], $0x2000  }
0xd9: {  	s14 =	sshra.s32 s14, $0x2;
	[sflag:s0] =	ssyncset.done $0x0  }
0xda: {  	s21 =	sadd.s32 $0x19800, s14;
	[sflag:s0] =	ssyncadd.s32 $0xFFFFE000  }
0xdb: {  	[spmem:s2] =	stream.indirect.scatter.add.f32 [tilespmem:s28], [sflag:$0x3], $0x40, s21, s1, $0xb8;
	[tilespmem:$0x1C500] =	vst v63  }
0xdc: {  	_ =	swait.ge [sflag:s26], $0x2000  }
0xdd: {  	[sflag:s26] =	ssyncset.done $0x0  }
0xde: {  	s21 =	sadd.s32 $0x19880, s14;
	[sflag:s26] =	ssyncadd.s32 $0xFFFFE000  }
0xdf: {  	[spmem:s2] =	stream.indirect.scatter.add.f32 [tilespmem:s16], [sflag:$0x3], $0x40, s21, s1, $0xb8;
	[tilespmem:$0x1C500] =	vst v63  }
0xe0: {  	_ =	swait.ge [sflag:s26], $0x2000  }
0xe1: {  	[sflag:s26] =	ssyncset.done $0x0  }
0xe2: {  	s21 =	sadd.s32 $0x17200, s14;
	[sflag:s26] =	ssyncadd.s32 $0xFFFFE000  }
0xe3: {  	[tilespmem:s28], [sflag:$0x1] =	stream.indirect.gather [hbm4b:s24+s1], $0x40, s21, s1, $0xb8;
	[tilespmem:$0x1C500] =	vst v63  }
0xe4: {  	s21 =	sadd.s32 $0x17280, s14  }
0xe5: {  	[tilespmem:s16], [sflag:$0x1] =	stream.indirect.gather [hbm4b:s24+s1], $0x40, s21, s1, $0xb8;
	[tilespmem:$0x1C500] =	vst v63  }
0xe6: {  	_ =	swait.ge [sflag:s31], $0x2000  }
0xe7: {  	[sflag:s31] =	ssyncset.done $0x0  }
0xe8: {  	[sflag:s31] =	ssyncadd.s32 $0xFFFFE000  }
0xe9: {  	_ =	swait.ge [sflag:s31], $0x2000  }
0xea: {  	[sflag:s31] =	ssyncset.done $0x0  }
0xeb: {  	s21 =	sadd.s32 $0x19900, s14;
	[sflag:s31] =	ssyncadd.s32 $0xFFFFE000  }
0xec: {  	[spmem:s2] =	stream.indirect.scatter.add.f32 [tilespmem:s22], [sflag:$0x3], $0x40, s21, s1, $0xb8;
	[tilespmem:$0x1C500] =	vst v63  }
0xed: {  	_ =	swait.ge [sflag:s26], $0x2000  }
0xee: {  	[sflag:s26] =	ssyncset.done $0x0  }
0xef: {  	s21 =	sadd.s32 $0x19980, s14;
	[sflag:s26] =	ssyncadd.s32 $0xFFFFE000  }
0xf0: {  	[spmem:s2] =	stream.indirect.scatter.add.f32 [tilespmem:s8], [sflag:$0x3], $0x40, s21, s1, $0xb8;
	[tilespmem:$0x1C500] =	vst v63  }
.Ltmp6:
0xf1: {  	_ =	swait.ge [sflag:s26], $0x2000;
	(pc) =	sbr.rel @p1 .LBB2_14-.Ltmp6, $4  }
0xf2: {  	[sflag:s26] =	ssyncset.done $0x0  }
0xf3: {  	s21 =	sadd.s32 $0x17300, s14;
	[sflag:s26] =	ssyncadd.s32 $0xFFFFE000  }
0xf4: {  	[tilespmem:s22], [sflag:$0x2] =	stream.indirect.gather [hbm4b:s24+s1], $0x40, s21, s1, $0xb8;
	[tilespmem:$0x1C500] =	vst v63  }
0xf5: {  	s14 =	sadd.s32 $0x17380, s14  }
0xf6: {  	[tilespmem:s8], [sflag:$0x2] =	stream.indirect.gather [hbm4b:s24+s1], $0x40, s14, s1, $0xb8;
	[tilespmem:$0x1C500] =	vst v63  }
0xf7: {  	_ =	swait.ge [sflag:s0], $0x2000  }
0xf8: {  	[sflag:s0] =	ssyncset.done $0x0  }
0xf9: {  	[sflag:s0] =	ssyncadd.s32 $0xFFFFE000  }
0xfa: {  	_ =	swait.ge [sflag:s0], $0x2000  }
0xfb: {  	[sflag:s0] =	ssyncset.done $0x0  }
0xfc: {  	[sflag:s0] =	ssyncadd.s32 $0xFFFFE000  }
0xfd: {  	[spmem:s2] =	stream.indirect.scatter.add.f32 [tilespmem:s28], [sflag:$0x3], $0x40, s9, s1, $0xb8;
	[tilespmem:$0x1C500] =	vst v63  }
0xfe: {  	_ =	swait.ge [sflag:s26], $0x2000  }
0xff: {  	[sflag:s26] =	ssyncset.done $0x0  }
0x100: {  	[sflag:s26] =	ssyncadd.s32 $0xFFFFE000  }
0x101: {  	[spmem:s2] =	stream.indirect.scatter.add.f32 [tilespmem:s16], [sflag:$0x3], $0x40, s11, s1, $0xb8;
	[tilespmem:$0x1C500] =	vst v63  }
0x102: {  	_ =	swait.ge [sflag:s26], $0x2000  }
0x103: {  	[sflag:s26] =	ssyncset.done $0x0  }
0x104: {  	[sflag:s26] =	ssyncadd.s32 $0xFFFFE000  }
0x105: {  	_ =	swait.ge [sflag:s31], $0x2000  }
0x106: {  	[sflag:s31] =	ssyncset.done $0x0  }
0x107: {  	[sflag:s31] =	ssyncadd.s32 $0xFFFFE000  }
0x108: {  	_ =	swait.ge [sflag:s31], $0x2000  }
0x109: {  	[sflag:s31] =	ssyncset.done $0x0  }
0x10a: {  	[sflag:s31] =	ssyncadd.s32 $0xFFFFE000  }
0x10b: {  	[spmem:s2] =	stream.indirect.scatter.add.f32 [tilespmem:s22], [sflag:$0x3], $0x40, s12, s1, $0xb8;
	[tilespmem:$0x1C500] =	vst v63  }
0x10c: {  	_ =	swait.ge [sflag:s26], $0x2000  }
0x10d: {  	[sflag:s26] =	ssyncset.done $0x0  }
0x10e: {  	[sflag:s26] =	ssyncadd.s32 $0xFFFFE000  }
0x10f: {  	[spmem:s2] =	stream.indirect.scatter.add.f32 [tilespmem:s8], [sflag:$0x3], $0x40, s17, s1, $0xb8;
	[tilespmem:$0x1C500] =	vst v63  }
0x110: {  	_ =	swait.ge [sflag:s26], $0x2000  }
0x111: {  	[sflag:s26] =	ssyncset.done $0x0  }
0x112: {  	[sflag:s26] =	ssyncadd.s32 $0xFFFFE000  }
0x113: {  	s20 =	simm.s32 $0x0;
	[bflag:$0x0] =	sbarrier.arrive $0xFFFF  }
0x114: {  	[tilespmem:s30], [sflag:$0x3] =	stream.linear.gather [spmem:s13], $0x5000, $0x38;
	[tilespmem:$0x1C500] =	vst v63  }
0x115: {  	v1 =	vmov s20;
	_ =	swait.ge [sflag:s26], $0x5000  }
0x116: {  	[sflag:s26] =	ssyncset.done $0x0  }
0x117: {  	s20 =	simm.s32 $0xA020;
	[sflag:s26] =	ssyncadd.s32 $0xFFFFB000  }
0x118: {  	v3 =	vld [tilespmem:s20+$0xFFFFFFF0]  }
0x119: {  	v4 =	vld [tilespmem:s20+$0x10]  }
0x11a: {  	v6 =	vld.idx.msk [tilespmem:v1+s19+$0x0], $0xffff  }
0x11b: {  	v1 =	vld [tilespmem:s20+$0xFFFFFFE0]  }
0x11c: {  	v7 =	vld [tilespmem:s20+$0x0];
	_ =	sdelay $0x3  }
0x11d: {  	s21 =	simm.s32 $0x1;
	v2 =	vmul.f32 v1, v6;
	v5 =	vmul.f32 v4, v6  }
0x11e: {  	s24 =	simm.s32 $0x2;
	s14 =	simm.s32 $0xA020;
	v1 =	vmov s21;
	v4 =	vmul.f32 v3, v6;
	v3 =	vmul.f32 v7, v6  }
.LBB2_16:
0x11f: {  	p1 =	sne.s32 s24, $0x13F  }
0x120: {  	[tilespmem:s20+$0x10] =	vst v5;
	s14 =	sadd.s32 $0x40, s14;
	s21 =	smov.u32 s24;
	s24 =	sadd.s32 $0x1, s24  }
0x121: {  	[tilespmem:s20+$0xFFFFFFE0] =	vst v2  }
0x122: {  	v6 =	vld [tilespmem:s14+$0xFFFFFFF0];
	[tilespmem:s20+$0xFFFFFFF0] =	vst v4  }
0x123: {  	v4 =	vld [tilespmem:s14+$0x10];
	[tilespmem:s20+$0x0] =	vst v3;
	s20 =	smov.u32 s14  }
0x124: {  	v3 =	vld.idx.msk [tilespmem:v1+s19+$0x0], $0xffff  }
0x125: {  	v1 =	vld [tilespmem:s14+$0xFFFFFFE0]  }
0x126: {  	v7 =	vld [tilespmem:s14+$0x0]  }
.Ltmp7:
0x127: {  	(pc) =	sbr.rel @p1 .LBB2_16-.Ltmp7, $3  }
0x128: {  	_ =	sdelay $0x1  }
0x129: {  	v5 =	vmul.f32 v4, v3;
	v2 =	vmul.f32 v1, v3  }
0x12a: {  	v4 =	vmul.f32 v6, v3;
	v1 =	vmov s21;
	v3 =	vmul.f32 v7, v3  }
0x12b: {  	[tilespmem:s20+$0x10] =	vst v5  }
0x12c: {  	s14 =	sadd.s32 $0x40, s14;
	[tilespmem:s20+$0xFFFFFFE0] =	vst v2  }
0x12d: {  	v2 =	vld [tilespmem:s14+$0xFFFFFFF0];
	[tilespmem:s20+$0xFFFFFFF0] =	vst v4  }
0x12e: {  	v4 =	vld [tilespmem:s14+$0x10];
	[tilespmem:s20+$0x0] =	vst v3  }
0x12f: {  	v1 =	vld.idx.msk [tilespmem:v1+s19+$0x0], $0xffff  }
0x130: {  	v3 =	vld [tilespmem:s14+$0xFFFFFFE0];
	_ =	sdelay $0x1  }
0x131: {  	v5 =	vld [tilespmem:s14+$0x0]  }
0x132: {  	s24 =	sadd.s32 $0x1, s23  }
0x133: {  	s7 =	smul.u32 $0xA0000, s24;
	v4 =	vmul.f32 v4, v1  }
0x134: {  	v3 =	vmul.f32 v3, v1  }
0x135: {  	s20 =	sadd.s32 s6, s7;
	v2 =	vmul.f32 v2, v1;
	[tilespmem:s14+$0x10] =	vst v4  }
0x136: {  	s21 =	sadd.s32 s4, s20;
	v1 =	vmul.f32 v5, v1;
	[tilespmem:s14+$0xFFFFFFE0] =	vst v3  }
0x137: {  	s21 =	sshrl.u32 s21, $0x3;
	[tilespmem:s14+$0xFFFFFFF0] =	vst v2  }
0x138: {  	p1 =	seq.s32 s23, $0x9;
	s21 =	sadd.s32 s5, s21;
	[tilespmem:s14+$0x0] =	vst v1  }
0x139: {  	[hbm4b:s21+s3] =	stream.linear.scatter [tilespmem:s30], [sflag:$0x1], $0x5000, $0x38;
	[tilespmem:$0x1C500] =	vst v63  }
0x13a: {  	s14 =	simm.s32 @!p1 $0xA000  }
0x13b: {  	[spmem:s13] =	stream.linear.scatter @!p1 [tilespmem:s14], [sflag:$0x2], $0x5000, $0x38;
	[tilespmem:$0x1C500] =	vst v63  }
0x13c: {  	s14 =	simm.s32 @!p1 $0x2  }
0x13d: {  	_ =	swait.ge @!p1 [sflag:s14], $0x5000  }
0x13e: {  	[sflag:s14] =	ssyncset.done @!p1 $0x0  }
0x13f: {  	[sflag:s14] =	ssyncadd.s32 @!p1 $0xFFFFB000  }
0x140: {  	_ =	swait.ge [sflag:s0], $0x5000  }
0x141: {  	[sflag:s0] =	ssyncset.done $0x0  }
0x142: {  	s23 =	simm.s32 $0x140;
	[sflag:s0] =	ssyncadd.s32 $0xFFFFB000  }
0x143: {  	[tilespmem:s30], [sflag:$0x3] =	stream.linear.gather [spmem:s18], $0x5000, $0x38;
	[tilespmem:$0x1C500] =	vst v63  }
0x144: {  	v1 =	vmov s23;
	_ =	swait.ge [sflag:s26], $0x5000  }
0x145: {  	[sflag:s26] =	ssyncset.done $0x0  }
0x146: {  	s23 =	simm.s32 $0xA020;
	[sflag:s26] =	ssyncadd.s32 $0xFFFFB000  }
0x147: {  	v3 =	vld [tilespmem:s23+$0xFFFFFFF0]  }
0x148: {  	v4 =	vld [tilespmem:s23+$0x10]  }
0x149: {  	v6 =	vld.idx.msk [tilespmem:v1+s19+$0x0], $0xffff  }
0x14a: {  	v1 =	vld [tilespmem:s23+$0xFFFFFFE0]  }
0x14b: {  	v7 =	vld [tilespmem:s23+$0x0];
	_ =	sdelay $0x3  }
0x14c: {  	s7 =	simm.s32 $0x141;
	v2 =	vmul.f32 v1, v6;
	v5 =	vmul.f32 v4, v6  }
0x14d: {  	s21 =	simm.s32 $0xA020;
	s14 =	simm.s32 $0x142;
	v1 =	vmov s7;
	v4 =	vmul.f32 v3, v6;
	v3 =	vmul.f32 v7, v6  }
.LBB2_18:
0x14e: {  	p2 =	sne.s32 s14, $0x27F  }
0x14f: {  	[tilespmem:s23+$0x10] =	vst v5;
	s21 =	sadd.s32 $0x40, s21;
	s7 =	smov.u32 s14;
	s14 =	sadd.s32 $0x1, s14  }
0x150: {  	[tilespmem:s23+$0xFFFFFFE0] =	vst v2  }
0x151: {  	v6 =	vld [tilespmem:s21+$0xFFFFFFF0];
	[tilespmem:s23+$0xFFFFFFF0] =	vst v4  }
0x152: {  	v4 =	vld [tilespmem:s21+$0x10];
	[tilespmem:s23+$0x0] =	vst v3;
	s23 =	smov.u32 s21  }
0x153: {  	v3 =	vld.idx.msk [tilespmem:v1+s19+$0x0], $0xffff  }
0x154: {  	v1 =	vld [tilespmem:s21+$0xFFFFFFE0]  }
0x155: {  	v7 =	vld [tilespmem:s21+$0x0]  }
.Ltmp8:
0x156: {  	(pc) =	sbr.rel @p2 .LBB2_18-.Ltmp8, $3  }
0x157: {  	_ =	sdelay $0x1  }
0x158: {  	v5 =	vmul.f32 v4, v3;
	v2 =	vmul.f32 v1, v3  }
0x159: {  	v4 =	vmul.f32 v6, v3;
	v1 =	vmov s7;
	v3 =	vmul.f32 v7, v3  }
0x15a: {  	[tilespmem:s23+$0x10] =	vst v5  }
0x15b: {  	s7 =	sadd.s32 $0x40, s21;
	[tilespmem:s23+$0xFFFFFFE0] =	vst v2  }
0x15c: {  	v2 =	vld [tilespmem:s7+$0xFFFFFFF0];
	[tilespmem:s23+$0xFFFFFFF0] =	vst v4  }
0x15d: {  	v4 =	vld [tilespmem:s7+$0x10];
	[tilespmem:s23+$0x0] =	vst v3  }
0x15e: {  	v1 =	vld.idx.msk [tilespmem:v1+s19+$0x0], $0xffff  }
0x15f: {  	v3 =	vld [tilespmem:s7+$0xFFFFFFE0];
	_ =	sdelay $0x1  }
0x160: {  	v5 =	vld [tilespmem:s7+$0x0];
	_ =	sdelay $0x1  }
0x161: {  	v4 =	vmul.f32 v4, v1  }
0x162: {  	v3 =	vmul.f32 v3, v1  }
0x163: {  	v2 =	vmul.f32 v2, v1;
	[tilespmem:s7+$0x10] =	vst v4  }
0x164: {  	s14 =	sadd.s32 s10, s20;
	v1 =	vmul.f32 v5, v1;
	[tilespmem:s7+$0xFFFFFFE0] =	vst v3  }
0x165: {  	s14 =	sshrl.u32 s14, $0x3;
	[tilespmem:s7+$0xFFFFFFF0] =	vst v2  }
0x166: {  	s23 =	sadd.s32 s5, s14;
	[tilespmem:s7+$0x0] =	vst v1  }
0x167: {  	[hbm4b:s23+s3] =	stream.linear.scatter [tilespmem:s30], [sflag:$0x1], $0x5000, $0x38;
	[tilespmem:$0x1C500] =	vst v63  }
0x168: {  	s7 =	simm.s32 @!p1 $0xA000  }
0x169: {  	[spmem:s18] =	stream.linear.scatter @!p1 [tilespmem:s7], [sflag:$0x2], $0x5000, $0x38;
	[tilespmem:$0x1C500] =	vst v63  }
0x16a: {  	s7 =	simm.s32 @!p1 $0x2  }
0x16b: {  	_ =	swait.ge @!p1 [sflag:s7], $0x5000  }
0x16c: {  	[sflag:s7] =	ssyncset.done @!p1 $0x0  }
0x16d: {  	[sflag:s7] =	ssyncadd.s32 @!p1 $0xFFFFB000;
	p1 =	sne.s32 s24, $0xA  }
.Ltmp9:
0x16e: {  	_ =	swait.ge [sflag:s0], $0x5000;
	(pc) =	sbr.rel @p1 .LBB2_13-.Ltmp9, $4  }
0x16f: {  	[sflag:s0] =	ssyncset.done $0x0  }
0x170: {  	[sflag:s0] =	ssyncadd.s32 $0xFFFFB000  }
0x171: {  	[bflag:$0x0] =	sbarrier.arrive $0xFFFF  }
0x172: {  	s23 =	smov.u32 s24  }
0x173: {  	s7 =	simm.s32 $0x0;
	s14 =	rddreg [dreg:$0xc]  }
0x174: {  	[tilespmem:s30], [sflag:$0x3] =	stream.linear.gather [hbm4b:s14+s7], $0x5000, $0x38;
	[tilespmem:$0x1C500] =	vst v63  }
0x175: {  	v1 =	vmov s7;
	_ =	swait.ge [sflag:s26], $0x5000  }
0x176: {  	[sflag:s26] =	ssyncset.done $0x0  }
0x177: {  	s20 =	simm.s32 $0xA020;
	[sflag:s26] =	ssyncadd.s32 $0xFFFFB000  }
0x178: {  	v3 =	vld [tilespmem:s20+$0xFFFFFFF0]  }
0x179: {  	v4 =	vld [tilespmem:s20+$0x10]  }
0x17a: {  	v6 =	vld.idx.msk [tilespmem:v1+s29+$0x0], $0xffff  }
0x17b: {  	v1 =	vld [tilespmem:s20+$0xFFFFFFE0]  }
0x17c: {  	v7 =	vld [tilespmem:s20+$0x0];
	_ =	sdelay $0x3  }
0x17d: {  	s24 =	simm.s32 $0x1;
	v2 =	vmul.f32 v1, v6;
	v5 =	vmul.f32 v4, v6  }
0x17e: {  	s21 =	simm.s32 $0xA020;
	s14 =	simm.s32 $0x2;
	v1 =	vmov s24;
	v4 =	vmul.f32 v3, v6;
	v3 =	vmul.f32 v7, v6  }
.LBB2_21:
0x17f: {  	p1 =	sne.s32 s14, $0x13F  }
0x180: {  	[tilespmem:s20+$0x10] =	vst v5;
	s21 =	sadd.s32 $0x40, s21;
	s7 =	smov.u32 s14;
	s14 =	sadd.s32 $0x1, s14  }
0x181: {  	[tilespmem:s20+$0xFFFFFFE0] =	vst v2  }
0x182: {  	v6 =	vld [tilespmem:s21+$0xFFFFFFF0];
	[tilespmem:s20+$0xFFFFFFF0] =	vst v4  }
0x183: {  	v4 =	vld [tilespmem:s21+$0x10];
	[tilespmem:s20+$0x0] =	vst v3;
	s20 =	smov.u32 s21  }
0x184: {  	v3 =	vld.idx.msk [tilespmem:v1+s29+$0x0], $0xffff  }
0x185: {  	v1 =	vld [tilespmem:s21+$0xFFFFFFE0]  }
0x186: {  	v7 =	vld [tilespmem:s21+$0x0]  }
.Ltmp10:
0x187: {  	(pc) =	sbr.rel @p1 .LBB2_21-.Ltmp10, $3  }
0x188: {  	_ =	sdelay $0x1  }
0x189: {  	v5 =	vmul.f32 v4, v3;
	v2 =	vmul.f32 v1, v3  }
0x18a: {  	v4 =	vmul.f32 v6, v3;
	v1 =	vmov s7;
	v3 =	vmul.f32 v7, v3  }
0x18b: {  	[tilespmem:s20+$0x10] =	vst v5  }
0x18c: {  	s7 =	sadd.s32 $0x40, s21;
	[tilespmem:s20+$0xFFFFFFE0] =	vst v2  }
0x18d: {  	v2 =	vld [tilespmem:s7+$0xFFFFFFF0];
	[tilespmem:s20+$0xFFFFFFF0] =	vst v4  }
0x18e: {  	v4 =	vld [tilespmem:s7+$0x10];
	[tilespmem:s20+$0x0] =	vst v3  }
0x18f: {  	v1 =	vld.idx.msk [tilespmem:v1+s29+$0x0], $0xffff  }
0x190: {  	v3 =	vld [tilespmem:s7+$0xFFFFFFE0];
	_ =	sdelay $0x1  }
0x191: {  	v5 =	vld [tilespmem:s7+$0x0];
	_ =	sdelay $0x1  }
0x192: {  	v4 =	vmul.f32 v4, v1  }
0x193: {  	v3 =	vmul.f32 v3, v1  }
0x194: {  	v2 =	vmul.f32 v2, v1;
	[tilespmem:s7+$0x10] =	vst v4  }
0x195: {  	v1 =	vmul.f32 v5, v1;
	[tilespmem:s7+$0xFFFFFFE0] =	vst v3  }
0x196: {  	[tilespmem:s7+$0xFFFFFFF0] =	vst v2  }
0x197: {  	s24 =	rddreg [dreg:$0xd];
	[tilespmem:s7+$0x0] =	vst v1  }
0x198: {  	[hbm4b:s24+s3] =	stream.linear.scatter [tilespmem:s30], [sflag:$0x1], $0x5000, $0x38;
	[tilespmem:$0x1C500] =	vst v63  }
0x199: {  	_ = 	snop  }
0x19a: {  	[spmem:s13] =	stream.linear.scatter [tilespmem:s30], [sflag:$0x2], $0x5000, $0x38;
	[tilespmem:$0x1C500] =	vst v63  }
0x19b: {  	_ =	swait.ge [sflag:s31], $0x5000  }
.Ltmp11:
0x19c: {  	[sflag:s31] =	ssyncset.done $0x0;
	(pc) =	sbr.rel @!p0 .LBB2_23-.Ltmp11, $4  }
0x19d: {  	[sflag:s31] =	ssyncadd.s32 $0xFFFFB000  }
0x19e: {  	_ =	swait.ge [sflag:s0], $0x5000  }
0x19f: {  	[sflag:s0] =	ssyncset.done $0x0  }
0x1a0: {  	[sflag:s0] =	ssyncadd.s32 $0xFFFFB000  }
0x1a1: {  	s7 =	simm.s32 $0x0;
	s14 =	rddreg [dreg:$0xf]  }
0x1a2: {  	[tilespmem:s30], [sflag:$0x3] =	stream.linear.gather [hbm4b:s14+s7], $0x1400, $0x38;
	[tilespmem:$0x1C500] =	vst v63  }
0x1a3: {  	_ =	swait.ge [sflag:s26], $0x1400  }
0x1a4: {  	[sflag:s26] =	ssyncset.done $0x0  }
0x1a5: {  	s20 =	simm.s32 $0x100;
	s14 =	simm.s32 $0x0;
	[sflag:s26] =	ssyncadd.s32 $0xFFFFEC00  }
.LBB2_25:
0x1a6: {  	p1 =	sne.s32 s20, $0xEF00;
	[tilespmem:s14+$0xB430] =	vst v0;
	s7 =	smov.u32 s20;
	s20 =	sadd.s32 $0x100, s20  }
.Ltmp12:
0x1a7: {  	[tilespmem:s14+$0xB420] =	vst v0;
	(pc) =	sbr.rel @p1 .LBB2_25-.Ltmp12, $3  }
0x1a8: {  	[tilespmem:s14+$0xB400] =	vst v0  }
0x1a9: {  	[tilespmem:s14+$0xB410] =	vst v0;
	_ =	sdelay $0x1  }
0x1aa: {  	s14 =	sshra.s32 s7, $0x2  }
.Ltmp13:
0x1ab: {  	(pc) =	sbr.rel .LBB2_27-.Ltmp13, $4  }
0x1ac: {  	[tilespmem:s14+$0xB430] =	vst v0  }
0x1ad: {  	[tilespmem:s14+$0xB420] =	vst v0  }
0x1ae: {  	[tilespmem:s14+$0xB400] =	vst v0  }
0x1af: {  	[tilespmem:s14+$0xB410] =	vst v0  }
.LBB2_23:
0x1b0: {  	s7 =	rddreg [dreg:$0xe]  }
0x1b1: {  	[tilespmem:s30], [sflag:$0x3] =	stream.linear.gather [hbm4b:s7+s3], $0x5000, $0x38;
	[tilespmem:$0x1C500] =	vst v63  }
0x1b2: {  	_ =	swait.ge [sflag:s26], $0x5000  }
0x1b3: {  	[sflag:s26] =	ssyncset.done $0x0  }
0x1b4: {  	[sflag:s26] =	ssyncadd.s32 $0xFFFFB000  }
.LBB2_27:
0x1b5: {  	s7 =	simm.s32 $0x140  }
0x1b6: {  	v1 =	vmov s7;
	_ =	sdelay $0x1  }
0x1b7: {  	s20 =	simm.s32 $0xA020  }
0x1b8: {  	v3 =	vld [tilespmem:s20+$0xFFFFFFF0]  }
0x1b9: {  	v4 =	vld [tilespmem:s20+$0x10]  }
0x1ba: {  	v6 =	vld.idx.msk [tilespmem:v1+s29+$0x0], $0xffff  }
0x1bb: {  	v1 =	vld [tilespmem:s20+$0xFFFFFFE0]  }
0x1bc: {  	v7 =	vld [tilespmem:s20+$0x0];
	_ =	sdelay $0x3  }
0x1bd: {  	s24 =	simm.s32 $0x141;
	v2 =	vmul.f32 v1, v6;
	v5 =	vmul.f32 v4, v6  }
0x1be: {  	s14 =	simm.s32 $0x142;
	s21 =	simm.s32 $0xA020;
	v1 =	vmov s24;
	v4 =	vmul.f32 v3, v6;
	v3 =	vmul.f32 v7, v6  }
.LBB2_28:
0x1bf: {  	p1 =	sne.s32 s14, $0x27F  }
0x1c0: {  	[tilespmem:s20+$0x10] =	vst v5;
	s21 =	sadd.s32 $0x40, s21;
	s7 =	smov.u32 s14;
	s14 =	sadd.s32 $0x1, s14  }
0x1c1: {  	[tilespmem:s20+$0xFFFFFFE0] =	vst v2  }
0x1c2: {  	v6 =	vld [tilespmem:s21+$0xFFFFFFF0];
	[tilespmem:s20+$0xFFFFFFF0] =	vst v4  }
0x1c3: {  	v4 =	vld [tilespmem:s21+$0x10];
	[tilespmem:s20+$0x0] =	vst v3;
	s20 =	smov.u32 s21  }
0x1c4: {  	v3 =	vld.idx.msk [tilespmem:v1+s29+$0x0], $0xffff  }
0x1c5: {  	v1 =	vld [tilespmem:s21+$0xFFFFFFE0]  }
0x1c6: {  	v7 =	vld [tilespmem:s21+$0x0]  }
.Ltmp14:
0x1c7: {  	(pc) =	sbr.rel @p1 .LBB2_28-.Ltmp14, $3  }
0x1c8: {  	_ =	sdelay $0x1  }
0x1c9: {  	v5 =	vmul.f32 v4, v3;
	v2 =	vmul.f32 v1, v3  }
0x1ca: {  	v4 =	vmul.f32 v6, v3;
	v1 =	vmov s7;
	v3 =	vmul.f32 v7, v3  }
0x1cb: {  	[tilespmem:s20+$0x10] =	vst v5  }
0x1cc: {  	s7 =	sadd.s32 $0x40, s21;
	[tilespmem:s20+$0xFFFFFFE0] =	vst v2  }
0x1cd: {  	v2 =	vld [tilespmem:s7+$0xFFFFFFF0];
	[tilespmem:s20+$0xFFFFFFF0] =	vst v4  }
0x1ce: {  	v4 =	vld [tilespmem:s7+$0x10];
	[tilespmem:s20+$0x0] =	vst v3  }
0x1cf: {  	v1 =	vld.idx.msk [tilespmem:v1+s29+$0x0], $0xffff  }
0x1d0: {  	v3 =	vld [tilespmem:s7+$0xFFFFFFE0];
	_ =	sdelay $0x1  }
0x1d1: {  	v5 =	vld [tilespmem:s7+$0x0];
	_ =	sdelay $0x1  }
0x1d2: {  	v4 =	vmul.f32 v4, v1  }
0x1d3: {  	v3 =	vmul.f32 v3, v1  }
0x1d4: {  	v2 =	vmul.f32 v2, v1;
	[tilespmem:s7+$0x10] =	vst v4  }
0x1d5: {  	v1 =	vmul.f32 v5, v1;
	[tilespmem:s7+$0xFFFFFFE0] =	vst v3  }
0x1d6: {  	[tilespmem:s7+$0xFFFFFFF0] =	vst v2  }
0x1d7: {  	s23 =	simm.s32 $0x0;
	s24 =	rddreg [dreg:$0x10];
	[tilespmem:s7+$0x0] =	vst v1  }
0x1d8: {  	[hbm4b:s24+s23] =	stream.linear.scatter [tilespmem:s30], [sflag:$0x1], $0x5000, $0x38;
	[tilespmem:$0x1C500] =	vst v63  }
0x1d9: {  	_ = 	snop  }
0x1da: {  	[spmem:s18] =	stream.linear.scatter [tilespmem:s30], [sflag:$0x2], $0x5000, $0x38;
	[tilespmem:$0x1C500] =	vst v63  }
0x1db: {  	_ =	swait.ge [sflag:s31], $0x5000  }
0x1dc: {  	[sflag:s31] =	ssyncset.done $0x0  }
0x1dd: {  	[sflag:s31] =	ssyncadd.s32 $0xFFFFB000  }
0x1de: {  	_ =	swait.ge [sflag:s0], $0x5000  }
0x1df: {  	[sflag:s0] =	ssyncset.done $0x0  }
0x1e0: {  	[sflag:s0] =	ssyncadd.s32 $0xFFFFB000  }
0x1e1: {  	[bflag:$0x0] =	sbarrier.arrive $0xFFFF  }
.LBB2_30:
0x1e2: {  	s7 =	smul.u32 $0xA0000, s23;
	_ =	sdelay $0x1  }
0x1e3: {  	s7 =	sadd.s32 s15, s7  }
0x1e4: {  	s7 =	sshrl.u32 s7, $0x3  }
0x1e5: {  	s24 =	sadd.s32 s5, s7  }
0x1e6: {  	[tilespmem:s28], [sflag:$0x1] =	stream.indirect.gather [hbm4b:s24+s1], $0x40, s25, s1, $0xb8;
	[tilespmem:$0x1C500] =	vst v63  }
0x1e7: {  	s21 =	simm.s32 $0x17080  }
0x1e8: {  	[tilespmem:s16], [sflag:$0x1] =	stream.indirect.gather [hbm4b:s24+s1], $0x40, s21, s1, $0xb8;
	[tilespmem:$0x1C500] =	vst v63  }
0x1e9: {  	s14 =	simm.s32 $0x17100  }
0x1ea: {  	[tilespmem:s22], [sflag:$0x2] =	stream.indirect.gather [hbm4b:s24+s1], $0x40, s14, s1, $0xb8;
	[tilespmem:$0x1C500] =	vst v63  }
0x1eb: {  	s20 =	simm.s32 $0x17180  }
0x1ec: {  	[tilespmem:s8], [sflag:$0x2] =	stream.indirect.gather [hbm4b:s24+s1], $0x40, s20, s1, $0xb8;
	[tilespmem:$0x1C500] =	vst v63  }
0x1ed: {  	_ =	swait.ge [sflag:s0], $0x2000  }
0x1ee: {  	[sflag:s0] =	ssyncset.done $0x0  }
0x1ef: {  	[sflag:s0] =	ssyncadd.s32 $0xFFFFE000  }
0x1f0: {  	_ =	swait.ge [sflag:s0], $0x2000  }
0x1f1: {  	[sflag:s0] =	ssyncset.done $0x0  }
0x1f2: {  	s21 =	simm.s32 $0x19800;
	[sflag:s0] =	ssyncadd.s32 $0xFFFFE000  }
0x1f3: {  	[spmem:s2] =	stream.indirect.scatter.add.f32 [tilespmem:s28], [sflag:$0x3], $0x40, s21, s1, $0xb8;
	[tilespmem:$0x1C500] =	vst v63  }
0x1f4: {  	_ =	swait.ge [sflag:s26], $0x2000  }
0x1f5: {  	[sflag:s26] =	ssyncset.done $0x0  }
0x1f6: {  	s14 =	simm.s32 $0x19880;
	[sflag:s26] =	ssyncadd.s32 $0xFFFFE000  }
0x1f7: {  	[spmem:s2] =	stream.indirect.scatter.add.f32 [tilespmem:s16], [sflag:$0x3], $0x40, s14, s1, $0xb8;
	[tilespmem:$0x1C500] =	vst v63  }
0x1f8: {  	_ =	swait.ge [sflag:s26], $0x2000  }
0x1f9: {  	[sflag:s26] =	ssyncset.done $0x0  }
0x1fa: {  	s20 =	simm.s32 $0x17200;
	[sflag:s26] =	ssyncadd.s32 $0xFFFFE000  }
0x1fb: {  	[tilespmem:s28], [sflag:$0x1] =	stream.indirect.gather [hbm4b:s24+s1], $0x40, s20, s1, $0xb8;
	[tilespmem:$0x1C500] =	vst v63  }
0x1fc: {  	s21 =	simm.s32 $0x17280  }
0x1fd: {  	[tilespmem:s16], [sflag:$0x1] =	stream.indirect.gather [hbm4b:s24+s1], $0x40, s21, s1, $0xb8;
	[tilespmem:$0x1C500] =	vst v63  }
0x1fe: {  	_ =	swait.ge [sflag:s31], $0x2000  }
0x1ff: {  	[sflag:s31] =	ssyncset.done $0x0  }
0x200: {  	[sflag:s31] =	ssyncadd.s32 $0xFFFFE000  }
0x201: {  	_ =	swait.ge [sflag:s31], $0x2000  }
0x202: {  	[sflag:s31] =	ssyncset.done $0x0  }
0x203: {  	s14 =	simm.s32 $0x19900;
	[sflag:s31] =	ssyncadd.s32 $0xFFFFE000  }
0x204: {  	[spmem:s2] =	stream.indirect.scatter.add.f32 [tilespmem:s22], [sflag:$0x3], $0x40, s14, s1, $0xb8;
	[tilespmem:$0x1C500] =	vst v63  }
0x205: {  	_ =	swait.ge [sflag:s26], $0x2000  }
0x206: {  	[sflag:s26] =	ssyncset.done $0x0  }
0x207: {  	s20 =	simm.s32 $0x19980;
	[sflag:s26] =	ssyncadd.s32 $0xFFFFE000  }
0x208: {  	[spmem:s2] =	stream.indirect.scatter.add.f32 [tilespmem:s8], [sflag:$0x3], $0x40, s20, s1, $0xb8;
	[tilespmem:$0x1C500] =	vst v63  }
0x209: {  	_ =	swait.ge [sflag:s26], $0x2000  }
0x20a: {  	s21 =	simm.s32 $0x17300;
	[sflag:s26] =	ssyncset.done $0x0  }
0x20b: {  	s14 =	simm.s32 $0x17380;
	s20 =	simm.s32 $0x800;
	[sflag:s26] =	ssyncadd.s32 $0xFFFFE000  }
0x20c: {  	[tilespmem:s22], [sflag:$0x2] =	stream.indirect.gather [hbm4b:s24+s1], $0x40, s21, s1, $0xb8;
	[tilespmem:$0x1C500] =	vst v63  }
.LBB2_31:
0x20d: {  	[tilespmem:s8], [sflag:$0x2] =	stream.indirect.gather [hbm4b:s24+s1], $0x40, s14, s1, $0xb8;
	[tilespmem:$0x1C500] =	vst v63  }
0x20e: {  	s7 =	smov.u32 s20  }
0x20f: {  	p1 =	sne.s32 s20, $0x9000;
	s20 =	sadd.s32 $0x800, s20;
	_ =	swait.ge [sflag:s0], $0x2000  }
0x210: {  	[sflag:s0] =	ssyncset.done $0x0  }
0x211: {  	[sflag:s0] =	ssyncadd.s32 $0xFFFFE000  }
0x212: {  	_ =	swait.ge [sflag:s0], $0x2000  }
0x213: {  	s7 =	sshra.s32 s7, $0x2;
	[sflag:s0] =	ssyncset.done $0x0  }
0x214: {  	s14 =	sadd.s32 $0x19800, s7;
	[sflag:s0] =	ssyncadd.s32 $0xFFFFE000  }
0x215: {  	[spmem:s2] =	stream.indirect.scatter.add.f32 [tilespmem:s28], [sflag:$0x3], $0x40, s14, s1, $0xb8;
	[tilespmem:$0x1C500] =	vst v63  }
0x216: {  	_ =	swait.ge [sflag:s26], $0x2000  }
0x217: {  	[sflag:s26] =	ssyncset.done $0x0  }
0x218: {  	s14 =	sadd.s32 $0x19880, s7;
	[sflag:s26] =	ssyncadd.s32 $0xFFFFE000  }
0x219: {  	[spmem:s2] =	stream.indirect.scatter.add.f32 [tilespmem:s16], [sflag:$0x3], $0x40, s14, s1, $0xb8;
	[tilespmem:$0x1C500] =	vst v63  }
0x21a: {  	_ =	swait.ge [sflag:s26], $0x2000  }
0x21b: {  	[sflag:s26] =	ssyncset.done $0x0  }
0x21c: {  	s14 =	sadd.s32 $0x17200, s7;
	[sflag:s26] =	ssyncadd.s32 $0xFFFFE000  }
0x21d: {  	[tilespmem:s28], [sflag:$0x1] =	stream.indirect.gather [hbm4b:s24+s1], $0x40, s14, s1, $0xb8;
	[tilespmem:$0x1C500] =	vst v63  }
0x21e: {  	s14 =	sadd.s32 $0x17280, s7  }
0x21f: {  	[tilespmem:s16], [sflag:$0x1] =	stream.indirect.gather [hbm4b:s24+s1], $0x40, s14, s1, $0xb8;
	[tilespmem:$0x1C500] =	vst v63  }
0x220: {  	_ =	swait.ge [sflag:s31], $0x2000  }
0x221: {  	[sflag:s31] =	ssyncset.done $0x0  }
0x222: {  	[sflag:s31] =	ssyncadd.s32 $0xFFFFE000  }
0x223: {  	_ =	swait.ge [sflag:s31], $0x2000  }
0x224: {  	[sflag:s31] =	ssyncset.done $0x0  }
0x225: {  	s14 =	sadd.s32 $0x19900, s7;
	[sflag:s31] =	ssyncadd.s32 $0xFFFFE000  }
0x226: {  	[spmem:s2] =	stream.indirect.scatter.add.f32 [tilespmem:s22], [sflag:$0x3], $0x40, s14, s1, $0xb8;
	[tilespmem:$0x1C500] =	vst v63  }
0x227: {  	_ =	swait.ge [sflag:s26], $0x2000  }
0x228: {  	[sflag:s26] =	ssyncset.done $0x0  }
0x229: {  	s14 =	sadd.s32 $0x19980, s7;
	[sflag:s26] =	ssyncadd.s32 $0xFFFFE000  }
0x22a: {  	[spmem:s2] =	stream.indirect.scatter.add.f32 [tilespmem:s8], [sflag:$0x3], $0x40, s14, s1, $0xb8;
	[tilespmem:$0x1C500] =	vst v63  }
.Ltmp15:
0x22b: {  	_ =	swait.ge [sflag:s26], $0x2000;
	(pc) =	sbr.rel @p1 .LBB2_31-.Ltmp15, $4  }
0x22c: {  	[sflag:s26] =	ssyncset.done $0x0  }
0x22d: {  	s14 =	sadd.s32 $0x17300, s7;
	[sflag:s26] =	ssyncadd.s32 $0xFFFFE000  }
0x22e: {  	[tilespmem:s22], [sflag:$0x2] =	stream.indirect.gather [hbm4b:s24+s1], $0x40, s14, s1, $0xb8;
	[tilespmem:$0x1C500] =	vst v63  }
0x22f: {  	s14 =	sadd.s32 $0x17380, s7  }
0x230: {  	[tilespmem:s8], [sflag:$0x2] =	stream.indirect.gather [hbm4b:s24+s1], $0x40, s14, s1, $0xb8;
	[tilespmem:$0x1C500] =	vst v63  }
0x231: {  	_ =	swait.ge [sflag:s0], $0x2000  }
0x232: {  	[sflag:s0] =	ssyncset.done $0x0  }
0x233: {  	[sflag:s0] =	ssyncadd.s32 $0xFFFFE000  }
0x234: {  	_ =	swait.ge [sflag:s0], $0x2000  }
0x235: {  	[sflag:s0] =	ssyncset.done $0x0  }
0x236: {  	[sflag:s0] =	ssyncadd.s32 $0xFFFFE000  }
0x237: {  	[spmem:s2] =	stream.indirect.scatter.add.f32 [tilespmem:s28], [sflag:$0x3], $0x40, s9, s1, $0xb8;
	[tilespmem:$0x1C500] =	vst v63  }
0x238: {  	_ =	swait.ge [sflag:s26], $0x2000  }
0x239: {  	[sflag:s26] =	ssyncset.done $0x0  }
0x23a: {  	[sflag:s26] =	ssyncadd.s32 $0xFFFFE000  }
0x23b: {  	[spmem:s2] =	stream.indirect.scatter.add.f32 [tilespmem:s16], [sflag:$0x3], $0x40, s11, s1, $0xb8;
	[tilespmem:$0x1C500] =	vst v63  }
0x23c: {  	_ =	swait.ge [sflag:s26], $0x2000  }
0x23d: {  	[sflag:s26] =	ssyncset.done $0x0  }
0x23e: {  	[sflag:s26] =	ssyncadd.s32 $0xFFFFE000  }
0x23f: {  	_ =	swait.ge [sflag:s31], $0x2000  }
0x240: {  	[sflag:s31] =	ssyncset.done $0x0  }
0x241: {  	[sflag:s31] =	ssyncadd.s32 $0xFFFFE000  }
0x242: {  	_ =	swait.ge [sflag:s31], $0x2000  }
0x243: {  	[sflag:s31] =	ssyncset.done $0x0  }
0x244: {  	[sflag:s31] =	ssyncadd.s32 $0xFFFFE000  }
0x245: {  	[spmem:s2] =	stream.indirect.scatter.add.f32 [tilespmem:s22], [sflag:$0x3], $0x40, s12, s1, $0xb8;
	[tilespmem:$0x1C500] =	vst v63  }
0x246: {  	_ =	swait.ge [sflag:s26], $0x2000  }
0x247: {  	[sflag:s26] =	ssyncset.done $0x0  }
0x248: {  	[sflag:s26] =	ssyncadd.s32 $0xFFFFE000  }
0x249: {  	[spmem:s2] =	stream.indirect.scatter.add.f32 [tilespmem:s8], [sflag:$0x3], $0x40, s17, s1, $0xb8;
	[tilespmem:$0x1C500] =	vst v63  }
0x24a: {  	_ =	swait.ge [sflag:s26], $0x2000  }
0x24b: {  	[sflag:s26] =	ssyncset.done $0x0  }
0x24c: {  	[sflag:s26] =	ssyncadd.s32 $0xFFFFE000  }
0x24d: {  	s7 =	simm.s32 $0x0;
	[bflag:$0x0] =	sbarrier.arrive $0xFFFF  }
0x24e: {  	[tilespmem:s30], [sflag:$0x3] =	stream.linear.gather [spmem:s13], $0x5000, $0x38;
	[tilespmem:$0x1C500] =	vst v63  }
0x24f: {  	v1 =	vmov s7;
	_ =	swait.ge [sflag:s26], $0x5000  }
0x250: {  	[sflag:s26] =	ssyncset.done $0x0  }
0x251: {  	s20 =	simm.s32 $0xA020;
	[sflag:s26] =	ssyncadd.s32 $0xFFFFB000  }
0x252: {  	v3 =	vld [tilespmem:s20+$0xFFFFFFF0]  }
0x253: {  	v4 =	vld [tilespmem:s20+$0x10]  }
0x254: {  	v6 =	vld.idx.msk [tilespmem:v1+s19+$0x0], $0xffff  }
0x255: {  	v1 =	vld [tilespmem:s20+$0xFFFFFFE0]  }
0x256: {  	v7 =	vld [tilespmem:s20+$0x0];
	_ =	sdelay $0x3  }
0x257: {  	s24 =	simm.s32 $0x1;
	v2 =	vmul.f32 v1, v6;
	v5 =	vmul.f32 v4, v6  }
0x258: {  	s14 =	simm.s32 $0x2;
	s21 =	simm.s32 $0xA020;
	v1 =	vmov s24;
	v4 =	vmul.f32 v3, v6;
	v3 =	vmul.f32 v7, v6  }
.LBB2_33:
0x259: {  	p1 =	sne.s32 s14, $0x13F  }
0x25a: {  	[tilespmem:s20+$0x10] =	vst v5;
	s21 =	sadd.s32 $0x40, s21;
	s7 =	smov.u32 s14;
	s14 =	sadd.s32 $0x1, s14  }
0x25b: {  	[tilespmem:s20+$0xFFFFFFE0] =	vst v2  }
0x25c: {  	v6 =	vld [tilespmem:s21+$0xFFFFFFF0];
	[tilespmem:s20+$0xFFFFFFF0] =	vst v4  }
0x25d: {  	v4 =	vld [tilespmem:s21+$0x10];
	[tilespmem:s20+$0x0] =	vst v3;
	s20 =	smov.u32 s21  }
0x25e: {  	v3 =	vld.idx.msk [tilespmem:v1+s19+$0x0], $0xffff  }
0x25f: {  	v1 =	vld [tilespmem:s21+$0xFFFFFFE0]  }
0x260: {  	v7 =	vld [tilespmem:s21+$0x0]  }
.Ltmp16:
0x261: {  	(pc) =	sbr.rel @p1 .LBB2_33-.Ltmp16, $3  }
0x262: {  	_ =	sdelay $0x1  }
0x263: {  	v5 =	vmul.f32 v4, v3;
	v2 =	vmul.f32 v1, v3  }
0x264: {  	v4 =	vmul.f32 v6, v3;
	v1 =	vmov s7;
	v3 =	vmul.f32 v7, v3  }
0x265: {  	[tilespmem:s20+$0x10] =	vst v5  }
0x266: {  	s7 =	sadd.s32 $0x40, s21;
	[tilespmem:s20+$0xFFFFFFE0] =	vst v2  }
0x267: {  	v2 =	vld [tilespmem:s7+$0xFFFFFFF0];
	[tilespmem:s20+$0xFFFFFFF0] =	vst v4  }
0x268: {  	v4 =	vld [tilespmem:s7+$0x10];
	[tilespmem:s20+$0x0] =	vst v3  }
0x269: {  	v1 =	vld.idx.msk [tilespmem:v1+s19+$0x0], $0xffff  }
0x26a: {  	v3 =	vld [tilespmem:s7+$0xFFFFFFE0];
	_ =	sdelay $0x1  }
0x26b: {  	v5 =	vld [tilespmem:s7+$0x0]  }
0x26c: {  	s24 =	sadd.s32 $0x1, s23  }
0x26d: {  	s14 =	smul.u32 $0xA0000, s24;
	v4 =	vmul.f32 v4, v1  }
0x26e: {  	v3 =	vmul.f32 v3, v1  }
0x26f: {  	s20 =	sadd.s32 s15, s14;
	v2 =	vmul.f32 v2, v1;
	[tilespmem:s7+$0x10] =	vst v4  }
0x270: {  	s14 =	sadd.s32 s4, s20;
	v1 =	vmul.f32 v5, v1;
	[tilespmem:s7+$0xFFFFFFE0] =	vst v3  }
0x271: {  	s14 =	sshrl.u32 s14, $0x3;
	[tilespmem:s7+$0xFFFFFFF0] =	vst v2  }
0x272: {  	p1 =	seq.s32 s23, $0x9;
	s21 =	sadd.s32 s5, s14;
	[tilespmem:s7+$0x0] =	vst v1  }
0x273: {  	[hbm4b:s21+s3] =	stream.linear.scatter [tilespmem:s30], [sflag:$0x1], $0x5000, $0x38;
	[tilespmem:$0x1C500] =	vst v63  }
0x274: {  	s7 =	simm.s32 @!p1 $0xA000  }
0x275: {  	[spmem:s13] =	stream.linear.scatter @!p1 [tilespmem:s7], [sflag:$0x2], $0x5000, $0x38;
	[tilespmem:$0x1C500] =	vst v63  }
0x276: {  	s7 =	simm.s32 @!p1 $0x2  }
0x277: {  	_ =	swait.ge @!p1 [sflag:s7], $0x5000  }
0x278: {  	[sflag:s7] =	ssyncset.done @!p1 $0x0  }
0x279: {  	[sflag:s7] =	ssyncadd.s32 @!p1 $0xFFFFB000  }
0x27a: {  	_ =	swait.ge [sflag:s0], $0x5000  }
0x27b: {  	[sflag:s0] =	ssyncset.done $0x0  }
0x27c: {  	s14 =	simm.s32 $0x140;
	[sflag:s0] =	ssyncadd.s32 $0xFFFFB000  }
0x27d: {  	[tilespmem:s30], [sflag:$0x3] =	stream.linear.gather [spmem:s18], $0x5000, $0x38;
	[tilespmem:$0x1C500] =	vst v63  }
0x27e: {  	v1 =	vmov s14;
	_ =	swait.ge [sflag:s26], $0x5000  }
0x27f: {  	[sflag:s26] =	ssyncset.done $0x0  }
0x280: {  	s23 =	simm.s32 $0xA020;
	[sflag:s26] =	ssyncadd.s32 $0xFFFFB000  }
0x281: {  	v3 =	vld [tilespmem:s23+$0xFFFFFFF0]  }
0x282: {  	v4 =	vld [tilespmem:s23+$0x10]  }
0x283: {  	v6 =	vld.idx.msk [tilespmem:v1+s19+$0x0], $0xffff  }
0x284: {  	v1 =	vld [tilespmem:s23+$0xFFFFFFE0]  }
0x285: {  	v7 =	vld [tilespmem:s23+$0x0];
	_ =	sdelay $0x3  }
0x286: {  	s21 =	simm.s32 $0x141;
	v2 =	vmul.f32 v1, v6;
	v5 =	vmul.f32 v4, v6  }
0x287: {  	s14 =	simm.s32 $0x142;
	v1 =	vmov s21;
	v4 =	vmul.f32 v3, v6;
	v3 =	vmul.f32 v7, v6;
	s21 =	simm.s32 $0xA020  }
.LBB2_35:
0x288: {  	p2 =	sne.s32 s14, $0x27F  }
0x289: {  	[tilespmem:s23+$0x10] =	vst v5;
	s21 =	sadd.s32 $0x40, s21;
	s7 =	smov.u32 s14;
	s14 =	sadd.s32 $0x1, s14  }
0x28a: {  	[tilespmem:s23+$0xFFFFFFE0] =	vst v2  }
0x28b: {  	v6 =	vld [tilespmem:s21+$0xFFFFFFF0];
	[tilespmem:s23+$0xFFFFFFF0] =	vst v4  }
0x28c: {  	v4 =	vld [tilespmem:s21+$0x10];
	[tilespmem:s23+$0x0] =	vst v3;
	s23 =	smov.u32 s21  }
0x28d: {  	v3 =	vld.idx.msk [tilespmem:v1+s19+$0x0], $0xffff  }
0x28e: {  	v1 =	vld [tilespmem:s21+$0xFFFFFFE0]  }
0x28f: {  	v7 =	vld [tilespmem:s21+$0x0]  }
.Ltmp17:
0x290: {  	(pc) =	sbr.rel @p2 .LBB2_35-.Ltmp17, $3  }
0x291: {  	_ =	sdelay $0x1  }
0x292: {  	v5 =	vmul.f32 v4, v3;
	v2 =	vmul.f32 v1, v3  }
0x293: {  	v4 =	vmul.f32 v6, v3;
	v1 =	vmov s7;
	v3 =	vmul.f32 v7, v3  }
0x294: {  	[tilespmem:s23+$0x10] =	vst v5  }
0x295: {  	s7 =	sadd.s32 $0x40, s21;
	[tilespmem:s23+$0xFFFFFFE0] =	vst v2  }
0x296: {  	v2 =	vld [tilespmem:s7+$0xFFFFFFF0];
	[tilespmem:s23+$0xFFFFFFF0] =	vst v4  }
0x297: {  	v4 =	vld [tilespmem:s7+$0x10];
	[tilespmem:s23+$0x0] =	vst v3  }
0x298: {  	v1 =	vld.idx.msk [tilespmem:v1+s19+$0x0], $0xffff  }
0x299: {  	v3 =	vld [tilespmem:s7+$0xFFFFFFE0];
	_ =	sdelay $0x1  }
0x29a: {  	v5 =	vld [tilespmem:s7+$0x0];
	_ =	sdelay $0x1  }
0x29b: {  	v4 =	vmul.f32 v4, v1  }
0x29c: {  	v3 =	vmul.f32 v3, v1  }
0x29d: {  	v2 =	vmul.f32 v2, v1;
	[tilespmem:s7+$0x10] =	vst v4  }
0x29e: {  	s14 =	sadd.s32 s10, s20;
	v1 =	vmul.f32 v5, v1;
	[tilespmem:s7+$0xFFFFFFE0] =	vst v3  }
0x29f: {  	s14 =	sshrl.u32 s14, $0x3;
	[tilespmem:s7+$0xFFFFFFF0] =	vst v2  }
0x2a0: {  	s23 =	sadd.s32 s5, s14;
	[tilespmem:s7+$0x0] =	vst v1  }
0x2a1: {  	[hbm4b:s23+s3] =	stream.linear.scatter [tilespmem:s30], [sflag:$0x1], $0x5000, $0x38;
	[tilespmem:$0x1C500] =	vst v63  }
0x2a2: {  	s7 =	simm.s32 @!p1 $0xA000  }
0x2a3: {  	[spmem:s18] =	stream.linear.scatter @!p1 [tilespmem:s7], [sflag:$0x2], $0x5000, $0x38;
	[tilespmem:$0x1C500] =	vst v63  }
0x2a4: {  	s7 =	simm.s32 @!p1 $0x2  }
0x2a5: {  	_ =	swait.ge @!p1 [sflag:s7], $0x5000  }
0x2a6: {  	[sflag:s7] =	ssyncset.done @!p1 $0x0  }
0x2a7: {  	[sflag:s7] =	ssyncadd.s32 @!p1 $0xFFFFB000;
	p1 =	sne.s32 s24, $0xA  }
.Ltmp18:
0x2a8: {  	_ =	swait.ge [sflag:s0], $0x5000;
	(pc) =	sbr.rel @p1 .LBB2_30-.Ltmp18, $4  }
0x2a9: {  	[sflag:s0] =	ssyncset.done $0x0  }
0x2aa: {  	[sflag:s0] =	ssyncadd.s32 $0xFFFFB000  }
0x2ab: {  	[bflag:$0x0] =	sbarrier.arrive $0xFFFF  }
0x2ac: {  	s23 =	smov.u32 s24  }
0x2ad: {  	s14 =	rddreg [dreg:$0x12]  }
0x2ae: {  	s7 =	rddreg [dreg:$0x11];
	s14 =	sadd.s32 $0x1, s14  }
0x2af: {  	p1 =	sne.s32 s14, s7  }
.Ltmp19:
0x2b0: {  	_ = 	snop;
	(pc) =	sbr.rel @p1 .LBB2_1-.Ltmp19, $1  }
0x2b1: {  	_ =	sdelay $0x3  }
0x2b2: {  	_ =	sfence.sel $0x180000  }
0x2b3: {  	[bflag:$0x0] =	sbarrier.arrive $0xFFFF  }
0x2b4: {  	_ =	strace $0x9000004A  }
0x2b5: {  	s0 =	stileid.u32;
	[bflag:$0x2] =	sbarrier.arrive $0xFFFF  }
0x2b6: {  	p0 =	sne.s32 s0, $0x0;
	s0 =	rddreg [dreg:$0x3]  }
0x2b7: {  	s0 =	sadd.s32 @!p0 $0x100000, s0  }
0x2b8: {  	[sflag:s0] =	ssyncadd.tile.s32 @!p0 $0x1;
	_ =	shalt  }
.Lfunc_end2:
_tile_overlayer_lowered:
.L_overlay_start_2:
0x2b9: {  	(tag) =	ssettag $0x2  }
0x2ba: {  	s0 =	rddreg [dreg:$0x0];
	s2 =	stileid.u32  }
0x2bb: {  	s1 =	rddreg [dreg:$0x1];
	p0 =	sne.s32 s2, $0x0  }
0x2bc: {  	s3 =	rddreg [dreg:$0x2];
	[bflag:$0x3] =	sbarrier.arrive $0xFFFF;
	s2 =	simm.s32 @!p0 $0x1C03  }
0x2bd: {  	[timem:s3], [sflag:s2] =	dma.local @!p0 [hbm:s0], s1  }
0x2be: {  	s0 =	simm.s32 @!p0 $0x3  }
0x2bf: {  	_ =	swait.ge @!p0 [sflag:s0], s1  }
0x2c0: {  	s1 =	ssub.s32 @!p0 $0x0, s1;
	[sflag:s0] =	ssyncset.done @!p0 $0x0  }
0x2c1: {  	[sflag:s0] =	ssyncadd.s32 @!p0 s1  }
0x2c2: {  	[bflag:$0x3] =	sbarrier.arrive $0xFFFF  }
0x2c3: {  	_ =	shalt  }

</sc_bundles>
